<compile_context>
chip_gen: v7x
topology: tpu7x:2x2x1
jax: 0.10.2.dev20260603
libtpu: 0.0.44.dev20260713+nightly
codegen_flags: <defaults>
</compile_context>

<pallas_src>
import functools

import jax
import jax.numpy as jnp
from jax import lax
from jax.experimental import pallas as pl
from jax.experimental.pallas import tpu as pltpu
from jax.experimental.pallas import tpu_sc as plsc

NC = 2
NS = 16
NW = NC * NS
B = 4096
L = 50
D = 64
EPW = B // NW
EPO = 2
OPW = EPW // EPO
ND = D // 16
NBUF = 2

_mesh = plsc.VectorSubcoreMesh(
    core_axis_name="c", subcore_axis_name="s", num_cores=NC, num_subcores=NS)


@functools.partial(
    pl.kernel,
    out_type=jax.ShapeDtypeStruct((B, D), jnp.float32),
    mesh=_mesh,
    scratch_types=[
        pltpu.VMEM((OPW, EPO * L), jnp.int32),
        [pltpu.VMEM((EPO * L, D), jnp.float32) for _ in range(NBUF)],
        pltpu.VMEM((EPW, D), jnp.float32),
        pltpu.VMEM((EPW,), jnp.int32),
        [pltpu.SemaphoreType.DMA for _ in range(NBUF)],
    ],
    compiler_params=pltpu.CompilerParams(use_tc_tiling_on_sc=False),
)
def _encode(tok2, lens, table, out, idx_v, bufs, outb, lens_v, sems):
    wid = lax.axis_index("c") * NS + lax.axis_index("s")
    base = wid * EPW
    pltpu.sync_copy(tok2.at[pl.ds(wid * OPW, OPW)], idx_v)
    pltpu.sync_copy(lens.at[pl.ds(base, EPW)], lens_v)

    def start(j, b):
        pltpu.async_copy(table.at[idx_v.at[j]], bufs[b], sems[b])

    for b in range(NBUF):
        start(b, b)

    @pl.loop(0, OPW, step=NBUF)
    def _per_group(j0):
        for b in range(NBUF):
            j = j0 + b
            pltpu.make_async_copy(
                table.at[idx_v.at[j]], bufs[b], sems[b]).wait()
            buf = bufs[b]
            for e in range(EPO):
                eloc = EPO * j + e
                accs = [buf[L * e, pl.ds(d * 16, 16)] for d in range(ND)]
                for r in range(1, L):
                    for d in range(ND):
                        accs[d] = accs[d] + buf[L * e + r, pl.ds(d * 16, 16)]
                chunk = lens_v[pl.ds((eloc // 16) * 16, 16)]
                lvec = chunk[jnp.full((16,), eloc % 16, jnp.int32)]
                inv = 1.0 / lvec.astype(jnp.float32)
                for d in range(ND):
                    outb[eloc, pl.ds(d * 16, 16)] = accs[d] * inv

            @pl.when(j + NBUF < OPW)
            def _refill():
                start(j + NBUF, b)

    pltpu.sync_copy(outb, out.at[pl.ds(base, EPW)])


def kernel(tok_batch, tok_lens, table):
    tok2 = tok_batch.reshape(B // EPO, EPO * L)
    return _encode(tok2, tok_lens, table)

# --- scband reference (transcript-rebuilt; emitter-appended) ---
"""Pipeline reference for scband-token-encoder-40810779247266 (READ-ONLY COPY).

The authoritative reference and input builder live on the scoring server;
editing this copy changes nothing except your own understanding.
"""

import jax, jax.numpy as jnp
import numpy as np

TOK_CNT = 100000
EMB_DIM = 64
B = 4096
L = 50
PAD_IDX = 0


def setup_inputs(seed: int = 0) -> dict:
    key = jax.random.key(seed)
    k1, k2, k3 = jax.random.split(key, 3)
    tok_batch = jax.random.randint(k1, (B, L), 0, TOK_CNT, dtype=jnp.int32)
    # tok_lens must be >= 1 (used as divisor); sample in [1, L]
    tok_lens = jax.random.randint(k2, (B,), 1, L + 1, dtype=jnp.int32)
    uniform_range = 6.0 / (EMB_DIM ** 0.5)
    table = jax.random.uniform(k3, (TOK_CNT, EMB_DIM), dtype=jnp.float32,
                               minval=-uniform_range, maxval=uniform_range)
    # padding_idx row is zeroed, matching nn.Embedding(padding_idx=0)
    table = table.at[PAD_IDX].set(0.0)
    return {"tok_batch": tok_batch, "tok_lens": tok_lens, "table": table}


def reference(tok_batch, tok_lens, table):
    # Embedding gather: (B, L, D)
    tok_embs = jnp.take(table, tok_batch, axis=0)
    # Sum-pool over sequence dim
    tok_embs = tok_embs.sum(axis=1)
    # Normalize by true lengths
    tok_embs = tok_embs / tok_lens[:, None].astype(tok_embs.dtype)
    return tok_embs

if __name__ == "__main__":
    import jax
    _d = setup_inputs()
    print(jax.jit(kernel)(*tuple(_d.values())))

</pallas_src>

<mosaic_0001>
#map = affine_map<(d0, d1) -> (0, 0)>
#map1 = affine_map<(d0, d1) -> (0)>
module attributes {stable_mosaic.version = 14 : i64} {
  func.func @_encode(%arg0: i32, %arg1: i32, %arg2: memref<2048x100xi32, #tpu.memory_space<hbm>>, %arg3: memref<4096xi32, #tpu.memory_space<hbm>>, %arg4: memref<100000x64xf32, #tpu.memory_space<hbm>>, %arg5: memref<4096x64xf32, #tpu.memory_space<hbm>>, %arg6: memref<64x100xi32, #tpu.memory_space<vmem>>, %arg7: memref<100x64xf32, #tpu.memory_space<vmem>>, %arg8: memref<100x64xf32, #tpu.memory_space<vmem>>, %arg9: memref<128x64xf32, #tpu.memory_space<vmem>>, %arg10: memref<128xi32, #tpu.memory_space<vmem>>, %arg11: memref<!tpu.dma_semaphore, #tpu.memory_space<semaphore_mem>>, %arg12: memref<!tpu.dma_semaphore, #tpu.memory_space<semaphore_mem>>) attributes {dimension_semantics = [#tpu.dimension_semantics<core_parallel>, #tpu.dimension_semantics<subcore_parallel>], iteration_bounds = array<i64: 2, 16>, scalar_prefetch = 0 : i64, scratch_operands = 7 : i64, tpu.core_type = #tpu.core_type<sc_vector_subcore>, window_params = [{transform_indices = #map}, {transform_indices = #map1}, {transform_indices = #map}, {transform_indices = #map}]} {
    %mul3A = arith.constant 16 : i32
    %mul3A_0 = arith.muli %arg0, %mul3A : i32
    %add3A = arith.addi %mul3A_0, %arg1 : i32
    %mul3A_1 = arith.constant 128 : i32
    %mul3A_2 = arith.muli %add3A, %mul3A_1 : i32
    %mul3A_3 = arith.constant 64 : i32
    %mul3A_4 = arith.muli %add3A, %mul3A_3 : i32
    "tpu.region"() ({
      %run_scoped3A = tpu.sem_alloc : memref<!tpu.dma_semaphore, #tpu.memory_space<semaphore_mem>>
      %dma_start3A_22 = arith.constant 0 : i32
      %dma_start3A_23 = tpu.memref_slice %arg2[%mul3A_4, %dma_start3A_22] : memref<2048x100xi32, #tpu.memory_space<hbm>> -> memref<64x100xi32, #tpu.memory_space<hbm>>
      %dma_start3A_24 = arith.constant 0 : i32
      %dma_start3A_25 = tpu.memref_slice %arg2[%mul3A_4, %dma_start3A_24] : memref<2048x100xi32, #tpu.memory_space<hbm>> -> memref<64x100xi32, #tpu.memory_space<hbm>>
      tpu.enqueue_dma source(%dma_start3A_25 : memref<64x100xi32, #tpu.memory_space<hbm>>) target(%arg6 : memref<64x100xi32, #tpu.memory_space<vmem>>) target_semaphore(%run_scoped3A : memref<!tpu.dma_semaphore, #tpu.memory_space<semaphore_mem>>)
      %dma_wait3A = arith.constant 0 : i32
      %dma_wait3A_26 = tpu.memref_slice %arg2[%mul3A_4, %dma_wait3A] : memref<2048x100xi32, #tpu.memory_space<hbm>> -> memref<64x100xi32, #tpu.memory_space<hbm>>
      %dma_wait3A_27 = arith.constant 0 : i32
      %dma_wait3A_28 = tpu.memref_slice %arg2[%mul3A_4, %dma_wait3A_27] : memref<2048x100xi32, #tpu.memory_space<hbm>> -> memref<64x100xi32, #tpu.memory_space<hbm>>
      tpu.wait_dma2 semaphore(%run_scoped3A : memref<!tpu.dma_semaphore, #tpu.memory_space<semaphore_mem>>) src(%dma_wait3A_28 : memref<64x100xi32, #tpu.memory_space<hbm>>) dst(%arg6 : memref<64x100xi32, #tpu.memory_space<vmem>>)
      tpu.yield
    }) : () -> ()
    "tpu.region"() ({
      %run_scoped3A = tpu.sem_alloc : memref<!tpu.dma_semaphore, #tpu.memory_space<semaphore_mem>>
      %dma_start3A_22 = tpu.memref_slice %arg3[%mul3A_2] : memref<4096xi32, #tpu.memory_space<hbm>> -> memref<128xi32, #tpu.memory_space<hbm>>
      %dma_start3A_23 = tpu.memref_slice %arg3[%mul3A_2] : memref<4096xi32, #tpu.memory_space<hbm>> -> memref<128xi32, #tpu.memory_space<hbm>>
      tpu.enqueue_dma source(%dma_start3A_23 : memref<128xi32, #tpu.memory_space<hbm>>) target(%arg10 : memref<128xi32, #tpu.memory_space<vmem>>) target_semaphore(%run_scoped3A : memref<!tpu.dma_semaphore, #tpu.memory_space<semaphore_mem>>)
      %dma_wait3A = tpu.memref_slice %arg3[%mul3A_2] : memref<4096xi32, #tpu.memory_space<hbm>> -> memref<128xi32, #tpu.memory_space<hbm>>
      %dma_wait3A_24 = tpu.memref_slice %arg3[%mul3A_2] : memref<4096xi32, #tpu.memory_space<hbm>> -> memref<128xi32, #tpu.memory_space<hbm>>
      tpu.wait_dma2 semaphore(%run_scoped3A : memref<!tpu.dma_semaphore, #tpu.memory_space<semaphore_mem>>) src(%dma_wait3A_24 : memref<128xi32, #tpu.memory_space<hbm>>) dst(%arg10 : memref<128xi32, #tpu.memory_space<vmem>>)
      tpu.yield
    }) : () -> ()
    %dma_start3A = arith.constant 0 : i32
    %dma_start3A_5 = arith.constant 0 : i32
    %dma_start3A_6 = tpu.memref_slice %arg6[%dma_start3A, %dma_start3A_5] : memref<64x100xi32, #tpu.memory_space<vmem>> -> memref<1x100xi32, #tpu.memory_space<vmem>>
    %dma_start3A_7 = tpu.memref_squeeze %dma_start3A_6 : memref<1x100xi32, #tpu.memory_space<vmem>> -> memref<100xi32, #tpu.memory_space<vmem>>
    %dma_start3A_8 = arith.constant 0 : i32
    %dma_start3A_9 = arith.constant 0 : i32
    %dma_start3A_10 = tpu.memref_slice %arg4[%dma_start3A_8, %dma_start3A_9] : memref<100000x64xf32, #tpu.memory_space<hbm>> -> memref<100000x64xf32, #tpu.memory_space<hbm>>
    tpu.enqueue_indirect_dma source(%dma_start3A_10 : memref<100000x64xf32, #tpu.memory_space<hbm>>) target(%arg7 : memref<100x64xf32, #tpu.memory_space<vmem>>) offsets(%dma_start3A_7 : memref<100xi32, #tpu.memory_space<vmem>>) semaphore(%arg11 : memref<!tpu.dma_semaphore, #tpu.memory_space<semaphore_mem>>)
    %dma_start3A_11 = arith.constant 1 : i32
    %dma_start3A_12 = arith.constant 0 : i32
    %dma_start3A_13 = tpu.memref_slice %arg6[%dma_start3A_11, %dma_start3A_12] : memref<64x100xi32, #tpu.memory_space<vmem>> -> memref<1x100xi32, #tpu.memory_space<vmem>>
    %dma_start3A_14 = tpu.memref_squeeze %dma_start3A_13 : memref<1x100xi32, #tpu.memory_space<vmem>> -> memref<100xi32, #tpu.memory_space<vmem>>
    %dma_start3A_15 = arith.constant 0 : i32
    %dma_start3A_16 = arith.constant 0 : i32
    %dma_start3A_17 = tpu.memref_slice %arg4[%dma_start3A_15, %dma_start3A_16] : memref<100000x64xf32, #tpu.memory_space<hbm>> -> memref<100000x64xf32, #tpu.memory_space<hbm>>
    tpu.enqueue_indirect_dma source(%dma_start3A_17 : memref<100000x64xf32, #tpu.memory_space<hbm>>) target(%arg8 : memref<100x64xf32, #tpu.memory_space<vmem>>) offsets(%dma_start3A_14 : memref<100xi32, #tpu.memory_space<vmem>>) semaphore(%arg12 : memref<!tpu.dma_semaphore, #tpu.memory_space<semaphore_mem>>)
    %scan3A = arith.constant 0 : i32
    %scan3A_18 = arith.constant 32 : i32
    %scan3A_19 = arith.addi %scan3A, %scan3A_18 : i32
    %scan3A_20 = arith.constant 1 : i32
    scf.for %scan3A_22 = %scan3A to %scan3A_19 step %scan3A_20  : i32 {
      %mul3A_23 = arith.constant 2 : i32
      %mul3A_24 = arith.muli %scan3A_22, %mul3A_23 : i32
      %add3A_25 = arith.constant 0 : i32
      %add3A_26 = arith.addi %add3A_25, %mul3A_24 : i32
      %add3A_27 = arith.constant 0 : i32
      %add3A_28 = arith.addi %add3A_26, %add3A_27 : i32
      %dma_wait3A = arith.constant 0 : i32
      %dma_wait3A_29 = tpu.memref_slice %arg6[%add3A_28, %dma_wait3A] : memref<64x100xi32, #tpu.memory_space<vmem>> -> memref<1x100xi32, #tpu.memory_space<vmem>>
      %dma_wait3A_30 = tpu.memref_squeeze %dma_wait3A_29 : memref<1x100xi32, #tpu.memory_space<vmem>> -> memref<100xi32, #tpu.memory_space<vmem>>
      %dma_wait3A_31 = arith.constant 0 : i32
      %dma_wait3A_32 = arith.constant 0 : i32
      %dma_wait3A_33 = tpu.memref_slice %arg4[%dma_wait3A_31, %dma_wait3A_32] : memref<100000x64xf32, #tpu.memory_space<hbm>> -> memref<100000x64xf32, #tpu.memory_space<hbm>>
      tpu.wait_indirect_dma semaphore(%arg11 : memref<!tpu.dma_semaphore, #tpu.memory_space<semaphore_mem>>) src(%dma_wait3A_33 : memref<100000x64xf32, #tpu.memory_space<hbm>>) dst(%arg7 : memref<100x64xf32, #tpu.memory_space<vmem>>)
      %mul3A_34 = arith.constant 2 : i32
      %mul3A_35 = arith.muli %mul3A_34, %add3A_28 : i32
      %add3A_36 = arith.constant 0 : i32
      %add3A_37 = arith.addi %mul3A_35, %add3A_36 : i32
      %get3A = arith.constant 0 : i32
      %get3A_38 = arith.index_cast %get3A : i32 to index
      %get3A_39 = arith.constant 0 : index
      %get3A_40 = tpu.vector_load %arg7[%get3A_38, %get3A_39] {strides = array<i32>} : memref<100x64xf32, #tpu.memory_space<vmem>>, vector<1x16xf32>,
      %get3A_41 = vector.shape_cast %get3A_40 : vector<1x16xf32> to vector<16xf32>
      %get3A_42 = arith.constant 0 : i32
      %get3A_43 = arith.index_cast %get3A_42 : i32 to index
      %get3A_44 = arith.constant 16 : index
      %get3A_45 = tpu.vector_load %arg7[%get3A_43, %get3A_44] {strides = array<i32>} : memref<100x64xf32, #tpu.memory_space<vmem>>, vector<1x16xf32>,
      %get3A_46 = vector.shape_cast %get3A_45 : vector<1x16xf32> to vector<16xf32>
      %get3A_47 = arith.constant 0 : i32
      %get3A_48 = arith.index_cast %get3A_47 : i32 to index
      %get3A_49 = arith.constant 32 : index
      %get3A_50 = tpu.vector_load %arg7[%get3A_48, %get3A_49] {strides = array<i32>} : memref<100x64xf32, #tpu.memory_space<vmem>>, vector<1x16xf32>,
      %get3A_51 = vector.shape_cast %get3A_50 : vector<1x16xf32> to vector<16xf32>
      %get3A_52 = arith.constant 0 : i32
      %get3A_53 = arith.index_cast %get3A_52 : i32 to index
      %get3A_54 = arith.constant 48 : index
      %get3A_55 = tpu.vector_load %arg7[%get3A_53, %get3A_54] {strides = array<i32>} : memref<100x64xf32, #tpu.memory_space<vmem>>, vector<1x16xf32>,
      %get3A_56 = vector.shape_cast %get3A_55 : vector<1x16xf32> to vector<16xf32>
      %get3A_57 = arith.constant 1 : i32
      %get3A_58 = arith.index_cast %get3A_57 : i32 to index
      %get3A_59 = arith.constant 0 : index
      %get3A_60 = tpu.vector_load %arg7[%get3A_58, %get3A_59] {strides = array<i32>} : memref<100x64xf32, #tpu.memory_space<vmem>>, vector<1x16xf32>,
      %get3A_61 = vector.shape_cast %get3A_60 : vector<1x16xf32> to vector<16xf32>
      %add3A_62 = arith.addf %get3A_41, %get3A_61 : vector<16xf32>
      %get3A_63 = arith.constant 1 : i32
      %get3A_64 = arith.index_cast %get3A_63 : i32 to index
      %get3A_65 = arith.constant 16 : index
      %get3A_66 = tpu.vector_load %arg7[%get3A_64, %get3A_65] {strides = array<i32>} : memref<100x64xf32, #tpu.memory_space<vmem>>, vector<1x16xf32>,
      %get3A_67 = vector.shape_cast %get3A_66 : vector<1x16xf32> to vector<16xf32>
      %add3A_68 = arith.addf %get3A_46, %get3A_67 : vector<16xf32>
      %get3A_69 = arith.constant 1 : i32
      %get3A_70 = arith.index_cast %get3A_69 : i32 to index
      %get3A_71 = arith.constant 32 : index
      %get3A_72 = tpu.vector_load %arg7[%get3A_70, %get3A_71] {strides = array<i32>} : memref<100x64xf32, #tpu.memory_space<vmem>>, vector<1x16xf32>,
      %get3A_73 = vector.shape_cast %get3A_72 : vector<1x16xf32> to vector<16xf32>
      %add3A_74 = arith.addf %get3A_51, %get3A_73 : vector<16xf32>
      %get3A_75 = arith.constant 1 : i32
      %get3A_76 = arith.index_cast %get3A_75 : i32 to index
      %get3A_77 = arith.constant 48 : index
      %get3A_78 = tpu.vector_load %arg7[%get3A_76, %get3A_77] {strides = array<i32>} : memref<100x64xf32, #tpu.memory_space<vmem>>, vector<1x16xf32>,
      %get3A_79 = vector.shape_cast %get3A_78 : vector<1x16xf32> to vector<16xf32>
      %add3A_80 = arith.addf %get3A_56, %get3A_79 : vector<16xf32>
      %get3A_81 = arith.constant 2 : i32
      %get3A_82 = arith.index_cast %get3A_81 : i32 to index
      %get3A_83 = arith.constant 0 : index
      %get3A_84 = tpu.vector_load %arg7[%get3A_82, %get3A_83] {strides = array<i32>} : memref<100x64xf32, #tpu.memory_space<vmem>>, vector<1x16xf32>,
      %get3A_85 = vector.shape_cast %get3A_84 : vector<1x16xf32> to vector<16xf32>
      %add3A_86 = arith.addf %add3A_62, %get3A_85 : vector<16xf32>
      %get3A_87 = arith.constant 2 : i32
      %get3A_88 = arith.index_cast %get3A_87 : i32 to index
      %get3A_89 = arith.constant 16 : index
      %get3A_90 = tpu.vector_load %arg7[%get3A_88, %get3A_89] {strides = array<i32>} : memref<100x64xf32, #tpu.memory_space<vmem>>, vector<1x16xf32>,
      %get3A_91 = vector.shape_cast %get3A_90 : vector<1x16xf32> to vector<16xf32>
      %add3A_92 = arith.addf %add3A_68, %get3A_91 : vector<16xf32>
      %get3A_93 = arith.constant 2 : i32
      %get3A_94 = arith.index_cast %get3A_93 : i32 to index
      %get3A_95 = arith.constant 32 : index
      %get3A_96 = tpu.vector_load %arg7[%get3A_94, %get3A_95] {strides = array<i32>} : memref<100x64xf32, #tpu.memory_space<vmem>>, vector<1x16xf32>,
      %get3A_97 = vector.shape_cast %get3A_96 : vector<1x16xf32> to vector<16xf32>
      %add3A_98 = arith.addf %add3A_74, %get3A_97 : vector<16xf32>
      %get3A_99 = arith.constant 2 : i32
      %get3A_100 = arith.index_cast %get3A_99 : i32 to index
      %get3A_101 = arith.constant 48 : index
      %get3A_102 = tpu.vector_load %arg7[%get3A_100, %get3A_101] {strides = array<i32>} : memref<100x64xf32, #tpu.memory_space<vmem>>, vector<1x16xf32>,
      %get3A_103 = vector.shape_cast %get3A_102 : vector<1x16xf32> to vector<16xf32>
      %add3A_104 = arith.addf %add3A_80, %get3A_103 : vector<16xf32>
      %get3A_105 = arith.constant 3 : i32
      %get3A_106 = arith.index_cast %get3A_105 : i32 to index
      %get3A_107 = arith.constant 0 : index
      %get3A_108 = tpu.vector_load %arg7[%get3A_106, %get3A_107] {strides = array<i32>} : memref<100x64xf32, #tpu.memory_space<vmem>>, vector<1x16xf32>,
      %get3A_109 = vector.shape_cast %get3A_108 : vector<1x16xf32> to vector<16xf32>
      %add3A_110 = arith.addf %add3A_86, %get3A_109 : vector<16xf32>
      %get3A_111 = arith.constant 3 : i32
      %get3A_112 = arith.index_cast %get3A_111 : i32 to index
      %get3A_113 = arith.constant 16 : index
      %get3A_114 = tpu.vector_load %arg7[%get3A_112, %get3A_113] {strides = array<i32>} : memref<100x64xf32, #tpu.memory_space<vmem>>, vector<1x16xf32>,
      %get3A_115 = vector.shape_cast %get3A_114 : vector<1x16xf32> to vector<16xf32>
      %add3A_116 = arith.addf %add3A_92, %get3A_115 : vector<16xf32>
      %get3A_117 = arith.constant 3 : i32
      %get3A_118 = arith.index_cast %get3A_117 : i32 to index
      %get3A_119 = arith.constant 32 : index
      %get3A_120 = tpu.vector_load %arg7[%get3A_118, %get3A_119] {strides = array<i32>} : memref<100x64xf32, #tpu.memory_space<vmem>>, vector<1x16xf32>,
      %get3A_121 = vector.shape_cast %get3A_120 : vector<1x16xf32> to vector<16xf32>
      %add3A_122 = arith.addf %add3A_98, %get3A_121 : vector<16xf32>
      %get3A_123 = arith.constant 3 : i32
      %get3A_124 = arith.index_cast %get3A_123 : i32 to index
      %get3A_125 = arith.constant 48 : index
      %get3A_126 = tpu.vector_load %arg7[%get3A_124, %get3A_125] {strides = array<i32>} : memref<100x64xf32, #tpu.memory_space<vmem>>, vector<1x16xf32>,
      %get3A_127 = vector.shape_cast %get3A_126 : vector<1x16xf32> to vector<16xf32>
      %add3A_128 = arith.addf %add3A_104, %get3A_127 : vector<16xf32>
      %get3A_129 = arith.constant 4 : i32
      %get3A_130 = arith.index_cast %get3A_129 : i32 to index
      %get3A_131 = arith.constant 0 : index
      %get3A_132 = tpu.vector_load %arg7[%get3A_130, %get3A_131] {strides = array<i32>} : memref<100x64xf32, #tpu.memory_space<vmem>>, vector<1x16xf32>,
      %get3A_133 = vector.shape_cast %get3A_132 : vector<1x16xf32> to vector<16xf32>
      %add3A_134 = arith.addf %add3A_110, %get3A_133 : vector<16xf32>
      %get3A_135 = arith.constant 4 : i32
      %get3A_136 = arith.index_cast %get3A_135 : i32 to index
      %get3A_137 = arith.constant 16 : index
      %get3A_138 = tpu.vector_load %arg7[%get3A_136, %get3A_137] {strides = array<i32>} : memref<100x64xf32, #tpu.memory_space<vmem>>, vector<1x16xf32>,
      %get3A_139 = vector.shape_cast %get3A_138 : vector<1x16xf32> to vector<16xf32>
      %add3A_140 = arith.addf %add3A_116, %get3A_139 : vector<16xf32>
      %get3A_141 = arith.constant 4 : i32
      %get3A_142 = arith.index_cast %get3A_141 : i32 to index
      %get3A_143 = arith.constant 32 : index
      %get3A_144 = tpu.vector_load %arg7[%get3A_142, %get3A_143] {strides = array<i32>} : memref<100x64xf32, #tpu.memory_space<vmem>>, vector<1x16xf32>,
      %get3A_145 = vector.shape_cast %get3A_144 : vector<1x16xf32> to vector<16xf32>
      %add3A_146 = arith.addf %add3A_122, %get3A_145 : vector<16xf32>
      %get3A_147 = arith.constant 4 : i32
      %get3A_148 = arith.index_cast %get3A_147 : i32 to index
      %get3A_149 = arith.constant 48 : index
      %get3A_150 = tpu.vector_load %arg7[%get3A_148, %get3A_149] {strides = array<i32>} : memref<100x64xf32, #tpu.memory_space<vmem>>, vector<1x16xf32>,
      %get3A_151 = vector.shape_cast %get3A_150 : vector<1x16xf32> to vector<16xf32>
      %add3A_152 = arith.addf %add3A_128, %get3A_151 : vector<16xf32>
      %get3A_153 = arith.constant 5 : i32
      %get3A_154 = arith.index_cast %get3A_153 : i32 to index
      %get3A_155 = arith.constant 0 : index
      %get3A_156 = tpu.vector_load %arg7[%get3A_154, %get3A_155] {strides = array<i32>} : memref<100x64xf32, #tpu.memory_space<vmem>>, vector<1x16xf32>,
      %get3A_157 = vector.shape_cast %get3A_156 : vector<1x16xf32> to vector<16xf32>
      %add3A_158 = arith.addf %add3A_134, %get3A_157 : vector<16xf32>
      %get3A_159 = arith.constant 5 : i32
      %get3A_160 = arith.index_cast %get3A_159 : i32 to index
      %get3A_161 = arith.constant 16 : index
      %get3A_162 = tpu.vector_load %arg7[%get3A_160, %get3A_161] {strides = array<i32>} : memref<100x64xf32, #tpu.memory_space<vmem>>, vector<1x16xf32>,
      %get3A_163 = vector.shape_cast %get3A_162 : vector<1x16xf32> to vector<16xf32>
      %add3A_164 = arith.addf %add3A_140, %get3A_163 : vector<16xf32>
      %get3A_165 = arith.constant 5 : i32
      %get3A_166 = arith.index_cast %get3A_165 : i32 to index
      %get3A_167 = arith.constant 32 : index
      %get3A_168 = tpu.vector_load %arg7[%get3A_166, %get3A_167] {strides = array<i32>} : memref<100x64xf32, #tpu.memory_space<vmem>>, vector<1x16xf32>,
      %get3A_169 = vector.shape_cast %get3A_168 : vector<1x16xf32> to vector<16xf32>
      %add3A_170 = arith.addf %add3A_146, %get3A_169 : vector<16xf32>
      %get3A_171 = arith.constant 5 : i32
      %get3A_172 = arith.index_cast %get3A_171 : i32 to index
      %get3A_173 = arith.constant 48 : index
      %get3A_174 = tpu.vector_load %arg7[%get3A_172, %get3A_173] {strides = array<i32>} : memref<100x64xf32, #tpu.memory_space<vmem>>, vector<1x16xf32>,
      %get3A_175 = vector.shape_cast %get3A_174 : vector<1x16xf32> to vector<16xf32>
      %add3A_176 = arith.addf %add3A_152, %get3A_175 : vector<16xf32>
      %get3A_177 = arith.constant 6 : i32
      %get3A_178 = arith.index_cast %get3A_177 : i32 to index
      %get3A_179 = arith.constant 0 : index
      %get3A_180 = tpu.vector_load %arg7[%get3A_178, %get3A_179] {strides = array<i32>} : memref<100x64xf32, #tpu.memory_space<vmem>>, vector<1x16xf32>,
      %get3A_181 = vector.shape_cast %get3A_180 : vector<1x16xf32> to vector<16xf32>
      %add3A_182 = arith.addf %add3A_158, %get3A_181 : vector<16xf32>
      %get3A_183 = arith.constant 6 : i32
      %get3A_184 = arith.index_cast %get3A_183 : i32 to index
      %get3A_185 = arith.constant 16 : index
      %get3A_186 = tpu.vector_load %arg7[%get3A_184, %get3A_185] {strides = array<i32>} : memref<100x64xf32, #tpu.memory_space<vmem>>, vector<1x16xf32>,
      %get3A_187 = vector.shape_cast %get3A_186 : vector<1x16xf32> to vector<16xf32>
      %add3A_188 = arith.addf %add3A_164, %get3A_187 : vector<16xf32>
      %get3A_189 = arith.constant 6 : i32
      %get3A_190 = arith.index_cast %get3A_189 : i32 to index
      %get3A_191 = arith.constant 32 : index
      %get3A_192 = tpu.vector_load %arg7[%get3A_190, %get3A_191] {strides = array<i32>} : memref<100x64xf32, #tpu.memory_space<vmem>>, vector<1x16xf32>,
      %get3A_193 = vector.shape_cast %get3A_192 : vector<1x16xf32> to vector<16xf32>
      %add3A_194 = arith.addf %add3A_170, %get3A_193 : vector<16xf32>
      %get3A_195 = arith.constant 6 : i32
      %get3A_196 = arith.index_cast %get3A_195 : i32 to index
      %get3A_197 = arith.constant 48 : index
      %get3A_198 = tpu.vector_load %arg7[%get3A_196, %get3A_197] {strides = array<i32>} : memref<100x64xf32, #tpu.memory_space<vmem>>, vector<1x16xf32>,
      %get3A_199 = vector.shape_cast %get3A_198 : vector<1x16xf32> to vector<16xf32>
      %add3A_200 = arith.addf %add3A_176, %get3A_199 : vector<16xf32>
      %get3A_201 = arith.constant 7 : i32
      %get3A_202 = arith.index_cast %get3A_201 : i32 to index
      %get3A_203 = arith.constant 0 : index
      %get3A_204 = tpu.vector_load %arg7[%get3A_202, %get3A_203] {strides = array<i32>} : memref<100x64xf32, #tpu.memory_space<vmem>>, vector<1x16xf32>,
      %get3A_205 = vector.shape_cast %get3A_204 : vector<1x16xf32> to vector<16xf32>
      %add3A_206 = arith.addf %add3A_182, %get3A_205 : vector<16xf32>
      %get3A_207 = arith.constant 7 : i32
      %get3A_208 = arith.index_cast %get3A_207 : i32 to index
      %get3A_209 = arith.constant 16 : index
      %get3A_210 = tpu.vector_load %arg7[%get3A_208, %get3A_209] {strides = array<i32>} : memref<100x64xf32, #tpu.memory_space<vmem>>, vector<1x16xf32>,
      %get3A_211 = vector.shape_cast %get3A_210 : vector<1x16xf32> to vector<16xf32>
      %add3A_212 = arith.addf %add3A_188, %get3A_211 : vector<16xf32>
      %get3A_213 = arith.constant 7 : i32
      %get3A_214 = arith.index_cast %get3A_213 : i32 to index
      %get3A_215 = arith.constant 32 : index
      %get3A_216 = tpu.vector_load %arg7[%get3A_214, %get3A_215] {strides = array<i32>} : memref<100x64xf32, #tpu.memory_space<vmem>>, vector<1x16xf32>,
      %get3A_217 = vector.shape_cast %get3A_216 : vector<1x16xf32> to vector<16xf32>
      %add3A_218 = arith.addf %add3A_194, %get3A_217 : vector<16xf32>
      %get3A_219 = arith.constant 7 : i32
      %get3A_220 = arith.index_cast %get3A_219 : i32 to index
      %get3A_221 = arith.constant 48 : index
      %get3A_222 = tpu.vector_load %arg7[%get3A_220, %get3A_221] {strides = array<i32>} : memref<100x64xf32, #tpu.memory_space<vmem>>, vector<1x16xf32>,
      %get3A_223 = vector.shape_cast %get3A_222 : vector<1x16xf32> to vector<16xf32>
      %add3A_224 = arith.addf %add3A_200, %get3A_223 : vector<16xf32>
      %get3A_225 = arith.constant 8 : i32
      %get3A_226 = arith.index_cast %get3A_225 : i32 to index
      %get3A_227 = arith.constant 0 : index
      %get3A_228 = tpu.vector_load %arg7[%get3A_226, %get3A_227] {strides = array<i32>} : memref<100x64xf32, #tpu.memory_space<vmem>>, vector<1x16xf32>,
      %get3A_229 = vector.shape_cast %get3A_228 : vector<1x16xf32> to vector<16xf32>
      %add3A_230 = arith.addf %add3A_206, %get3A_229 : vector<16xf32>
      %get3A_231 = arith.constant 8 : i32
      %get3A_232 = arith.index_cast %get3A_231 : i32 to index
      %get3A_233 = arith.constant 16 : index
      %get3A_234 = tpu.vector_load %arg7[%get3A_232, %get3A_233] {strides = array<i32>} : memref<100x64xf32, #tpu.memory_space<vmem>>, vector<1x16xf32>,
      %get3A_235 = vector.shape_cast %get3A_234 : vector<1x16xf32> to vector<16xf32>
      %add3A_236 = arith.addf %add3A_212, %get3A_235 : vector<16xf32>
      %get3A_237 = arith.constant 8 : i32
      %get3A_238 = arith.index_cast %get3A_237 : i32 to index
      %get3A_239 = arith.constant 32 : index
      %get3A_240 = tpu.vector_load %arg7[%get3A_238, %get3A_239] {strides = array<i32>} : memref<100x64xf32, #tpu.memory_space<vmem>>, vector<1x16xf32>,
      %get3A_241 = vector.shape_cast %get3A_240 : vector<1x16xf32> to vector<16xf32>
      %add3A_242 = arith.addf %add3A_218, %get3A_241 : vector<16xf32>
      %get3A_243 = arith.constant 8 : i32
      %get3A_244 = arith.index_cast %get3A_243 : i32 to index
      %get3A_245 = arith.constant 48 : index
      %get3A_246 = tpu.vector_load %arg7[%get3A_244, %get3A_245] {strides = array<i32>} : memref<100x64xf32, #tpu.memory_space<vmem>>, vector<1x16xf32>,
      %get3A_247 = vector.shape_cast %get3A_246 : vector<1x16xf32> to vector<16xf32>
      %add3A_248 = arith.addf %add3A_224, %get3A_247 : vector<16xf32>
      %get3A_249 = arith.constant 9 : i32
      %get3A_250 = arith.index_cast %get3A_249 : i32 to index
      %get3A_251 = arith.constant 0 : index
      %get3A_252 = tpu.vector_load %arg7[%get3A_250, %get3A_251] {strides = array<i32>} : memref<100x64xf32, #tpu.memory_space<vmem>>, vector<1x16xf32>,
      %get3A_253 = vector.shape_cast %get3A_252 : vector<1x16xf32> to vector<16xf32>
      %add3A_254 = arith.addf %add3A_230, %get3A_253 : vector<16xf32>
      %get3A_255 = arith.constant 9 : i32
      %get3A_256 = arith.index_cast %get3A_255 : i32 to index
      %get3A_257 = arith.constant 16 : index
      %get3A_258 = tpu.vector_load %arg7[%get3A_256, %get3A_257] {strides = array<i32>} : memref<100x64xf32, #tpu.memory_space<vmem>>, vector<1x16xf32>,
      %get3A_259 = vector.shape_cast %get3A_258 : vector<1x16xf32> to vector<16xf32>
      %add3A_260 = arith.addf %add3A_236, %get3A_259 : vector<16xf32>
      %get3A_261 = arith.constant 9 : i32
      %get3A_262 = arith.index_cast %get3A_261 : i32 to index
      %get3A_263 = arith.constant 32 : index
      %get3A_264 = tpu.vector_load %arg7[%get3A_262, %get3A_263] {strides = array<i32>} : memref<100x64xf32, #tpu.memory_space<vmem>>, vector<1x16xf32>,
      %get3A_265 = vector.shape_cast %get3A_264 : vector<1x16xf32> to vector<16xf32>
      %add3A_266 = arith.addf %add3A_242, %get3A_265 : vector<16xf32>
      %get3A_267 = arith.constant 9 : i32
      %get3A_268 = arith.index_cast %get3A_267 : i32 to index
      %get3A_269 = arith.constant 48 : index
      %get3A_270 = tpu.vector_load %arg7[%get3A_268, %get3A_269] {strides = array<i32>} : memref<100x64xf32, #tpu.memory_space<vmem>>, vector<1x16xf32>,
      %get3A_271 = vector.shape_cast %get3A_270 : vector<1x16xf32> to vector<16xf32>
      %add3A_272 = arith.addf %add3A_248, %get3A_271 : vector<16xf32>
      %get3A_273 = arith.constant 10 : i32
      %get3A_274 = arith.index_cast %get3A_273 : i32 to index
      %get3A_275 = arith.constant 0 : index
      %get3A_276 = tpu.vector_load %arg7[%get3A_274, %get3A_275] {strides = array<i32>} : memref<100x64xf32, #tpu.memory_space<vmem>>, vector<1x16xf32>,
      %get3A_277 = vector.shape_cast %get3A_276 : vector<1x16xf32> to vector<16xf32>
      %add3A_278 = arith.addf %add3A_254, %get3A_277 : vector<16xf32>
      %get3A_279 = arith.constant 10 : i32
      %get3A_280 = arith.index_cast %get3A_279 : i32 to index
      %get3A_281 = arith.constant 16 : index
      %get3A_282 = tpu.vector_load %arg7[%get3A_280, %get3A_281] {strides = array<i32>} : memref<100x64xf32, #tpu.memory_space<vmem>>, vector<1x16xf32>,
      %get3A_283 = vector.shape_cast %get3A_282 : vector<1x16xf32> to vector<16xf32>
      %add3A_284 = arith.addf %add3A_260, %get3A_283 : vector<16xf32>
      %get3A_285 = arith.constant 10 : i32
      %get3A_286 = arith.index_cast %get3A_285 : i32 to index
      %get3A_287 = arith.constant 32 : index
      %get3A_288 = tpu.vector_load %arg7[%get3A_286, %get3A_287] {strides = array<i32>} : memref<100x64xf32, #tpu.memory_space<vmem>>, vector<1x16xf32>,
      %get3A_289 = vector.shape_cast %get3A_288 : vector<1x16xf32> to vector<16xf32>
      %add3A_290 = arith.addf %add3A_266, %get3A_289 : vector<16xf32>
      %get3A_291 = arith.constant 10 : i32
      %get3A_292 = arith.index_cast %get3A_291 : i32 to index
      %get3A_293 = arith.constant 48 : index
      %get3A_294 = tpu.vector_load %arg7[%get3A_292, %get3A_293] {strides = array<i32>} : memref<100x64xf32, #tpu.memory_space<vmem>>, vector<1x16xf32>,
      %get3A_295 = vector.shape_cast %get3A_294 : vector<1x16xf32> to vector<16xf32>
      %add3A_296 = arith.addf %add3A_272, %get3A_295 : vector<16xf32>
      %get3A_297 = arith.constant 11 : i32
      %get3A_298 = arith.index_cast %get3A_297 : i32 to index
      %get3A_299 = arith.constant 0 : index
      %get3A_300 = tpu.vector_load %arg7[%get3A_298, %get3A_299] {strides = array<i32>} : memref<100x64xf32, #tpu.memory_space<vmem>>, vector<1x16xf32>,
      %get3A_301 = vector.shape_cast %get3A_300 : vector<1x16xf32> to vector<16xf32>
      %add3A_302 = arith.addf %add3A_278, %get3A_301 : vector<16xf32>
      %get3A_303 = arith.constant 11 : i32
      %get3A_304 = arith.index_cast %get3A_303 : i32 to index
      %get3A_305 = arith.constant 16 : index
      %get3A_306 = tpu.vector_load %arg7[%get3A_304, %get3A_305] {strides = array<i32>} : memref<100x64xf32, #tpu.memory_space<vmem>>, vector<1x16xf32>,
      %get3A_307 = vector.shape_cast %get3A_306 : vector<1x16xf32> to vector<16xf32>
      %add3A_308 = arith.addf %add3A_284, %get3A_307 : vector<16xf32>
      %get3A_309 = arith.constant 11 : i32
      %get3A_310 = arith.index_cast %get3A_309 : i32 to index
      %get3A_311 = arith.constant 32 : index
      %get3A_312 = tpu.vector_load %arg7[%get3A_310, %get3A_311] {strides = array<i32>} : memref<100x64xf32, #tpu.memory_space<vmem>>, vector<1x16xf32>,
      %get3A_313 = vector.shape_cast %get3A_312 : vector<1x16xf32> to vector<16xf32>
      %add3A_314 = arith.addf %add3A_290, %get3A_313 : vector<16xf32>
      %get3A_315 = arith.constant 11 : i32
      %get3A_316 = arith.index_cast %get3A_315 : i32 to index
      %get3A_317 = arith.constant 48 : index
      %get3A_318 = tpu.vector_load %arg7[%get3A_316, %get3A_317] {strides = array<i32>} : memref<100x64xf32, #tpu.memory_space<vmem>>, vector<1x16xf32>,
      %get3A_319 = vector.shape_cast %get3A_318 : vector<1x16xf32> to vector<16xf32>
      %add3A_320 = arith.addf %add3A_296, %get3A_319 : vector<16xf32>
      %get3A_321 = arith.constant 12 : i32
      %get3A_322 = arith.index_cast %get3A_321 : i32 to index
      %get3A_323 = arith.constant 0 : index
      %get3A_324 = tpu.vector_load %arg7[%get3A_322, %get3A_323] {strides = array<i32>} : memref<100x64xf32, #tpu.memory_space<vmem>>, vector<1x16xf32>,
      %get3A_325 = vector.shape_cast %get3A_324 : vector<1x16xf32> to vector<16xf32>
      %add3A_326 = arith.addf %add3A_302, %get3A_325 : vector<16xf32>
      %get3A_327 = arith.constant 12 : i32
      %get3A_328 = arith.index_cast %get3A_327 : i32 to index
      %get3A_329 = arith.constant 16 : index
      %get3A_330 = tpu.vector_load %arg7[%get3A_328, %get3A_329] {strides = array<i32>} : memref<100x64xf32, #tpu.memory_space<vmem>>, vector<1x16xf32>,
      %get3A_331 = vector.shape_cast %get3A_330 : vector<1x16xf32> to vector<16xf32>
      %add3A_332 = arith.addf %add3A_308, %get3A_331 : vector<16xf32>
      %get3A_333 = arith.constant 12 : i32
      %get3A_334 = arith.index_cast %get3A_333 : i32 to index
      %get3A_335 = arith.constant 32 : index
      %get3A_336 = tpu.vector_load %arg7[%get3A_334, %get3A_335] {strides = array<i32>} : memref<100x64xf32, #tpu.memory_space<vmem>>, vector<1x16xf32>,
      %get3A_337 = vector.shape_cast %get3A_336 : vector<1x16xf32> to vector<16xf32>
      %add3A_338 = arith.addf %add3A_314, %get3A_337 : vector<16xf32>
      %get3A_339 = arith.constant 12 : i32
      %get3A_340 = arith.index_cast %get3A_339 : i32 to index
      %get3A_341 = arith.constant 48 : index
      %get3A_342 = tpu.vector_load %arg7[%get3A_340, %get3A_341] {strides = array<i32>} : memref<100x64xf32, #tpu.memory_space<vmem>>, vector<1x16xf32>,
      %get3A_343 = vector.shape_cast %get3A_342 : vector<1x16xf32> to vector<16xf32>
      %add3A_344 = arith.addf %add3A_320, %get3A_343 : vector<16xf32>
      %get3A_345 = arith.constant 13 : i32
      %get3A_346 = arith.index_cast %get3A_345 : i32 to index
      %get3A_347 = arith.constant 0 : index
      %get3A_348 = tpu.vector_load %arg7[%get3A_346, %get3A_347] {strides = array<i32>} : memref<100x64xf32, #tpu.memory_space<vmem>>, vector<1x16xf32>,
      %get3A_349 = vector.shape_cast %get3A_348 : vector<1x16xf32> to vector<16xf32>
      %add3A_350 = arith.addf %add3A_326, %get3A_349 : vector<16xf32>
      %get3A_351 = arith.constant 13 : i32
      %get3A_352 = arith.index_cast %get3A_351 : i32 to index
      %get3A_353 = arith.constant 16 : index
      %get3A_354 = tpu.vector_load %arg7[%get3A_352, %get3A_353] {strides = array<i32>} : memref<100x64xf32, #tpu.memory_space<vmem>>, vector<1x16xf32>,
      %get3A_355 = vector.shape_cast %get3A_354 : vector<1x16xf32> to vector<16xf32>
      %add3A_356 = arith.addf %add3A_332, %get3A_355 : vector<16xf32>
      %get3A_357 = arith.constant 13 : i32
      %get3A_358 = arith.index_cast %get3A_357 : i32 to index
      %get3A_359 = arith.constant 32 : index
      %get3A_360 = tpu.vector_load %arg7[%get3A_358, %get3A_359] {strides = array<i32>} : memref<100x64xf32, #tpu.memory_space<vmem>>, vector<1x16xf32>,
      %get3A_361 = vector.shape_cast %get3A_360 : vector<1x16xf32> to vector<16xf32>
      %add3A_362 = arith.addf %add3A_338, %get3A_361 : vector<16xf32>
      %get3A_363 = arith.constant 13 : i32
      %get3A_364 = arith.index_cast %get3A_363 : i32 to index
      %get3A_365 = arith.constant 48 : index
      %get3A_366 = tpu.vector_load %arg7[%get3A_364, %get3A_365] {strides = array<i32>} : memref<100x64xf32, #tpu.memory_space<vmem>>, vector<1x16xf32>,
      %get3A_367 = vector.shape_cast %get3A_366 : vector<1x16xf32> to vector<16xf32>
      %add3A_368 = arith.addf %add3A_344, %get3A_367 : vector<16xf32>
      %get3A_369 = arith.constant 14 : i32
      %get3A_370 = arith.index_cast %get3A_369 : i32 to index
      %get3A_371 = arith.constant 0 : index
      %get3A_372 = tpu.vector_load %arg7[%get3A_370, %get3A_371] {strides = array<i32>} : memref<100x64xf32, #tpu.memory_space<vmem>>, vector<1x16xf32>,
      %get3A_373 = vector.shape_cast %get3A_372 : vector<1x16xf32> to vector<16xf32>
      %add3A_374 = arith.addf %add3A_350, %get3A_373 : vector<16xf32>
      %get3A_375 = arith.constant 14 : i32
      %get3A_376 = arith.index_cast %get3A_375 : i32 to index
      %get3A_377 = arith.constant 16 : index
      %get3A_378 = tpu.vector_load %arg7[%get3A_376, %get3A_377] {strides = array<i32>} : memref<100x64xf32, #tpu.memory_space<vmem>>, vector<1x16xf32>,
      %get3A_379 = vector.shape_cast %get3A_378 : vector<1x16xf32> to vector<16xf32>
      %add3A_380 = arith.addf %add3A_356, %get3A_379 : vector<16xf32>
      %get3A_381 = arith.constant 14 : i32
      %get3A_382 = arith.index_cast %get3A_381 : i32 to index
      %get3A_383 = arith.constant 32 : index
      %get3A_384 = tpu.vector_load %arg7[%get3A_382, %get3A_383] {strides = array<i32>} : memref<100x64xf32, #tpu.memory_space<vmem>>, vector<1x16xf32>,
      %get3A_385 = vector.shape_cast %get3A_384 : vector<1x16xf32> to vector<16xf32>
      %add3A_386 = arith.addf %add3A_362, %get3A_385 : vector<16xf32>
      %get3A_387 = arith.constant 14 : i32
      %get3A_388 = arith.index_cast %get3A_387 : i32 to index
      %get3A_389 = arith.constant 48 : index
      %get3A_390 = tpu.vector_load %arg7[%get3A_388, %get3A_389] {strides = array<i32>} : memref<100x64xf32, #tpu.memory_space<vmem>>, vector<1x16xf32>,
      %get3A_391 = vector.shape_cast %get3A_390 : vector<1x16xf32> to vector<16xf32>
      %add3A_392 = arith.addf %add3A_368, %get3A_391 : vector<16xf32>
      %get3A_393 = arith.constant 15 : i32
      %get3A_394 = arith.index_cast %get3A_393 : i32 to index
      %get3A_395 = arith.constant 0 : index
      %get3A_396 = tpu.vector_load %arg7[%get3A_394, %get3A_395] {strides = array<i32>} : memref<100x64xf32, #tpu.memory_space<vmem>>, vector<1x16xf32>,
      %get3A_397 = vector.shape_cast %get3A_396 : vector<1x16xf32> to vector<16xf32>
      %add3A_398 = arith.addf %add3A_374, %get3A_397 : vector<16xf32>
      %get3A_399 = arith.constant 15 : i32
      %get3A_400 = arith.index_cast %get3A_399 : i32 to index
      %get3A_401 = arith.constant 16 : index
      %get3A_402 = tpu.vector_load %arg7[%get3A_400, %get3A_401] {strides = array<i32>} : memref<100x64xf32, #tpu.memory_space<vmem>>, vector<1x16xf32>,
      %get3A_403 = vector.shape_cast %get3A_402 : vector<1x16xf32> to vector<16xf32>
      %add3A_404 = arith.addf %add3A_380, %get3A_403 : vector<16xf32>
      %get3A_405 = arith.constant 15 : i32
      %get3A_406 = arith.index_cast %get3A_405 : i32 to index
      %get3A_407 = arith.constant 32 : index
      %get3A_408 = tpu.vector_load %arg7[%get3A_406, %get3A_407] {strides = array<i32>} : memref<100x64xf32, #tpu.memory_space<vmem>>, vector<1x16xf32>,
      %get3A_409 = vector.shape_cast %get3A_408 : vector<1x16xf32> to vector<16xf32>
      %add3A_410 = arith.addf %add3A_386, %get3A_409 : vector<16xf32>
      %get3A_411 = arith.constant 15 : i32
      %get3A_412 = arith.index_cast %get3A_411 : i32 to index
      %get3A_413 = arith.constant 48 : index
      %get3A_414 = tpu.vector_load %arg7[%get3A_412, %get3A_413] {strides = array<i32>} : memref<100x64xf32, #tpu.memory_space<vmem>>, vector<1x16xf32>,
      %get3A_415 = vector.shape_cast %get3A_414 : vector<1x16xf32> to vector<16xf32>
      %add3A_416 = arith.addf %add3A_392, %get3A_415 : vector<16xf32>
      %get3A_417 = arith.constant 16 : i32
      %get3A_418 = arith.index_cast %get3A_417 : i32 to index
      %get3A_419 = arith.constant 0 : index
      %get3A_420 = tpu.vector_load %arg7[%get3A_418, %get3A_419] {strides = array<i32>} : memref<100x64xf32, #tpu.memory_space<vmem>>, vector<1x16xf32>,
      %get3A_421 = vector.shape_cast %get3A_420 : vector<1x16xf32> to vector<16xf32>
      %add3A_422 = arith.addf %add3A_398, %get3A_421 : vector<16xf32>
      %get3A_423 = arith.constant 16 : i32
      %get3A_424 = arith.index_cast %get3A_423 : i32 to index
      %get3A_425 = arith.constant 16 : index
      %get3A_426 = tpu.vector_load %arg7[%get3A_424, %get3A_425] {strides = array<i32>} : memref<100x64xf32, #tpu.memory_space<vmem>>, vector<1x16xf32>,
      %get3A_427 = vector.shape_cast %get3A_426 : vector<1x16xf32> to vector<16xf32>
      %add3A_428 = arith.addf %add3A_404, %get3A_427 : vector<16xf32>
      %get3A_429 = arith.constant 16 : i32
      %get3A_430 = arith.index_cast %get3A_429 : i32 to index
      %get3A_431 = arith.constant 32 : index
      %get3A_432 = tpu.vector_load %arg7[%get3A_430, %get3A_431] {strides = array<i32>} : memref<100x64xf32, #tpu.memory_space<vmem>>, vector<1x16xf32>,
      %get3A_433 = vector.shape_cast %get3A_432 : vector<1x16xf32> to vector<16xf32>
      %add3A_434 = arith.addf %add3A_410, %get3A_433 : vector<16xf32>
      %get3A_435 = arith.constant 16 : i32
      %get3A_436 = arith.index_cast %get3A_435 : i32 to index
      %get3A_437 = arith.constant 48 : index
      %get3A_438 = tpu.vector_load %arg7[%get3A_436, %get3A_437] {strides = array<i32>} : memref<100x64xf32, #tpu.memory_space<vmem>>, vector<1x16xf32>,
      %get3A_439 = vector.shape_cast %get3A_438 : vector<1x16xf32> to vector<16xf32>
      %add3A_440 = arith.addf %add3A_416, %get3A_439 : vector<16xf32>
      %get3A_441 = arith.constant 17 : i32
      %get3A_442 = arith.index_cast %get3A_441 : i32 to index
      %get3A_443 = arith.constant 0 : index
      %get3A_444 = tpu.vector_load %arg7[%get3A_442, %get3A_443] {strides = array<i32>} : memref<100x64xf32, #tpu.memory_space<vmem>>, vector<1x16xf32>,
      %get3A_445 = vector.shape_cast %get3A_444 : vector<1x16xf32> to vector<16xf32>
      %add3A_446 = arith.addf %add3A_422, %get3A_445 : vector<16xf32>
      %get3A_447 = arith.constant 17 : i32
      %get3A_448 = arith.index_cast %get3A_447 : i32 to index
      %get3A_449 = arith.constant 16 : index
      %get3A_450 = tpu.vector_load %arg7[%get3A_448, %get3A_449] {strides = array<i32>} : memref<100x64xf32, #tpu.memory_space<vmem>>, vector<1x16xf32>,
      %get3A_451 = vector.shape_cast %get3A_450 : vector<1x16xf32> to vector<16xf32>
      %add3A_452 = arith.addf %add3A_428, %get3A_451 : vector<16xf32>
      %get3A_453 = arith.constant 17 : i32
      %get3A_454 = arith.index_cast %get3A_453 : i32 to index
      %get3A_455 = arith.constant 32 : index
      %get3A_456 = tpu.vector_load %arg7[%get3A_454, %get3A_455] {strides = array<i32>} : memref<100x64xf32, #tpu.memory_space<vmem>>, vector<1x16xf32>,
      %get3A_457 = vector.shape_cast %get3A_456 : vector<1x16xf32> to vector<16xf32>
      %add3A_458 = arith.addf %add3A_434, %get3A_457 : vector<16xf32>
      %get3A_459 = arith.constant 17 : i32
      %get3A_460 = arith.index_cast %get3A_459 : i32 to index
      %get3A_461 = arith.constant 48 : index
      %get3A_462 = tpu.vector_load %arg7[%get3A_460, %get3A_461] {strides = array<i32>} : memref<100x64xf32, #tpu.memory_space<vmem>>, vector<1x16xf32>,
      %get3A_463 = vector.shape_cast %get3A_462 : vector<1x16xf32> to vector<16xf32>
      %add3A_464 = arith.addf %add3A_440, %get3A_463 : vector<16xf32>
      %get3A_465 = arith.constant 18 : i32
      %get3A_466 = arith.index_cast %get3A_465 : i32 to index
      %get3A_467 = arith.constant 0 : index
      %get3A_468 = tpu.vector_load %arg7[%get3A_466, %get3A_467] {strides = array<i32>} : memref<100x64xf32, #tpu.memory_space<vmem>>, vector<1x16xf32>,
      %get3A_469 = vector.shape_cast %get3A_468 : vector<1x16xf32> to vector<16xf32>
      %add3A_470 = arith.addf %add3A_446, %get3A_469 : vector<16xf32>
      %get3A_471 = arith.constant 18 : i32
      %get3A_472 = arith.index_cast %get3A_471 : i32 to index
      %get3A_473 = arith.constant 16 : index
      %get3A_474 = tpu.vector_load %arg7[%get3A_472, %get3A_473] {strides = array<i32>} : memref<100x64xf32, #tpu.memory_space<vmem>>, vector<1x16xf32>,
      %get3A_475 = vector.shape_cast %get3A_474 : vector<1x16xf32> to vector<16xf32>
      %add3A_476 = arith.addf %add3A_452, %get3A_475 : vector<16xf32>
      %get3A_477 = arith.constant 18 : i32
      %get3A_478 = arith.index_cast %get3A_477 : i32 to index
      %get3A_479 = arith.constant 32 : index
      %get3A_480 = tpu.vector_load %arg7[%get3A_478, %get3A_479] {strides = array<i32>} : memref<100x64xf32, #tpu.memory_space<vmem>>, vector<1x16xf32>,
      %get3A_481 = vector.shape_cast %get3A_480 : vector<1x16xf32> to vector<16xf32>
      %add3A_482 = arith.addf %add3A_458, %get3A_481 : vector<16xf32>
      %get3A_483 = arith.constant 18 : i32
      %get3A_484 = arith.index_cast %get3A_483 : i32 to index
      %get3A_485 = arith.constant 48 : index
      %get3A_486 = tpu.vector_load %arg7[%get3A_484, %get3A_485] {strides = array<i32>} : memref<100x64xf32, #tpu.memory_space<vmem>>, vector<1x16xf32>,
      %get3A_487 = vector.shape_cast %get3A_486 : vector<1x16xf32> to vector<16xf32>
      %add3A_488 = arith.addf %add3A_464, %get3A_487 : vector<16xf32>
      %get3A_489 = arith.constant 19 : i32
      %get3A_490 = arith.index_cast %get3A_489 : i32 to index
      %get3A_491 = arith.constant 0 : index
      %get3A_492 = tpu.vector_load %arg7[%get3A_490, %get3A_491] {strides = array<i32>} : memref<100x64xf32, #tpu.memory_space<vmem>>, vector<1x16xf32>,
      %get3A_493 = vector.shape_cast %get3A_492 : vector<1x16xf32> to vector<16xf32>
      %add3A_494 = arith.addf %add3A_470, %get3A_493 : vector<16xf32>
      %get3A_495 = arith.constant 19 : i32
      %get3A_496 = arith.index_cast %get3A_495 : i32 to index
      %get3A_497 = arith.constant 16 : index
      %get3A_498 = tpu.vector_load %arg7[%get3A_496, %get3A_497] {strides = array<i32>} : memref<100x64xf32, #tpu.memory_space<vmem>>, vector<1x16xf32>,
      %get3A_499 = vector.shape_cast %get3A_498 : vector<1x16xf32> to vector<16xf32>
      %add3A_500 = arith.addf %add3A_476, %get3A_499 : vector<16xf32>
      %get3A_501 = arith.constant 19 : i32
      %get3A_502 = arith.index_cast %get3A_501 : i32 to index
      %get3A_503 = arith.constant 32 : index
      %get3A_504 = tpu.vector_load %arg7[%get3A_502, %get3A_503] {strides = array<i32>} : memref<100x64xf32, #tpu.memory_space<vmem>>, vector<1x16xf32>,
      %get3A_505 = vector.shape_cast %get3A_504 : vector<1x16xf32> to vector<16xf32>
      %add3A_506 = arith.addf %add3A_482, %get3A_505 : vector<16xf32>
      %get3A_507 = arith.constant 19 : i32
      %get3A_508 = arith.index_cast %get3A_507 : i32 to index
      %get3A_509 = arith.constant 48 : index
      %get3A_510 = tpu.vector_load %arg7[%get3A_508, %get3A_509] {strides = array<i32>} : memref<100x64xf32, #tpu.memory_space<vmem>>, vector<1x16xf32>,
      %get3A_511 = vector.shape_cast %get3A_510 : vector<1x16xf32> to vector<16xf32>
      %add3A_512 = arith.addf %add3A_488, %get3A_511 : vector<16xf32>
      %get3A_513 = arith.constant 20 : i32
      %get3A_514 = arith.index_cast %get3A_513 : i32 to index
      %get3A_515 = arith.constant 0 : index
      %get3A_516 = tpu.vector_load %arg7[%get3A_514, %get3A_515] {strides = array<i32>} : memref<100x64xf32, #tpu.memory_space<vmem>>, vector<1x16xf32>,
      %get3A_517 = vector.shape_cast %get3A_516 : vector<1x16xf32> to vector<16xf32>
      %add3A_518 = arith.addf %add3A_494, %get3A_517 : vector<16xf32>
      %get3A_519 = arith.constant 20 : i32
      %get3A_520 = arith.index_cast %get3A_519 : i32 to index
      %get3A_521 = arith.constant 16 : index
      %get3A_522 = tpu.vector_load %arg7[%get3A_520, %get3A_521] {strides = array<i32>} : memref<100x64xf32, #tpu.memory_space<vmem>>, vector<1x16xf32>,
      %get3A_523 = vector.shape_cast %get3A_522 : vector<1x16xf32> to vector<16xf32>
      %add3A_524 = arith.addf %add3A_500, %get3A_523 : vector<16xf32>
      %get3A_525 = arith.constant 20 : i32
      %get3A_526 = arith.index_cast %get3A_525 : i32 to index
      %get3A_527 = arith.constant 32 : index
      %get3A_528 = tpu.vector_load %arg7[%get3A_526, %get3A_527] {strides = array<i32>} : memref<100x64xf32, #tpu.memory_space<vmem>>, vector<1x16xf32>,
      %get3A_529 = vector.shape_cast %get3A_528 : vector<1x16xf32> to vector<16xf32>
      %add3A_530 = arith.addf %add3A_506, %get3A_529 : vector<16xf32>
      %get3A_531 = arith.constant 20 : i32
      %get3A_532 = arith.index_cast %get3A_531 : i32 to index
      %get3A_533 = arith.constant 48 : index
      %get3A_534 = tpu.vector_load %arg7[%get3A_532, %get3A_533] {strides = array<i32>} : memref<100x64xf32, #tpu.memory_space<vmem>>, vector<1x16xf32>,
      %get3A_535 = vector.shape_cast %get3A_534 : vector<1x16xf32> to vector<16xf32>
      %add3A_536 = arith.addf %add3A_512, %get3A_535 : vector<16xf32>
      %get3A_537 = arith.constant 21 : i32
      %get3A_538 = arith.index_cast %get3A_537 : i32 to index
      %get3A_539 = arith.constant 0 : index
      %get3A_540 = tpu.vector_load %arg7[%get3A_538, %get3A_539] {strides = array<i32>} : memref<100x64xf32, #tpu.memory_space<vmem>>, vector<1x16xf32>,
      %get3A_541 = vector.shape_cast %get3A_540 : vector<1x16xf32> to vector<16xf32>
      %add3A_542 = arith.addf %add3A_518, %get3A_541 : vector<16xf32>
      %get3A_543 = arith.constant 21 : i32
      %get3A_544 = arith.index_cast %get3A_543 : i32 to index
      %get3A_545 = arith.constant 16 : index
      %get3A_546 = tpu.vector_load %arg7[%get3A_544, %get3A_545] {strides = array<i32>} : memref<100x64xf32, #tpu.memory_space<vmem>>, vector<1x16xf32>,
      %get3A_547 = vector.shape_cast %get3A_546 : vector<1x16xf32> to vector<16xf32>
      %add3A_548 = arith.addf %add3A_524, %get3A_547 : vector<16xf32>
      %get3A_549 = arith.constant 21 : i32
      %get3A_550 = arith.index_cast %get3A_549 : i32 to index
      %get3A_551 = arith.constant 32 : index
      %get3A_552 = tpu.vector_load %arg7[%get3A_550, %get3A_551] {strides = array<i32>} : memref<100x64xf32, #tpu.memory_space<vmem>>, vector<1x16xf32>,
      %get3A_553 = vector.shape_cast %get3A_552 : vector<1x16xf32> to vector<16xf32>
      %add3A_554 = arith.addf %add3A_530, %get3A_553 : vector<16xf32>
      %get3A_555 = arith.constant 21 : i32
      %get3A_556 = arith.index_cast %get3A_555 : i32 to index
      %get3A_557 = arith.constant 48 : index
      %get3A_558 = tpu.vector_load %arg7[%get3A_556, %get3A_557] {strides = array<i32>} : memref<100x64xf32, #tpu.memory_space<vmem>>, vector<1x16xf32>,
      %get3A_559 = vector.shape_cast %get3A_558 : vector<1x16xf32> to vector<16xf32>
      %add3A_560 = arith.addf %add3A_536, %get3A_559 : vector<16xf32>
      %get3A_561 = arith.constant 22 : i32
      %get3A_562 = arith.index_cast %get3A_561 : i32 to index
      %get3A_563 = arith.constant 0 : index
      %get3A_564 = tpu.vector_load %arg7[%get3A_562, %get3A_563] {strides = array<i32>} : memref<100x64xf32, #tpu.memory_space<vmem>>, vector<1x16xf32>,
      %get3A_565 = vector.shape_cast %get3A_564 : vector<1x16xf32> to vector<16xf32>
      %add3A_566 = arith.addf %add3A_542, %get3A_565 : vector<16xf32>
      %get3A_567 = arith.constant 22 : i32
      %get3A_568 = arith.index_cast %get3A_567 : i32 to index
      %get3A_569 = arith.constant 16 : index
      %get3A_570 = tpu.vector_load %arg7[%get3A_568, %get3A_569] {strides = array<i32>} : memref<100x64xf32, #tpu.memory_space<vmem>>, vector<1x16xf32>,
      %get3A_571 = vector.shape_cast %get3A_570 : vector<1x16xf32> to vector<16xf32>
      %add3A_572 = arith.addf %add3A_548, %get3A_571 : vector<16xf32>
      %get3A_573 = arith.constant 22 : i32
      %get3A_574 = arith.index_cast %get3A_573 : i32 to index
      %get3A_575 = arith.constant 32 : index
      %get3A_576 = tpu.vector_load %arg7[%get3A_574, %get3A_575] {strides = array<i32>} : memref<100x64xf32, #tpu.memory_space<vmem>>, vector<1x16xf32>,
      %get3A_577 = vector.shape_cast %get3A_576 : vector<1x16xf32> to vector<16xf32>
      %add3A_578 = arith.addf %add3A_554, %get3A_577 : vector<16xf32>
      %get3A_579 = arith.constant 22 : i32
      %get3A_580 = arith.index_cast %get3A_579 : i32 to index
      %get3A_581 = arith.constant 48 : index
      %get3A_582 = tpu.vector_load %arg7[%get3A_580, %get3A_581] {strides = array<i32>} : memref<100x64xf32, #tpu.memory_space<vmem>>, vector<1x16xf32>,
      %get3A_583 = vector.shape_cast %get3A_582 : vector<1x16xf32> to vector<16xf32>
      %add3A_584 = arith.addf %add3A_560, %get3A_583 : vector<16xf32>
      %get3A_585 = arith.constant 23 : i32
      %get3A_586 = arith.index_cast %get3A_585 : i32 to index
      %get3A_587 = arith.constant 0 : index
      %get3A_588 = tpu.vector_load %arg7[%get3A_586, %get3A_587] {strides = array<i32>} : memref<100x64xf32, #tpu.memory_space<vmem>>, vector<1x16xf32>,
      %get3A_589 = vector.shape_cast %get3A_588 : vector<1x16xf32> to vector<16xf32>
      %add3A_590 = arith.addf %add3A_566, %get3A_589 : vector<16xf32>
      %get3A_591 = arith.constant 23 : i32
      %get3A_592 = arith.index_cast %get3A_591 : i32 to index
      %get3A_593 = arith.constant 16 : index
      %get3A_594 = tpu.vector_load %arg7[%get3A_592, %get3A_593] {strides = array<i32>} : memref<100x64xf32, #tpu.memory_space<vmem>>, vector<1x16xf32>,
      %get3A_595 = vector.shape_cast %get3A_594 : vector<1x16xf32> to vector<16xf32>
      %add3A_596 = arith.addf %add3A_572, %get3A_595 : vector<16xf32>
      %get3A_597 = arith.constant 23 : i32
      %get3A_598 = arith.index_cast %get3A_597 : i32 to index
      %get3A_599 = arith.constant 32 : index
      %get3A_600 = tpu.vector_load %arg7[%get3A_598, %get3A_599] {strides = array<i32>} : memref<100x64xf32, #tpu.memory_space<vmem>>, vector<1x16xf32>,
      %get3A_601 = vector.shape_cast %get3A_600 : vector<1x16xf32> to vector<16xf32>
      %add3A_602 = arith.addf %add3A_578, %get3A_601 : vector<16xf32>
      %get3A_603 = arith.constant 23 : i32
      %get3A_604 = arith.index_cast %get3A_603 : i32 to index
      %get3A_605 = arith.constant 48 : index
      %get3A_606 = tpu.vector_load %arg7[%get3A_604, %get3A_605] {strides = array<i32>} : memref<100x64xf32, #tpu.memory_space<vmem>>, vector<1x16xf32>,
      %get3A_607 = vector.shape_cast %get3A_606 : vector<1x16xf32> to vector<16xf32>
      %add3A_608 = arith.addf %add3A_584, %get3A_607 : vector<16xf32>
      %get3A_609 = arith.constant 24 : i32
      %get3A_610 = arith.index_cast %get3A_609 : i32 to index
      %get3A_611 = arith.constant 0 : index
      %get3A_612 = tpu.vector_load %arg7[%get3A_610, %get3A_611] {strides = array<i32>} : memref<100x64xf32, #tpu.memory_space<vmem>>, vector<1x16xf32>,
      %get3A_613 = vector.shape_cast %get3A_612 : vector<1x16xf32> to vector<16xf32>
      %add3A_614 = arith.addf %add3A_590, %get3A_613 : vector<16xf32>
      %get3A_615 = arith.constant 24 : i32
      %get3A_616 = arith.index_cast %get3A_615 : i32 to index
      %get3A_617 = arith.constant 16 : index
      %get3A_618 = tpu.vector_load %arg7[%get3A_616, %get3A_617] {strides = array<i32>} : memref<100x64xf32, #tpu.memory_space<vmem>>, vector<1x16xf32>,
      %get3A_619 = vector.shape_cast %get3A_618 : vector<1x16xf32> to vector<16xf32>
      %add3A_620 = arith.addf %add3A_596, %get3A_619 : vector<16xf32>
      %get3A_621 = arith.constant 24 : i32
      %get3A_622 = arith.index_cast %get3A_621 : i32 to index
      %get3A_623 = arith.constant 32 : index
      %get3A_624 = tpu.vector_load %arg7[%get3A_622, %get3A_623] {strides = array<i32>} : memref<100x64xf32, #tpu.memory_space<vmem>>, vector<1x16xf32>,
      %get3A_625 = vector.shape_cast %get3A_624 : vector<1x16xf32> to vector<16xf32>
      %add3A_626 = arith.addf %add3A_602, %get3A_625 : vector<16xf32>
      %get3A_627 = arith.constant 24 : i32
      %get3A_628 = arith.index_cast %get3A_627 : i32 to index
      %get3A_629 = arith.constant 48 : index
      %get3A_630 = tpu.vector_load %arg7[%get3A_628, %get3A_629] {strides = array<i32>} : memref<100x64xf32, #tpu.memory_space<vmem>>, vector<1x16xf32>,
      %get3A_631 = vector.shape_cast %get3A_630 : vector<1x16xf32> to vector<16xf32>
      %add3A_632 = arith.addf %add3A_608, %get3A_631 : vector<16xf32>
      %get3A_633 = arith.constant 25 : i32
      %get3A_634 = arith.index_cast %get3A_633 : i32 to index
      %get3A_635 = arith.constant 0 : index
      %get3A_636 = tpu.vector_load %arg7[%get3A_634, %get3A_635] {strides = array<i32>} : memref<100x64xf32, #tpu.memory_space<vmem>>, vector<1x16xf32>,
      %get3A_637 = vector.shape_cast %get3A_636 : vector<1x16xf32> to vector<16xf32>
      %add3A_638 = arith.addf %add3A_614, %get3A_637 : vector<16xf32>
      %get3A_639 = arith.constant 25 : i32
      %get3A_640 = arith.index_cast %get3A_639 : i32 to index
      %get3A_641 = arith.constant 16 : index
      %get3A_642 = tpu.vector_load %arg7[%get3A_640, %get3A_641] {strides = array<i32>} : memref<100x64xf32, #tpu.memory_space<vmem>>, vector<1x16xf32>,
      %get3A_643 = vector.shape_cast %get3A_642 : vector<1x16xf32> to vector<16xf32>
      %add3A_644 = arith.addf %add3A_620, %get3A_643 : vector<16xf32>
      %get3A_645 = arith.constant 25 : i32
      %get3A_646 = arith.index_cast %get3A_645 : i32 to index
      %get3A_647 = arith.constant 32 : index
      %get3A_648 = tpu.vector_load %arg7[%get3A_646, %get3A_647] {strides = array<i32>} : memref<100x64xf32, #tpu.memory_space<vmem>>, vector<1x16xf32>,
      %get3A_649 = vector.shape_cast %get3A_648 : vector<1x16xf32> to vector<16xf32>
      %add3A_650 = arith.addf %add3A_626, %get3A_649 : vector<16xf32>
      %get3A_651 = arith.constant 25 : i32
      %get3A_652 = arith.index_cast %get3A_651 : i32 to index
      %get3A_653 = arith.constant 48 : index
      %get3A_654 = tpu.vector_load %arg7[%get3A_652, %get3A_653] {strides = array<i32>} : memref<100x64xf32, #tpu.memory_space<vmem>>, vector<1x16xf32>,
      %get3A_655 = vector.shape_cast %get3A_654 : vector<1x16xf32> to vector<16xf32>
      %add3A_656 = arith.addf %add3A_632, %get3A_655 : vector<16xf32>
      %get3A_657 = arith.constant 26 : i32
      %get3A_658 = arith.index_cast %get3A_657 : i32 to index
      %get3A_659 = arith.constant 0 : index
      %get3A_660 = tpu.vector_load %arg7[%get3A_658, %get3A_659] {strides = array<i32>} : memref<100x64xf32, #tpu.memory_space<vmem>>, vector<1x16xf32>,
      %get3A_661 = vector.shape_cast %get3A_660 : vector<1x16xf32> to vector<16xf32>
      %add3A_662 = arith.addf %add3A_638, %get3A_661 : vector<16xf32>
      %get3A_663 = arith.constant 26 : i32
      %get3A_664 = arith.index_cast %get3A_663 : i32 to index
      %get3A_665 = arith.constant 16 : index
      %get3A_666 = tpu.vector_load %arg7[%get3A_664, %get3A_665] {strides = array<i32>} : memref<100x64xf32, #tpu.memory_space<vmem>>, vector<1x16xf32>,
      %get3A_667 = vector.shape_cast %get3A_666 : vector<1x16xf32> to vector<16xf32>
      %add3A_668 = arith.addf %add3A_644, %get3A_667 : vector<16xf32>
      %get3A_669 = arith.constant 26 : i32
      %get3A_670 = arith.index_cast %get3A_669 : i32 to index
      %get3A_671 = arith.constant 32 : index
      %get3A_672 = tpu.vector_load %arg7[%get3A_670, %get3A_671] {strides = array<i32>} : memref<100x64xf32, #tpu.memory_space<vmem>>, vector<1x16xf32>,
      %get3A_673 = vector.shape_cast %get3A_672 : vector<1x16xf32> to vector<16xf32>
      %add3A_674 = arith.addf %add3A_650, %get3A_673 : vector<16xf32>
      %get3A_675 = arith.constant 26 : i32
      %get3A_676 = arith.index_cast %get3A_675 : i32 to index
      %get3A_677 = arith.constant 48 : index
      %get3A_678 = tpu.vector_load %arg7[%get3A_676, %get3A_677] {strides = array<i32>} : memref<100x64xf32, #tpu.memory_space<vmem>>, vector<1x16xf32>,
      %get3A_679 = vector.shape_cast %get3A_678 : vector<1x16xf32> to vector<16xf32>
      %add3A_680 = arith.addf %add3A_656, %get3A_679 : vector<16xf32>
      %get3A_681 = arith.constant 27 : i32
      %get3A_682 = arith.index_cast %get3A_681 : i32 to index
      %get3A_683 = arith.constant 0 : index
      %get3A_684 = tpu.vector_load %arg7[%get3A_682, %get3A_683] {strides = array<i32>} : memref<100x64xf32, #tpu.memory_space<vmem>>, vector<1x16xf32>,
      %get3A_685 = vector.shape_cast %get3A_684 : vector<1x16xf32> to vector<16xf32>
      %add3A_686 = arith.addf %add3A_662, %get3A_685 : vector<16xf32>
      %get3A_687 = arith.constant 27 : i32
      %get3A_688 = arith.index_cast %get3A_687 : i32 to index
      %get3A_689 = arith.constant 16 : index
      %get3A_690 = tpu.vector_load %arg7[%get3A_688, %get3A_689] {strides = array<i32>} : memref<100x64xf32, #tpu.memory_space<vmem>>, vector<1x16xf32>,
      %get3A_691 = vector.shape_cast %get3A_690 : vector<1x16xf32> to vector<16xf32>
      %add3A_692 = arith.addf %add3A_668, %get3A_691 : vector<16xf32>
      %get3A_693 = arith.constant 27 : i32
      %get3A_694 = arith.index_cast %get3A_693 : i32 to index
      %get3A_695 = arith.constant 32 : index
      %get3A_696 = tpu.vector_load %arg7[%get3A_694, %get3A_695] {strides = array<i32>} : memref<100x64xf32, #tpu.memory_space<vmem>>, vector<1x16xf32>,
      %get3A_697 = vector.shape_cast %get3A_696 : vector<1x16xf32> to vector<16xf32>
      %add3A_698 = arith.addf %add3A_674, %get3A_697 : vector<16xf32>
      %get3A_699 = arith.constant 27 : i32
      %get3A_700 = arith.index_cast %get3A_699 : i32 to index
      %get3A_701 = arith.constant 48 : index
      %get3A_702 = tpu.vector_load %arg7[%get3A_700, %get3A_701] {strides = array<i32>} : memref<100x64xf32, #tpu.memory_space<vmem>>, vector<1x16xf32>,
      %get3A_703 = vector.shape_cast %get3A_702 : vector<1x16xf32> to vector<16xf32>
      %add3A_704 = arith.addf %add3A_680, %get3A_703 : vector<16xf32>
      %get3A_705 = arith.constant 28 : i32
      %get3A_706 = arith.index_cast %get3A_705 : i32 to index
      %get3A_707 = arith.constant 0 : index
      %get3A_708 = tpu.vector_load %arg7[%get3A_706, %get3A_707] {strides = array<i32>} : memref<100x64xf32, #tpu.memory_space<vmem>>, vector<1x16xf32>,
      %get3A_709 = vector.shape_cast %get3A_708 : vector<1x16xf32> to vector<16xf32>
      %add3A_710 = arith.addf %add3A_686, %get3A_709 : vector<16xf32>
      %get3A_711 = arith.constant 28 : i32
      %get3A_712 = arith.index_cast %get3A_711 : i32 to index
      %get3A_713 = arith.constant 16 : index
      %get3A_714 = tpu.vector_load %arg7[%get3A_712, %get3A_713] {strides = array<i32>} : memref<100x64xf32, #tpu.memory_space<vmem>>, vector<1x16xf32>,
      %get3A_715 = vector.shape_cast %get3A_714 : vector<1x16xf32> to vector<16xf32>
      %add3A_716 = arith.addf %add3A_692, %get3A_715 : vector<16xf32>
      %get3A_717 = arith.constant 28 : i32
      %get3A_718 = arith.index_cast %get3A_717 : i32 to index
      %get3A_719 = arith.constant 32 : index
      %get3A_720 = tpu.vector_load %arg7[%get3A_718, %get3A_719] {strides = array<i32>} : memref<100x64xf32, #tpu.memory_space<vmem>>, vector<1x16xf32>,
      %get3A_721 = vector.shape_cast %get3A_720 : vector<1x16xf32> to vector<16xf32>
      %add3A_722 = arith.addf %add3A_698, %get3A_721 : vector<16xf32>
      %get3A_723 = arith.constant 28 : i32
      %get3A_724 = arith.index_cast %get3A_723 : i32 to index
      %get3A_725 = arith.constant 48 : index
      %get3A_726 = tpu.vector_load %arg7[%get3A_724, %get3A_725] {strides = array<i32>} : memref<100x64xf32, #tpu.memory_space<vmem>>, vector<1x16xf32>,
      %get3A_727 = vector.shape_cast %get3A_726 : vector<1x16xf32> to vector<16xf32>
      %add3A_728 = arith.addf %add3A_704, %get3A_727 : vector<16xf32>
      %get3A_729 = arith.constant 29 : i32
      %get3A_730 = arith.index_cast %get3A_729 : i32 to index
      %get3A_731 = arith.constant 0 : index
      %get3A_732 = tpu.vector_load %arg7[%get3A_730, %get3A_731] {strides = array<i32>} : memref<100x64xf32, #tpu.memory_space<vmem>>, vector<1x16xf32>,
      %get3A_733 = vector.shape_cast %get3A_732 : vector<1x16xf32> to vector<16xf32>
      %add3A_734 = arith.addf %add3A_710, %get3A_733 : vector<16xf32>
      %get3A_735 = arith.constant 29 : i32
      %get3A_736 = arith.index_cast %get3A_735 : i32 to index
      %get3A_737 = arith.constant 16 : index
      %get3A_738 = tpu.vector_load %arg7[%get3A_736, %get3A_737] {strides = array<i32>} : memref<100x64xf32, #tpu.memory_space<vmem>>, vector<1x16xf32>,
      %get3A_739 = vector.shape_cast %get3A_738 : vector<1x16xf32> to vector<16xf32>
      %add3A_740 = arith.addf %add3A_716, %get3A_739 : vector<16xf32>
      %get3A_741 = arith.constant 29 : i32
      %get3A_742 = arith.index_cast %get3A_741 : i32 to index
      %get3A_743 = arith.constant 32 : index
      %get3A_744 = tpu.vector_load %arg7[%get3A_742, %get3A_743] {strides = array<i32>} : memref<100x64xf32, #tpu.memory_space<vmem>>, vector<1x16xf32>,
      %get3A_745 = vector.shape_cast %get3A_744 : vector<1x16xf32> to vector<16xf32>
      %add3A_746 = arith.addf %add3A_722, %get3A_745 : vector<16xf32>
      %get3A_747 = arith.constant 29 : i32
      %get3A_748 = arith.index_cast %get3A_747 : i32 to index
      %get3A_749 = arith.constant 48 : index
      %get3A_750 = tpu.vector_load %arg7[%get3A_748, %get3A_749] {strides = array<i32>} : memref<100x64xf32, #tpu.memory_space<vmem>>, vector<1x16xf32>,
      %get3A_751 = vector.shape_cast %get3A_750 : vector<1x16xf32> to vector<16xf32>
      %add3A_752 = arith.addf %add3A_728, %get3A_751 : vector<16xf32>
      %get3A_753 = arith.constant 30 : i32
      %get3A_754 = arith.index_cast %get3A_753 : i32 to index
      %get3A_755 = arith.constant 0 : index
      %get3A_756 = tpu.vector_load %arg7[%get3A_754, %get3A_755] {strides = array<i32>} : memref<100x64xf32, #tpu.memory_space<vmem>>, vector<1x16xf32>,
      %get3A_757 = vector.shape_cast %get3A_756 : vector<1x16xf32> to vector<16xf32>
      %add3A_758 = arith.addf %add3A_734, %get3A_757 : vector<16xf32>
      %get3A_759 = arith.constant 30 : i32
      %get3A_760 = arith.index_cast %get3A_759 : i32 to index
      %get3A_761 = arith.constant 16 : index
      %get3A_762 = tpu.vector_load %arg7[%get3A_760, %get3A_761] {strides = array<i32>} : memref<100x64xf32, #tpu.memory_space<vmem>>, vector<1x16xf32>,
      %get3A_763 = vector.shape_cast %get3A_762 : vector<1x16xf32> to vector<16xf32>
      %add3A_764 = arith.addf %add3A_740, %get3A_763 : vector<16xf32>
      %get3A_765 = arith.constant 30 : i32
      %get3A_766 = arith.index_cast %get3A_765 : i32 to index
      %get3A_767 = arith.constant 32 : index
      %get3A_768 = tpu.vector_load %arg7[%get3A_766, %get3A_767] {strides = array<i32>} : memref<100x64xf32, #tpu.memory_space<vmem>>, vector<1x16xf32>,
      %get3A_769 = vector.shape_cast %get3A_768 : vector<1x16xf32> to vector<16xf32>
      %add3A_770 = arith.addf %add3A_746, %get3A_769 : vector<16xf32>
      %get3A_771 = arith.constant 30 : i32
      %get3A_772 = arith.index_cast %get3A_771 : i32 to index
      %get3A_773 = arith.constant 48 : index
      %get3A_774 = tpu.vector_load %arg7[%get3A_772, %get3A_773] {strides = array<i32>} : memref<100x64xf32, #tpu.memory_space<vmem>>, vector<1x16xf32>,
      %get3A_775 = vector.shape_cast %get3A_774 : vector<1x16xf32> to vector<16xf32>
      %add3A_776 = arith.addf %add3A_752, %get3A_775 : vector<16xf32>
      %get3A_777 = arith.constant 31 : i32
      %get3A_778 = arith.index_cast %get3A_777 : i32 to index
      %get3A_779 = arith.constant 0 : index
      %get3A_780 = tpu.vector_load %arg7[%get3A_778, %get3A_779] {strides = array<i32>} : memref<100x64xf32, #tpu.memory_space<vmem>>, vector<1x16xf32>,
      %get3A_781 = vector.shape_cast %get3A_780 : vector<1x16xf32> to vector<16xf32>
      %add3A_782 = arith.addf %add3A_758, %get3A_781 : vector<16xf32>
      %get3A_783 = arith.constant 31 : i32
      %get3A_784 = arith.index_cast %get3A_783 : i32 to index
      %get3A_785 = arith.constant 16 : index
      %get3A_786 = tpu.vector_load %arg7[%get3A_784, %get3A_785] {strides = array<i32>} : memref<100x64xf32, #tpu.memory_space<vmem>>, vector<1x16xf32>,
      %get3A_787 = vector.shape_cast %get3A_786 : vector<1x16xf32> to vector<16xf32>
      %add3A_788 = arith.addf %add3A_764, %get3A_787 : vector<16xf32>
      %get3A_789 = arith.constant 31 : i32
      %get3A_790 = arith.index_cast %get3A_789 : i32 to index
      %get3A_791 = arith.constant 32 : index
      %get3A_792 = tpu.vector_load %arg7[%get3A_790, %get3A_791] {strides = array<i32>} : memref<100x64xf32, #tpu.memory_space<vmem>>, vector<1x16xf32>,
      %get3A_793 = vector.shape_cast %get3A_792 : vector<1x16xf32> to vector<16xf32>
      %add3A_794 = arith.addf %add3A_770, %get3A_793 : vector<16xf32>
      %get3A_795 = arith.constant 31 : i32
      %get3A_796 = arith.index_cast %get3A_795 : i32 to index
      %get3A_797 = arith.constant 48 : index
      %get3A_798 = tpu.vector_load %arg7[%get3A_796, %get3A_797] {strides = array<i32>} : memref<100x64xf32, #tpu.memory_space<vmem>>, vector<1x16xf32>,
      %get3A_799 = vector.shape_cast %get3A_798 : vector<1x16xf32> to vector<16xf32>
      %add3A_800 = arith.addf %add3A_776, %get3A_799 : vector<16xf32>
      %get3A_801 = arith.constant 32 : i32
      %get3A_802 = arith.index_cast %get3A_801 : i32 to index
      %get3A_803 = arith.constant 0 : index
      %get3A_804 = tpu.vector_load %arg7[%get3A_802, %get3A_803] {strides = array<i32>} : memref<100x64xf32, #tpu.memory_space<vmem>>, vector<1x16xf32>,
      %get3A_805 = vector.shape_cast %get3A_804 : vector<1x16xf32> to vector<16xf32>
      %add3A_806 = arith.addf %add3A_782, %get3A_805 : vector<16xf32>
      %get3A_807 = arith.constant 32 : i32
      %get3A_808 = arith.index_cast %get3A_807 : i32 to index
      %get3A_809 = arith.constant 16 : index
      %get3A_810 = tpu.vector_load %arg7[%get3A_808, %get3A_809] {strides = array<i32>} : memref<100x64xf32, #tpu.memory_space<vmem>>, vector<1x16xf32>,
      %get3A_811 = vector.shape_cast %get3A_810 : vector<1x16xf32> to vector<16xf32>
      %add3A_812 = arith.addf %add3A_788, %get3A_811 : vector<16xf32>
      %get3A_813 = arith.constant 32 : i32
      %get3A_814 = arith.index_cast %get3A_813 : i32 to index
      %get3A_815 = arith.constant 32 : index
      %get3A_816 = tpu.vector_load %arg7[%get3A_814, %get3A_815] {strides = array<i32>} : memref<100x64xf32, #tpu.memory_space<vmem>>, vector<1x16xf32>,
      %get3A_817 = vector.shape_cast %get3A_816 : vector<1x16xf32> to vector<16xf32>
      %add3A_818 = arith.addf %add3A_794, %get3A_817 : vector<16xf32>
      %get3A_819 = arith.constant 32 : i32
      %get3A_820 = arith.index_cast %get3A_819 : i32 to index
      %get3A_821 = arith.constant 48 : index
      %get3A_822 = tpu.vector_load %arg7[%get3A_820, %get3A_821] {strides = array<i32>} : memref<100x64xf32, #tpu.memory_space<vmem>>, vector<1x16xf32>,
      %get3A_823 = vector.shape_cast %get3A_822 : vector<1x16xf32> to vector<16xf32>
      %add3A_824 = arith.addf %add3A_800, %get3A_823 : vector<16xf32>
      %get3A_825 = arith.constant 33 : i32
      %get3A_826 = arith.index_cast %get3A_825 : i32 to index
      %get3A_827 = arith.constant 0 : index
      %get3A_828 = tpu.vector_load %arg7[%get3A_826, %get3A_827] {strides = array<i32>} : memref<100x64xf32, #tpu.memory_space<vmem>>, vector<1x16xf32>,
      %get3A_829 = vector.shape_cast %get3A_828 : vector<1x16xf32> to vector<16xf32>
      %add3A_830 = arith.addf %add3A_806, %get3A_829 : vector<16xf32>
      %get3A_831 = arith.constant 33 : i32
      %get3A_832 = arith.index_cast %get3A_831 : i32 to index
      %get3A_833 = arith.constant 16 : index
      %get3A_834 = tpu.vector_load %arg7[%get3A_832, %get3A_833] {strides = array<i32>} : memref<100x64xf32, #tpu.memory_space<vmem>>, vector<1x16xf32>,
      %get3A_835 = vector.shape_cast %get3A_834 : vector<1x16xf32> to vector<16xf32>
      %add3A_836 = arith.addf %add3A_812, %get3A_835 : vector<16xf32>
      %get3A_837 = arith.constant 33 : i32
      %get3A_838 = arith.index_cast %get3A_837 : i32 to index
      %get3A_839 = arith.constant 32 : index
      %get3A_840 = tpu.vector_load %arg7[%get3A_838, %get3A_839] {strides = array<i32>} : memref<100x64xf32, #tpu.memory_space<vmem>>, vector<1x16xf32>,
      %get3A_841 = vector.shape_cast %get3A_840 : vector<1x16xf32> to vector<16xf32>
      %add3A_842 = arith.addf %add3A_818, %get3A_841 : vector<16xf32>
      %get3A_843 = arith.constant 33 : i32
      %get3A_844 = arith.index_cast %get3A_843 : i32 to index
      %get3A_845 = arith.constant 48 : index
      %get3A_846 = tpu.vector_load %arg7[%get3A_844, %get3A_845] {strides = array<i32>} : memref<100x64xf32, #tpu.memory_space<vmem>>, vector<1x16xf32>,
      %get3A_847 = vector.shape_cast %get3A_846 : vector<1x16xf32> to vector<16xf32>
      %add3A_848 = arith.addf %add3A_824, %get3A_847 : vector<16xf32>
      %get3A_849 = arith.constant 34 : i32
      %get3A_850 = arith.index_cast %get3A_849 : i32 to index
      %get3A_851 = arith.constant 0 : index
      %get3A_852 = tpu.vector_load %arg7[%get3A_850, %get3A_851] {strides = array<i32>} : memref<100x64xf32, #tpu.memory_space<vmem>>, vector<1x16xf32>,
      %get3A_853 = vector.shape_cast %get3A_852 : vector<1x16xf32> to vector<16xf32>
      %add3A_854 = arith.addf %add3A_830, %get3A_853 : vector<16xf32>
      %get3A_855 = arith.constant 34 : i32
      %get3A_856 = arith.index_cast %get3A_855 : i32 to index
      %get3A_857 = arith.constant 16 : index
      %get3A_858 = tpu.vector_load %arg7[%get3A_856, %get3A_857] {strides = array<i32>} : memref<100x64xf32, #tpu.memory_space<vmem>>, vector<1x16xf32>,
      %get3A_859 = vector.shape_cast %get3A_858 : vector<1x16xf32> to vector<16xf32>
      %add3A_860 = arith.addf %add3A_836, %get3A_859 : vector<16xf32>
      %get3A_861 = arith.constant 34 : i32
      %get3A_862 = arith.index_cast %get3A_861 : i32 to index
      %get3A_863 = arith.constant 32 : index
      %get3A_864 = tpu.vector_load %arg7[%get3A_862, %get3A_863] {strides = array<i32>} : memref<100x64xf32, #tpu.memory_space<vmem>>, vector<1x16xf32>,
      %get3A_865 = vector.shape_cast %get3A_864 : vector<1x16xf32> to vector<16xf32>
      %add3A_866 = arith.addf %add3A_842, %get3A_865 : vector<16xf32>
      %get3A_867 = arith.constant 34 : i32
      %get3A_868 = arith.index_cast %get3A_867 : i32 to index
      %get3A_869 = arith.constant 48 : index
      %get3A_870 = tpu.vector_load %arg7[%get3A_868, %get3A_869] {strides = array<i32>} : memref<100x64xf32, #tpu.memory_space<vmem>>, vector<1x16xf32>,
      %get3A_871 = vector.shape_cast %get3A_870 : vector<1x16xf32> to vector<16xf32>
      %add3A_872 = arith.addf %add3A_848, %get3A_871 : vector<16xf32>
      %get3A_873 = arith.constant 35 : i32
      %get3A_874 = arith.index_cast %get3A_873 : i32 to index
      %get3A_875 = arith.constant 0 : index
      %get3A_876 = tpu.vector_load %arg7[%get3A_874, %get3A_875] {strides = array<i32>} : memref<100x64xf32, #tpu.memory_space<vmem>>, vector<1x16xf32>,
      %get3A_877 = vector.shape_cast %get3A_876 : vector<1x16xf32> to vector<16xf32>
      %add3A_878 = arith.addf %add3A_854, %get3A_877 : vector<16xf32>
      %get3A_879 = arith.constant 35 : i32
      %get3A_880 = arith.index_cast %get3A_879 : i32 to index
      %get3A_881 = arith.constant 16 : index
      %get3A_882 = tpu.vector_load %arg7[%get3A_880, %get3A_881] {strides = array<i32>} : memref<100x64xf32, #tpu.memory_space<vmem>>, vector<1x16xf32>,
      %get3A_883 = vector.shape_cast %get3A_882 : vector<1x16xf32> to vector<16xf32>
      %add3A_884 = arith.addf %add3A_860, %get3A_883 : vector<16xf32>
      %get3A_885 = arith.constant 35 : i32
      %get3A_886 = arith.index_cast %get3A_885 : i32 to index
      %get3A_887 = arith.constant 32 : index
      %get3A_888 = tpu.vector_load %arg7[%get3A_886, %get3A_887] {strides = array<i32>} : memref<100x64xf32, #tpu.memory_space<vmem>>, vector<1x16xf32>,
      %get3A_889 = vector.shape_cast %get3A_888 : vector<1x16xf32> to vector<16xf32>
      %add3A_890 = arith.addf %add3A_866, %get3A_889 : vector<16xf32>
      %get3A_891 = arith.constant 35 : i32
      %get3A_892 = arith.index_cast %get3A_891 : i32 to index
      %get3A_893 = arith.constant 48 : index
      %get3A_894 = tpu.vector_load %arg7[%get3A_892, %get3A_893] {strides = array<i32>} : memref<100x64xf32, #tpu.memory_space<vmem>>, vector<1x16xf32>,
      %get3A_895 = vector.shape_cast %get3A_894 : vector<1x16xf32> to vector<16xf32>
      %add3A_896 = arith.addf %add3A_872, %get3A_895 : vector<16xf32>
      %get3A_897 = arith.constant 36 : i32
      %get3A_898 = arith.index_cast %get3A_897 : i32 to index
      %get3A_899 = arith.constant 0 : index
      %get3A_900 = tpu.vector_load %arg7[%get3A_898, %get3A_899] {strides = array<i32>} : memref<100x64xf32, #tpu.memory_space<vmem>>, vector<1x16xf32>,
      %get3A_901 = vector.shape_cast %get3A_900 : vector<1x16xf32> to vector<16xf32>
      %add3A_902 = arith.addf %add3A_878, %get3A_901 : vector<16xf32>
      %get3A_903 = arith.constant 36 : i32
      %get3A_904 = arith.index_cast %get3A_903 : i32 to index
      %get3A_905 = arith.constant 16 : index
      %get3A_906 = tpu.vector_load %arg7[%get3A_904, %get3A_905] {strides = array<i32>} : memref<100x64xf32, #tpu.memory_space<vmem>>, vector<1x16xf32>,
      %get3A_907 = vector.shape_cast %get3A_906 : vector<1x16xf32> to vector<16xf32>
      %add3A_908 = arith.addf %add3A_884, %get3A_907 : vector<16xf32>
      %get3A_909 = arith.constant 36 : i32
      %get3A_910 = arith.index_cast %get3A_909 : i32 to index
      %get3A_911 = arith.constant 32 : index
      %get3A_912 = tpu.vector_load %arg7[%get3A_910, %get3A_911] {strides = array<i32>} : memref<100x64xf32, #tpu.memory_space<vmem>>, vector<1x16xf32>,
      %get3A_913 = vector.shape_cast %get3A_912 : vector<1x16xf32> to vector<16xf32>
      %add3A_914 = arith.addf %add3A_890, %get3A_913 : vector<16xf32>
      %get3A_915 = arith.constant 36 : i32
      %get3A_916 = arith.index_cast %get3A_915 : i32 to index
      %get3A_917 = arith.constant 48 : index
      %get3A_918 = tpu.vector_load %arg7[%get3A_916, %get3A_917] {strides = array<i32>} : memref<100x64xf32, #tpu.memory_space<vmem>>, vector<1x16xf32>,
      %get3A_919 = vector.shape_cast %get3A_918 : vector<1x16xf32> to vector<16xf32>
      %add3A_920 = arith.addf %add3A_896, %get3A_919 : vector<16xf32>
      %get3A_921 = arith.constant 37 : i32
      %get3A_922 = arith.index_cast %get3A_921 : i32 to index
      %get3A_923 = arith.constant 0 : index
      %get3A_924 = tpu.vector_load %arg7[%get3A_922, %get3A_923] {strides = array<i32>} : memref<100x64xf32, #tpu.memory_space<vmem>>, vector<1x16xf32>,
      %get3A_925 = vector.shape_cast %get3A_924 : vector<1x16xf32> to vector<16xf32>
      %add3A_926 = arith.addf %add3A_902, %get3A_925 : vector<16xf32>
      %get3A_927 = arith.constant 37 : i32
      %get3A_928 = arith.index_cast %get3A_927 : i32 to index
      %get3A_929 = arith.constant 16 : index
      %get3A_930 = tpu.vector_load %arg7[%get3A_928, %get3A_929] {strides = array<i32>} : memref<100x64xf32, #tpu.memory_space<vmem>>, vector<1x16xf32>,
      %get3A_931 = vector.shape_cast %get3A_930 : vector<1x16xf32> to vector<16xf32>
      %add3A_932 = arith.addf %add3A_908, %get3A_931 : vector<16xf32>
      %get3A_933 = arith.constant 37 : i32
      %get3A_934 = arith.index_cast %get3A_933 : i32 to index
      %get3A_935 = arith.constant 32 : index
      %get3A_936 = tpu.vector_load %arg7[%get3A_934, %get3A_935] {strides = array<i32>} : memref<100x64xf32, #tpu.memory_space<vmem>>, vector<1x16xf32>,
      %get3A_937 = vector.shape_cast %get3A_936 : vector<1x16xf32> to vector<16xf32>
      %add3A_938 = arith.addf %add3A_914, %get3A_937 : vector<16xf32>
      %get3A_939 = arith.constant 37 : i32
      %get3A_940 = arith.index_cast %get3A_939 : i32 to index
      %get3A_941 = arith.constant 48 : index
      %get3A_942 = tpu.vector_load %arg7[%get3A_940, %get3A_941] {strides = array<i32>} : memref<100x64xf32, #tpu.memory_space<vmem>>, vector<1x16xf32>,
      %get3A_943 = vector.shape_cast %get3A_942 : vector<1x16xf32> to vector<16xf32>
      %add3A_944 = arith.addf %add3A_920, %get3A_943 : vector<16xf32>
      %get3A_945 = arith.constant 38 : i32
      %get3A_946 = arith.index_cast %get3A_945 : i32 to index
      %get3A_947 = arith.constant 0 : index
      %get3A_948 = tpu.vector_load %arg7[%get3A_946, %get3A_947] {strides = array<i32>} : memref<100x64xf32, #tpu.memory_space<vmem>>, vector<1x16xf32>,
      %get3A_949 = vector.shape_cast %get3A_948 : vector<1x16xf32> to vector<16xf32>
      %add3A_950 = arith.addf %add3A_926, %get3A_949 : vector<16xf32>
      %get3A_951 = arith.constant 38 : i32
      %get3A_952 = arith.index_cast %get3A_951 : i32 to index
      %get3A_953 = arith.constant 16 : index
      %get3A_954 = tpu.vector_load %arg7[%get3A_952, %get3A_953] {strides = array<i32>} : memref<100x64xf32, #tpu.memory_space<vmem>>, vector<1x16xf32>,
      %get3A_955 = vector.shape_cast %get3A_954 : vector<1x16xf32> to vector<16xf32>
      %add3A_956 = arith.addf %add3A_932, %get3A_955 : vector<16xf32>
      %get3A_957 = arith.constant 38 : i32
      %get3A_958 = arith.index_cast %get3A_957 : i32 to index
      %get3A_959 = arith.constant 32 : index
      %get3A_960 = tpu.vector_load %arg7[%get3A_958, %get3A_959] {strides = array<i32>} : memref<100x64xf32, #tpu.memory_space<vmem>>, vector<1x16xf32>,
      %get3A_961 = vector.shape_cast %get3A_960 : vector<1x16xf32> to vector<16xf32>
      %add3A_962 = arith.addf %add3A_938, %get3A_961 : vector<16xf32>
      %get3A_963 = arith.constant 38 : i32
      %get3A_964 = arith.index_cast %get3A_963 : i32 to index
      %get3A_965 = arith.constant 48 : index
      %get3A_966 = tpu.vector_load %arg7[%get3A_964, %get3A_965] {strides = array<i32>} : memref<100x64xf32, #tpu.memory_space<vmem>>, vector<1x16xf32>,
      %get3A_967 = vector.shape_cast %get3A_966 : vector<1x16xf32> to vector<16xf32>
      %add3A_968 = arith.addf %add3A_944, %get3A_967 : vector<16xf32>
      %get3A_969 = arith.constant 39 : i32
      %get3A_970 = arith.index_cast %get3A_969 : i32 to index
      %get3A_971 = arith.constant 0 : index
      %get3A_972 = tpu.vector_load %arg7[%get3A_970, %get3A_971] {strides = array<i32>} : memref<100x64xf32, #tpu.memory_space<vmem>>, vector<1x16xf32>,
      %get3A_973 = vector.shape_cast %get3A_972 : vector<1x16xf32> to vector<16xf32>
      %add3A_974 = arith.addf %add3A_950, %get3A_973 : vector<16xf32>
      %get3A_975 = arith.constant 39 : i32
      %get3A_976 = arith.index_cast %get3A_975 : i32 to index
      %get3A_977 = arith.constant 16 : index
      %get3A_978 = tpu.vector_load %arg7[%get3A_976, %get3A_977] {strides = array<i32>} : memref<100x64xf32, #tpu.memory_space<vmem>>, vector<1x16xf32>,
      %get3A_979 = vector.shape_cast %get3A_978 : vector<1x16xf32> to vector<16xf32>
      %add3A_980 = arith.addf %add3A_956, %get3A_979 : vector<16xf32>
      %get3A_981 = arith.constant 39 : i32
      %get3A_982 = arith.index_cast %get3A_981 : i32 to index
      %get3A_983 = arith.constant 32 : index
      %get3A_984 = tpu.vector_load %arg7[%get3A_982, %get3A_983] {strides = array<i32>} : memref<100x64xf32, #tpu.memory_space<vmem>>, vector<1x16xf32>,
      %get3A_985 = vector.shape_cast %get3A_984 : vector<1x16xf32> to vector<16xf32>
      %add3A_986 = arith.addf %add3A_962, %get3A_985 : vector<16xf32>
      %get3A_987 = arith.constant 39 : i32
      %get3A_988 = arith.index_cast %get3A_987 : i32 to index
      %get3A_989 = arith.constant 48 : index
      %get3A_990 = tpu.vector_load %arg7[%get3A_988, %get3A_989] {strides = array<i32>} : memref<100x64xf32, #tpu.memory_space<vmem>>, vector<1x16xf32>,
      %get3A_991 = vector.shape_cast %get3A_990 : vector<1x16xf32> to vector<16xf32>
      %add3A_992 = arith.addf %add3A_968, %get3A_991 : vector<16xf32>
      %get3A_993 = arith.constant 40 : i32
      %get3A_994 = arith.index_cast %get3A_993 : i32 to index
      %get3A_995 = arith.constant 0 : index
      %get3A_996 = tpu.vector_load %arg7[%get3A_994, %get3A_995] {strides = array<i32>} : memref<100x64xf32, #tpu.memory_space<vmem>>, vector<1x16xf32>,
      %get3A_997 = vector.shape_cast %get3A_996 : vector<1x16xf32> to vector<16xf32>
      %add3A_998 = arith.addf %add3A_974, %get3A_997 : vector<16xf32>
      %get3A_999 = arith.constant 40 : i32
      %get3A_1000 = arith.index_cast %get3A_999 : i32 to index
      %get3A_1001 = arith.constant 16 : index
      %get3A_1002 = tpu.vector_load %arg7[%get3A_1000, %get3A_1001] {strides = array<i32>} : memref<100x64xf32, #tpu.memory_space<vmem>>, vector<1x16xf32>,
      %get3A_1003 = vector.shape_cast %get3A_1002 : vector<1x16xf32> to vector<16xf32>
      %add3A_1004 = arith.addf %add3A_980, %get3A_1003 : vector<16xf32>
      %get3A_1005 = arith.constant 40 : i32
      %get3A_1006 = arith.index_cast %get3A_1005 : i32 to index
      %get3A_1007 = arith.constant 32 : index
      %get3A_1008 = tpu.vector_load %arg7[%get3A_1006, %get3A_1007] {strides = array<i32>} : memref<100x64xf32, #tpu.memory_space<vmem>>, vector<1x16xf32>,
      %get3A_1009 = vector.shape_cast %get3A_1008 : vector<1x16xf32> to vector<16xf32>
      %add3A_1010 = arith.addf %add3A_986, %get3A_1009 : vector<16xf32>
      %get3A_1011 = arith.constant 40 : i32
      %get3A_1012 = arith.index_cast %get3A_1011 : i32 to index
      %get3A_1013 = arith.constant 48 : index
      %get3A_1014 = tpu.vector_load %arg7[%get3A_1012, %get3A_1013] {strides = array<i32>} : memref<100x64xf32, #tpu.memory_space<vmem>>, vector<1x16xf32>,
      %get3A_1015 = vector.shape_cast %get3A_1014 : vector<1x16xf32> to vector<16xf32>
      %add3A_1016 = arith.addf %add3A_992, %get3A_1015 : vector<16xf32>
      %get3A_1017 = arith.constant 41 : i32
      %get3A_1018 = arith.index_cast %get3A_1017 : i32 to index
      %get3A_1019 = arith.constant 0 : index
      %get3A_1020 = tpu.vector_load %arg7[%get3A_1018, %get3A_1019] {strides = array<i32>} : memref<100x64xf32, #tpu.memory_space<vmem>>, vector<1x16xf32>,
      %get3A_1021 = vector.shape_cast %get3A_1020 : vector<1x16xf32> to vector<16xf32>
      %add3A_1022 = arith.addf %add3A_998, %get3A_1021 : vector<16xf32>
      %get3A_1023 = arith.constant 41 : i32
      %get3A_1024 = arith.index_cast %get3A_1023 : i32 to index
      %get3A_1025 = arith.constant 16 : index
      %get3A_1026 = tpu.vector_load %arg7[%get3A_1024, %get3A_1025] {strides = array<i32>} : memref<100x64xf32, #tpu.memory_space<vmem>>, vector<1x16xf32>,
      %get3A_1027 = vector.shape_cast %get3A_1026 : vector<1x16xf32> to vector<16xf32>
      %add3A_1028 = arith.addf %add3A_1004, %get3A_1027 : vector<16xf32>
      %get3A_1029 = arith.constant 41 : i32
      %get3A_1030 = arith.index_cast %get3A_1029 : i32 to index
      %get3A_1031 = arith.constant 32 : index
      %get3A_1032 = tpu.vector_load %arg7[%get3A_1030, %get3A_1031] {strides = array<i32>} : memref<100x64xf32, #tpu.memory_space<vmem>>, vector<1x16xf32>,
      %get3A_1033 = vector.shape_cast %get3A_1032 : vector<1x16xf32> to vector<16xf32>
      %add3A_1034 = arith.addf %add3A_1010, %get3A_1033 : vector<16xf32>
      %get3A_1035 = arith.constant 41 : i32
      %get3A_1036 = arith.index_cast %get3A_1035 : i32 to index
      %get3A_1037 = arith.constant 48 : index
      %get3A_1038 = tpu.vector_load %arg7[%get3A_1036, %get3A_1037] {strides = array<i32>} : memref<100x64xf32, #tpu.memory_space<vmem>>, vector<1x16xf32>,
      %get3A_1039 = vector.shape_cast %get3A_1038 : vector<1x16xf32> to vector<16xf32>
      %add3A_1040 = arith.addf %add3A_1016, %get3A_1039 : vector<16xf32>
      %get3A_1041 = arith.constant 42 : i32
      %get3A_1042 = arith.index_cast %get3A_1041 : i32 to index
      %get3A_1043 = arith.constant 0 : index
      %get3A_1044 = tpu.vector_load %arg7[%get3A_1042, %get3A_1043] {strides = array<i32>} : memref<100x64xf32, #tpu.memory_space<vmem>>, vector<1x16xf32>,
      %get3A_1045 = vector.shape_cast %get3A_1044 : vector<1x16xf32> to vector<16xf32>
      %add3A_1046 = arith.addf %add3A_1022, %get3A_1045 : vector<16xf32>
      %get3A_1047 = arith.constant 42 : i32
      %get3A_1048 = arith.index_cast %get3A_1047 : i32 to index
      %get3A_1049 = arith.constant 16 : index
      %get3A_1050 = tpu.vector_load %arg7[%get3A_1048, %get3A_1049] {strides = array<i32>} : memref<100x64xf32, #tpu.memory_space<vmem>>, vector<1x16xf32>,
      %get3A_1051 = vector.shape_cast %get3A_1050 : vector<1x16xf32> to vector<16xf32>
      %add3A_1052 = arith.addf %add3A_1028, %get3A_1051 : vector<16xf32>
      %get3A_1053 = arith.constant 42 : i32
      %get3A_1054 = arith.index_cast %get3A_1053 : i32 to index
      %get3A_1055 = arith.constant 32 : index
      %get3A_1056 = tpu.vector_load %arg7[%get3A_1054, %get3A_1055] {strides = array<i32>} : memref<100x64xf32, #tpu.memory_space<vmem>>, vector<1x16xf32>,
      %get3A_1057 = vector.shape_cast %get3A_1056 : vector<1x16xf32> to vector<16xf32>
      %add3A_1058 = arith.addf %add3A_1034, %get3A_1057 : vector<16xf32>
      %get3A_1059 = arith.constant 42 : i32
      %get3A_1060 = arith.index_cast %get3A_1059 : i32 to index
      %get3A_1061 = arith.constant 48 : index
      %get3A_1062 = tpu.vector_load %arg7[%get3A_1060, %get3A_1061] {strides = array<i32>} : memref<100x64xf32, #tpu.memory_space<vmem>>, vector<1x16xf32>,
      %get3A_1063 = vector.shape_cast %get3A_1062 : vector<1x16xf32> to vector<16xf32>
      %add3A_1064 = arith.addf %add3A_1040, %get3A_1063 : vector<16xf32>
      %get3A_1065 = arith.constant 43 : i32
      %get3A_1066 = arith.index_cast %get3A_1065 : i32 to index
      %get3A_1067 = arith.constant 0 : index
      %get3A_1068 = tpu.vector_load %arg7[%get3A_1066, %get3A_1067] {strides = array<i32>} : memref<100x64xf32, #tpu.memory_space<vmem>>, vector<1x16xf32>,
      %get3A_1069 = vector.shape_cast %get3A_1068 : vector<1x16xf32> to vector<16xf32>
      %add3A_1070 = arith.addf %add3A_1046, %get3A_1069 : vector<16xf32>
      %get3A_1071 = arith.constant 43 : i32
      %get3A_1072 = arith.index_cast %get3A_1071 : i32 to index
      %get3A_1073 = arith.constant 16 : index
      %get3A_1074 = tpu.vector_load %arg7[%get3A_1072, %get3A_1073] {strides = array<i32>} : memref<100x64xf32, #tpu.memory_space<vmem>>, vector<1x16xf32>,
      %get3A_1075 = vector.shape_cast %get3A_1074 : vector<1x16xf32> to vector<16xf32>
      %add3A_1076 = arith.addf %add3A_1052, %get3A_1075 : vector<16xf32>
      %get3A_1077 = arith.constant 43 : i32
      %get3A_1078 = arith.index_cast %get3A_1077 : i32 to index
      %get3A_1079 = arith.constant 32 : index
      %get3A_1080 = tpu.vector_load %arg7[%get3A_1078, %get3A_1079] {strides = array<i32>} : memref<100x64xf32, #tpu.memory_space<vmem>>, vector<1x16xf32>,
      %get3A_1081 = vector.shape_cast %get3A_1080 : vector<1x16xf32> to vector<16xf32>
      %add3A_1082 = arith.addf %add3A_1058, %get3A_1081 : vector<16xf32>
      %get3A_1083 = arith.constant 43 : i32
      %get3A_1084 = arith.index_cast %get3A_1083 : i32 to index
      %get3A_1085 = arith.constant 48 : index
      %get3A_1086 = tpu.vector_load %arg7[%get3A_1084, %get3A_1085] {strides = array<i32>} : memref<100x64xf32, #tpu.memory_space<vmem>>, vector<1x16xf32>,
      %get3A_1087 = vector.shape_cast %get3A_1086 : vector<1x16xf32> to vector<16xf32>
      %add3A_1088 = arith.addf %add3A_1064, %get3A_1087 : vector<16xf32>
      %get3A_1089 = arith.constant 44 : i32
      %get3A_1090 = arith.index_cast %get3A_1089 : i32 to index
      %get3A_1091 = arith.constant 0 : index
      %get3A_1092 = tpu.vector_load %arg7[%get3A_1090, %get3A_1091] {strides = array<i32>} : memref<100x64xf32, #tpu.memory_space<vmem>>, vector<1x16xf32>,
      %get3A_1093 = vector.shape_cast %get3A_1092 : vector<1x16xf32> to vector<16xf32>
      %add3A_1094 = arith.addf %add3A_1070, %get3A_1093 : vector<16xf32>
      %get3A_1095 = arith.constant 44 : i32
      %get3A_1096 = arith.index_cast %get3A_1095 : i32 to index
      %get3A_1097 = arith.constant 16 : index
      %get3A_1098 = tpu.vector_load %arg7[%get3A_1096, %get3A_1097] {strides = array<i32>} : memref<100x64xf32, #tpu.memory_space<vmem>>, vector<1x16xf32>,
      %get3A_1099 = vector.shape_cast %get3A_1098 : vector<1x16xf32> to vector<16xf32>
      %add3A_1100 = arith.addf %add3A_1076, %get3A_1099 : vector<16xf32>
      %get3A_1101 = arith.constant 44 : i32
      %get3A_1102 = arith.index_cast %get3A_1101 : i32 to index
      %get3A_1103 = arith.constant 32 : index
      %get3A_1104 = tpu.vector_load %arg7[%get3A_1102, %get3A_1103] {strides = array<i32>} : memref<100x64xf32, #tpu.memory_space<vmem>>, vector<1x16xf32>,
      %get3A_1105 = vector.shape_cast %get3A_1104 : vector<1x16xf32> to vector<16xf32>
      %add3A_1106 = arith.addf %add3A_1082, %get3A_1105 : vector<16xf32>
      %get3A_1107 = arith.constant 44 : i32
      %get3A_1108 = arith.index_cast %get3A_1107 : i32 to index
      %get3A_1109 = arith.constant 48 : index
      %get3A_1110 = tpu.vector_load %arg7[%get3A_1108, %get3A_1109] {strides = array<i32>} : memref<100x64xf32, #tpu.memory_space<vmem>>, vector<1x16xf32>,
      %get3A_1111 = vector.shape_cast %get3A_1110 : vector<1x16xf32> to vector<16xf32>
      %add3A_1112 = arith.addf %add3A_1088, %get3A_1111 : vector<16xf32>
      %get3A_1113 = arith.constant 45 : i32
      %get3A_1114 = arith.index_cast %get3A_1113 : i32 to index
      %get3A_1115 = arith.constant 0 : index
      %get3A_1116 = tpu.vector_load %arg7[%get3A_1114, %get3A_1115] {strides = array<i32>} : memref<100x64xf32, #tpu.memory_space<vmem>>, vector<1x16xf32>,
      %get3A_1117 = vector.shape_cast %get3A_1116 : vector<1x16xf32> to vector<16xf32>
      %add3A_1118 = arith.addf %add3A_1094, %get3A_1117 : vector<16xf32>
      %get3A_1119 = arith.constant 45 : i32
      %get3A_1120 = arith.index_cast %get3A_1119 : i32 to index
      %get3A_1121 = arith.constant 16 : index
      %get3A_1122 = tpu.vector_load %arg7[%get3A_1120, %get3A_1121] {strides = array<i32>} : memref<100x64xf32, #tpu.memory_space<vmem>>, vector<1x16xf32>,
      %get3A_1123 = vector.shape_cast %get3A_1122 : vector<1x16xf32> to vector<16xf32>
      %add3A_1124 = arith.addf %add3A_1100, %get3A_1123 : vector<16xf32>
      %get3A_1125 = arith.constant 45 : i32
      %get3A_1126 = arith.index_cast %get3A_1125 : i32 to index
      %get3A_1127 = arith.constant 32 : index
      %get3A_1128 = tpu.vector_load %arg7[%get3A_1126, %get3A_1127] {strides = array<i32>} : memref<100x64xf32, #tpu.memory_space<vmem>>, vector<1x16xf32>,
      %get3A_1129 = vector.shape_cast %get3A_1128 : vector<1x16xf32> to vector<16xf32>
      %add3A_1130 = arith.addf %add3A_1106, %get3A_1129 : vector<16xf32>
      %get3A_1131 = arith.constant 45 : i32
      %get3A_1132 = arith.index_cast %get3A_1131 : i32 to index
      %get3A_1133 = arith.constant 48 : index
      %get3A_1134 = tpu.vector_load %arg7[%get3A_1132, %get3A_1133] {strides = array<i32>} : memref<100x64xf32, #tpu.memory_space<vmem>>, vector<1x16xf32>,
      %get3A_1135 = vector.shape_cast %get3A_1134 : vector<1x16xf32> to vector<16xf32>
      %add3A_1136 = arith.addf %add3A_1112, %get3A_1135 : vector<16xf32>
      %get3A_1137 = arith.constant 46 : i32
      %get3A_1138 = arith.index_cast %get3A_1137 : i32 to index
      %get3A_1139 = arith.constant 0 : index
      %get3A_1140 = tpu.vector_load %arg7[%get3A_1138, %get3A_1139] {strides = array<i32>} : memref<100x64xf32, #tpu.memory_space<vmem>>, vector<1x16xf32>,
      %get3A_1141 = vector.shape_cast %get3A_1140 : vector<1x16xf32> to vector<16xf32>
      %add3A_1142 = arith.addf %add3A_1118, %get3A_1141 : vector<16xf32>
      %get3A_1143 = arith.constant 46 : i32
      %get3A_1144 = arith.index_cast %get3A_1143 : i32 to index
      %get3A_1145 = arith.constant 16 : index
      %get3A_1146 = tpu.vector_load %arg7[%get3A_1144, %get3A_1145] {strides = array<i32>} : memref<100x64xf32, #tpu.memory_space<vmem>>, vector<1x16xf32>,
      %get3A_1147 = vector.shape_cast %get3A_1146 : vector<1x16xf32> to vector<16xf32>
      %add3A_1148 = arith.addf %add3A_1124, %get3A_1147 : vector<16xf32>
      %get3A_1149 = arith.constant 46 : i32
      %get3A_1150 = arith.index_cast %get3A_1149 : i32 to index
      %get3A_1151 = arith.constant 32 : index
      %get3A_1152 = tpu.vector_load %arg7[%get3A_1150, %get3A_1151] {strides = array<i32>} : memref<100x64xf32, #tpu.memory_space<vmem>>, vector<1x16xf32>,
      %get3A_1153 = vector.shape_cast %get3A_1152 : vector<1x16xf32> to vector<16xf32>
      %add3A_1154 = arith.addf %add3A_1130, %get3A_1153 : vector<16xf32>
      %get3A_1155 = arith.constant 46 : i32
      %get3A_1156 = arith.index_cast %get3A_1155 : i32 to index
      %get3A_1157 = arith.constant 48 : index
      %get3A_1158 = tpu.vector_load %arg7[%get3A_1156, %get3A_1157] {strides = array<i32>} : memref<100x64xf32, #tpu.memory_space<vmem>>, vector<1x16xf32>,
      %get3A_1159 = vector.shape_cast %get3A_1158 : vector<1x16xf32> to vector<16xf32>
      %add3A_1160 = arith.addf %add3A_1136, %get3A_1159 : vector<16xf32>
      %get3A_1161 = arith.constant 47 : i32
      %get3A_1162 = arith.index_cast %get3A_1161 : i32 to index
      %get3A_1163 = arith.constant 0 : index
      %get3A_1164 = tpu.vector_load %arg7[%get3A_1162, %get3A_1163] {strides = array<i32>} : memref<100x64xf32, #tpu.memory_space<vmem>>, vector<1x16xf32>,
      %get3A_1165 = vector.shape_cast %get3A_1164 : vector<1x16xf32> to vector<16xf32>
      %add3A_1166 = arith.addf %add3A_1142, %get3A_1165 : vector<16xf32>
      %get3A_1167 = arith.constant 47 : i32
      %get3A_1168 = arith.index_cast %get3A_1167 : i32 to index
      %get3A_1169 = arith.constant 16 : index
      %get3A_1170 = tpu.vector_load %arg7[%get3A_1168, %get3A_1169] {strides = array<i32>} : memref<100x64xf32, #tpu.memory_space<vmem>>, vector<1x16xf32>,
      %get3A_1171 = vector.shape_cast %get3A_1170 : vector<1x16xf32> to vector<16xf32>
      %add3A_1172 = arith.addf %add3A_1148, %get3A_1171 : vector<16xf32>
      %get3A_1173 = arith.constant 47 : i32
      %get3A_1174 = arith.index_cast %get3A_1173 : i32 to index
      %get3A_1175 = arith.constant 32 : index
      %get3A_1176 = tpu.vector_load %arg7[%get3A_1174, %get3A_1175] {strides = array<i32>} : memref<100x64xf32, #tpu.memory_space<vmem>>, vector<1x16xf32>,
      %get3A_1177 = vector.shape_cast %get3A_1176 : vector<1x16xf32> to vector<16xf32>
      %add3A_1178 = arith.addf %add3A_1154, %get3A_1177 : vector<16xf32>
      %get3A_1179 = arith.constant 47 : i32
      %get3A_1180 = arith.index_cast %get3A_1179 : i32 to index
      %get3A_1181 = arith.constant 48 : index
      %get3A_1182 = tpu.vector_load %arg7[%get3A_1180, %get3A_1181] {strides = array<i32>} : memref<100x64xf32, #tpu.memory_space<vmem>>, vector<1x16xf32>,
      %get3A_1183 = vector.shape_cast %get3A_1182 : vector<1x16xf32> to vector<16xf32>
      %add3A_1184 = arith.addf %add3A_1160, %get3A_1183 : vector<16xf32>
      %get3A_1185 = arith.constant 48 : i32
      %get3A_1186 = arith.index_cast %get3A_1185 : i32 to index
      %get3A_1187 = arith.constant 0 : index
      %get3A_1188 = tpu.vector_load %arg7[%get3A_1186, %get3A_1187] {strides = array<i32>} : memref<100x64xf32, #tpu.memory_space<vmem>>, vector<1x16xf32>,
      %get3A_1189 = vector.shape_cast %get3A_1188 : vector<1x16xf32> to vector<16xf32>
      %add3A_1190 = arith.addf %add3A_1166, %get3A_1189 : vector<16xf32>
      %get3A_1191 = arith.constant 48 : i32
      %get3A_1192 = arith.index_cast %get3A_1191 : i32 to index
      %get3A_1193 = arith.constant 16 : index
      %get3A_1194 = tpu.vector_load %arg7[%get3A_1192, %get3A_1193] {strides = array<i32>} : memref<100x64xf32, #tpu.memory_space<vmem>>, vector<1x16xf32>,
      %get3A_1195 = vector.shape_cast %get3A_1194 : vector<1x16xf32> to vector<16xf32>
      %add3A_1196 = arith.addf %add3A_1172, %get3A_1195 : vector<16xf32>
      %get3A_1197 = arith.constant 48 : i32
      %get3A_1198 = arith.index_cast %get3A_1197 : i32 to index
      %get3A_1199 = arith.constant 32 : index
      %get3A_1200 = tpu.vector_load %arg7[%get3A_1198, %get3A_1199] {strides = array<i32>} : memref<100x64xf32, #tpu.memory_space<vmem>>, vector<1x16xf32>,
      %get3A_1201 = vector.shape_cast %get3A_1200 : vector<1x16xf32> to vector<16xf32>
      %add3A_1202 = arith.addf %add3A_1178, %get3A_1201 : vector<16xf32>
      %get3A_1203 = arith.constant 48 : i32
      %get3A_1204 = arith.index_cast %get3A_1203 : i32 to index
      %get3A_1205 = arith.constant 48 : index
      %get3A_1206 = tpu.vector_load %arg7[%get3A_1204, %get3A_1205] {strides = array<i32>} : memref<100x64xf32, #tpu.memory_space<vmem>>, vector<1x16xf32>,
      %get3A_1207 = vector.shape_cast %get3A_1206 : vector<1x16xf32> to vector<16xf32>
      %add3A_1208 = arith.addf %add3A_1184, %get3A_1207 : vector<16xf32>
      %get3A_1209 = arith.constant 49 : i32
      %get3A_1210 = arith.index_cast %get3A_1209 : i32 to index
      %get3A_1211 = arith.constant 0 : index
      %get3A_1212 = tpu.vector_load %arg7[%get3A_1210, %get3A_1211] {strides = array<i32>} : memref<100x64xf32, #tpu.memory_space<vmem>>, vector<1x16xf32>,
      %get3A_1213 = vector.shape_cast %get3A_1212 : vector<1x16xf32> to vector<16xf32>
      %add3A_1214 = arith.addf %add3A_1190, %get3A_1213 : vector<16xf32>
      %get3A_1215 = arith.constant 49 : i32
      %get3A_1216 = arith.index_cast %get3A_1215 : i32 to index
      %get3A_1217 = arith.constant 16 : index
      %get3A_1218 = tpu.vector_load %arg7[%get3A_1216, %get3A_1217] {strides = array<i32>} : memref<100x64xf32, #tpu.memory_space<vmem>>, vector<1x16xf32>,
      %get3A_1219 = vector.shape_cast %get3A_1218 : vector<1x16xf32> to vector<16xf32>
      %add3A_1220 = arith.addf %add3A_1196, %get3A_1219 : vector<16xf32>
      %get3A_1221 = arith.constant 49 : i32
      %get3A_1222 = arith.index_cast %get3A_1221 : i32 to index
      %get3A_1223 = arith.constant 32 : index
      %get3A_1224 = tpu.vector_load %arg7[%get3A_1222, %get3A_1223] {strides = array<i32>} : memref<100x64xf32, #tpu.memory_space<vmem>>, vector<1x16xf32>,
      %get3A_1225 = vector.shape_cast %get3A_1224 : vector<1x16xf32> to vector<16xf32>
      %add3A_1226 = arith.addf %add3A_1202, %get3A_1225 : vector<16xf32>
      %get3A_1227 = arith.constant 49 : i32
      %get3A_1228 = arith.index_cast %get3A_1227 : i32 to index
      %get3A_1229 = arith.constant 48 : index
      %get3A_1230 = tpu.vector_load %arg7[%get3A_1228, %get3A_1229] {strides = array<i32>} : memref<100x64xf32, #tpu.memory_space<vmem>>, vector<1x16xf32>,
      %get3A_1231 = vector.shape_cast %get3A_1230 : vector<1x16xf32> to vector<16xf32>
      %add3A_1232 = arith.addf %add3A_1208, %get3A_1231 : vector<16xf32>
      %jit3A = arith.constant 16 : i32
      %div3A = arith.divsi %add3A_37, %jit3A : i32
      %sign3A = arith.constant 0 : i32
      %sign3A_1233 = arith.cmpi sgt, %add3A_37, %sign3A : i32
      %sign3A_1234 = arith.extui %sign3A_1233 : i1 to i32
      %sign3A_1235 = arith.constant 0 : i32
      %sign3A_1236 = arith.cmpi slt, %add3A_37, %sign3A_1235 : i32
      %sign3A_1237 = arith.extui %sign3A_1236 : i1 to i32
      %sign3A_1238 = arith.subi %sign3A_1234, %sign3A_1237 : i32
      %sign3A_1239 = arith.constant 0 : i32
      %sign3A_1240 = arith.cmpi sgt, %jit3A, %sign3A_1239 : i32
      %sign3A_1241 = arith.extui %sign3A_1240 : i1 to i32
      %sign3A_1242 = arith.constant 0 : i32
      %sign3A_1243 = arith.cmpi slt, %jit3A, %sign3A_1242 : i32
      %sign3A_1244 = arith.extui %sign3A_1243 : i1 to i32
      %sign3A_1245 = arith.subi %sign3A_1241, %sign3A_1244 : i32
      %ne3A = arith.cmpi ne, %sign3A_1238, %sign3A_1245 : i32
      %rem3A = arith.remsi %add3A_37, %jit3A : i32
      %ne3A_1246 = arith.constant 0 : i32
      %ne3A_1247 = arith.cmpi ne, %rem3A, %ne3A_1246 : i32
      %and3A = arith.andi %ne3A, %ne3A_1247 : i1
      %sub3A = arith.constant 1 : i32
      %sub3A_1248 = arith.subi %div3A, %sub3A : i32
      %select_n3A = arith.select %and3A, %sub3A_1248, %div3A : i32
      %mul3A_1249 = arith.constant 16 : i32
      %mul3A_1250 = arith.muli %select_n3A, %mul3A_1249 : i32
      %get3A_1251 = arith.index_cast %mul3A_1250 : i32 to index
      %get3A_1252 = tpu.vector_load %arg10[%get3A_1251] {strides = array<i32>} : memref<128xi32, #tpu.memory_space<vmem>>, vector<16xi32>,
      %get3A_1253 = vector.shape_cast %get3A_1252 : vector<16xi32> to vector<16xi32>
      %jit3A_1254 = arith.constant 16 : i32
      %eq3A = arith.constant 0 : i32
      %eq3A_1255 = arith.cmpi eq, %jit3A_1254, %eq3A : i32
      %jit3A_1256 = arith.constant 1 : i32
      %select_n3A_1257 = arith.select %eq3A_1255, %jit3A_1256, %jit3A_1254 : i32
      %rem3A_1258 = arith.remsi %add3A_37, %select_n3A_1257 : i32
      %ne3A_1259 = arith.constant 0 : i32
      %ne3A_1260 = arith.cmpi ne, %rem3A_1258, %ne3A_1259 : i32
      %lt3A = arith.constant 0 : i32
      %lt3A_1261 = arith.cmpi slt, %rem3A_1258, %lt3A : i32
      %lt3A_1262 = arith.constant 0 : i32
      %lt3A_1263 = arith.cmpi slt, %select_n3A_1257, %lt3A_1262 : i32
      %ne3A_1264 = arith.xori %lt3A_1261, %lt3A_1263 : i1
      %and3A_1265 = arith.andi %ne3A_1264, %ne3A_1260 : i1
      %add3A_1266 = arith.addi %rem3A_1258, %select_n3A_1257 : i32
      %select_n3A_1267 = arith.select %and3A_1265, %add3A_1266, %rem3A_1258 : i32
      %broadcast_in_dim3A = vector.broadcast %select_n3A_1267 : i32 to vector<16xi32>
      %lt3A_1268 = arith.constant 0 : i32
      %lt3A_1269 = vector.broadcast %lt3A_1268 : i32 to vector<16xi32>
      %lt3A_1270 = arith.cmpi slt, %broadcast_in_dim3A, %lt3A_1269 : vector<16xi32>
      %add3A_1271 = arith.constant 16 : i32
      %add3A_1272 = vector.broadcast %add3A_1271 : i32 to vector<16xi32>
      %add3A_1273 = arith.addi %broadcast_in_dim3A, %add3A_1272 : vector<16xi32>
      %select_n3A_1274 = arith.select %lt3A_1270, %add3A_1273, %broadcast_in_dim3A : vector<16xi1>, vector<16xi32>
      %broadcast_in_dim3A_1275 = vector.shape_cast %select_n3A_1274 : vector<16xi32> to vector<16x1xi32>
      %gather3A = vector.shape_cast %broadcast_in_dim3A_1275 : vector<16x1xi32> to vector<16xi32>
      %gather3A_1276 = tpu.dynamic_gather %get3A_1253[%gather3A] in [0] : vector<16xi32>, vector<16xi32> -> vector<16xi32>
      %convert_element_type3A = arith.sitofp %gather3A_1276 : vector<16xi32> to vector<16xf32>
      %div3A_1277 = arith.constant 1.000000e+00 : f32
      %div3A_1278 = vector.broadcast %div3A_1277 : f32 to vector<16xf32>
      %div3A_1279 = arith.divf %div3A_1278, %convert_element_type3A : vector<16xf32>
      %mul3A_1280 = arith.mulf %add3A_1214, %div3A_1279 : vector<16xf32>
      %swap3A = arith.index_cast %add3A_37 : i32 to index
      %swap3A_1281 = arith.constant 0 : index
      %swap3A_1282 = tpu.vector_load %arg9[%swap3A, %swap3A_1281] {strides = array<i32>} : memref<128x64xf32, #tpu.memory_space<vmem>>, vector<1x16xf32>,
      %swap3A_1283 = vector.shape_cast %swap3A_1282 : vector<1x16xf32> to vector<16xf32>
      %swap3A_1284 = vector.shape_cast %mul3A_1280 : vector<16xf32> to vector<1x16xf32>
      tpu.vector_store %arg9[%swap3A, %swap3A_1281], %swap3A_1284 {strides = array<i32>} : memref<128x64xf32, #tpu.memory_space<vmem>>, vector<1x16xf32>,
      %mul3A_1285 = arith.mulf %add3A_1220, %div3A_1279 : vector<16xf32>
      %swap3A_1286 = arith.index_cast %add3A_37 : i32 to index
      %swap3A_1287 = arith.constant 16 : index
      %swap3A_1288 = tpu.vector_load %arg9[%swap3A_1286, %swap3A_1287] {strides = array<i32>} : memref<128x64xf32, #tpu.memory_space<vmem>>, vector<1x16xf32>,
      %swap3A_1289 = vector.shape_cast %swap3A_1288 : vector<1x16xf32> to vector<16xf32>
      %swap3A_1290 = vector.shape_cast %mul3A_1285 : vector<16xf32> to vector<1x16xf32>
      tpu.vector_store %arg9[%swap3A_1286, %swap3A_1287], %swap3A_1290 {strides = array<i32>} : memref<128x64xf32, #tpu.memory_space<vmem>>, vector<1x16xf32>,
      %mul3A_1291 = arith.mulf %add3A_1226, %div3A_1279 : vector<16xf32>
      %swap3A_1292 = arith.index_cast %add3A_37 : i32 to index
      %swap3A_1293 = arith.constant 32 : index
      %swap3A_1294 = tpu.vector_load %arg9[%swap3A_1292, %swap3A_1293] {strides = array<i32>} : memref<128x64xf32, #tpu.memory_space<vmem>>, vector<1x16xf32>,
      %swap3A_1295 = vector.shape_cast %swap3A_1294 : vector<1x16xf32> to vector<16xf32>
      %swap3A_1296 = vector.shape_cast %mul3A_1291 : vector<16xf32> to vector<1x16xf32>
      tpu.vector_store %arg9[%swap3A_1292, %swap3A_1293], %swap3A_1296 {strides = array<i32>} : memref<128x64xf32, #tpu.memory_space<vmem>>, vector<1x16xf32>,
      %mul3A_1297 = arith.mulf %add3A_1232, %div3A_1279 : vector<16xf32>
      %swap3A_1298 = arith.index_cast %add3A_37 : i32 to index
      %swap3A_1299 = arith.constant 48 : index
      %swap3A_1300 = tpu.vector_load %arg9[%swap3A_1298, %swap3A_1299] {strides = array<i32>} : memref<128x64xf32, #tpu.memory_space<vmem>>, vector<1x16xf32>,
      %swap3A_1301 = vector.shape_cast %swap3A_1300 : vector<1x16xf32> to vector<16xf32>
      %swap3A_1302 = vector.shape_cast %mul3A_1297 : vector<16xf32> to vector<1x16xf32>
      tpu.vector_store %arg9[%swap3A_1298, %swap3A_1299], %swap3A_1302 {strides = array<i32>} : memref<128x64xf32, #tpu.memory_space<vmem>>, vector<1x16xf32>,
      %mul3A_1303 = arith.constant 2 : i32
      %mul3A_1304 = arith.muli %mul3A_1303, %add3A_28 : i32
      %add3A_1305 = arith.constant 1 : i32
      %add3A_1306 = arith.addi %mul3A_1304, %add3A_1305 : i32
      %get3A_1307 = arith.constant 50 : i32
      %get3A_1308 = arith.index_cast %get3A_1307 : i32 to index
      %get3A_1309 = arith.constant 0 : index
      %get3A_1310 = tpu.vector_load %arg7[%get3A_1308, %get3A_1309] {strides = array<i32>} : memref<100x64xf32, #tpu.memory_space<vmem>>, vector<1x16xf32>,
      %get3A_1311 = vector.shape_cast %get3A_1310 : vector<1x16xf32> to vector<16xf32>
      %get3A_1312 = arith.constant 50 : i32
      %get3A_1313 = arith.index_cast %get3A_1312 : i32 to index
      %get3A_1314 = arith.constant 16 : index
      %get3A_1315 = tpu.vector_load %arg7[%get3A_1313, %get3A_1314] {strides = array<i32>} : memref<100x64xf32, #tpu.memory_space<vmem>>, vector<1x16xf32>,
      %get3A_1316 = vector.shape_cast %get3A_1315 : vector<1x16xf32> to vector<16xf32>
      %get3A_1317 = arith.constant 50 : i32
      %get3A_1318 = arith.index_cast %get3A_1317 : i32 to index
      %get3A_1319 = arith.constant 32 : index
      %get3A_1320 = tpu.vector_load %arg7[%get3A_1318, %get3A_1319] {strides = array<i32>} : memref<100x64xf32, #tpu.memory_space<vmem>>, vector<1x16xf32>,
      %get3A_1321 = vector.shape_cast %get3A_1320 : vector<1x16xf32> to vector<16xf32>
      %get3A_1322 = arith.constant 50 : i32
      %get3A_1323 = arith.index_cast %get3A_1322 : i32 to index
      %get3A_1324 = arith.constant 48 : index
      %get3A_1325 = tpu.vector_load %arg7[%get3A_1323, %get3A_1324] {strides = array<i32>} : memref<100x64xf32, #tpu.memory_space<vmem>>, vector<1x16xf32>,
      %get3A_1326 = vector.shape_cast %get3A_1325 : vector<1x16xf32> to vector<16xf32>
      %get3A_1327 = arith.constant 51 : i32
      %get3A_1328 = arith.index_cast %get3A_1327 : i32 to index
      %get3A_1329 = arith.constant 0 : index
      %get3A_1330 = tpu.vector_load %arg7[%get3A_1328, %get3A_1329] {strides = array<i32>} : memref<100x64xf32, #tpu.memory_space<vmem>>, vector<1x16xf32>,
      %get3A_1331 = vector.shape_cast %get3A_1330 : vector<1x16xf32> to vector<16xf32>
      %add3A_1332 = arith.addf %get3A_1311, %get3A_1331 : vector<16xf32>
      %get3A_1333 = arith.constant 51 : i32
      %get3A_1334 = arith.index_cast %get3A_1333 : i32 to index
      %get3A_1335 = arith.constant 16 : index
      %get3A_1336 = tpu.vector_load %arg7[%get3A_1334, %get3A_1335] {strides = array<i32>} : memref<100x64xf32, #tpu.memory_space<vmem>>, vector<1x16xf32>,
      %get3A_1337 = vector.shape_cast %get3A_1336 : vector<1x16xf32> to vector<16xf32>
      %add3A_1338 = arith.addf %get3A_1316, %get3A_1337 : vector<16xf32>
      %get3A_1339 = arith.constant 51 : i32
      %get3A_1340 = arith.index_cast %get3A_1339 : i32 to index
      %get3A_1341 = arith.constant 32 : index
      %get3A_1342 = tpu.vector_load %arg7[%get3A_1340, %get3A_1341] {strides = array<i32>} : memref<100x64xf32, #tpu.memory_space<vmem>>, vector<1x16xf32>,
      %get3A_1343 = vector.shape_cast %get3A_1342 : vector<1x16xf32> to vector<16xf32>
      %add3A_1344 = arith.addf %get3A_1321, %get3A_1343 : vector<16xf32>
      %get3A_1345 = arith.constant 51 : i32
      %get3A_1346 = arith.index_cast %get3A_1345 : i32 to index
      %get3A_1347 = arith.constant 48 : index
      %get3A_1348 = tpu.vector_load %arg7[%get3A_1346, %get3A_1347] {strides = array<i32>} : memref<100x64xf32, #tpu.memory_space<vmem>>, vector<1x16xf32>,
      %get3A_1349 = vector.shape_cast %get3A_1348 : vector<1x16xf32> to vector<16xf32>
      %add3A_1350 = arith.addf %get3A_1326, %get3A_1349 : vector<16xf32>
      %get3A_1351 = arith.constant 52 : i32
      %get3A_1352 = arith.index_cast %get3A_1351 : i32 to index
      %get3A_1353 = arith.constant 0 : index
      %get3A_1354 = tpu.vector_load %arg7[%get3A_1352, %get3A_1353] {strides = array<i32>} : memref<100x64xf32, #tpu.memory_space<vmem>>, vector<1x16xf32>,
      %get3A_1355 = vector.shape_cast %get3A_1354 : vector<1x16xf32> to vector<16xf32>
      %add3A_1356 = arith.addf %add3A_1332, %get3A_1355 : vector<16xf32>
      %get3A_1357 = arith.constant 52 : i32
      %get3A_1358 = arith.index_cast %get3A_1357 : i32 to index
      %get3A_1359 = arith.constant 16 : index
      %get3A_1360 = tpu.vector_load %arg7[%get3A_1358, %get3A_1359] {strides = array<i32>} : memref<100x64xf32, #tpu.memory_space<vmem>>, vector<1x16xf32>,
      %get3A_1361 = vector.shape_cast %get3A_1360 : vector<1x16xf32> to vector<16xf32>
      %add3A_1362 = arith.addf %add3A_1338, %get3A_1361 : vector<16xf32>
      %get3A_1363 = arith.constant 52 : i32
      %get3A_1364 = arith.index_cast %get3A_1363 : i32 to index
      %get3A_1365 = arith.constant 32 : index
      %get3A_1366 = tpu.vector_load %arg7[%get3A_1364, %get3A_1365] {strides = array<i32>} : memref<100x64xf32, #tpu.memory_space<vmem>>, vector<1x16xf32>,
      %get3A_1367 = vector.shape_cast %get3A_1366 : vector<1x16xf32> to vector<16xf32>
      %add3A_1368 = arith.addf %add3A_1344, %get3A_1367 : vector<16xf32>
      %get3A_1369 = arith.constant 52 : i32
      %get3A_1370 = arith.index_cast %get3A_1369 : i32 to index
      %get3A_1371 = arith.constant 48 : index
      %get3A_1372 = tpu.vector_load %arg7[%get3A_1370, %get3A_1371] {strides = array<i32>} : memref<100x64xf32, #tpu.memory_space<vmem>>, vector<1x16xf32>,
      %get3A_1373 = vector.shape_cast %get3A_1372 : vector<1x16xf32> to vector<16xf32>
      %add3A_1374 = arith.addf %add3A_1350, %get3A_1373 : vector<16xf32>
      %get3A_1375 = arith.constant 53 : i32
      %get3A_1376 = arith.index_cast %get3A_1375 : i32 to index
      %get3A_1377 = arith.constant 0 : index
      %get3A_1378 = tpu.vector_load %arg7[%get3A_1376, %get3A_1377] {strides = array<i32>} : memref<100x64xf32, #tpu.memory_space<vmem>>, vector<1x16xf32>,
      %get3A_1379 = vector.shape_cast %get3A_1378 : vector<1x16xf32> to vector<16xf32>
      %add3A_1380 = arith.addf %add3A_1356, %get3A_1379 : vector<16xf32>
      %get3A_1381 = arith.constant 53 : i32
      %get3A_1382 = arith.index_cast %get3A_1381 : i32 to index
      %get3A_1383 = arith.constant 16 : index
      %get3A_1384 = tpu.vector_load %arg7[%get3A_1382, %get3A_1383] {strides = array<i32>} : memref<100x64xf32, #tpu.memory_space<vmem>>, vector<1x16xf32>,
      %get3A_1385 = vector.shape_cast %get3A_1384 : vector<1x16xf32> to vector<16xf32>
      %add3A_1386 = arith.addf %add3A_1362, %get3A_1385 : vector<16xf32>
      %get3A_1387 = arith.constant 53 : i32
      %get3A_1388 = arith.index_cast %get3A_1387 : i32 to index
      %get3A_1389 = arith.constant 32 : index
      %get3A_1390 = tpu.vector_load %arg7[%get3A_1388, %get3A_1389] {strides = array<i32>} : memref<100x64xf32, #tpu.memory_space<vmem>>, vector<1x16xf32>,
      %get3A_1391 = vector.shape_cast %get3A_1390 : vector<1x16xf32> to vector<16xf32>
      %add3A_1392 = arith.addf %add3A_1368, %get3A_1391 : vector<16xf32>
      %get3A_1393 = arith.constant 53 : i32
      %get3A_1394 = arith.index_cast %get3A_1393 : i32 to index
      %get3A_1395 = arith.constant 48 : index
      %get3A_1396 = tpu.vector_load %arg7[%get3A_1394, %get3A_1395] {strides = array<i32>} : memref<100x64xf32, #tpu.memory_space<vmem>>, vector<1x16xf32>,
      %get3A_1397 = vector.shape_cast %get3A_1396 : vector<1x16xf32> to vector<16xf32>
      %add3A_1398 = arith.addf %add3A_1374, %get3A_1397 : vector<16xf32>
      %get3A_1399 = arith.constant 54 : i32
      %get3A_1400 = arith.index_cast %get3A_1399 : i32 to index
      %get3A_1401 = arith.constant 0 : index
      %get3A_1402 = tpu.vector_load %arg7[%get3A_1400, %get3A_1401] {strides = array<i32>} : memref<100x64xf32, #tpu.memory_space<vmem>>, vector<1x16xf32>,
      %get3A_1403 = vector.shape_cast %get3A_1402 : vector<1x16xf32> to vector<16xf32>
      %add3A_1404 = arith.addf %add3A_1380, %get3A_1403 : vector<16xf32>
      %get3A_1405 = arith.constant 54 : i32
      %get3A_1406 = arith.index_cast %get3A_1405 : i32 to index
      %get3A_1407 = arith.constant 16 : index
      %get3A_1408 = tpu.vector_load %arg7[%get3A_1406, %get3A_1407] {strides = array<i32>} : memref<100x64xf32, #tpu.memory_space<vmem>>, vector<1x16xf32>,
      %get3A_1409 = vector.shape_cast %get3A_1408 : vector<1x16xf32> to vector<16xf32>
      %add3A_1410 = arith.addf %add3A_1386, %get3A_1409 : vector<16xf32>
      %get3A_1411 = arith.constant 54 : i32
      %get3A_1412 = arith.index_cast %get3A_1411 : i32 to index
      %get3A_1413 = arith.constant 32 : index
      %get3A_1414 = tpu.vector_load %arg7[%get3A_1412, %get3A_1413] {strides = array<i32>} : memref<100x64xf32, #tpu.memory_space<vmem>>, vector<1x16xf32>,
      %get3A_1415 = vector.shape_cast %get3A_1414 : vector<1x16xf32> to vector<16xf32>
      %add3A_1416 = arith.addf %add3A_1392, %get3A_1415 : vector<16xf32>
      %get3A_1417 = arith.constant 54 : i32
      %get3A_1418 = arith.index_cast %get3A_1417 : i32 to index
      %get3A_1419 = arith.constant 48 : index
      %get3A_1420 = tpu.vector_load %arg7[%get3A_1418, %get3A_1419] {strides = array<i32>} : memref<100x64xf32, #tpu.memory_space<vmem>>, vector<1x16xf32>,
      %get3A_1421 = vector.shape_cast %get3A_1420 : vector<1x16xf32> to vector<16xf32>
      %add3A_1422 = arith.addf %add3A_1398, %get3A_1421 : vector<16xf32>
      %get3A_1423 = arith.constant 55 : i32
      %get3A_1424 = arith.index_cast %get3A_1423 : i32 to index
      %get3A_1425 = arith.constant 0 : index
      %get3A_1426 = tpu.vector_load %arg7[%get3A_1424, %get3A_1425] {strides = array<i32>} : memref<100x64xf32, #tpu.memory_space<vmem>>, vector<1x16xf32>,
      %get3A_1427 = vector.shape_cast %get3A_1426 : vector<1x16xf32> to vector<16xf32>
      %add3A_1428 = arith.addf %add3A_1404, %get3A_1427 : vector<16xf32>
      %get3A_1429 = arith.constant 55 : i32
      %get3A_1430 = arith.index_cast %get3A_1429 : i32 to index
      %get3A_1431 = arith.constant 16 : index
      %get3A_1432 = tpu.vector_load %arg7[%get3A_1430, %get3A_1431] {strides = array<i32>} : memref<100x64xf32, #tpu.memory_space<vmem>>, vector<1x16xf32>,
      %get3A_1433 = vector.shape_cast %get3A_1432 : vector<1x16xf32> to vector<16xf32>
      %add3A_1434 = arith.addf %add3A_1410, %get3A_1433 : vector<16xf32>
      %get3A_1435 = arith.constant 55 : i32
      %get3A_1436 = arith.index_cast %get3A_1435 : i32 to index
      %get3A_1437 = arith.constant 32 : index
      %get3A_1438 = tpu.vector_load %arg7[%get3A_1436, %get3A_1437] {strides = array<i32>} : memref<100x64xf32, #tpu.memory_space<vmem>>, vector<1x16xf32>,
      %get3A_1439 = vector.shape_cast %get3A_1438 : vector<1x16xf32> to vector<16xf32>
      %add3A_1440 = arith.addf %add3A_1416, %get3A_1439 : vector<16xf32>
      %get3A_1441 = arith.constant 55 : i32
      %get3A_1442 = arith.index_cast %get3A_1441 : i32 to index
      %get3A_1443 = arith.constant 48 : index
      %get3A_1444 = tpu.vector_load %arg7[%get3A_1442, %get3A_1443] {strides = array<i32>} : memref<100x64xf32, #tpu.memory_space<vmem>>, vector<1x16xf32>,
      %get3A_1445 = vector.shape_cast %get3A_1444 : vector<1x16xf32> to vector<16xf32>
      %add3A_1446 = arith.addf %add3A_1422, %get3A_1445 : vector<16xf32>
      %get3A_1447 = arith.constant 56 : i32
      %get3A_1448 = arith.index_cast %get3A_1447 : i32 to index
      %get3A_1449 = arith.constant 0 : index
      %get3A_1450 = tpu.vector_load %arg7[%get3A_1448, %get3A_1449] {strides = array<i32>} : memref<100x64xf32, #tpu.memory_space<vmem>>, vector<1x16xf32>,
      %get3A_1451 = vector.shape_cast %get3A_1450 : vector<1x16xf32> to vector<16xf32>
      %add3A_1452 = arith.addf %add3A_1428, %get3A_1451 : vector<16xf32>
      %get3A_1453 = arith.constant 56 : i32
      %get3A_1454 = arith.index_cast %get3A_1453 : i32 to index
      %get3A_1455 = arith.constant 16 : index
      %get3A_1456 = tpu.vector_load %arg7[%get3A_1454, %get3A_1455] {strides = array<i32>} : memref<100x64xf32, #tpu.memory_space<vmem>>, vector<1x16xf32>,
      %get3A_1457 = vector.shape_cast %get3A_1456 : vector<1x16xf32> to vector<16xf32>
      %add3A_1458 = arith.addf %add3A_1434, %get3A_1457 : vector<16xf32>
      %get3A_1459 = arith.constant 56 : i32
      %get3A_1460 = arith.index_cast %get3A_1459 : i32 to index
      %get3A_1461 = arith.constant 32 : index
      %get3A_1462 = tpu.vector_load %arg7[%get3A_1460, %get3A_1461] {strides = array<i32>} : memref<100x64xf32, #tpu.memory_space<vmem>>, vector<1x16xf32>,
      %get3A_1463 = vector.shape_cast %get3A_1462 : vector<1x16xf32> to vector<16xf32>
      %add3A_1464 = arith.addf %add3A_1440, %get3A_1463 : vector<16xf32>
      %get3A_1465 = arith.constant 56 : i32
      %get3A_1466 = arith.index_cast %get3A_1465 : i32 to index
      %get3A_1467 = arith.constant 48 : index
      %get3A_1468 = tpu.vector_load %arg7[%get3A_1466, %get3A_1467] {strides = array<i32>} : memref<100x64xf32, #tpu.memory_space<vmem>>, vector<1x16xf32>,
      %get3A_1469 = vector.shape_cast %get3A_1468 : vector<1x16xf32> to vector<16xf32>
      %add3A_1470 = arith.addf %add3A_1446, %get3A_1469 : vector<16xf32>
      %get3A_1471 = arith.constant 57 : i32
      %get3A_1472 = arith.index_cast %get3A_1471 : i32 to index
      %get3A_1473 = arith.constant 0 : index
      %get3A_1474 = tpu.vector_load %arg7[%get3A_1472, %get3A_1473] {strides = array<i32>} : memref<100x64xf32, #tpu.memory_space<vmem>>, vector<1x16xf32>,
      %get3A_1475 = vector.shape_cast %get3A_1474 : vector<1x16xf32> to vector<16xf32>
      %add3A_1476 = arith.addf %add3A_1452, %get3A_1475 : vector<16xf32>
      %get3A_1477 = arith.constant 57 : i32
      %get3A_1478 = arith.index_cast %get3A_1477 : i32 to index
      %get3A_1479 = arith.constant 16 : index
      %get3A_1480 = tpu.vector_load %arg7[%get3A_1478, %get3A_1479] {strides = array<i32>} : memref<100x64xf32, #tpu.memory_space<vmem>>, vector<1x16xf32>,
      %get3A_1481 = vector.shape_cast %get3A_1480 : vector<1x16xf32> to vector<16xf32>
      %add3A_1482 = arith.addf %add3A_1458, %get3A_1481 : vector<16xf32>
      %get3A_1483 = arith.constant 57 : i32
      %get3A_1484 = arith.index_cast %get3A_1483 : i32 to index
      %get3A_1485 = arith.constant 32 : index
      %get3A_1486 = tpu.vector_load %arg7[%get3A_1484, %get3A_1485] {strides = array<i32>} : memref<100x64xf32, #tpu.memory_space<vmem>>, vector<1x16xf32>,
      %get3A_1487 = vector.shape_cast %get3A_1486 : vector<1x16xf32> to vector<16xf32>
      %add3A_1488 = arith.addf %add3A_1464, %get3A_1487 : vector<16xf32>
      %get3A_1489 = arith.constant 57 : i32
      %get3A_1490 = arith.index_cast %get3A_1489 : i32 to index
      %get3A_1491 = arith.constant 48 : index
      %get3A_1492 = tpu.vector_load %arg7[%get3A_1490, %get3A_1491] {strides = array<i32>} : memref<100x64xf32, #tpu.memory_space<vmem>>, vector<1x16xf32>,
      %get3A_1493 = vector.shape_cast %get3A_1492 : vector<1x16xf32> to vector<16xf32>
      %add3A_1494 = arith.addf %add3A_1470, %get3A_1493 : vector<16xf32>
      %get3A_1495 = arith.constant 58 : i32
      %get3A_1496 = arith.index_cast %get3A_1495 : i32 to index
      %get3A_1497 = arith.constant 0 : index
      %get3A_1498 = tpu.vector_load %arg7[%get3A_1496, %get3A_1497] {strides = array<i32>} : memref<100x64xf32, #tpu.memory_space<vmem>>, vector<1x16xf32>,
      %get3A_1499 = vector.shape_cast %get3A_1498 : vector<1x16xf32> to vector<16xf32>
      %add3A_1500 = arith.addf %add3A_1476, %get3A_1499 : vector<16xf32>
      %get3A_1501 = arith.constant 58 : i32
      %get3A_1502 = arith.index_cast %get3A_1501 : i32 to index
      %get3A_1503 = arith.constant 16 : index
      %get3A_1504 = tpu.vector_load %arg7[%get3A_1502, %get3A_1503] {strides = array<i32>} : memref<100x64xf32, #tpu.memory_space<vmem>>, vector<1x16xf32>,
      %get3A_1505 = vector.shape_cast %get3A_1504 : vector<1x16xf32> to vector<16xf32>
      %add3A_1506 = arith.addf %add3A_1482, %get3A_1505 : vector<16xf32>
      %get3A_1507 = arith.constant 58 : i32
      %get3A_1508 = arith.index_cast %get3A_1507 : i32 to index
      %get3A_1509 = arith.constant 32 : index
      %get3A_1510 = tpu.vector_load %arg7[%get3A_1508, %get3A_1509] {strides = array<i32>} : memref<100x64xf32, #tpu.memory_space<vmem>>, vector<1x16xf32>,
      %get3A_1511 = vector.shape_cast %get3A_1510 : vector<1x16xf32> to vector<16xf32>
      %add3A_1512 = arith.addf %add3A_1488, %get3A_1511 : vector<16xf32>
      %get3A_1513 = arith.constant 58 : i32
      %get3A_1514 = arith.index_cast %get3A_1513 : i32 to index
      %get3A_1515 = arith.constant 48 : index
      %get3A_1516 = tpu.vector_load %arg7[%get3A_1514, %get3A_1515] {strides = array<i32>} : memref<100x64xf32, #tpu.memory_space<vmem>>, vector<1x16xf32>,
      %get3A_1517 = vector.shape_cast %get3A_1516 : vector<1x16xf32> to vector<16xf32>
      %add3A_1518 = arith.addf %add3A_1494, %get3A_1517 : vector<16xf32>
      %get3A_1519 = arith.constant 59 : i32
      %get3A_1520 = arith.index_cast %get3A_1519 : i32 to index
      %get3A_1521 = arith.constant 0 : index
      %get3A_1522 = tpu.vector_load %arg7[%get3A_1520, %get3A_1521] {strides = array<i32>} : memref<100x64xf32, #tpu.memory_space<vmem>>, vector<1x16xf32>,
      %get3A_1523 = vector.shape_cast %get3A_1522 : vector<1x16xf32> to vector<16xf32>
      %add3A_1524 = arith.addf %add3A_1500, %get3A_1523 : vector<16xf32>
      %get3A_1525 = arith.constant 59 : i32
      %get3A_1526 = arith.index_cast %get3A_1525 : i32 to index
      %get3A_1527 = arith.constant 16 : index
      %get3A_1528 = tpu.vector_load %arg7[%get3A_1526, %get3A_1527] {strides = array<i32>} : memref<100x64xf32, #tpu.memory_space<vmem>>, vector<1x16xf32>,
      %get3A_1529 = vector.shape_cast %get3A_1528 : vector<1x16xf32> to vector<16xf32>
      %add3A_1530 = arith.addf %add3A_1506, %get3A_1529 : vector<16xf32>
      %get3A_1531 = arith.constant 59 : i32
      %get3A_1532 = arith.index_cast %get3A_1531 : i32 to index
      %get3A_1533 = arith.constant 32 : index
      %get3A_1534 = tpu.vector_load %arg7[%get3A_1532, %get3A_1533] {strides = array<i32>} : memref<100x64xf32, #tpu.memory_space<vmem>>, vector<1x16xf32>,
      %get3A_1535 = vector.shape_cast %get3A_1534 : vector<1x16xf32> to vector<16xf32>
      %add3A_1536 = arith.addf %add3A_1512, %get3A_1535 : vector<16xf32>
      %get3A_1537 = arith.constant 59 : i32
      %get3A_1538 = arith.index_cast %get3A_1537 : i32 to index
      %get3A_1539 = arith.constant 48 : index
      %get3A_1540 = tpu.vector_load %arg7[%get3A_1538, %get3A_1539] {strides = array<i32>} : memref<100x64xf32, #tpu.memory_space<vmem>>, vector<1x16xf32>,
      %get3A_1541 = vector.shape_cast %get3A_1540 : vector<1x16xf32> to vector<16xf32>
      %add3A_1542 = arith.addf %add3A_1518, %get3A_1541 : vector<16xf32>
      %get3A_1543 = arith.constant 60 : i32
      %get3A_1544 = arith.index_cast %get3A_1543 : i32 to index
      %get3A_1545 = arith.constant 0 : index
      %get3A_1546 = tpu.vector_load %arg7[%get3A_1544, %get3A_1545] {strides = array<i32>} : memref<100x64xf32, #tpu.memory_space<vmem>>, vector<1x16xf32>,
      %get3A_1547 = vector.shape_cast %get3A_1546 : vector<1x16xf32> to vector<16xf32>
      %add3A_1548 = arith.addf %add3A_1524, %get3A_1547 : vector<16xf32>
      %get3A_1549 = arith.constant 60 : i32
      %get3A_1550 = arith.index_cast %get3A_1549 : i32 to index
      %get3A_1551 = arith.constant 16 : index
      %get3A_1552 = tpu.vector_load %arg7[%get3A_1550, %get3A_1551] {strides = array<i32>} : memref<100x64xf32, #tpu.memory_space<vmem>>, vector<1x16xf32>,
      %get3A_1553 = vector.shape_cast %get3A_1552 : vector<1x16xf32> to vector<16xf32>
      %add3A_1554 = arith.addf %add3A_1530, %get3A_1553 : vector<16xf32>
      %get3A_1555 = arith.constant 60 : i32
      %get3A_1556 = arith.index_cast %get3A_1555 : i32 to index
      %get3A_1557 = arith.constant 32 : index
      %get3A_1558 = tpu.vector_load %arg7[%get3A_1556, %get3A_1557] {strides = array<i32>} : memref<100x64xf32, #tpu.memory_space<vmem>>, vector<1x16xf32>,
      %get3A_1559 = vector.shape_cast %get3A_1558 : vector<1x16xf32> to vector<16xf32>
      %add3A_1560 = arith.addf %add3A_1536, %get3A_1559 : vector<16xf32>
      %get3A_1561 = arith.constant 60 : i32
      %get3A_1562 = arith.index_cast %get3A_1561 : i32 to index
      %get3A_1563 = arith.constant 48 : index
      %get3A_1564 = tpu.vector_load %arg7[%get3A_1562, %get3A_1563] {strides = array<i32>} : memref<100x64xf32, #tpu.memory_space<vmem>>, vector<1x16xf32>,
      %get3A_1565 = vector.shape_cast %get3A_1564 : vector<1x16xf32> to vector<16xf32>
      %add3A_1566 = arith.addf %add3A_1542, %get3A_1565 : vector<16xf32>
      %get3A_1567 = arith.constant 61 : i32
      %get3A_1568 = arith.index_cast %get3A_1567 : i32 to index
      %get3A_1569 = arith.constant 0 : index
      %get3A_1570 = tpu.vector_load %arg7[%get3A_1568, %get3A_1569] {strides = array<i32>} : memref<100x64xf32, #tpu.memory_space<vmem>>, vector<1x16xf32>,
      %get3A_1571 = vector.shape_cast %get3A_1570 : vector<1x16xf32> to vector<16xf32>
      %add3A_1572 = arith.addf %add3A_1548, %get3A_1571 : vector<16xf32>
      %get3A_1573 = arith.constant 61 : i32
      %get3A_1574 = arith.index_cast %get3A_1573 : i32 to index
      %get3A_1575 = arith.constant 16 : index
      %get3A_1576 = tpu.vector_load %arg7[%get3A_1574, %get3A_1575] {strides = array<i32>} : memref<100x64xf32, #tpu.memory_space<vmem>>, vector<1x16xf32>,
      %get3A_1577 = vector.shape_cast %get3A_1576 : vector<1x16xf32> to vector<16xf32>
      %add3A_1578 = arith.addf %add3A_1554, %get3A_1577 : vector<16xf32>
      %get3A_1579 = arith.constant 61 : i32
      %get3A_1580 = arith.index_cast %get3A_1579 : i32 to index
      %get3A_1581 = arith.constant 32 : index
      %get3A_1582 = tpu.vector_load %arg7[%get3A_1580, %get3A_1581] {strides = array<i32>} : memref<100x64xf32, #tpu.memory_space<vmem>>, vector<1x16xf32>,
      %get3A_1583 = vector.shape_cast %get3A_1582 : vector<1x16xf32> to vector<16xf32>
      %add3A_1584 = arith.addf %add3A_1560, %get3A_1583 : vector<16xf32>
      %get3A_1585 = arith.constant 61 : i32
      %get3A_1586 = arith.index_cast %get3A_1585 : i32 to index
      %get3A_1587 = arith.constant 48 : index
      %get3A_1588 = tpu.vector_load %arg7[%get3A_1586, %get3A_1587] {strides = array<i32>} : memref<100x64xf32, #tpu.memory_space<vmem>>, vector<1x16xf32>,
      %get3A_1589 = vector.shape_cast %get3A_1588 : vector<1x16xf32> to vector<16xf32>
      %add3A_1590 = arith.addf %add3A_1566, %get3A_1589 : vector<16xf32>
      %get3A_1591 = arith.constant 62 : i32
      %get3A_1592 = arith.index_cast %get3A_1591 : i32 to index
      %get3A_1593 = arith.constant 0 : index
      %get3A_1594 = tpu.vector_load %arg7[%get3A_1592, %get3A_1593] {strides = array<i32>} : memref<100x64xf32, #tpu.memory_space<vmem>>, vector<1x16xf32>,
      %get3A_1595 = vector.shape_cast %get3A_1594 : vector<1x16xf32> to vector<16xf32>
      %add3A_1596 = arith.addf %add3A_1572, %get3A_1595 : vector<16xf32>
      %get3A_1597 = arith.constant 62 : i32
      %get3A_1598 = arith.index_cast %get3A_1597 : i32 to index
      %get3A_1599 = arith.constant 16 : index
      %get3A_1600 = tpu.vector_load %arg7[%get3A_1598, %get3A_1599] {strides = array<i32>} : memref<100x64xf32, #tpu.memory_space<vmem>>, vector<1x16xf32>,
      %get3A_1601 = vector.shape_cast %get3A_1600 : vector<1x16xf32> to vector<16xf32>
      %add3A_1602 = arith.addf %add3A_1578, %get3A_1601 : vector<16xf32>
      %get3A_1603 = arith.constant 62 : i32
      %get3A_1604 = arith.index_cast %get3A_1603 : i32 to index
      %get3A_1605 = arith.constant 32 : index
      %get3A_1606 = tpu.vector_load %arg7[%get3A_1604, %get3A_1605] {strides = array<i32>} : memref<100x64xf32, #tpu.memory_space<vmem>>, vector<1x16xf32>,
      %get3A_1607 = vector.shape_cast %get3A_1606 : vector<1x16xf32> to vector<16xf32>
      %add3A_1608 = arith.addf %add3A_1584, %get3A_1607 : vector<16xf32>
      %get3A_1609 = arith.constant 62 : i32
      %get3A_1610 = arith.index_cast %get3A_1609 : i32 to index
      %get3A_1611 = arith.constant 48 : index
      %get3A_1612 = tpu.vector_load %arg7[%get3A_1610, %get3A_1611] {strides = array<i32>} : memref<100x64xf32, #tpu.memory_space<vmem>>, vector<1x16xf32>,
      %get3A_1613 = vector.shape_cast %get3A_1612 : vector<1x16xf32> to vector<16xf32>
      %add3A_1614 = arith.addf %add3A_1590, %get3A_1613 : vector<16xf32>
      %get3A_1615 = arith.constant 63 : i32
      %get3A_1616 = arith.index_cast %get3A_1615 : i32 to index
      %get3A_1617 = arith.constant 0 : index
      %get3A_1618 = tpu.vector_load %arg7[%get3A_1616, %get3A_1617] {strides = array<i32>} : memref<100x64xf32, #tpu.memory_space<vmem>>, vector<1x16xf32>,
      %get3A_1619 = vector.shape_cast %get3A_1618 : vector<1x16xf32> to vector<16xf32>
      %add3A_1620 = arith.addf %add3A_1596, %get3A_1619 : vector<16xf32>
      %get3A_1621 = arith.constant 63 : i32
      %get3A_1622 = arith.index_cast %get3A_1621 : i32 to index
      %get3A_1623 = arith.constant 16 : index
      %get3A_1624 = tpu.vector_load %arg7[%get3A_1622, %get3A_1623] {strides = array<i32>} : memref<100x64xf32, #tpu.memory_space<vmem>>, vector<1x16xf32>,
      %get3A_1625 = vector.shape_cast %get3A_1624 : vector<1x16xf32> to vector<16xf32>
      %add3A_1626 = arith.addf %add3A_1602, %get3A_1625 : vector<16xf32>
      %get3A_1627 = arith.constant 63 : i32
      %get3A_1628 = arith.index_cast %get3A_1627 : i32 to index
      %get3A_1629 = arith.constant 32 : index
      %get3A_1630 = tpu.vector_load %arg7[%get3A_1628, %get3A_1629] {strides = array<i32>} : memref<100x64xf32, #tpu.memory_space<vmem>>, vector<1x16xf32>,
      %get3A_1631 = vector.shape_cast %get3A_1630 : vector<1x16xf32> to vector<16xf32>
      %add3A_1632 = arith.addf %add3A_1608, %get3A_1631 : vector<16xf32>
      %get3A_1633 = arith.constant 63 : i32
      %get3A_1634 = arith.index_cast %get3A_1633 : i32 to index
      %get3A_1635 = arith.constant 48 : index
      %get3A_1636 = tpu.vector_load %arg7[%get3A_1634, %get3A_1635] {strides = array<i32>} : memref<100x64xf32, #tpu.memory_space<vmem>>, vector<1x16xf32>,
      %get3A_1637 = vector.shape_cast %get3A_1636 : vector<1x16xf32> to vector<16xf32>
      %add3A_1638 = arith.addf %add3A_1614, %get3A_1637 : vector<16xf32>
      %get3A_1639 = arith.constant 64 : i32
      %get3A_1640 = arith.index_cast %get3A_1639 : i32 to index
      %get3A_1641 = arith.constant 0 : index
      %get3A_1642 = tpu.vector_load %arg7[%get3A_1640, %get3A_1641] {strides = array<i32>} : memref<100x64xf32, #tpu.memory_space<vmem>>, vector<1x16xf32>,
      %get3A_1643 = vector.shape_cast %get3A_1642 : vector<1x16xf32> to vector<16xf32>
      %add3A_1644 = arith.addf %add3A_1620, %get3A_1643 : vector<16xf32>
      %get3A_1645 = arith.constant 64 : i32
      %get3A_1646 = arith.index_cast %get3A_1645 : i32 to index
      %get3A_1647 = arith.constant 16 : index
      %get3A_1648 = tpu.vector_load %arg7[%get3A_1646, %get3A_1647] {strides = array<i32>} : memref<100x64xf32, #tpu.memory_space<vmem>>, vector<1x16xf32>,
      %get3A_1649 = vector.shape_cast %get3A_1648 : vector<1x16xf32> to vector<16xf32>
      %add3A_1650 = arith.addf %add3A_1626, %get3A_1649 : vector<16xf32>
      %get3A_1651 = arith.constant 64 : i32
      %get3A_1652 = arith.index_cast %get3A_1651 : i32 to index
      %get3A_1653 = arith.constant 32 : index
      %get3A_1654 = tpu.vector_load %arg7[%get3A_1652, %get3A_1653] {strides = array<i32>} : memref<100x64xf32, #tpu.memory_space<vmem>>, vector<1x16xf32>,
      %get3A_1655 = vector.shape_cast %get3A_1654 : vector<1x16xf32> to vector<16xf32>
      %add3A_1656 = arith.addf %add3A_1632, %get3A_1655 : vector<16xf32>
      %get3A_1657 = arith.constant 64 : i32
      %get3A_1658 = arith.index_cast %get3A_1657 : i32 to index
      %get3A_1659 = arith.constant 48 : index
      %get3A_1660 = tpu.vector_load %arg7[%get3A_1658, %get3A_1659] {strides = array<i32>} : memref<100x64xf32, #tpu.memory_space<vmem>>, vector<1x16xf32>,
      %get3A_1661 = vector.shape_cast %get3A_1660 : vector<1x16xf32> to vector<16xf32>
      %add3A_1662 = arith.addf %add3A_1638, %get3A_1661 : vector<16xf32>
      %get3A_1663 = arith.constant 65 : i32
      %get3A_1664 = arith.index_cast %get3A_1663 : i32 to index
      %get3A_1665 = arith.constant 0 : index
      %get3A_1666 = tpu.vector_load %arg7[%get3A_1664, %get3A_1665] {strides = array<i32>} : memref<100x64xf32, #tpu.memory_space<vmem>>, vector<1x16xf32>,
      %get3A_1667 = vector.shape_cast %get3A_1666 : vector<1x16xf32> to vector<16xf32>
      %add3A_1668 = arith.addf %add3A_1644, %get3A_1667 : vector<16xf32>
      %get3A_1669 = arith.constant 65 : i32
      %get3A_1670 = arith.index_cast %get3A_1669 : i32 to index
      %get3A_1671 = arith.constant 16 : index
      %get3A_1672 = tpu.vector_load %arg7[%get3A_1670, %get3A_1671] {strides = array<i32>} : memref<100x64xf32, #tpu.memory_space<vmem>>, vector<1x16xf32>,
      %get3A_1673 = vector.shape_cast %get3A_1672 : vector<1x16xf32> to vector<16xf32>
      %add3A_1674 = arith.addf %add3A_1650, %get3A_1673 : vector<16xf32>
      %get3A_1675 = arith.constant 65 : i32
      %get3A_1676 = arith.index_cast %get3A_1675 : i32 to index
      %get3A_1677 = arith.constant 32 : index
      %get3A_1678 = tpu.vector_load %arg7[%get3A_1676, %get3A_1677] {strides = array<i32>} : memref<100x64xf32, #tpu.memory_space<vmem>>, vector<1x16xf32>,
      %get3A_1679 = vector.shape_cast %get3A_1678 : vector<1x16xf32> to vector<16xf32>
      %add3A_1680 = arith.addf %add3A_1656, %get3A_1679 : vector<16xf32>
      %get3A_1681 = arith.constant 65 : i32
      %get3A_1682 = arith.index_cast %get3A_1681 : i32 to index
      %get3A_1683 = arith.constant 48 : index
      %get3A_1684 = tpu.vector_load %arg7[%get3A_1682, %get3A_1683] {strides = array<i32>} : memref<100x64xf32, #tpu.memory_space<vmem>>, vector<1x16xf32>,
      %get3A_1685 = vector.shape_cast %get3A_1684 : vector<1x16xf32> to vector<16xf32>
      %add3A_1686 = arith.addf %add3A_1662, %get3A_1685 : vector<16xf32>
      %get3A_1687 = arith.constant 66 : i32
      %get3A_1688 = arith.index_cast %get3A_1687 : i32 to index
      %get3A_1689 = arith.constant 0 : index
      %get3A_1690 = tpu.vector_load %arg7[%get3A_1688, %get3A_1689] {strides = array<i32>} : memref<100x64xf32, #tpu.memory_space<vmem>>, vector<1x16xf32>,
      %get3A_1691 = vector.shape_cast %get3A_1690 : vector<1x16xf32> to vector<16xf32>
      %add3A_1692 = arith.addf %add3A_1668, %get3A_1691 : vector<16xf32>
      %get3A_1693 = arith.constant 66 : i32
      %get3A_1694 = arith.index_cast %get3A_1693 : i32 to index
      %get3A_1695 = arith.constant 16 : index
      %get3A_1696 = tpu.vector_load %arg7[%get3A_1694, %get3A_1695] {strides = array<i32>} : memref<100x64xf32, #tpu.memory_space<vmem>>, vector<1x16xf32>,
      %get3A_1697 = vector.shape_cast %get3A_1696 : vector<1x16xf32> to vector<16xf32>
      %add3A_1698 = arith.addf %add3A_1674, %get3A_1697 : vector<16xf32>
      %get3A_1699 = arith.constant 66 : i32
      %get3A_1700 = arith.index_cast %get3A_1699 : i32 to index
      %get3A_1701 = arith.constant 32 : index
      %get3A_1702 = tpu.vector_load %arg7[%get3A_1700, %get3A_1701] {strides = array<i32>} : memref<100x64xf32, #tpu.memory_space<vmem>>, vector<1x16xf32>,
      %get3A_1703 = vector.shape_cast %get3A_1702 : vector<1x16xf32> to vector<16xf32>
      %add3A_1704 = arith.addf %add3A_1680, %get3A_1703 : vector<16xf32>
      %get3A_1705 = arith.constant 66 : i32
      %get3A_1706 = arith.index_cast %get3A_1705 : i32 to index
      %get3A_1707 = arith.constant 48 : index
      %get3A_1708 = tpu.vector_load %arg7[%get3A_1706, %get3A_1707] {strides = array<i32>} : memref<100x64xf32, #tpu.memory_space<vmem>>, vector<1x16xf32>,
      %get3A_1709 = vector.shape_cast %get3A_1708 : vector<1x16xf32> to vector<16xf32>
      %add3A_1710 = arith.addf %add3A_1686, %get3A_1709 : vector<16xf32>
      %get3A_1711 = arith.constant 67 : i32
      %get3A_1712 = arith.index_cast %get3A_1711 : i32 to index
      %get3A_1713 = arith.constant 0 : index
      %get3A_1714 = tpu.vector_load %arg7[%get3A_1712, %get3A_1713] {strides = array<i32>} : memref<100x64xf32, #tpu.memory_space<vmem>>, vector<1x16xf32>,
      %get3A_1715 = vector.shape_cast %get3A_1714 : vector<1x16xf32> to vector<16xf32>
      %add3A_1716 = arith.addf %add3A_1692, %get3A_1715 : vector<16xf32>
      %get3A_1717 = arith.constant 67 : i32
      %get3A_1718 = arith.index_cast %get3A_1717 : i32 to index
      %get3A_1719 = arith.constant 16 : index
      %get3A_1720 = tpu.vector_load %arg7[%get3A_1718, %get3A_1719] {strides = array<i32>} : memref<100x64xf32, #tpu.memory_space<vmem>>, vector<1x16xf32>,
      %get3A_1721 = vector.shape_cast %get3A_1720 : vector<1x16xf32> to vector<16xf32>
      %add3A_1722 = arith.addf %add3A_1698, %get3A_1721 : vector<16xf32>
      %get3A_1723 = arith.constant 67 : i32
      %get3A_1724 = arith.index_cast %get3A_1723 : i32 to index
      %get3A_1725 = arith.constant 32 : index
      %get3A_1726 = tpu.vector_load %arg7[%get3A_1724, %get3A_1725] {strides = array<i32>} : memref<100x64xf32, #tpu.memory_space<vmem>>, vector<1x16xf32>,
      %get3A_1727 = vector.shape_cast %get3A_1726 : vector<1x16xf32> to vector<16xf32>
      %add3A_1728 = arith.addf %add3A_1704, %get3A_1727 : vector<16xf32>
      %get3A_1729 = arith.constant 67 : i32
      %get3A_1730 = arith.index_cast %get3A_1729 : i32 to index
      %get3A_1731 = arith.constant 48 : index
      %get3A_1732 = tpu.vector_load %arg7[%get3A_1730, %get3A_1731] {strides = array<i32>} : memref<100x64xf32, #tpu.memory_space<vmem>>, vector<1x16xf32>,
      %get3A_1733 = vector.shape_cast %get3A_1732 : vector<1x16xf32> to vector<16xf32>
      %add3A_1734 = arith.addf %add3A_1710, %get3A_1733 : vector<16xf32>
      %get3A_1735 = arith.constant 68 : i32
      %get3A_1736 = arith.index_cast %get3A_1735 : i32 to index
      %get3A_1737 = arith.constant 0 : index
      %get3A_1738 = tpu.vector_load %arg7[%get3A_1736, %get3A_1737] {strides = array<i32>} : memref<100x64xf32, #tpu.memory_space<vmem>>, vector<1x16xf32>,
      %get3A_1739 = vector.shape_cast %get3A_1738 : vector<1x16xf32> to vector<16xf32>
      %add3A_1740 = arith.addf %add3A_1716, %get3A_1739 : vector<16xf32>
      %get3A_1741 = arith.constant 68 : i32
      %get3A_1742 = arith.index_cast %get3A_1741 : i32 to index
      %get3A_1743 = arith.constant 16 : index
      %get3A_1744 = tpu.vector_load %arg7[%get3A_1742, %get3A_1743] {strides = array<i32>} : memref<100x64xf32, #tpu.memory_space<vmem>>, vector<1x16xf32>,
      %get3A_1745 = vector.shape_cast %get3A_1744 : vector<1x16xf32> to vector<16xf32>
      %add3A_1746 = arith.addf %add3A_1722, %get3A_1745 : vector<16xf32>
      %get3A_1747 = arith.constant 68 : i32
      %get3A_1748 = arith.index_cast %get3A_1747 : i32 to index
      %get3A_1749 = arith.constant 32 : index
      %get3A_1750 = tpu.vector_load %arg7[%get3A_1748, %get3A_1749] {strides = array<i32>} : memref<100x64xf32, #tpu.memory_space<vmem>>, vector<1x16xf32>,
      %get3A_1751 = vector.shape_cast %get3A_1750 : vector<1x16xf32> to vector<16xf32>
      %add3A_1752 = arith.addf %add3A_1728, %get3A_1751 : vector<16xf32>
      %get3A_1753 = arith.constant 68 : i32
      %get3A_1754 = arith.index_cast %get3A_1753 : i32 to index
      %get3A_1755 = arith.constant 48 : index
      %get3A_1756 = tpu.vector_load %arg7[%get3A_1754, %get3A_1755] {strides = array<i32>} : memref<100x64xf32, #tpu.memory_space<vmem>>, vector<1x16xf32>,
      %get3A_1757 = vector.shape_cast %get3A_1756 : vector<1x16xf32> to vector<16xf32>
      %add3A_1758 = arith.addf %add3A_1734, %get3A_1757 : vector<16xf32>
      %get3A_1759 = arith.constant 69 : i32
      %get3A_1760 = arith.index_cast %get3A_1759 : i32 to index
      %get3A_1761 = arith.constant 0 : index
      %get3A_1762 = tpu.vector_load %arg7[%get3A_1760, %get3A_1761] {strides = array<i32>} : memref<100x64xf32, #tpu.memory_space<vmem>>, vector<1x16xf32>,
      %get3A_1763 = vector.shape_cast %get3A_1762 : vector<1x16xf32> to vector<16xf32>
      %add3A_1764 = arith.addf %add3A_1740, %get3A_1763 : vector<16xf32>
      %get3A_1765 = arith.constant 69 : i32
      %get3A_1766 = arith.index_cast %get3A_1765 : i32 to index
      %get3A_1767 = arith.constant 16 : index
      %get3A_1768 = tpu.vector_load %arg7[%get3A_1766, %get3A_1767] {strides = array<i32>} : memref<100x64xf32, #tpu.memory_space<vmem>>, vector<1x16xf32>,
      %get3A_1769 = vector.shape_cast %get3A_1768 : vector<1x16xf32> to vector<16xf32>
      %add3A_1770 = arith.addf %add3A_1746, %get3A_1769 : vector<16xf32>
      %get3A_1771 = arith.constant 69 : i32
      %get3A_1772 = arith.index_cast %get3A_1771 : i32 to index
      %get3A_1773 = arith.constant 32 : index
      %get3A_1774 = tpu.vector_load %arg7[%get3A_1772, %get3A_1773] {strides = array<i32>} : memref<100x64xf32, #tpu.memory_space<vmem>>, vector<1x16xf32>,
      %get3A_1775 = vector.shape_cast %get3A_1774 : vector<1x16xf32> to vector<16xf32>
      %add3A_1776 = arith.addf %add3A_1752, %get3A_1775 : vector<16xf32>
      %get3A_1777 = arith.constant 69 : i32
      %get3A_1778 = arith.index_cast %get3A_1777 : i32 to index
      %get3A_1779 = arith.constant 48 : index
      %get3A_1780 = tpu.vector_load %arg7[%get3A_1778, %get3A_1779] {strides = array<i32>} : memref<100x64xf32, #tpu.memory_space<vmem>>, vector<1x16xf32>,
      %get3A_1781 = vector.shape_cast %get3A_1780 : vector<1x16xf32> to vector<16xf32>
      %add3A_1782 = arith.addf %add3A_1758, %get3A_1781 : vector<16xf32>
      %get3A_1783 = arith.constant 70 : i32
      %get3A_1784 = arith.index_cast %get3A_1783 : i32 to index
      %get3A_1785 = arith.constant 0 : index
      %get3A_1786 = tpu.vector_load %arg7[%get3A_1784, %get3A_1785] {strides = array<i32>} : memref<100x64xf32, #tpu.memory_space<vmem>>, vector<1x16xf32>,
      %get3A_1787 = vector.shape_cast %get3A_1786 : vector<1x16xf32> to vector<16xf32>
      %add3A_1788 = arith.addf %add3A_1764, %get3A_1787 : vector<16xf32>
      %get3A_1789 = arith.constant 70 : i32
      %get3A_1790 = arith.index_cast %get3A_1789 : i32 to index
      %get3A_1791 = arith.constant 16 : index
      %get3A_1792 = tpu.vector_load %arg7[%get3A_1790, %get3A_1791] {strides = array<i32>} : memref<100x64xf32, #tpu.memory_space<vmem>>, vector<1x16xf32>,
      %get3A_1793 = vector.shape_cast %get3A_1792 : vector<1x16xf32> to vector<16xf32>
      %add3A_1794 = arith.addf %add3A_1770, %get3A_1793 : vector<16xf32>
      %get3A_1795 = arith.constant 70 : i32
      %get3A_1796 = arith.index_cast %get3A_1795 : i32 to index
      %get3A_1797 = arith.constant 32 : index
      %get3A_1798 = tpu.vector_load %arg7[%get3A_1796, %get3A_1797] {strides = array<i32>} : memref<100x64xf32, #tpu.memory_space<vmem>>, vector<1x16xf32>,
      %get3A_1799 = vector.shape_cast %get3A_1798 : vector<1x16xf32> to vector<16xf32>
      %add3A_1800 = arith.addf %add3A_1776, %get3A_1799 : vector<16xf32>
      %get3A_1801 = arith.constant 70 : i32
      %get3A_1802 = arith.index_cast %get3A_1801 : i32 to index
      %get3A_1803 = arith.constant 48 : index
      %get3A_1804 = tpu.vector_load %arg7[%get3A_1802, %get3A_1803] {strides = array<i32>} : memref<100x64xf32, #tpu.memory_space<vmem>>, vector<1x16xf32>,
      %get3A_1805 = vector.shape_cast %get3A_1804 : vector<1x16xf32> to vector<16xf32>
      %add3A_1806 = arith.addf %add3A_1782, %get3A_1805 : vector<16xf32>
      %get3A_1807 = arith.constant 71 : i32
      %get3A_1808 = arith.index_cast %get3A_1807 : i32 to index
      %get3A_1809 = arith.constant 0 : index
      %get3A_1810 = tpu.vector_load %arg7[%get3A_1808, %get3A_1809] {strides = array<i32>} : memref<100x64xf32, #tpu.memory_space<vmem>>, vector<1x16xf32>,
      %get3A_1811 = vector.shape_cast %get3A_1810 : vector<1x16xf32> to vector<16xf32>
      %add3A_1812 = arith.addf %add3A_1788, %get3A_1811 : vector<16xf32>
      %get3A_1813 = arith.constant 71 : i32
      %get3A_1814 = arith.index_cast %get3A_1813 : i32 to index
      %get3A_1815 = arith.constant 16 : index
      %get3A_1816 = tpu.vector_load %arg7[%get3A_1814, %get3A_1815] {strides = array<i32>} : memref<100x64xf32, #tpu.memory_space<vmem>>, vector<1x16xf32>,
      %get3A_1817 = vector.shape_cast %get3A_1816 : vector<1x16xf32> to vector<16xf32>
      %add3A_1818 = arith.addf %add3A_1794, %get3A_1817 : vector<16xf32>
      %get3A_1819 = arith.constant 71 : i32
      %get3A_1820 = arith.index_cast %get3A_1819 : i32 to index
      %get3A_1821 = arith.constant 32 : index
      %get3A_1822 = tpu.vector_load %arg7[%get3A_1820, %get3A_1821] {strides = array<i32>} : memref<100x64xf32, #tpu.memory_space<vmem>>, vector<1x16xf32>,
      %get3A_1823 = vector.shape_cast %get3A_1822 : vector<1x16xf32> to vector<16xf32>
      %add3A_1824 = arith.addf %add3A_1800, %get3A_1823 : vector<16xf32>
      %get3A_1825 = arith.constant 71 : i32
      %get3A_1826 = arith.index_cast %get3A_1825 : i32 to index
      %get3A_1827 = arith.constant 48 : index
      %get3A_1828 = tpu.vector_load %arg7[%get3A_1826, %get3A_1827] {strides = array<i32>} : memref<100x64xf32, #tpu.memory_space<vmem>>, vector<1x16xf32>,
      %get3A_1829 = vector.shape_cast %get3A_1828 : vector<1x16xf32> to vector<16xf32>
      %add3A_1830 = arith.addf %add3A_1806, %get3A_1829 : vector<16xf32>
      %get3A_1831 = arith.constant 72 : i32
      %get3A_1832 = arith.index_cast %get3A_1831 : i32 to index
      %get3A_1833 = arith.constant 0 : index
      %get3A_1834 = tpu.vector_load %arg7[%get3A_1832, %get3A_1833] {strides = array<i32>} : memref<100x64xf32, #tpu.memory_space<vmem>>, vector<1x16xf32>,
      %get3A_1835 = vector.shape_cast %get3A_1834 : vector<1x16xf32> to vector<16xf32>
      %add3A_1836 = arith.addf %add3A_1812, %get3A_1835 : vector<16xf32>
      %get3A_1837 = arith.constant 72 : i32
      %get3A_1838 = arith.index_cast %get3A_1837 : i32 to index
      %get3A_1839 = arith.constant 16 : index
      %get3A_1840 = tpu.vector_load %arg7[%get3A_1838, %get3A_1839] {strides = array<i32>} : memref<100x64xf32, #tpu.memory_space<vmem>>, vector<1x16xf32>,
      %get3A_1841 = vector.shape_cast %get3A_1840 : vector<1x16xf32> to vector<16xf32>
      %add3A_1842 = arith.addf %add3A_1818, %get3A_1841 : vector<16xf32>
      %get3A_1843 = arith.constant 72 : i32
      %get3A_1844 = arith.index_cast %get3A_1843 : i32 to index
      %get3A_1845 = arith.constant 32 : index
      %get3A_1846 = tpu.vector_load %arg7[%get3A_1844, %get3A_1845] {strides = array<i32>} : memref<100x64xf32, #tpu.memory_space<vmem>>, vector<1x16xf32>,
      %get3A_1847 = vector.shape_cast %get3A_1846 : vector<1x16xf32> to vector<16xf32>
      %add3A_1848 = arith.addf %add3A_1824, %get3A_1847 : vector<16xf32>
      %get3A_1849 = arith.constant 72 : i32
      %get3A_1850 = arith.index_cast %get3A_1849 : i32 to index
      %get3A_1851 = arith.constant 48 : index
      %get3A_1852 = tpu.vector_load %arg7[%get3A_1850, %get3A_1851] {strides = array<i32>} : memref<100x64xf32, #tpu.memory_space<vmem>>, vector<1x16xf32>,
      %get3A_1853 = vector.shape_cast %get3A_1852 : vector<1x16xf32> to vector<16xf32>
      %add3A_1854 = arith.addf %add3A_1830, %get3A_1853 : vector<16xf32>
      %get3A_1855 = arith.constant 73 : i32
      %get3A_1856 = arith.index_cast %get3A_1855 : i32 to index
      %get3A_1857 = arith.constant 0 : index
      %get3A_1858 = tpu.vector_load %arg7[%get3A_1856, %get3A_1857] {strides = array<i32>} : memref<100x64xf32, #tpu.memory_space<vmem>>, vector<1x16xf32>,
      %get3A_1859 = vector.shape_cast %get3A_1858 : vector<1x16xf32> to vector<16xf32>
      %add3A_1860 = arith.addf %add3A_1836, %get3A_1859 : vector<16xf32>
      %get3A_1861 = arith.constant 73 : i32
      %get3A_1862 = arith.index_cast %get3A_1861 : i32 to index
      %get3A_1863 = arith.constant 16 : index
      %get3A_1864 = tpu.vector_load %arg7[%get3A_1862, %get3A_1863] {strides = array<i32>} : memref<100x64xf32, #tpu.memory_space<vmem>>, vector<1x16xf32>,
      %get3A_1865 = vector.shape_cast %get3A_1864 : vector<1x16xf32> to vector<16xf32>
      %add3A_1866 = arith.addf %add3A_1842, %get3A_1865 : vector<16xf32>
      %get3A_1867 = arith.constant 73 : i32
      %get3A_1868 = arith.index_cast %get3A_1867 : i32 to index
      %get3A_1869 = arith.constant 32 : index
      %get3A_1870 = tpu.vector_load %arg7[%get3A_1868, %get3A_1869] {strides = array<i32>} : memref<100x64xf32, #tpu.memory_space<vmem>>, vector<1x16xf32>,
      %get3A_1871 = vector.shape_cast %get3A_1870 : vector<1x16xf32> to vector<16xf32>
      %add3A_1872 = arith.addf %add3A_1848, %get3A_1871 : vector<16xf32>
      %get3A_1873 = arith.constant 73 : i32
      %get3A_1874 = arith.index_cast %get3A_1873 : i32 to index
      %get3A_1875 = arith.constant 48 : index
      %get3A_1876 = tpu.vector_load %arg7[%get3A_1874, %get3A_1875] {strides = array<i32>} : memref<100x64xf32, #tpu.memory_space<vmem>>, vector<1x16xf32>,
      %get3A_1877 = vector.shape_cast %get3A_1876 : vector<1x16xf32> to vector<16xf32>
      %add3A_1878 = arith.addf %add3A_1854, %get3A_1877 : vector<16xf32>
      %get3A_1879 = arith.constant 74 : i32
      %get3A_1880 = arith.index_cast %get3A_1879 : i32 to index
      %get3A_1881 = arith.constant 0 : index
      %get3A_1882 = tpu.vector_load %arg7[%get3A_1880, %get3A_1881] {strides = array<i32>} : memref<100x64xf32, #tpu.memory_space<vmem>>, vector<1x16xf32>,
      %get3A_1883 = vector.shape_cast %get3A_1882 : vector<1x16xf32> to vector<16xf32>
      %add3A_1884 = arith.addf %add3A_1860, %get3A_1883 : vector<16xf32>
      %get3A_1885 = arith.constant 74 : i32
      %get3A_1886 = arith.index_cast %get3A_1885 : i32 to index
      %get3A_1887 = arith.constant 16 : index
      %get3A_1888 = tpu.vector_load %arg7[%get3A_1886, %get3A_1887] {strides = array<i32>} : memref<100x64xf32, #tpu.memory_space<vmem>>, vector<1x16xf32>,
      %get3A_1889 = vector.shape_cast %get3A_1888 : vector<1x16xf32> to vector<16xf32>
      %add3A_1890 = arith.addf %add3A_1866, %get3A_1889 : vector<16xf32>
      %get3A_1891 = arith.constant 74 : i32
      %get3A_1892 = arith.index_cast %get3A_1891 : i32 to index
      %get3A_1893 = arith.constant 32 : index
      %get3A_1894 = tpu.vector_load %arg7[%get3A_1892, %get3A_1893] {strides = array<i32>} : memref<100x64xf32, #tpu.memory_space<vmem>>, vector<1x16xf32>,
      %get3A_1895 = vector.shape_cast %get3A_1894 : vector<1x16xf32> to vector<16xf32>
      %add3A_1896 = arith.addf %add3A_1872, %get3A_1895 : vector<16xf32>
      %get3A_1897 = arith.constant 74 : i32
      %get3A_1898 = arith.index_cast %get3A_1897 : i32 to index
      %get3A_1899 = arith.constant 48 : index
      %get3A_1900 = tpu.vector_load %arg7[%get3A_1898, %get3A_1899] {strides = array<i32>} : memref<100x64xf32, #tpu.memory_space<vmem>>, vector<1x16xf32>,
      %get3A_1901 = vector.shape_cast %get3A_1900 : vector<1x16xf32> to vector<16xf32>
      %add3A_1902 = arith.addf %add3A_1878, %get3A_1901 : vector<16xf32>
      %get3A_1903 = arith.constant 75 : i32
      %get3A_1904 = arith.index_cast %get3A_1903 : i32 to index
      %get3A_1905 = arith.constant 0 : index
      %get3A_1906 = tpu.vector_load %arg7[%get3A_1904, %get3A_1905] {strides = array<i32>} : memref<100x64xf32, #tpu.memory_space<vmem>>, vector<1x16xf32>,
      %get3A_1907 = vector.shape_cast %get3A_1906 : vector<1x16xf32> to vector<16xf32>
      %add3A_1908 = arith.addf %add3A_1884, %get3A_1907 : vector<16xf32>
      %get3A_1909 = arith.constant 75 : i32
      %get3A_1910 = arith.index_cast %get3A_1909 : i32 to index
      %get3A_1911 = arith.constant 16 : index
      %get3A_1912 = tpu.vector_load %arg7[%get3A_1910, %get3A_1911] {strides = array<i32>} : memref<100x64xf32, #tpu.memory_space<vmem>>, vector<1x16xf32>,
      %get3A_1913 = vector.shape_cast %get3A_1912 : vector<1x16xf32> to vector<16xf32>
      %add3A_1914 = arith.addf %add3A_1890, %get3A_1913 : vector<16xf32>
      %get3A_1915 = arith.constant 75 : i32
      %get3A_1916 = arith.index_cast %get3A_1915 : i32 to index
      %get3A_1917 = arith.constant 32 : index
      %get3A_1918 = tpu.vector_load %arg7[%get3A_1916, %get3A_1917] {strides = array<i32>} : memref<100x64xf32, #tpu.memory_space<vmem>>, vector<1x16xf32>,
      %get3A_1919 = vector.shape_cast %get3A_1918 : vector<1x16xf32> to vector<16xf32>
      %add3A_1920 = arith.addf %add3A_1896, %get3A_1919 : vector<16xf32>
      %get3A_1921 = arith.constant 75 : i32
      %get3A_1922 = arith.index_cast %get3A_1921 : i32 to index
      %get3A_1923 = arith.constant 48 : index
      %get3A_1924 = tpu.vector_load %arg7[%get3A_1922, %get3A_1923] {strides = array<i32>} : memref<100x64xf32, #tpu.memory_space<vmem>>, vector<1x16xf32>,
      %get3A_1925 = vector.shape_cast %get3A_1924 : vector<1x16xf32> to vector<16xf32>
      %add3A_1926 = arith.addf %add3A_1902, %get3A_1925 : vector<16xf32>
      %get3A_1927 = arith.constant 76 : i32
      %get3A_1928 = arith.index_cast %get3A_1927 : i32 to index
      %get3A_1929 = arith.constant 0 : index
      %get3A_1930 = tpu.vector_load %arg7[%get3A_1928, %get3A_1929] {strides = array<i32>} : memref<100x64xf32, #tpu.memory_space<vmem>>, vector<1x16xf32>,
      %get3A_1931 = vector.shape_cast %get3A_1930 : vector<1x16xf32> to vector<16xf32>
      %add3A_1932 = arith.addf %add3A_1908, %get3A_1931 : vector<16xf32>
      %get3A_1933 = arith.constant 76 : i32
      %get3A_1934 = arith.index_cast %get3A_1933 : i32 to index
      %get3A_1935 = arith.constant 16 : index
      %get3A_1936 = tpu.vector_load %arg7[%get3A_1934, %get3A_1935] {strides = array<i32>} : memref<100x64xf32, #tpu.memory_space<vmem>>, vector<1x16xf32>,
      %get3A_1937 = vector.shape_cast %get3A_1936 : vector<1x16xf32> to vector<16xf32>
      %add3A_1938 = arith.addf %add3A_1914, %get3A_1937 : vector<16xf32>
      %get3A_1939 = arith.constant 76 : i32
      %get3A_1940 = arith.index_cast %get3A_1939 : i32 to index
      %get3A_1941 = arith.constant 32 : index
      %get3A_1942 = tpu.vector_load %arg7[%get3A_1940, %get3A_1941] {strides = array<i32>} : memref<100x64xf32, #tpu.memory_space<vmem>>, vector<1x16xf32>,
      %get3A_1943 = vector.shape_cast %get3A_1942 : vector<1x16xf32> to vector<16xf32>
      %add3A_1944 = arith.addf %add3A_1920, %get3A_1943 : vector<16xf32>
      %get3A_1945 = arith.constant 76 : i32
      %get3A_1946 = arith.index_cast %get3A_1945 : i32 to index
      %get3A_1947 = arith.constant 48 : index
      %get3A_1948 = tpu.vector_load %arg7[%get3A_1946, %get3A_1947] {strides = array<i32>} : memref<100x64xf32, #tpu.memory_space<vmem>>, vector<1x16xf32>,
      %get3A_1949 = vector.shape_cast %get3A_1948 : vector<1x16xf32> to vector<16xf32>
      %add3A_1950 = arith.addf %add3A_1926, %get3A_1949 : vector<16xf32>
      %get3A_1951 = arith.constant 77 : i32
      %get3A_1952 = arith.index_cast %get3A_1951 : i32 to index
      %get3A_1953 = arith.constant 0 : index
      %get3A_1954 = tpu.vector_load %arg7[%get3A_1952, %get3A_1953] {strides = array<i32>} : memref<100x64xf32, #tpu.memory_space<vmem>>, vector<1x16xf32>,
      %get3A_1955 = vector.shape_cast %get3A_1954 : vector<1x16xf32> to vector<16xf32>
      %add3A_1956 = arith.addf %add3A_1932, %get3A_1955 : vector<16xf32>
      %get3A_1957 = arith.constant 77 : i32
      %get3A_1958 = arith.index_cast %get3A_1957 : i32 to index
      %get3A_1959 = arith.constant 16 : index
      %get3A_1960 = tpu.vector_load %arg7[%get3A_1958, %get3A_1959] {strides = array<i32>} : memref<100x64xf32, #tpu.memory_space<vmem>>, vector<1x16xf32>,
      %get3A_1961 = vector.shape_cast %get3A_1960 : vector<1x16xf32> to vector<16xf32>
      %add3A_1962 = arith.addf %add3A_1938, %get3A_1961 : vector<16xf32>
      %get3A_1963 = arith.constant 77 : i32
      %get3A_1964 = arith.index_cast %get3A_1963 : i32 to index
      %get3A_1965 = arith.constant 32 : index
      %get3A_1966 = tpu.vector_load %arg7[%get3A_1964, %get3A_1965] {strides = array<i32>} : memref<100x64xf32, #tpu.memory_space<vmem>>, vector<1x16xf32>,
      %get3A_1967 = vector.shape_cast %get3A_1966 : vector<1x16xf32> to vector<16xf32>
      %add3A_1968 = arith.addf %add3A_1944, %get3A_1967 : vector<16xf32>
      %get3A_1969 = arith.constant 77 : i32
      %get3A_1970 = arith.index_cast %get3A_1969 : i32 to index
      %get3A_1971 = arith.constant 48 : index
      %get3A_1972 = tpu.vector_load %arg7[%get3A_1970, %get3A_1971] {strides = array<i32>} : memref<100x64xf32, #tpu.memory_space<vmem>>, vector<1x16xf32>,
      %get3A_1973 = vector.shape_cast %get3A_1972 : vector<1x16xf32> to vector<16xf32>
      %add3A_1974 = arith.addf %add3A_1950, %get3A_1973 : vector<16xf32>
      %get3A_1975 = arith.constant 78 : i32
      %get3A_1976 = arith.index_cast %get3A_1975 : i32 to index
      %get3A_1977 = arith.constant 0 : index
      %get3A_1978 = tpu.vector_load %arg7[%get3A_1976, %get3A_1977] {strides = array<i32>} : memref<100x64xf32, #tpu.memory_space<vmem>>, vector<1x16xf32>,
      %get3A_1979 = vector.shape_cast %get3A_1978 : vector<1x16xf32> to vector<16xf32>
      %add3A_1980 = arith.addf %add3A_1956, %get3A_1979 : vector<16xf32>
      %get3A_1981 = arith.constant 78 : i32
      %get3A_1982 = arith.index_cast %get3A_1981 : i32 to index
      %get3A_1983 = arith.constant 16 : index
      %get3A_1984 = tpu.vector_load %arg7[%get3A_1982, %get3A_1983] {strides = array<i32>} : memref<100x64xf32, #tpu.memory_space<vmem>>, vector<1x16xf32>,
      %get3A_1985 = vector.shape_cast %get3A_1984 : vector<1x16xf32> to vector<16xf32>
      %add3A_1986 = arith.addf %add3A_1962, %get3A_1985 : vector<16xf32>
      %get3A_1987 = arith.constant 78 : i32
      %get3A_1988 = arith.index_cast %get3A_1987 : i32 to index
      %get3A_1989 = arith.constant 32 : index
      %get3A_1990 = tpu.vector_load %arg7[%get3A_1988, %get3A_1989] {strides = array<i32>} : memref<100x64xf32, #tpu.memory_space<vmem>>, vector<1x16xf32>,
      %get3A_1991 = vector.shape_cast %get3A_1990 : vector<1x16xf32> to vector<16xf32>
      %add3A_1992 = arith.addf %add3A_1968, %get3A_1991 : vector<16xf32>
      %get3A_1993 = arith.constant 78 : i32
      %get3A_1994 = arith.index_cast %get3A_1993 : i32 to index
      %get3A_1995 = arith.constant 48 : index
      %get3A_1996 = tpu.vector_load %arg7[%get3A_1994, %get3A_1995] {strides = array<i32>} : memref<100x64xf32, #tpu.memory_space<vmem>>, vector<1x16xf32>,
      %get3A_1997 = vector.shape_cast %get3A_1996 : vector<1x16xf32> to vector<16xf32>
      %add3A_1998 = arith.addf %add3A_1974, %get3A_1997 : vector<16xf32>
      %get3A_1999 = arith.constant 79 : i32
      %get3A_2000 = arith.index_cast %get3A_1999 : i32 to index
      %get3A_2001 = arith.constant 0 : index
      %get3A_2002 = tpu.vector_load %arg7[%get3A_2000, %get3A_2001] {strides = array<i32>} : memref<100x64xf32, #tpu.memory_space<vmem>>, vector<1x16xf32>,
      %get3A_2003 = vector.shape_cast %get3A_2002 : vector<1x16xf32> to vector<16xf32>
      %add3A_2004 = arith.addf %add3A_1980, %get3A_2003 : vector<16xf32>
      %get3A_2005 = arith.constant 79 : i32
      %get3A_2006 = arith.index_cast %get3A_2005 : i32 to index
      %get3A_2007 = arith.constant 16 : index
      %get3A_2008 = tpu.vector_load %arg7[%get3A_2006, %get3A_2007] {strides = array<i32>} : memref<100x64xf32, #tpu.memory_space<vmem>>, vector<1x16xf32>,
      %get3A_2009 = vector.shape_cast %get3A_2008 : vector<1x16xf32> to vector<16xf32>
      %add3A_2010 = arith.addf %add3A_1986, %get3A_2009 : vector<16xf32>
      %get3A_2011 = arith.constant 79 : i32
      %get3A_2012 = arith.index_cast %get3A_2011 : i32 to index
      %get3A_2013 = arith.constant 32 : index
      %get3A_2014 = tpu.vector_load %arg7[%get3A_2012, %get3A_2013] {strides = array<i32>} : memref<100x64xf32, #tpu.memory_space<vmem>>, vector<1x16xf32>,
      %get3A_2015 = vector.shape_cast %get3A_2014 : vector<1x16xf32> to vector<16xf32>
      %add3A_2016 = arith.addf %add3A_1992, %get3A_2015 : vector<16xf32>
      %get3A_2017 = arith.constant 79 : i32
      %get3A_2018 = arith.index_cast %get3A_2017 : i32 to index
      %get3A_2019 = arith.constant 48 : index
      %get3A_2020 = tpu.vector_load %arg7[%get3A_2018, %get3A_2019] {strides = array<i32>} : memref<100x64xf32, #tpu.memory_space<vmem>>, vector<1x16xf32>,
      %get3A_2021 = vector.shape_cast %get3A_2020 : vector<1x16xf32> to vector<16xf32>
      %add3A_2022 = arith.addf %add3A_1998, %get3A_2021 : vector<16xf32>
      %get3A_2023 = arith.constant 80 : i32
      %get3A_2024 = arith.index_cast %get3A_2023 : i32 to index
      %get3A_2025 = arith.constant 0 : index
      %get3A_2026 = tpu.vector_load %arg7[%get3A_2024, %get3A_2025] {strides = array<i32>} : memref<100x64xf32, #tpu.memory_space<vmem>>, vector<1x16xf32>,
      %get3A_2027 = vector.shape_cast %get3A_2026 : vector<1x16xf32> to vector<16xf32>
      %add3A_2028 = arith.addf %add3A_2004, %get3A_2027 : vector<16xf32>
      %get3A_2029 = arith.constant 80 : i32
      %get3A_2030 = arith.index_cast %get3A_2029 : i32 to index
      %get3A_2031 = arith.constant 16 : index
      %get3A_2032 = tpu.vector_load %arg7[%get3A_2030, %get3A_2031] {strides = array<i32>} : memref<100x64xf32, #tpu.memory_space<vmem>>, vector<1x16xf32>,
      %get3A_2033 = vector.shape_cast %get3A_2032 : vector<1x16xf32> to vector<16xf32>
      %add3A_2034 = arith.addf %add3A_2010, %get3A_2033 : vector<16xf32>
      %get3A_2035 = arith.constant 80 : i32
      %get3A_2036 = arith.index_cast %get3A_2035 : i32 to index
      %get3A_2037 = arith.constant 32 : index
      %get3A_2038 = tpu.vector_load %arg7[%get3A_2036, %get3A_2037] {strides = array<i32>} : memref<100x64xf32, #tpu.memory_space<vmem>>, vector<1x16xf32>,
      %get3A_2039 = vector.shape_cast %get3A_2038 : vector<1x16xf32> to vector<16xf32>
      %add3A_2040 = arith.addf %add3A_2016, %get3A_2039 : vector<16xf32>
      %get3A_2041 = arith.constant 80 : i32
      %get3A_2042 = arith.index_cast %get3A_2041 : i32 to index
      %get3A_2043 = arith.constant 48 : index
      %get3A_2044 = tpu.vector_load %arg7[%get3A_2042, %get3A_2043] {strides = array<i32>} : memref<100x64xf32, #tpu.memory_space<vmem>>, vector<1x16xf32>,
      %get3A_2045 = vector.shape_cast %get3A_2044 : vector<1x16xf32> to vector<16xf32>
      %add3A_2046 = arith.addf %add3A_2022, %get3A_2045 : vector<16xf32>
      %get3A_2047 = arith.constant 81 : i32
      %get3A_2048 = arith.index_cast %get3A_2047 : i32 to index
      %get3A_2049 = arith.constant 0 : index
      %get3A_2050 = tpu.vector_load %arg7[%get3A_2048, %get3A_2049] {strides = array<i32>} : memref<100x64xf32, #tpu.memory_space<vmem>>, vector<1x16xf32>,
      %get3A_2051 = vector.shape_cast %get3A_2050 : vector<1x16xf32> to vector<16xf32>
      %add3A_2052 = arith.addf %add3A_2028, %get3A_2051 : vector<16xf32>
      %get3A_2053 = arith.constant 81 : i32
      %get3A_2054 = arith.index_cast %get3A_2053 : i32 to index
      %get3A_2055 = arith.constant 16 : index
      %get3A_2056 = tpu.vector_load %arg7[%get3A_2054, %get3A_2055] {strides = array<i32>} : memref<100x64xf32, #tpu.memory_space<vmem>>, vector<1x16xf32>,
      %get3A_2057 = vector.shape_cast %get3A_2056 : vector<1x16xf32> to vector<16xf32>
      %add3A_2058 = arith.addf %add3A_2034, %get3A_2057 : vector<16xf32>
      %get3A_2059 = arith.constant 81 : i32
      %get3A_2060 = arith.index_cast %get3A_2059 : i32 to index
      %get3A_2061 = arith.constant 32 : index
      %get3A_2062 = tpu.vector_load %arg7[%get3A_2060, %get3A_2061] {strides = array<i32>} : memref<100x64xf32, #tpu.memory_space<vmem>>, vector<1x16xf32>,
      %get3A_2063 = vector.shape_cast %get3A_2062 : vector<1x16xf32> to vector<16xf32>
      %add3A_2064 = arith.addf %add3A_2040, %get3A_2063 : vector<16xf32>
      %get3A_2065 = arith.constant 81 : i32
      %get3A_2066 = arith.index_cast %get3A_2065 : i32 to index
      %get3A_2067 = arith.constant 48 : index
      %get3A_2068 = tpu.vector_load %arg7[%get3A_2066, %get3A_2067] {strides = array<i32>} : memref<100x64xf32, #tpu.memory_space<vmem>>, vector<1x16xf32>,
      %get3A_2069 = vector.shape_cast %get3A_2068 : vector<1x16xf32> to vector<16xf32>
      %add3A_2070 = arith.addf %add3A_2046, %get3A_2069 : vector<16xf32>
      %get3A_2071 = arith.constant 82 : i32
      %get3A_2072 = arith.index_cast %get3A_2071 : i32 to index
      %get3A_2073 = arith.constant 0 : index
      %get3A_2074 = tpu.vector_load %arg7[%get3A_2072, %get3A_2073] {strides = array<i32>} : memref<100x64xf32, #tpu.memory_space<vmem>>, vector<1x16xf32>,
      %get3A_2075 = vector.shape_cast %get3A_2074 : vector<1x16xf32> to vector<16xf32>
      %add3A_2076 = arith.addf %add3A_2052, %get3A_2075 : vector<16xf32>
      %get3A_2077 = arith.constant 82 : i32
      %get3A_2078 = arith.index_cast %get3A_2077 : i32 to index
      %get3A_2079 = arith.constant 16 : index
      %get3A_2080 = tpu.vector_load %arg7[%get3A_2078, %get3A_2079] {strides = array<i32>} : memref<100x64xf32, #tpu.memory_space<vmem>>, vector<1x16xf32>,
      %get3A_2081 = vector.shape_cast %get3A_2080 : vector<1x16xf32> to vector<16xf32>
      %add3A_2082 = arith.addf %add3A_2058, %get3A_2081 : vector<16xf32>
      %get3A_2083 = arith.constant 82 : i32
      %get3A_2084 = arith.index_cast %get3A_2083 : i32 to index
      %get3A_2085 = arith.constant 32 : index
      %get3A_2086 = tpu.vector_load %arg7[%get3A_2084, %get3A_2085] {strides = array<i32>} : memref<100x64xf32, #tpu.memory_space<vmem>>, vector<1x16xf32>,
      %get3A_2087 = vector.shape_cast %get3A_2086 : vector<1x16xf32> to vector<16xf32>
      %add3A_2088 = arith.addf %add3A_2064, %get3A_2087 : vector<16xf32>
      %get3A_2089 = arith.constant 82 : i32
      %get3A_2090 = arith.index_cast %get3A_2089 : i32 to index
      %get3A_2091 = arith.constant 48 : index
      %get3A_2092 = tpu.vector_load %arg7[%get3A_2090, %get3A_2091] {strides = array<i32>} : memref<100x64xf32, #tpu.memory_space<vmem>>, vector<1x16xf32>,
      %get3A_2093 = vector.shape_cast %get3A_2092 : vector<1x16xf32> to vector<16xf32>
      %add3A_2094 = arith.addf %add3A_2070, %get3A_2093 : vector<16xf32>
      %get3A_2095 = arith.constant 83 : i32
      %get3A_2096 = arith.index_cast %get3A_2095 : i32 to index
      %get3A_2097 = arith.constant 0 : index
      %get3A_2098 = tpu.vector_load %arg7[%get3A_2096, %get3A_2097] {strides = array<i32>} : memref<100x64xf32, #tpu.memory_space<vmem>>, vector<1x16xf32>,
      %get3A_2099 = vector.shape_cast %get3A_2098 : vector<1x16xf32> to vector<16xf32>
      %add3A_2100 = arith.addf %add3A_2076, %get3A_2099 : vector<16xf32>
      %get3A_2101 = arith.constant 83 : i32
      %get3A_2102 = arith.index_cast %get3A_2101 : i32 to index
      %get3A_2103 = arith.constant 16 : index
      %get3A_2104 = tpu.vector_load %arg7[%get3A_2102, %get3A_2103] {strides = array<i32>} : memref<100x64xf32, #tpu.memory_space<vmem>>, vector<1x16xf32>,
      %get3A_2105 = vector.shape_cast %get3A_2104 : vector<1x16xf32> to vector<16xf32>
      %add3A_2106 = arith.addf %add3A_2082, %get3A_2105 : vector<16xf32>
      %get3A_2107 = arith.constant 83 : i32
      %get3A_2108 = arith.index_cast %get3A_2107 : i32 to index
      %get3A_2109 = arith.constant 32 : index
      %get3A_2110 = tpu.vector_load %arg7[%get3A_2108, %get3A_2109] {strides = array<i32>} : memref<100x64xf32, #tpu.memory_space<vmem>>, vector<1x16xf32>,
      %get3A_2111 = vector.shape_cast %get3A_2110 : vector<1x16xf32> to vector<16xf32>
      %add3A_2112 = arith.addf %add3A_2088, %get3A_2111 : vector<16xf32>
      %get3A_2113 = arith.constant 83 : i32
      %get3A_2114 = arith.index_cast %get3A_2113 : i32 to index
      %get3A_2115 = arith.constant 48 : index
      %get3A_2116 = tpu.vector_load %arg7[%get3A_2114, %get3A_2115] {strides = array<i32>} : memref<100x64xf32, #tpu.memory_space<vmem>>, vector<1x16xf32>,
      %get3A_2117 = vector.shape_cast %get3A_2116 : vector<1x16xf32> to vector<16xf32>
      %add3A_2118 = arith.addf %add3A_2094, %get3A_2117 : vector<16xf32>
      %get3A_2119 = arith.constant 84 : i32
      %get3A_2120 = arith.index_cast %get3A_2119 : i32 to index
      %get3A_2121 = arith.constant 0 : index
      %get3A_2122 = tpu.vector_load %arg7[%get3A_2120, %get3A_2121] {strides = array<i32>} : memref<100x64xf32, #tpu.memory_space<vmem>>, vector<1x16xf32>,
      %get3A_2123 = vector.shape_cast %get3A_2122 : vector<1x16xf32> to vector<16xf32>
      %add3A_2124 = arith.addf %add3A_2100, %get3A_2123 : vector<16xf32>
      %get3A_2125 = arith.constant 84 : i32
      %get3A_2126 = arith.index_cast %get3A_2125 : i32 to index
      %get3A_2127 = arith.constant 16 : index
      %get3A_2128 = tpu.vector_load %arg7[%get3A_2126, %get3A_2127] {strides = array<i32>} : memref<100x64xf32, #tpu.memory_space<vmem>>, vector<1x16xf32>,
      %get3A_2129 = vector.shape_cast %get3A_2128 : vector<1x16xf32> to vector<16xf32>
      %add3A_2130 = arith.addf %add3A_2106, %get3A_2129 : vector<16xf32>
      %get3A_2131 = arith.constant 84 : i32
      %get3A_2132 = arith.index_cast %get3A_2131 : i32 to index
      %get3A_2133 = arith.constant 32 : index
      %get3A_2134 = tpu.vector_load %arg7[%get3A_2132, %get3A_2133] {strides = array<i32>} : memref<100x64xf32, #tpu.memory_space<vmem>>, vector<1x16xf32>,
      %get3A_2135 = vector.shape_cast %get3A_2134 : vector<1x16xf32> to vector<16xf32>
      %add3A_2136 = arith.addf %add3A_2112, %get3A_2135 : vector<16xf32>
      %get3A_2137 = arith.constant 84 : i32
      %get3A_2138 = arith.index_cast %get3A_2137 : i32 to index
      %get3A_2139 = arith.constant 48 : index
      %get3A_2140 = tpu.vector_load %arg7[%get3A_2138, %get3A_2139] {strides = array<i32>} : memref<100x64xf32, #tpu.memory_space<vmem>>, vector<1x16xf32>,
      %get3A_2141 = vector.shape_cast %get3A_2140 : vector<1x16xf32> to vector<16xf32>
      %add3A_2142 = arith.addf %add3A_2118, %get3A_2141 : vector<16xf32>
      %get3A_2143 = arith.constant 85 : i32
      %get3A_2144 = arith.index_cast %get3A_2143 : i32 to index
      %get3A_2145 = arith.constant 0 : index
      %get3A_2146 = tpu.vector_load %arg7[%get3A_2144, %get3A_2145] {strides = array<i32>} : memref<100x64xf32, #tpu.memory_space<vmem>>, vector<1x16xf32>,
      %get3A_2147 = vector.shape_cast %get3A_2146 : vector<1x16xf32> to vector<16xf32>
      %add3A_2148 = arith.addf %add3A_2124, %get3A_2147 : vector<16xf32>
      %get3A_2149 = arith.constant 85 : i32
      %get3A_2150 = arith.index_cast %get3A_2149 : i32 to index
      %get3A_2151 = arith.constant 16 : index
      %get3A_2152 = tpu.vector_load %arg7[%get3A_2150, %get3A_2151] {strides = array<i32>} : memref<100x64xf32, #tpu.memory_space<vmem>>, vector<1x16xf32>,
      %get3A_2153 = vector.shape_cast %get3A_2152 : vector<1x16xf32> to vector<16xf32>
      %add3A_2154 = arith.addf %add3A_2130, %get3A_2153 : vector<16xf32>
      %get3A_2155 = arith.constant 85 : i32
      %get3A_2156 = arith.index_cast %get3A_2155 : i32 to index
      %get3A_2157 = arith.constant 32 : index
      %get3A_2158 = tpu.vector_load %arg7[%get3A_2156, %get3A_2157] {strides = array<i32>} : memref<100x64xf32, #tpu.memory_space<vmem>>, vector<1x16xf32>,
      %get3A_2159 = vector.shape_cast %get3A_2158 : vector<1x16xf32> to vector<16xf32>
      %add3A_2160 = arith.addf %add3A_2136, %get3A_2159 : vector<16xf32>
      %get3A_2161 = arith.constant 85 : i32
      %get3A_2162 = arith.index_cast %get3A_2161 : i32 to index
      %get3A_2163 = arith.constant 48 : index
      %get3A_2164 = tpu.vector_load %arg7[%get3A_2162, %get3A_2163] {strides = array<i32>} : memref<100x64xf32, #tpu.memory_space<vmem>>, vector<1x16xf32>,
      %get3A_2165 = vector.shape_cast %get3A_2164 : vector<1x16xf32> to vector<16xf32>
      %add3A_2166 = arith.addf %add3A_2142, %get3A_2165 : vector<16xf32>
      %get3A_2167 = arith.constant 86 : i32
      %get3A_2168 = arith.index_cast %get3A_2167 : i32 to index
      %get3A_2169 = arith.constant 0 : index
      %get3A_2170 = tpu.vector_load %arg7[%get3A_2168, %get3A_2169] {strides = array<i32>} : memref<100x64xf32, #tpu.memory_space<vmem>>, vector<1x16xf32>,
      %get3A_2171 = vector.shape_cast %get3A_2170 : vector<1x16xf32> to vector<16xf32>
      %add3A_2172 = arith.addf %add3A_2148, %get3A_2171 : vector<16xf32>
      %get3A_2173 = arith.constant 86 : i32
      %get3A_2174 = arith.index_cast %get3A_2173 : i32 to index
      %get3A_2175 = arith.constant 16 : index
      %get3A_2176 = tpu.vector_load %arg7[%get3A_2174, %get3A_2175] {strides = array<i32>} : memref<100x64xf32, #tpu.memory_space<vmem>>, vector<1x16xf32>,
      %get3A_2177 = vector.shape_cast %get3A_2176 : vector<1x16xf32> to vector<16xf32>
      %add3A_2178 = arith.addf %add3A_2154, %get3A_2177 : vector<16xf32>
      %get3A_2179 = arith.constant 86 : i32
      %get3A_2180 = arith.index_cast %get3A_2179 : i32 to index
      %get3A_2181 = arith.constant 32 : index
      %get3A_2182 = tpu.vector_load %arg7[%get3A_2180, %get3A_2181] {strides = array<i32>} : memref<100x64xf32, #tpu.memory_space<vmem>>, vector<1x16xf32>,
      %get3A_2183 = vector.shape_cast %get3A_2182 : vector<1x16xf32> to vector<16xf32>
      %add3A_2184 = arith.addf %add3A_2160, %get3A_2183 : vector<16xf32>
      %get3A_2185 = arith.constant 86 : i32
      %get3A_2186 = arith.index_cast %get3A_2185 : i32 to index
      %get3A_2187 = arith.constant 48 : index
      %get3A_2188 = tpu.vector_load %arg7[%get3A_2186, %get3A_2187] {strides = array<i32>} : memref<100x64xf32, #tpu.memory_space<vmem>>, vector<1x16xf32>,
      %get3A_2189 = vector.shape_cast %get3A_2188 : vector<1x16xf32> to vector<16xf32>
      %add3A_2190 = arith.addf %add3A_2166, %get3A_2189 : vector<16xf32>
      %get3A_2191 = arith.constant 87 : i32
      %get3A_2192 = arith.index_cast %get3A_2191 : i32 to index
      %get3A_2193 = arith.constant 0 : index
      %get3A_2194 = tpu.vector_load %arg7[%get3A_2192, %get3A_2193] {strides = array<i32>} : memref<100x64xf32, #tpu.memory_space<vmem>>, vector<1x16xf32>,
      %get3A_2195 = vector.shape_cast %get3A_2194 : vector<1x16xf32> to vector<16xf32>
      %add3A_2196 = arith.addf %add3A_2172, %get3A_2195 : vector<16xf32>
      %get3A_2197 = arith.constant 87 : i32
      %get3A_2198 = arith.index_cast %get3A_2197 : i32 to index
      %get3A_2199 = arith.constant 16 : index
      %get3A_2200 = tpu.vector_load %arg7[%get3A_2198, %get3A_2199] {strides = array<i32>} : memref<100x64xf32, #tpu.memory_space<vmem>>, vector<1x16xf32>,
      %get3A_2201 = vector.shape_cast %get3A_2200 : vector<1x16xf32> to vector<16xf32>
      %add3A_2202 = arith.addf %add3A_2178, %get3A_2201 : vector<16xf32>
      %get3A_2203 = arith.constant 87 : i32
      %get3A_2204 = arith.index_cast %get3A_2203 : i32 to index
      %get3A_2205 = arith.constant 32 : index
      %get3A_2206 = tpu.vector_load %arg7[%get3A_2204, %get3A_2205] {strides = array<i32>} : memref<100x64xf32, #tpu.memory_space<vmem>>, vector<1x16xf32>,
      %get3A_2207 = vector.shape_cast %get3A_2206 : vector<1x16xf32> to vector<16xf32>
      %add3A_2208 = arith.addf %add3A_2184, %get3A_2207 : vector<16xf32>
      %get3A_2209 = arith.constant 87 : i32
      %get3A_2210 = arith.index_cast %get3A_2209 : i32 to index
      %get3A_2211 = arith.constant 48 : index
      %get3A_2212 = tpu.vector_load %arg7[%get3A_2210, %get3A_2211] {strides = array<i32>} : memref<100x64xf32, #tpu.memory_space<vmem>>, vector<1x16xf32>,
      %get3A_2213 = vector.shape_cast %get3A_2212 : vector<1x16xf32> to vector<16xf32>
      %add3A_2214 = arith.addf %add3A_2190, %get3A_2213 : vector<16xf32>
      %get3A_2215 = arith.constant 88 : i32
      %get3A_2216 = arith.index_cast %get3A_2215 : i32 to index
      %get3A_2217 = arith.constant 0 : index
      %get3A_2218 = tpu.vector_load %arg7[%get3A_2216, %get3A_2217] {strides = array<i32>} : memref<100x64xf32, #tpu.memory_space<vmem>>, vector<1x16xf32>,
      %get3A_2219 = vector.shape_cast %get3A_2218 : vector<1x16xf32> to vector<16xf32>
      %add3A_2220 = arith.addf %add3A_2196, %get3A_2219 : vector<16xf32>
      %get3A_2221 = arith.constant 88 : i32
      %get3A_2222 = arith.index_cast %get3A_2221 : i32 to index
      %get3A_2223 = arith.constant 16 : index
      %get3A_2224 = tpu.vector_load %arg7[%get3A_2222, %get3A_2223] {strides = array<i32>} : memref<100x64xf32, #tpu.memory_space<vmem>>, vector<1x16xf32>,
      %get3A_2225 = vector.shape_cast %get3A_2224 : vector<1x16xf32> to vector<16xf32>
      %add3A_2226 = arith.addf %add3A_2202, %get3A_2225 : vector<16xf32>
      %get3A_2227 = arith.constant 88 : i32
      %get3A_2228 = arith.index_cast %get3A_2227 : i32 to index
      %get3A_2229 = arith.constant 32 : index
      %get3A_2230 = tpu.vector_load %arg7[%get3A_2228, %get3A_2229] {strides = array<i32>} : memref<100x64xf32, #tpu.memory_space<vmem>>, vector<1x16xf32>,
      %get3A_2231 = vector.shape_cast %get3A_2230 : vector<1x16xf32> to vector<16xf32>
      %add3A_2232 = arith.addf %add3A_2208, %get3A_2231 : vector<16xf32>
      %get3A_2233 = arith.constant 88 : i32
      %get3A_2234 = arith.index_cast %get3A_2233 : i32 to index
      %get3A_2235 = arith.constant 48 : index
      %get3A_2236 = tpu.vector_load %arg7[%get3A_2234, %get3A_2235] {strides = array<i32>} : memref<100x64xf32, #tpu.memory_space<vmem>>, vector<1x16xf32>,
      %get3A_2237 = vector.shape_cast %get3A_2236 : vector<1x16xf32> to vector<16xf32>
      %add3A_2238 = arith.addf %add3A_2214, %get3A_2237 : vector<16xf32>
      %get3A_2239 = arith.constant 89 : i32
      %get3A_2240 = arith.index_cast %get3A_2239 : i32 to index
      %get3A_2241 = arith.constant 0 : index
      %get3A_2242 = tpu.vector_load %arg7[%get3A_2240, %get3A_2241] {strides = array<i32>} : memref<100x64xf32, #tpu.memory_space<vmem>>, vector<1x16xf32>,
      %get3A_2243 = vector.shape_cast %get3A_2242 : vector<1x16xf32> to vector<16xf32>
      %add3A_2244 = arith.addf %add3A_2220, %get3A_2243 : vector<16xf32>
      %get3A_2245 = arith.constant 89 : i32
      %get3A_2246 = arith.index_cast %get3A_2245 : i32 to index
      %get3A_2247 = arith.constant 16 : index
      %get3A_2248 = tpu.vector_load %arg7[%get3A_2246, %get3A_2247] {strides = array<i32>} : memref<100x64xf32, #tpu.memory_space<vmem>>, vector<1x16xf32>,
      %get3A_2249 = vector.shape_cast %get3A_2248 : vector<1x16xf32> to vector<16xf32>
      %add3A_2250 = arith.addf %add3A_2226, %get3A_2249 : vector<16xf32>
      %get3A_2251 = arith.constant 89 : i32
      %get3A_2252 = arith.index_cast %get3A_2251 : i32 to index
      %get3A_2253 = arith.constant 32 : index
      %get3A_2254 = tpu.vector_load %arg7[%get3A_2252, %get3A_2253] {strides = array<i32>} : memref<100x64xf32, #tpu.memory_space<vmem>>, vector<1x16xf32>,
      %get3A_2255 = vector.shape_cast %get3A_2254 : vector<1x16xf32> to vector<16xf32>
      %add3A_2256 = arith.addf %add3A_2232, %get3A_2255 : vector<16xf32>
      %get3A_2257 = arith.constant 89 : i32
      %get3A_2258 = arith.index_cast %get3A_2257 : i32 to index
      %get3A_2259 = arith.constant 48 : index
      %get3A_2260 = tpu.vector_load %arg7[%get3A_2258, %get3A_2259] {strides = array<i32>} : memref<100x64xf32, #tpu.memory_space<vmem>>, vector<1x16xf32>,
      %get3A_2261 = vector.shape_cast %get3A_2260 : vector<1x16xf32> to vector<16xf32>
      %add3A_2262 = arith.addf %add3A_2238, %get3A_2261 : vector<16xf32>
      %get3A_2263 = arith.constant 90 : i32
      %get3A_2264 = arith.index_cast %get3A_2263 : i32 to index
      %get3A_2265 = arith.constant 0 : index
      %get3A_2266 = tpu.vector_load %arg7[%get3A_2264, %get3A_2265] {strides = array<i32>} : memref<100x64xf32, #tpu.memory_space<vmem>>, vector<1x16xf32>,
      %get3A_2267 = vector.shape_cast %get3A_2266 : vector<1x16xf32> to vector<16xf32>
      %add3A_2268 = arith.addf %add3A_2244, %get3A_2267 : vector<16xf32>
      %get3A_2269 = arith.constant 90 : i32
      %get3A_2270 = arith.index_cast %get3A_2269 : i32 to index
      %get3A_2271 = arith.constant 16 : index
      %get3A_2272 = tpu.vector_load %arg7[%get3A_2270, %get3A_2271] {strides = array<i32>} : memref<100x64xf32, #tpu.memory_space<vmem>>, vector<1x16xf32>,
      %get3A_2273 = vector.shape_cast %get3A_2272 : vector<1x16xf32> to vector<16xf32>
      %add3A_2274 = arith.addf %add3A_2250, %get3A_2273 : vector<16xf32>
      %get3A_2275 = arith.constant 90 : i32
      %get3A_2276 = arith.index_cast %get3A_2275 : i32 to index
      %get3A_2277 = arith.constant 32 : index
      %get3A_2278 = tpu.vector_load %arg7[%get3A_2276, %get3A_2277] {strides = array<i32>} : memref<100x64xf32, #tpu.memory_space<vmem>>, vector<1x16xf32>,
      %get3A_2279 = vector.shape_cast %get3A_2278 : vector<1x16xf32> to vector<16xf32>
      %add3A_2280 = arith.addf %add3A_2256, %get3A_2279 : vector<16xf32>
      %get3A_2281 = arith.constant 90 : i32
      %get3A_2282 = arith.index_cast %get3A_2281 : i32 to index
      %get3A_2283 = arith.constant 48 : index
      %get3A_2284 = tpu.vector_load %arg7[%get3A_2282, %get3A_2283] {strides = array<i32>} : memref<100x64xf32, #tpu.memory_space<vmem>>, vector<1x16xf32>,
      %get3A_2285 = vector.shape_cast %get3A_2284 : vector<1x16xf32> to vector<16xf32>
      %add3A_2286 = arith.addf %add3A_2262, %get3A_2285 : vector<16xf32>
      %get3A_2287 = arith.constant 91 : i32
      %get3A_2288 = arith.index_cast %get3A_2287 : i32 to index
      %get3A_2289 = arith.constant 0 : index
      %get3A_2290 = tpu.vector_load %arg7[%get3A_2288, %get3A_2289] {strides = array<i32>} : memref<100x64xf32, #tpu.memory_space<vmem>>, vector<1x16xf32>,
      %get3A_2291 = vector.shape_cast %get3A_2290 : vector<1x16xf32> to vector<16xf32>
      %add3A_2292 = arith.addf %add3A_2268, %get3A_2291 : vector<16xf32>
      %get3A_2293 = arith.constant 91 : i32
      %get3A_2294 = arith.index_cast %get3A_2293 : i32 to index
      %get3A_2295 = arith.constant 16 : index
      %get3A_2296 = tpu.vector_load %arg7[%get3A_2294, %get3A_2295] {strides = array<i32>} : memref<100x64xf32, #tpu.memory_space<vmem>>, vector<1x16xf32>,
      %get3A_2297 = vector.shape_cast %get3A_2296 : vector<1x16xf32> to vector<16xf32>
      %add3A_2298 = arith.addf %add3A_2274, %get3A_2297 : vector<16xf32>
      %get3A_2299 = arith.constant 91 : i32
      %get3A_2300 = arith.index_cast %get3A_2299 : i32 to index
      %get3A_2301 = arith.constant 32 : index
      %get3A_2302 = tpu.vector_load %arg7[%get3A_2300, %get3A_2301] {strides = array<i32>} : memref<100x64xf32, #tpu.memory_space<vmem>>, vector<1x16xf32>,
      %get3A_2303 = vector.shape_cast %get3A_2302 : vector<1x16xf32> to vector<16xf32>
      %add3A_2304 = arith.addf %add3A_2280, %get3A_2303 : vector<16xf32>
      %get3A_2305 = arith.constant 91 : i32
      %get3A_2306 = arith.index_cast %get3A_2305 : i32 to index
      %get3A_2307 = arith.constant 48 : index
      %get3A_2308 = tpu.vector_load %arg7[%get3A_2306, %get3A_2307] {strides = array<i32>} : memref<100x64xf32, #tpu.memory_space<vmem>>, vector<1x16xf32>,
      %get3A_2309 = vector.shape_cast %get3A_2308 : vector<1x16xf32> to vector<16xf32>
      %add3A_2310 = arith.addf %add3A_2286, %get3A_2309 : vector<16xf32>
      %get3A_2311 = arith.constant 92 : i32
      %get3A_2312 = arith.index_cast %get3A_2311 : i32 to index
      %get3A_2313 = arith.constant 0 : index
      %get3A_2314 = tpu.vector_load %arg7[%get3A_2312, %get3A_2313] {strides = array<i32>} : memref<100x64xf32, #tpu.memory_space<vmem>>, vector<1x16xf32>,
      %get3A_2315 = vector.shape_cast %get3A_2314 : vector<1x16xf32> to vector<16xf32>
      %add3A_2316 = arith.addf %add3A_2292, %get3A_2315 : vector<16xf32>
      %get3A_2317 = arith.constant 92 : i32
      %get3A_2318 = arith.index_cast %get3A_2317 : i32 to index
      %get3A_2319 = arith.constant 16 : index
      %get3A_2320 = tpu.vector_load %arg7[%get3A_2318, %get3A_2319] {strides = array<i32>} : memref<100x64xf32, #tpu.memory_space<vmem>>, vector<1x16xf32>,
      %get3A_2321 = vector.shape_cast %get3A_2320 : vector<1x16xf32> to vector<16xf32>
      %add3A_2322 = arith.addf %add3A_2298, %get3A_2321 : vector<16xf32>
      %get3A_2323 = arith.constant 92 : i32
      %get3A_2324 = arith.index_cast %get3A_2323 : i32 to index
      %get3A_2325 = arith.constant 32 : index
      %get3A_2326 = tpu.vector_load %arg7[%get3A_2324, %get3A_2325] {strides = array<i32>} : memref<100x64xf32, #tpu.memory_space<vmem>>, vector<1x16xf32>,
      %get3A_2327 = vector.shape_cast %get3A_2326 : vector<1x16xf32> to vector<16xf32>
      %add3A_2328 = arith.addf %add3A_2304, %get3A_2327 : vector<16xf32>
      %get3A_2329 = arith.constant 92 : i32
      %get3A_2330 = arith.index_cast %get3A_2329 : i32 to index
      %get3A_2331 = arith.constant 48 : index
      %get3A_2332 = tpu.vector_load %arg7[%get3A_2330, %get3A_2331] {strides = array<i32>} : memref<100x64xf32, #tpu.memory_space<vmem>>, vector<1x16xf32>,
      %get3A_2333 = vector.shape_cast %get3A_2332 : vector<1x16xf32> to vector<16xf32>
      %add3A_2334 = arith.addf %add3A_2310, %get3A_2333 : vector<16xf32>
      %get3A_2335 = arith.constant 93 : i32
      %get3A_2336 = arith.index_cast %get3A_2335 : i32 to index
      %get3A_2337 = arith.constant 0 : index
      %get3A_2338 = tpu.vector_load %arg7[%get3A_2336, %get3A_2337] {strides = array<i32>} : memref<100x64xf32, #tpu.memory_space<vmem>>, vector<1x16xf32>,
      %get3A_2339 = vector.shape_cast %get3A_2338 : vector<1x16xf32> to vector<16xf32>
      %add3A_2340 = arith.addf %add3A_2316, %get3A_2339 : vector<16xf32>
      %get3A_2341 = arith.constant 93 : i32
      %get3A_2342 = arith.index_cast %get3A_2341 : i32 to index
      %get3A_2343 = arith.constant 16 : index
      %get3A_2344 = tpu.vector_load %arg7[%get3A_2342, %get3A_2343] {strides = array<i32>} : memref<100x64xf32, #tpu.memory_space<vmem>>, vector<1x16xf32>,
      %get3A_2345 = vector.shape_cast %get3A_2344 : vector<1x16xf32> to vector<16xf32>
      %add3A_2346 = arith.addf %add3A_2322, %get3A_2345 : vector<16xf32>
      %get3A_2347 = arith.constant 93 : i32
      %get3A_2348 = arith.index_cast %get3A_2347 : i32 to index
      %get3A_2349 = arith.constant 32 : index
      %get3A_2350 = tpu.vector_load %arg7[%get3A_2348, %get3A_2349] {strides = array<i32>} : memref<100x64xf32, #tpu.memory_space<vmem>>, vector<1x16xf32>,
      %get3A_2351 = vector.shape_cast %get3A_2350 : vector<1x16xf32> to vector<16xf32>
      %add3A_2352 = arith.addf %add3A_2328, %get3A_2351 : vector<16xf32>
      %get3A_2353 = arith.constant 93 : i32
      %get3A_2354 = arith.index_cast %get3A_2353 : i32 to index
      %get3A_2355 = arith.constant 48 : index
      %get3A_2356 = tpu.vector_load %arg7[%get3A_2354, %get3A_2355] {strides = array<i32>} : memref<100x64xf32, #tpu.memory_space<vmem>>, vector<1x16xf32>,
      %get3A_2357 = vector.shape_cast %get3A_2356 : vector<1x16xf32> to vector<16xf32>
      %add3A_2358 = arith.addf %add3A_2334, %get3A_2357 : vector<16xf32>
      %get3A_2359 = arith.constant 94 : i32
      %get3A_2360 = arith.index_cast %get3A_2359 : i32 to index
      %get3A_2361 = arith.constant 0 : index
      %get3A_2362 = tpu.vector_load %arg7[%get3A_2360, %get3A_2361] {strides = array<i32>} : memref<100x64xf32, #tpu.memory_space<vmem>>, vector<1x16xf32>,
      %get3A_2363 = vector.shape_cast %get3A_2362 : vector<1x16xf32> to vector<16xf32>
      %add3A_2364 = arith.addf %add3A_2340, %get3A_2363 : vector<16xf32>
      %get3A_2365 = arith.constant 94 : i32
      %get3A_2366 = arith.index_cast %get3A_2365 : i32 to index
      %get3A_2367 = arith.constant 16 : index
      %get3A_2368 = tpu.vector_load %arg7[%get3A_2366, %get3A_2367] {strides = array<i32>} : memref<100x64xf32, #tpu.memory_space<vmem>>, vector<1x16xf32>,
      %get3A_2369 = vector.shape_cast %get3A_2368 : vector<1x16xf32> to vector<16xf32>
      %add3A_2370 = arith.addf %add3A_2346, %get3A_2369 : vector<16xf32>
      %get3A_2371 = arith.constant 94 : i32
      %get3A_2372 = arith.index_cast %get3A_2371 : i32 to index
      %get3A_2373 = arith.constant 32 : index
      %get3A_2374 = tpu.vector_load %arg7[%get3A_2372, %get3A_2373] {strides = array<i32>} : memref<100x64xf32, #tpu.memory_space<vmem>>, vector<1x16xf32>,
      %get3A_2375 = vector.shape_cast %get3A_2374 : vector<1x16xf32> to vector<16xf32>
      %add3A_2376 = arith.addf %add3A_2352, %get3A_2375 : vector<16xf32>
      %get3A_2377 = arith.constant 94 : i32
      %get3A_2378 = arith.index_cast %get3A_2377 : i32 to index
      %get3A_2379 = arith.constant 48 : index
      %get3A_2380 = tpu.vector_load %arg7[%get3A_2378, %get3A_2379] {strides = array<i32>} : memref<100x64xf32, #tpu.memory_space<vmem>>, vector<1x16xf32>,
      %get3A_2381 = vector.shape_cast %get3A_2380 : vector<1x16xf32> to vector<16xf32>
      %add3A_2382 = arith.addf %add3A_2358, %get3A_2381 : vector<16xf32>
      %get3A_2383 = arith.constant 95 : i32
      %get3A_2384 = arith.index_cast %get3A_2383 : i32 to index
      %get3A_2385 = arith.constant 0 : index
      %get3A_2386 = tpu.vector_load %arg7[%get3A_2384, %get3A_2385] {strides = array<i32>} : memref<100x64xf32, #tpu.memory_space<vmem>>, vector<1x16xf32>,
      %get3A_2387 = vector.shape_cast %get3A_2386 : vector<1x16xf32> to vector<16xf32>
      %add3A_2388 = arith.addf %add3A_2364, %get3A_2387 : vector<16xf32>
      %get3A_2389 = arith.constant 95 : i32
      %get3A_2390 = arith.index_cast %get3A_2389 : i32 to index
      %get3A_2391 = arith.constant 16 : index
      %get3A_2392 = tpu.vector_load %arg7[%get3A_2390, %get3A_2391] {strides = array<i32>} : memref<100x64xf32, #tpu.memory_space<vmem>>, vector<1x16xf32>,
      %get3A_2393 = vector.shape_cast %get3A_2392 : vector<1x16xf32> to vector<16xf32>
      %add3A_2394 = arith.addf %add3A_2370, %get3A_2393 : vector<16xf32>
      %get3A_2395 = arith.constant 95 : i32
      %get3A_2396 = arith.index_cast %get3A_2395 : i32 to index
      %get3A_2397 = arith.constant 32 : index
      %get3A_2398 = tpu.vector_load %arg7[%get3A_2396, %get3A_2397] {strides = array<i32>} : memref<100x64xf32, #tpu.memory_space<vmem>>, vector<1x16xf32>,
      %get3A_2399 = vector.shape_cast %get3A_2398 : vector<1x16xf32> to vector<16xf32>
      %add3A_2400 = arith.addf %add3A_2376, %get3A_2399 : vector<16xf32>
      %get3A_2401 = arith.constant 95 : i32
      %get3A_2402 = arith.index_cast %get3A_2401 : i32 to index
      %get3A_2403 = arith.constant 48 : index
      %get3A_2404 = tpu.vector_load %arg7[%get3A_2402, %get3A_2403] {strides = array<i32>} : memref<100x64xf32, #tpu.memory_space<vmem>>, vector<1x16xf32>,
      %get3A_2405 = vector.shape_cast %get3A_2404 : vector<1x16xf32> to vector<16xf32>
      %add3A_2406 = arith.addf %add3A_2382, %get3A_2405 : vector<16xf32>
      %get3A_2407 = arith.constant 96 : i32
      %get3A_2408 = arith.index_cast %get3A_2407 : i32 to index
      %get3A_2409 = arith.constant 0 : index
      %get3A_2410 = tpu.vector_load %arg7[%get3A_2408, %get3A_2409] {strides = array<i32>} : memref<100x64xf32, #tpu.memory_space<vmem>>, vector<1x16xf32>,
      %get3A_2411 = vector.shape_cast %get3A_2410 : vector<1x16xf32> to vector<16xf32>
      %add3A_2412 = arith.addf %add3A_2388, %get3A_2411 : vector<16xf32>
      %get3A_2413 = arith.constant 96 : i32
      %get3A_2414 = arith.index_cast %get3A_2413 : i32 to index
      %get3A_2415 = arith.constant 16 : index
      %get3A_2416 = tpu.vector_load %arg7[%get3A_2414, %get3A_2415] {strides = array<i32>} : memref<100x64xf32, #tpu.memory_space<vmem>>, vector<1x16xf32>,
      %get3A_2417 = vector.shape_cast %get3A_2416 : vector<1x16xf32> to vector<16xf32>
      %add3A_2418 = arith.addf %add3A_2394, %get3A_2417 : vector<16xf32>
      %get3A_2419 = arith.constant 96 : i32
      %get3A_2420 = arith.index_cast %get3A_2419 : i32 to index
      %get3A_2421 = arith.constant 32 : index
      %get3A_2422 = tpu.vector_load %arg7[%get3A_2420, %get3A_2421] {strides = array<i32>} : memref<100x64xf32, #tpu.memory_space<vmem>>, vector<1x16xf32>,
      %get3A_2423 = vector.shape_cast %get3A_2422 : vector<1x16xf32> to vector<16xf32>
      %add3A_2424 = arith.addf %add3A_2400, %get3A_2423 : vector<16xf32>
      %get3A_2425 = arith.constant 96 : i32
      %get3A_2426 = arith.index_cast %get3A_2425 : i32 to index
      %get3A_2427 = arith.constant 48 : index
      %get3A_2428 = tpu.vector_load %arg7[%get3A_2426, %get3A_2427] {strides = array<i32>} : memref<100x64xf32, #tpu.memory_space<vmem>>, vector<1x16xf32>,
      %get3A_2429 = vector.shape_cast %get3A_2428 : vector<1x16xf32> to vector<16xf32>
      %add3A_2430 = arith.addf %add3A_2406, %get3A_2429 : vector<16xf32>
      %get3A_2431 = arith.constant 97 : i32
      %get3A_2432 = arith.index_cast %get3A_2431 : i32 to index
      %get3A_2433 = arith.constant 0 : index
      %get3A_2434 = tpu.vector_load %arg7[%get3A_2432, %get3A_2433] {strides = array<i32>} : memref<100x64xf32, #tpu.memory_space<vmem>>, vector<1x16xf32>,
      %get3A_2435 = vector.shape_cast %get3A_2434 : vector<1x16xf32> to vector<16xf32>
      %add3A_2436 = arith.addf %add3A_2412, %get3A_2435 : vector<16xf32>
      %get3A_2437 = arith.constant 97 : i32
      %get3A_2438 = arith.index_cast %get3A_2437 : i32 to index
      %get3A_2439 = arith.constant 16 : index
      %get3A_2440 = tpu.vector_load %arg7[%get3A_2438, %get3A_2439] {strides = array<i32>} : memref<100x64xf32, #tpu.memory_space<vmem>>, vector<1x16xf32>,
      %get3A_2441 = vector.shape_cast %get3A_2440 : vector<1x16xf32> to vector<16xf32>
      %add3A_2442 = arith.addf %add3A_2418, %get3A_2441 : vector<16xf32>
      %get3A_2443 = arith.constant 97 : i32
      %get3A_2444 = arith.index_cast %get3A_2443 : i32 to index
      %get3A_2445 = arith.constant 32 : index
      %get3A_2446 = tpu.vector_load %arg7[%get3A_2444, %get3A_2445] {strides = array<i32>} : memref<100x64xf32, #tpu.memory_space<vmem>>, vector<1x16xf32>,
      %get3A_2447 = vector.shape_cast %get3A_2446 : vector<1x16xf32> to vector<16xf32>
      %add3A_2448 = arith.addf %add3A_2424, %get3A_2447 : vector<16xf32>
      %get3A_2449 = arith.constant 97 : i32
      %get3A_2450 = arith.index_cast %get3A_2449 : i32 to index
      %get3A_2451 = arith.constant 48 : index
      %get3A_2452 = tpu.vector_load %arg7[%get3A_2450, %get3A_2451] {strides = array<i32>} : memref<100x64xf32, #tpu.memory_space<vmem>>, vector<1x16xf32>,
      %get3A_2453 = vector.shape_cast %get3A_2452 : vector<1x16xf32> to vector<16xf32>
      %add3A_2454 = arith.addf %add3A_2430, %get3A_2453 : vector<16xf32>
      %get3A_2455 = arith.constant 98 : i32
      %get3A_2456 = arith.index_cast %get3A_2455 : i32 to index
      %get3A_2457 = arith.constant 0 : index
      %get3A_2458 = tpu.vector_load %arg7[%get3A_2456, %get3A_2457] {strides = array<i32>} : memref<100x64xf32, #tpu.memory_space<vmem>>, vector<1x16xf32>,
      %get3A_2459 = vector.shape_cast %get3A_2458 : vector<1x16xf32> to vector<16xf32>
      %add3A_2460 = arith.addf %add3A_2436, %get3A_2459 : vector<16xf32>
      %get3A_2461 = arith.constant 98 : i32
      %get3A_2462 = arith.index_cast %get3A_2461 : i32 to index
      %get3A_2463 = arith.constant 16 : index
      %get3A_2464 = tpu.vector_load %arg7[%get3A_2462, %get3A_2463] {strides = array<i32>} : memref<100x64xf32, #tpu.memory_space<vmem>>, vector<1x16xf32>,
      %get3A_2465 = vector.shape_cast %get3A_2464 : vector<1x16xf32> to vector<16xf32>
      %add3A_2466 = arith.addf %add3A_2442, %get3A_2465 : vector<16xf32>
      %get3A_2467 = arith.constant 98 : i32
      %get3A_2468 = arith.index_cast %get3A_2467 : i32 to index
      %get3A_2469 = arith.constant 32 : index
      %get3A_2470 = tpu.vector_load %arg7[%get3A_2468, %get3A_2469] {strides = array<i32>} : memref<100x64xf32, #tpu.memory_space<vmem>>, vector<1x16xf32>,
      %get3A_2471 = vector.shape_cast %get3A_2470 : vector<1x16xf32> to vector<16xf32>
      %add3A_2472 = arith.addf %add3A_2448, %get3A_2471 : vector<16xf32>
      %get3A_2473 = arith.constant 98 : i32
      %get3A_2474 = arith.index_cast %get3A_2473 : i32 to index
      %get3A_2475 = arith.constant 48 : index
      %get3A_2476 = tpu.vector_load %arg7[%get3A_2474, %get3A_2475] {strides = array<i32>} : memref<100x64xf32, #tpu.memory_space<vmem>>, vector<1x16xf32>,
      %get3A_2477 = vector.shape_cast %get3A_2476 : vector<1x16xf32> to vector<16xf32>
      %add3A_2478 = arith.addf %add3A_2454, %get3A_2477 : vector<16xf32>
      %get3A_2479 = arith.constant 99 : i32
      %get3A_2480 = arith.index_cast %get3A_2479 : i32 to index
      %get3A_2481 = arith.constant 0 : index
      %get3A_2482 = tpu.vector_load %arg7[%get3A_2480, %get3A_2481] {strides = array<i32>} : memref<100x64xf32, #tpu.memory_space<vmem>>, vector<1x16xf32>,
      %get3A_2483 = vector.shape_cast %get3A_2482 : vector<1x16xf32> to vector<16xf32>
      %add3A_2484 = arith.addf %add3A_2460, %get3A_2483 : vector<16xf32>
      %get3A_2485 = arith.constant 99 : i32
      %get3A_2486 = arith.index_cast %get3A_2485 : i32 to index
      %get3A_2487 = arith.constant 16 : index
      %get3A_2488 = tpu.vector_load %arg7[%get3A_2486, %get3A_2487] {strides = array<i32>} : memref<100x64xf32, #tpu.memory_space<vmem>>, vector<1x16xf32>,
      %get3A_2489 = vector.shape_cast %get3A_2488 : vector<1x16xf32> to vector<16xf32>
      %add3A_2490 = arith.addf %add3A_2466, %get3A_2489 : vector<16xf32>
      %get3A_2491 = arith.constant 99 : i32
      %get3A_2492 = arith.index_cast %get3A_2491 : i32 to index
      %get3A_2493 = arith.constant 32 : index
      %get3A_2494 = tpu.vector_load %arg7[%get3A_2492, %get3A_2493] {strides = array<i32>} : memref<100x64xf32, #tpu.memory_space<vmem>>, vector<1x16xf32>,
      %get3A_2495 = vector.shape_cast %get3A_2494 : vector<1x16xf32> to vector<16xf32>
      %add3A_2496 = arith.addf %add3A_2472, %get3A_2495 : vector<16xf32>
      %get3A_2497 = arith.constant 99 : i32
      %get3A_2498 = arith.index_cast %get3A_2497 : i32 to index
      %get3A_2499 = arith.constant 48 : index
      %get3A_2500 = tpu.vector_load %arg7[%get3A_2498, %get3A_2499] {strides = array<i32>} : memref<100x64xf32, #tpu.memory_space<vmem>>, vector<1x16xf32>,
      %get3A_2501 = vector.shape_cast %get3A_2500 : vector<1x16xf32> to vector<16xf32>
      %add3A_2502 = arith.addf %add3A_2478, %get3A_2501 : vector<16xf32>
      %jit3A_2503 = arith.constant 16 : i32
      %div3A_2504 = arith.divsi %add3A_1306, %jit3A_2503 : i32
      %sign3A_2505 = arith.constant 0 : i32
      %sign3A_2506 = arith.cmpi sgt, %add3A_1306, %sign3A_2505 : i32
      %sign3A_2507 = arith.extui %sign3A_2506 : i1 to i32
      %sign3A_2508 = arith.constant 0 : i32
      %sign3A_2509 = arith.cmpi slt, %add3A_1306, %sign3A_2508 : i32
      %sign3A_2510 = arith.extui %sign3A_2509 : i1 to i32
      %sign3A_2511 = arith.subi %sign3A_2507, %sign3A_2510 : i32
      %sign3A_2512 = arith.constant 0 : i32
      %sign3A_2513 = arith.cmpi sgt, %jit3A_2503, %sign3A_2512 : i32
      %sign3A_2514 = arith.extui %sign3A_2513 : i1 to i32
      %sign3A_2515 = arith.constant 0 : i32
      %sign3A_2516 = arith.cmpi slt, %jit3A_2503, %sign3A_2515 : i32
      %sign3A_2517 = arith.extui %sign3A_2516 : i1 to i32
      %sign3A_2518 = arith.subi %sign3A_2514, %sign3A_2517 : i32
      %ne3A_2519 = arith.cmpi ne, %sign3A_2511, %sign3A_2518 : i32
      %rem3A_2520 = arith.remsi %add3A_1306, %jit3A_2503 : i32
      %ne3A_2521 = arith.constant 0 : i32
      %ne3A_2522 = arith.cmpi ne, %rem3A_2520, %ne3A_2521 : i32
      %and3A_2523 = arith.andi %ne3A_2519, %ne3A_2522 : i1
      %sub3A_2524 = arith.constant 1 : i32
      %sub3A_2525 = arith.subi %div3A_2504, %sub3A_2524 : i32
      %select_n3A_2526 = arith.select %and3A_2523, %sub3A_2525, %div3A_2504 : i32
      %mul3A_2527 = arith.constant 16 : i32
      %mul3A_2528 = arith.muli %select_n3A_2526, %mul3A_2527 : i32
      %get3A_2529 = arith.index_cast %mul3A_2528 : i32 to index
      %get3A_2530 = tpu.vector_load %arg10[%get3A_2529] {strides = array<i32>} : memref<128xi32, #tpu.memory_space<vmem>>, vector<16xi32>,
      %get3A_2531 = vector.shape_cast %get3A_2530 : vector<16xi32> to vector<16xi32>
      %jit3A_2532 = arith.constant 16 : i32
      %eq3A_2533 = arith.constant 0 : i32
      %eq3A_2534 = arith.cmpi eq, %jit3A_2532, %eq3A_2533 : i32
      %jit3A_2535 = arith.constant 1 : i32
      %select_n3A_2536 = arith.select %eq3A_2534, %jit3A_2535, %jit3A_2532 : i32
      %rem3A_2537 = arith.remsi %add3A_1306, %select_n3A_2536 : i32
      %ne3A_2538 = arith.constant 0 : i32
      %ne3A_2539 = arith.cmpi ne, %rem3A_2537, %ne3A_2538 : i32
      %lt3A_2540 = arith.constant 0 : i32
      %lt3A_2541 = arith.cmpi slt, %rem3A_2537, %lt3A_2540 : i32
      %lt3A_2542 = arith.constant 0 : i32
      %lt3A_2543 = arith.cmpi slt, %select_n3A_2536, %lt3A_2542 : i32
      %ne3A_2544 = arith.xori %lt3A_2541, %lt3A_2543 : i1
      %and3A_2545 = arith.andi %ne3A_2544, %ne3A_2539 : i1
      %add3A_2546 = arith.addi %rem3A_2537, %select_n3A_2536 : i32
      %select_n3A_2547 = arith.select %and3A_2545, %add3A_2546, %rem3A_2537 : i32
      %broadcast_in_dim3A_2548 = vector.broadcast %select_n3A_2547 : i32 to vector<16xi32>
      %lt3A_2549 = arith.constant 0 : i32
      %lt3A_2550 = vector.broadcast %lt3A_2549 : i32 to vector<16xi32>
      %lt3A_2551 = arith.cmpi slt, %broadcast_in_dim3A_2548, %lt3A_2550 : vector<16xi32>
      %add3A_2552 = arith.constant 16 : i32
      %add3A_2553 = vector.broadcast %add3A_2552 : i32 to vector<16xi32>
      %add3A_2554 = arith.addi %broadcast_in_dim3A_2548, %add3A_2553 : vector<16xi32>
      %select_n3A_2555 = arith.select %lt3A_2551, %add3A_2554, %broadcast_in_dim3A_2548 : vector<16xi1>, vector<16xi32>
      %broadcast_in_dim3A_2556 = vector.shape_cast %select_n3A_2555 : vector<16xi32> to vector<16x1xi32>
      %gather3A_2557 = vector.shape_cast %broadcast_in_dim3A_2556 : vector<16x1xi32> to vector<16xi32>
      %gather3A_2558 = tpu.dynamic_gather %get3A_2531[%gather3A_2557] in [0] : vector<16xi32>, vector<16xi32> -> vector<16xi32>
      %convert_element_type3A_2559 = arith.sitofp %gather3A_2558 : vector<16xi32> to vector<16xf32>
      %div3A_2560 = arith.constant 1.000000e+00 : f32
      %div3A_2561 = vector.broadcast %div3A_2560 : f32 to vector<16xf32>
      %div3A_2562 = arith.divf %div3A_2561, %convert_element_type3A_2559 : vector<16xf32>
      %mul3A_2563 = arith.mulf %add3A_2484, %div3A_2562 : vector<16xf32>
      %swap3A_2564 = arith.index_cast %add3A_1306 : i32 to index
      %swap3A_2565 = arith.constant 0 : index
      %swap3A_2566 = tpu.vector_load %arg9[%swap3A_2564, %swap3A_2565] {strides = array<i32>} : memref<128x64xf32, #tpu.memory_space<vmem>>, vector<1x16xf32>,
      %swap3A_2567 = vector.shape_cast %swap3A_2566 : vector<1x16xf32> to vector<16xf32>
      %swap3A_2568 = vector.shape_cast %mul3A_2563 : vector<16xf32> to vector<1x16xf32>
      tpu.vector_store %arg9[%swap3A_2564, %swap3A_2565], %swap3A_2568 {strides = array<i32>} : memref<128x64xf32, #tpu.memory_space<vmem>>, vector<1x16xf32>,
      %mul3A_2569 = arith.mulf %add3A_2490, %div3A_2562 : vector<16xf32>
      %swap3A_2570 = arith.index_cast %add3A_1306 : i32 to index
      %swap3A_2571 = arith.constant 16 : index
      %swap3A_2572 = tpu.vector_load %arg9[%swap3A_2570, %swap3A_2571] {strides = array<i32>} : memref<128x64xf32, #tpu.memory_space<vmem>>, vector<1x16xf32>,
      %swap3A_2573 = vector.shape_cast %swap3A_2572 : vector<1x16xf32> to vector<16xf32>
      %swap3A_2574 = vector.shape_cast %mul3A_2569 : vector<16xf32> to vector<1x16xf32>
      tpu.vector_store %arg9[%swap3A_2570, %swap3A_2571], %swap3A_2574 {strides = array<i32>} : memref<128x64xf32, #tpu.memory_space<vmem>>, vector<1x16xf32>,
      %mul3A_2575 = arith.mulf %add3A_2496, %div3A_2562 : vector<16xf32>
      %swap3A_2576 = arith.index_cast %add3A_1306 : i32 to index
      %swap3A_2577 = arith.constant 32 : index
      %swap3A_2578 = tpu.vector_load %arg9[%swap3A_2576, %swap3A_2577] {strides = array<i32>} : memref<128x64xf32, #tpu.memory_space<vmem>>, vector<1x16xf32>,
      %swap3A_2579 = vector.shape_cast %swap3A_2578 : vector<1x16xf32> to vector<16xf32>
      %swap3A_2580 = vector.shape_cast %mul3A_2575 : vector<16xf32> to vector<1x16xf32>
      tpu.vector_store %arg9[%swap3A_2576, %swap3A_2577], %swap3A_2580 {strides = array<i32>} : memref<128x64xf32, #tpu.memory_space<vmem>>, vector<1x16xf32>,
      %mul3A_2581 = arith.mulf %add3A_2502, %div3A_2562 : vector<16xf32>
      %swap3A_2582 = arith.index_cast %add3A_1306 : i32 to index
      %swap3A_2583 = arith.constant 48 : index
      %swap3A_2584 = tpu.vector_load %arg9[%swap3A_2582, %swap3A_2583] {strides = array<i32>} : memref<128x64xf32, #tpu.memory_space<vmem>>, vector<1x16xf32>,
      %swap3A_2585 = vector.shape_cast %swap3A_2584 : vector<1x16xf32> to vector<16xf32>
      %swap3A_2586 = vector.shape_cast %mul3A_2581 : vector<16xf32> to vector<1x16xf32>
      tpu.vector_store %arg9[%swap3A_2582, %swap3A_2583], %swap3A_2586 {strides = array<i32>} : memref<128x64xf32, #tpu.memory_space<vmem>>, vector<1x16xf32>,
      %add3A_2587 = arith.constant 2 : i32
      %add3A_2588 = arith.addi %add3A_28, %add3A_2587 : i32
      %lt3A_2589 = arith.constant 64 : i32
      %lt3A_2590 = arith.cmpi slt, %add3A_2588, %lt3A_2589 : i32
      %convert_element_type3A_2591 = arith.extui %lt3A_2590 : i1 to i32
      %cond3A = arith.constant 0 : i32
      %cond3A_2592 = arith.cmpi ne, %convert_element_type3A_2591, %cond3A : i32
      scf.if %cond3A_2592 {
        %add3A_5176 = arith.constant 2 : i32
        %add3A_5177 = arith.addi %add3A_28, %add3A_5176 : i32
        %dma_start3A_5178 = arith.constant 0 : i32
        %dma_start3A_5179 = tpu.memref_slice %arg6[%add3A_5177, %dma_start3A_5178] : memref<64x100xi32, #tpu.memory_space<vmem>> -> memref<1x100xi32, #tpu.memory_space<vmem>>
        %dma_start3A_5180 = tpu.memref_squeeze %dma_start3A_5179 : memref<1x100xi32, #tpu.memory_space<vmem>> -> memref<100xi32, #tpu.memory_space<vmem>>
        %dma_start3A_5181 = arith.constant 0 : i32
        %dma_start3A_5182 = arith.constant 0 : i32
        %dma_start3A_5183 = tpu.memref_slice %arg4[%dma_start3A_5181, %dma_start3A_5182] : memref<100000x64xf32, #tpu.memory_space<hbm>> -> memref<100000x64xf32, #tpu.memory_space<hbm>>
        tpu.enqueue_indirect_dma source(%dma_start3A_5183 : memref<100000x64xf32, #tpu.memory_space<hbm>>) target(%arg7 : memref<100x64xf32, #tpu.memory_space<vmem>>) offsets(%dma_start3A_5180 : memref<100xi32, #tpu.memory_space<vmem>>) semaphore(%arg11 : memref<!tpu.dma_semaphore, #tpu.memory_space<semaphore_mem>>)
      } else {
      }
      %add3A_2593 = arith.constant 1 : i32
      %add3A_2594 = arith.addi %add3A_26, %add3A_2593 : i32
      %dma_wait3A_2595 = arith.constant 0 : i32
      %dma_wait3A_2596 = tpu.memref_slice %arg6[%add3A_2594, %dma_wait3A_2595] : memref<64x100xi32, #tpu.memory_space<vmem>> -> memref<1x100xi32, #tpu.memory_space<vmem>>
      %dma_wait3A_2597 = tpu.memref_squeeze %dma_wait3A_2596 : memref<1x100xi32, #tpu.memory_space<vmem>> -> memref<100xi32, #tpu.memory_space<vmem>>
      %dma_wait3A_2598 = arith.constant 0 : i32
      %dma_wait3A_2599 = arith.constant 0 : i32
      %dma_wait3A_2600 = tpu.memref_slice %arg4[%dma_wait3A_2598, %dma_wait3A_2599] : memref<100000x64xf32, #tpu.memory_space<hbm>> -> memref<100000x64xf32, #tpu.memory_space<hbm>>
      tpu.wait_indirect_dma semaphore(%arg12 : memref<!tpu.dma_semaphore, #tpu.memory_space<semaphore_mem>>) src(%dma_wait3A_2600 : memref<100000x64xf32, #tpu.memory_space<hbm>>) dst(%arg8 : memref<100x64xf32, #tpu.memory_space<vmem>>)
      %mul3A_2601 = arith.constant 2 : i32
      %mul3A_2602 = arith.muli %mul3A_2601, %add3A_2594 : i32
      %add3A_2603 = arith.constant 0 : i32
      %add3A_2604 = arith.addi %mul3A_2602, %add3A_2603 : i32
      %get3A_2605 = arith.constant 0 : i32
      %get3A_2606 = arith.index_cast %get3A_2605 : i32 to index
      %get3A_2607 = arith.constant 0 : index
      %get3A_2608 = tpu.vector_load %arg8[%get3A_2606, %get3A_2607] {strides = array<i32>} : memref<100x64xf32, #tpu.memory_space<vmem>>, vector<1x16xf32>,
      %get3A_2609 = vector.shape_cast %get3A_2608 : vector<1x16xf32> to vector<16xf32>
      %get3A_2610 = arith.constant 0 : i32
      %get3A_2611 = arith.index_cast %get3A_2610 : i32 to index
      %get3A_2612 = arith.constant 16 : index
      %get3A_2613 = tpu.vector_load %arg8[%get3A_2611, %get3A_2612] {strides = array<i32>} : memref<100x64xf32, #tpu.memory_space<vmem>>, vector<1x16xf32>,
      %get3A_2614 = vector.shape_cast %get3A_2613 : vector<1x16xf32> to vector<16xf32>
      %get3A_2615 = arith.constant 0 : i32
      %get3A_2616 = arith.index_cast %get3A_2615 : i32 to index
      %get3A_2617 = arith.constant 32 : index
      %get3A_2618 = tpu.vector_load %arg8[%get3A_2616, %get3A_2617] {strides = array<i32>} : memref<100x64xf32, #tpu.memory_space<vmem>>, vector<1x16xf32>,
      %get3A_2619 = vector.shape_cast %get3A_2618 : vector<1x16xf32> to vector<16xf32>
      %get3A_2620 = arith.constant 0 : i32
      %get3A_2621 = arith.index_cast %get3A_2620 : i32 to index
      %get3A_2622 = arith.constant 48 : index
      %get3A_2623 = tpu.vector_load %arg8[%get3A_2621, %get3A_2622] {strides = array<i32>} : memref<100x64xf32, #tpu.memory_space<vmem>>, vector<1x16xf32>,
      %get3A_2624 = vector.shape_cast %get3A_2623 : vector<1x16xf32> to vector<16xf32>
      %get3A_2625 = arith.constant 1 : i32
      %get3A_2626 = arith.index_cast %get3A_2625 : i32 to index
      %get3A_2627 = arith.constant 0 : index
      %get3A_2628 = tpu.vector_load %arg8[%get3A_2626, %get3A_2627] {strides = array<i32>} : memref<100x64xf32, #tpu.memory_space<vmem>>, vector<1x16xf32>,
      %get3A_2629 = vector.shape_cast %get3A_2628 : vector<1x16xf32> to vector<16xf32>
      %add3A_2630 = arith.addf %get3A_2609, %get3A_2629 : vector<16xf32>
      %get3A_2631 = arith.constant 1 : i32
      %get3A_2632 = arith.index_cast %get3A_2631 : i32 to index
      %get3A_2633 = arith.constant 16 : index
      %get3A_2634 = tpu.vector_load %arg8[%get3A_2632, %get3A_2633] {strides = array<i32>} : memref<100x64xf32, #tpu.memory_space<vmem>>, vector<1x16xf32>,
      %get3A_2635 = vector.shape_cast %get3A_2634 : vector<1x16xf32> to vector<16xf32>
      %add3A_2636 = arith.addf %get3A_2614, %get3A_2635 : vector<16xf32>
      %get3A_2637 = arith.constant 1 : i32
      %get3A_2638 = arith.index_cast %get3A_2637 : i32 to index
      %get3A_2639 = arith.constant 32 : index
      %get3A_2640 = tpu.vector_load %arg8[%get3A_2638, %get3A_2639] {strides = array<i32>} : memref<100x64xf32, #tpu.memory_space<vmem>>, vector<1x16xf32>,
      %get3A_2641 = vector.shape_cast %get3A_2640 : vector<1x16xf32> to vector<16xf32>
      %add3A_2642 = arith.addf %get3A_2619, %get3A_2641 : vector<16xf32>
      %get3A_2643 = arith.constant 1 : i32
      %get3A_2644 = arith.index_cast %get3A_2643 : i32 to index
      %get3A_2645 = arith.constant 48 : index
      %get3A_2646 = tpu.vector_load %arg8[%get3A_2644, %get3A_2645] {strides = array<i32>} : memref<100x64xf32, #tpu.memory_space<vmem>>, vector<1x16xf32>,
      %get3A_2647 = vector.shape_cast %get3A_2646 : vector<1x16xf32> to vector<16xf32>
      %add3A_2648 = arith.addf %get3A_2624, %get3A_2647 : vector<16xf32>
      %get3A_2649 = arith.constant 2 : i32
      %get3A_2650 = arith.index_cast %get3A_2649 : i32 to index
      %get3A_2651 = arith.constant 0 : index
      %get3A_2652 = tpu.vector_load %arg8[%get3A_2650, %get3A_2651] {strides = array<i32>} : memref<100x64xf32, #tpu.memory_space<vmem>>, vector<1x16xf32>,
      %get3A_2653 = vector.shape_cast %get3A_2652 : vector<1x16xf32> to vector<16xf32>
      %add3A_2654 = arith.addf %add3A_2630, %get3A_2653 : vector<16xf32>
      %get3A_2655 = arith.constant 2 : i32
      %get3A_2656 = arith.index_cast %get3A_2655 : i32 to index
      %get3A_2657 = arith.constant 16 : index
      %get3A_2658 = tpu.vector_load %arg8[%get3A_2656, %get3A_2657] {strides = array<i32>} : memref<100x64xf32, #tpu.memory_space<vmem>>, vector<1x16xf32>,
      %get3A_2659 = vector.shape_cast %get3A_2658 : vector<1x16xf32> to vector<16xf32>
      %add3A_2660 = arith.addf %add3A_2636, %get3A_2659 : vector<16xf32>
      %get3A_2661 = arith.constant 2 : i32
      %get3A_2662 = arith.index_cast %get3A_2661 : i32 to index
      %get3A_2663 = arith.constant 32 : index
      %get3A_2664 = tpu.vector_load %arg8[%get3A_2662, %get3A_2663] {strides = array<i32>} : memref<100x64xf32, #tpu.memory_space<vmem>>, vector<1x16xf32>,
      %get3A_2665 = vector.shape_cast %get3A_2664 : vector<1x16xf32> to vector<16xf32>
      %add3A_2666 = arith.addf %add3A_2642, %get3A_2665 : vector<16xf32>
      %get3A_2667 = arith.constant 2 : i32
      %get3A_2668 = arith.index_cast %get3A_2667 : i32 to index
      %get3A_2669 = arith.constant 48 : index
      %get3A_2670 = tpu.vector_load %arg8[%get3A_2668, %get3A_2669] {strides = array<i32>} : memref<100x64xf32, #tpu.memory_space<vmem>>, vector<1x16xf32>,
      %get3A_2671 = vector.shape_cast %get3A_2670 : vector<1x16xf32> to vector<16xf32>
      %add3A_2672 = arith.addf %add3A_2648, %get3A_2671 : vector<16xf32>
      %get3A_2673 = arith.constant 3 : i32
      %get3A_2674 = arith.index_cast %get3A_2673 : i32 to index
      %get3A_2675 = arith.constant 0 : index
      %get3A_2676 = tpu.vector_load %arg8[%get3A_2674, %get3A_2675] {strides = array<i32>} : memref<100x64xf32, #tpu.memory_space<vmem>>, vector<1x16xf32>,
      %get3A_2677 = vector.shape_cast %get3A_2676 : vector<1x16xf32> to vector<16xf32>
      %add3A_2678 = arith.addf %add3A_2654, %get3A_2677 : vector<16xf32>
      %get3A_2679 = arith.constant 3 : i32
      %get3A_2680 = arith.index_cast %get3A_2679 : i32 to index
      %get3A_2681 = arith.constant 16 : index
      %get3A_2682 = tpu.vector_load %arg8[%get3A_2680, %get3A_2681] {strides = array<i32>} : memref<100x64xf32, #tpu.memory_space<vmem>>, vector<1x16xf32>,
      %get3A_2683 = vector.shape_cast %get3A_2682 : vector<1x16xf32> to vector<16xf32>
      %add3A_2684 = arith.addf %add3A_2660, %get3A_2683 : vector<16xf32>
      %get3A_2685 = arith.constant 3 : i32
      %get3A_2686 = arith.index_cast %get3A_2685 : i32 to index
      %get3A_2687 = arith.constant 32 : index
      %get3A_2688 = tpu.vector_load %arg8[%get3A_2686, %get3A_2687] {strides = array<i32>} : memref<100x64xf32, #tpu.memory_space<vmem>>, vector<1x16xf32>,
      %get3A_2689 = vector.shape_cast %get3A_2688 : vector<1x16xf32> to vector<16xf32>
      %add3A_2690 = arith.addf %add3A_2666, %get3A_2689 : vector<16xf32>
      %get3A_2691 = arith.constant 3 : i32
      %get3A_2692 = arith.index_cast %get3A_2691 : i32 to index
      %get3A_2693 = arith.constant 48 : index
      %get3A_2694 = tpu.vector_load %arg8[%get3A_2692, %get3A_2693] {strides = array<i32>} : memref<100x64xf32, #tpu.memory_space<vmem>>, vector<1x16xf32>,
      %get3A_2695 = vector.shape_cast %get3A_2694 : vector<1x16xf32> to vector<16xf32>
      %add3A_2696 = arith.addf %add3A_2672, %get3A_2695 : vector<16xf32>
      %get3A_2697 = arith.constant 4 : i32
      %get3A_2698 = arith.index_cast %get3A_2697 : i32 to index
      %get3A_2699 = arith.constant 0 : index
      %get3A_2700 = tpu.vector_load %arg8[%get3A_2698, %get3A_2699] {strides = array<i32>} : memref<100x64xf32, #tpu.memory_space<vmem>>, vector<1x16xf32>,
      %get3A_2701 = vector.shape_cast %get3A_2700 : vector<1x16xf32> to vector<16xf32>
      %add3A_2702 = arith.addf %add3A_2678, %get3A_2701 : vector<16xf32>
      %get3A_2703 = arith.constant 4 : i32
      %get3A_2704 = arith.index_cast %get3A_2703 : i32 to index
      %get3A_2705 = arith.constant 16 : index
      %get3A_2706 = tpu.vector_load %arg8[%get3A_2704, %get3A_2705] {strides = array<i32>} : memref<100x64xf32, #tpu.memory_space<vmem>>, vector<1x16xf32>,
      %get3A_2707 = vector.shape_cast %get3A_2706 : vector<1x16xf32> to vector<16xf32>
      %add3A_2708 = arith.addf %add3A_2684, %get3A_2707 : vector<16xf32>
      %get3A_2709 = arith.constant 4 : i32
      %get3A_2710 = arith.index_cast %get3A_2709 : i32 to index
      %get3A_2711 = arith.constant 32 : index
      %get3A_2712 = tpu.vector_load %arg8[%get3A_2710, %get3A_2711] {strides = array<i32>} : memref<100x64xf32, #tpu.memory_space<vmem>>, vector<1x16xf32>,
      %get3A_2713 = vector.shape_cast %get3A_2712 : vector<1x16xf32> to vector<16xf32>
      %add3A_2714 = arith.addf %add3A_2690, %get3A_2713 : vector<16xf32>
      %get3A_2715 = arith.constant 4 : i32
      %get3A_2716 = arith.index_cast %get3A_2715 : i32 to index
      %get3A_2717 = arith.constant 48 : index
      %get3A_2718 = tpu.vector_load %arg8[%get3A_2716, %get3A_2717] {strides = array<i32>} : memref<100x64xf32, #tpu.memory_space<vmem>>, vector<1x16xf32>,
      %get3A_2719 = vector.shape_cast %get3A_2718 : vector<1x16xf32> to vector<16xf32>
      %add3A_2720 = arith.addf %add3A_2696, %get3A_2719 : vector<16xf32>
      %get3A_2721 = arith.constant 5 : i32
      %get3A_2722 = arith.index_cast %get3A_2721 : i32 to index
      %get3A_2723 = arith.constant 0 : index
      %get3A_2724 = tpu.vector_load %arg8[%get3A_2722, %get3A_2723] {strides = array<i32>} : memref<100x64xf32, #tpu.memory_space<vmem>>, vector<1x16xf32>,
      %get3A_2725 = vector.shape_cast %get3A_2724 : vector<1x16xf32> to vector<16xf32>
      %add3A_2726 = arith.addf %add3A_2702, %get3A_2725 : vector<16xf32>
      %get3A_2727 = arith.constant 5 : i32
      %get3A_2728 = arith.index_cast %get3A_2727 : i32 to index
      %get3A_2729 = arith.constant 16 : index
      %get3A_2730 = tpu.vector_load %arg8[%get3A_2728, %get3A_2729] {strides = array<i32>} : memref<100x64xf32, #tpu.memory_space<vmem>>, vector<1x16xf32>,
      %get3A_2731 = vector.shape_cast %get3A_2730 : vector<1x16xf32> to vector<16xf32>
      %add3A_2732 = arith.addf %add3A_2708, %get3A_2731 : vector<16xf32>
      %get3A_2733 = arith.constant 5 : i32
      %get3A_2734 = arith.index_cast %get3A_2733 : i32 to index
      %get3A_2735 = arith.constant 32 : index
      %get3A_2736 = tpu.vector_load %arg8[%get3A_2734, %get3A_2735] {strides = array<i32>} : memref<100x64xf32, #tpu.memory_space<vmem>>, vector<1x16xf32>,
      %get3A_2737 = vector.shape_cast %get3A_2736 : vector<1x16xf32> to vector<16xf32>
      %add3A_2738 = arith.addf %add3A_2714, %get3A_2737 : vector<16xf32>
      %get3A_2739 = arith.constant 5 : i32
      %get3A_2740 = arith.index_cast %get3A_2739 : i32 to index
      %get3A_2741 = arith.constant 48 : index
      %get3A_2742 = tpu.vector_load %arg8[%get3A_2740, %get3A_2741] {strides = array<i32>} : memref<100x64xf32, #tpu.memory_space<vmem>>, vector<1x16xf32>,
      %get3A_2743 = vector.shape_cast %get3A_2742 : vector<1x16xf32> to vector<16xf32>
      %add3A_2744 = arith.addf %add3A_2720, %get3A_2743 : vector<16xf32>
      %get3A_2745 = arith.constant 6 : i32
      %get3A_2746 = arith.index_cast %get3A_2745 : i32 to index
      %get3A_2747 = arith.constant 0 : index
      %get3A_2748 = tpu.vector_load %arg8[%get3A_2746, %get3A_2747] {strides = array<i32>} : memref<100x64xf32, #tpu.memory_space<vmem>>, vector<1x16xf32>,
      %get3A_2749 = vector.shape_cast %get3A_2748 : vector<1x16xf32> to vector<16xf32>
      %add3A_2750 = arith.addf %add3A_2726, %get3A_2749 : vector<16xf32>
      %get3A_2751 = arith.constant 6 : i32
      %get3A_2752 = arith.index_cast %get3A_2751 : i32 to index
      %get3A_2753 = arith.constant 16 : index
      %get3A_2754 = tpu.vector_load %arg8[%get3A_2752, %get3A_2753] {strides = array<i32>} : memref<100x64xf32, #tpu.memory_space<vmem>>, vector<1x16xf32>,
      %get3A_2755 = vector.shape_cast %get3A_2754 : vector<1x16xf32> to vector<16xf32>
      %add3A_2756 = arith.addf %add3A_2732, %get3A_2755 : vector<16xf32>
      %get3A_2757 = arith.constant 6 : i32
      %get3A_2758 = arith.index_cast %get3A_2757 : i32 to index
      %get3A_2759 = arith.constant 32 : index
      %get3A_2760 = tpu.vector_load %arg8[%get3A_2758, %get3A_2759] {strides = array<i32>} : memref<100x64xf32, #tpu.memory_space<vmem>>, vector<1x16xf32>,
      %get3A_2761 = vector.shape_cast %get3A_2760 : vector<1x16xf32> to vector<16xf32>
      %add3A_2762 = arith.addf %add3A_2738, %get3A_2761 : vector<16xf32>
      %get3A_2763 = arith.constant 6 : i32
      %get3A_2764 = arith.index_cast %get3A_2763 : i32 to index
      %get3A_2765 = arith.constant 48 : index
      %get3A_2766 = tpu.vector_load %arg8[%get3A_2764, %get3A_2765] {strides = array<i32>} : memref<100x64xf32, #tpu.memory_space<vmem>>, vector<1x16xf32>,
      %get3A_2767 = vector.shape_cast %get3A_2766 : vector<1x16xf32> to vector<16xf32>
      %add3A_2768 = arith.addf %add3A_2744, %get3A_2767 : vector<16xf32>
      %get3A_2769 = arith.constant 7 : i32
      %get3A_2770 = arith.index_cast %get3A_2769 : i32 to index
      %get3A_2771 = arith.constant 0 : index
      %get3A_2772 = tpu.vector_load %arg8[%get3A_2770, %get3A_2771] {strides = array<i32>} : memref<100x64xf32, #tpu.memory_space<vmem>>, vector<1x16xf32>,
      %get3A_2773 = vector.shape_cast %get3A_2772 : vector<1x16xf32> to vector<16xf32>
      %add3A_2774 = arith.addf %add3A_2750, %get3A_2773 : vector<16xf32>
      %get3A_2775 = arith.constant 7 : i32
      %get3A_2776 = arith.index_cast %get3A_2775 : i32 to index
      %get3A_2777 = arith.constant 16 : index
      %get3A_2778 = tpu.vector_load %arg8[%get3A_2776, %get3A_2777] {strides = array<i32>} : memref<100x64xf32, #tpu.memory_space<vmem>>, vector<1x16xf32>,
      %get3A_2779 = vector.shape_cast %get3A_2778 : vector<1x16xf32> to vector<16xf32>
      %add3A_2780 = arith.addf %add3A_2756, %get3A_2779 : vector<16xf32>
      %get3A_2781 = arith.constant 7 : i32
      %get3A_2782 = arith.index_cast %get3A_2781 : i32 to index
      %get3A_2783 = arith.constant 32 : index
      %get3A_2784 = tpu.vector_load %arg8[%get3A_2782, %get3A_2783] {strides = array<i32>} : memref<100x64xf32, #tpu.memory_space<vmem>>, vector<1x16xf32>,
      %get3A_2785 = vector.shape_cast %get3A_2784 : vector<1x16xf32> to vector<16xf32>
      %add3A_2786 = arith.addf %add3A_2762, %get3A_2785 : vector<16xf32>
      %get3A_2787 = arith.constant 7 : i32
      %get3A_2788 = arith.index_cast %get3A_2787 : i32 to index
      %get3A_2789 = arith.constant 48 : index
      %get3A_2790 = tpu.vector_load %arg8[%get3A_2788, %get3A_2789] {strides = array<i32>} : memref<100x64xf32, #tpu.memory_space<vmem>>, vector<1x16xf32>,
      %get3A_2791 = vector.shape_cast %get3A_2790 : vector<1x16xf32> to vector<16xf32>
      %add3A_2792 = arith.addf %add3A_2768, %get3A_2791 : vector<16xf32>
      %get3A_2793 = arith.constant 8 : i32
      %get3A_2794 = arith.index_cast %get3A_2793 : i32 to index
      %get3A_2795 = arith.constant 0 : index
      %get3A_2796 = tpu.vector_load %arg8[%get3A_2794, %get3A_2795] {strides = array<i32>} : memref<100x64xf32, #tpu.memory_space<vmem>>, vector<1x16xf32>,
      %get3A_2797 = vector.shape_cast %get3A_2796 : vector<1x16xf32> to vector<16xf32>
      %add3A_2798 = arith.addf %add3A_2774, %get3A_2797 : vector<16xf32>
      %get3A_2799 = arith.constant 8 : i32
      %get3A_2800 = arith.index_cast %get3A_2799 : i32 to index
      %get3A_2801 = arith.constant 16 : index
      %get3A_2802 = tpu.vector_load %arg8[%get3A_2800, %get3A_2801] {strides = array<i32>} : memref<100x64xf32, #tpu.memory_space<vmem>>, vector<1x16xf32>,
      %get3A_2803 = vector.shape_cast %get3A_2802 : vector<1x16xf32> to vector<16xf32>
      %add3A_2804 = arith.addf %add3A_2780, %get3A_2803 : vector<16xf32>
      %get3A_2805 = arith.constant 8 : i32
      %get3A_2806 = arith.index_cast %get3A_2805 : i32 to index
      %get3A_2807 = arith.constant 32 : index
      %get3A_2808 = tpu.vector_load %arg8[%get3A_2806, %get3A_2807] {strides = array<i32>} : memref<100x64xf32, #tpu.memory_space<vmem>>, vector<1x16xf32>,
      %get3A_2809 = vector.shape_cast %get3A_2808 : vector<1x16xf32> to vector<16xf32>
      %add3A_2810 = arith.addf %add3A_2786, %get3A_2809 : vector<16xf32>
      %get3A_2811 = arith.constant 8 : i32
      %get3A_2812 = arith.index_cast %get3A_2811 : i32 to index
      %get3A_2813 = arith.constant 48 : index
      %get3A_2814 = tpu.vector_load %arg8[%get3A_2812, %get3A_2813] {strides = array<i32>} : memref<100x64xf32, #tpu.memory_space<vmem>>, vector<1x16xf32>,
      %get3A_2815 = vector.shape_cast %get3A_2814 : vector<1x16xf32> to vector<16xf32>
      %add3A_2816 = arith.addf %add3A_2792, %get3A_2815 : vector<16xf32>
      %get3A_2817 = arith.constant 9 : i32
      %get3A_2818 = arith.index_cast %get3A_2817 : i32 to index
      %get3A_2819 = arith.constant 0 : index
      %get3A_2820 = tpu.vector_load %arg8[%get3A_2818, %get3A_2819] {strides = array<i32>} : memref<100x64xf32, #tpu.memory_space<vmem>>, vector<1x16xf32>,
      %get3A_2821 = vector.shape_cast %get3A_2820 : vector<1x16xf32> to vector<16xf32>
      %add3A_2822 = arith.addf %add3A_2798, %get3A_2821 : vector<16xf32>
      %get3A_2823 = arith.constant 9 : i32
      %get3A_2824 = arith.index_cast %get3A_2823 : i32 to index
      %get3A_2825 = arith.constant 16 : index
      %get3A_2826 = tpu.vector_load %arg8[%get3A_2824, %get3A_2825] {strides = array<i32>} : memref<100x64xf32, #tpu.memory_space<vmem>>, vector<1x16xf32>,
      %get3A_2827 = vector.shape_cast %get3A_2826 : vector<1x16xf32> to vector<16xf32>
      %add3A_2828 = arith.addf %add3A_2804, %get3A_2827 : vector<16xf32>
      %get3A_2829 = arith.constant 9 : i32
      %get3A_2830 = arith.index_cast %get3A_2829 : i32 to index
      %get3A_2831 = arith.constant 32 : index
      %get3A_2832 = tpu.vector_load %arg8[%get3A_2830, %get3A_2831] {strides = array<i32>} : memref<100x64xf32, #tpu.memory_space<vmem>>, vector<1x16xf32>,
      %get3A_2833 = vector.shape_cast %get3A_2832 : vector<1x16xf32> to vector<16xf32>
      %add3A_2834 = arith.addf %add3A_2810, %get3A_2833 : vector<16xf32>
      %get3A_2835 = arith.constant 9 : i32
      %get3A_2836 = arith.index_cast %get3A_2835 : i32 to index
      %get3A_2837 = arith.constant 48 : index
      %get3A_2838 = tpu.vector_load %arg8[%get3A_2836, %get3A_2837] {strides = array<i32>} : memref<100x64xf32, #tpu.memory_space<vmem>>, vector<1x16xf32>,
      %get3A_2839 = vector.shape_cast %get3A_2838 : vector<1x16xf32> to vector<16xf32>
      %add3A_2840 = arith.addf %add3A_2816, %get3A_2839 : vector<16xf32>
      %get3A_2841 = arith.constant 10 : i32
      %get3A_2842 = arith.index_cast %get3A_2841 : i32 to index
      %get3A_2843 = arith.constant 0 : index
      %get3A_2844 = tpu.vector_load %arg8[%get3A_2842, %get3A_2843] {strides = array<i32>} : memref<100x64xf32, #tpu.memory_space<vmem>>, vector<1x16xf32>,
      %get3A_2845 = vector.shape_cast %get3A_2844 : vector<1x16xf32> to vector<16xf32>
      %add3A_2846 = arith.addf %add3A_2822, %get3A_2845 : vector<16xf32>
      %get3A_2847 = arith.constant 10 : i32
      %get3A_2848 = arith.index_cast %get3A_2847 : i32 to index
      %get3A_2849 = arith.constant 16 : index
      %get3A_2850 = tpu.vector_load %arg8[%get3A_2848, %get3A_2849] {strides = array<i32>} : memref<100x64xf32, #tpu.memory_space<vmem>>, vector<1x16xf32>,
      %get3A_2851 = vector.shape_cast %get3A_2850 : vector<1x16xf32> to vector<16xf32>
      %add3A_2852 = arith.addf %add3A_2828, %get3A_2851 : vector<16xf32>
      %get3A_2853 = arith.constant 10 : i32
      %get3A_2854 = arith.index_cast %get3A_2853 : i32 to index
      %get3A_2855 = arith.constant 32 : index
      %get3A_2856 = tpu.vector_load %arg8[%get3A_2854, %get3A_2855] {strides = array<i32>} : memref<100x64xf32, #tpu.memory_space<vmem>>, vector<1x16xf32>,
      %get3A_2857 = vector.shape_cast %get3A_2856 : vector<1x16xf32> to vector<16xf32>
      %add3A_2858 = arith.addf %add3A_2834, %get3A_2857 : vector<16xf32>
      %get3A_2859 = arith.constant 10 : i32
      %get3A_2860 = arith.index_cast %get3A_2859 : i32 to index
      %get3A_2861 = arith.constant 48 : index
      %get3A_2862 = tpu.vector_load %arg8[%get3A_2860, %get3A_2861] {strides = array<i32>} : memref<100x64xf32, #tpu.memory_space<vmem>>, vector<1x16xf32>,
      %get3A_2863 = vector.shape_cast %get3A_2862 : vector<1x16xf32> to vector<16xf32>
      %add3A_2864 = arith.addf %add3A_2840, %get3A_2863 : vector<16xf32>
      %get3A_2865 = arith.constant 11 : i32
      %get3A_2866 = arith.index_cast %get3A_2865 : i32 to index
      %get3A_2867 = arith.constant 0 : index
      %get3A_2868 = tpu.vector_load %arg8[%get3A_2866, %get3A_2867] {strides = array<i32>} : memref<100x64xf32, #tpu.memory_space<vmem>>, vector<1x16xf32>,
      %get3A_2869 = vector.shape_cast %get3A_2868 : vector<1x16xf32> to vector<16xf32>
      %add3A_2870 = arith.addf %add3A_2846, %get3A_2869 : vector<16xf32>
      %get3A_2871 = arith.constant 11 : i32
      %get3A_2872 = arith.index_cast %get3A_2871 : i32 to index
      %get3A_2873 = arith.constant 16 : index
      %get3A_2874 = tpu.vector_load %arg8[%get3A_2872, %get3A_2873] {strides = array<i32>} : memref<100x64xf32, #tpu.memory_space<vmem>>, vector<1x16xf32>,
      %get3A_2875 = vector.shape_cast %get3A_2874 : vector<1x16xf32> to vector<16xf32>
      %add3A_2876 = arith.addf %add3A_2852, %get3A_2875 : vector<16xf32>
      %get3A_2877 = arith.constant 11 : i32
      %get3A_2878 = arith.index_cast %get3A_2877 : i32 to index
      %get3A_2879 = arith.constant 32 : index
      %get3A_2880 = tpu.vector_load %arg8[%get3A_2878, %get3A_2879] {strides = array<i32>} : memref<100x64xf32, #tpu.memory_space<vmem>>, vector<1x16xf32>,
      %get3A_2881 = vector.shape_cast %get3A_2880 : vector<1x16xf32> to vector<16xf32>
      %add3A_2882 = arith.addf %add3A_2858, %get3A_2881 : vector<16xf32>
      %get3A_2883 = arith.constant 11 : i32
      %get3A_2884 = arith.index_cast %get3A_2883 : i32 to index
      %get3A_2885 = arith.constant 48 : index
      %get3A_2886 = tpu.vector_load %arg8[%get3A_2884, %get3A_2885] {strides = array<i32>} : memref<100x64xf32, #tpu.memory_space<vmem>>, vector<1x16xf32>,
      %get3A_2887 = vector.shape_cast %get3A_2886 : vector<1x16xf32> to vector<16xf32>
      %add3A_2888 = arith.addf %add3A_2864, %get3A_2887 : vector<16xf32>
      %get3A_2889 = arith.constant 12 : i32
      %get3A_2890 = arith.index_cast %get3A_2889 : i32 to index
      %get3A_2891 = arith.constant 0 : index
      %get3A_2892 = tpu.vector_load %arg8[%get3A_2890, %get3A_2891] {strides = array<i32>} : memref<100x64xf32, #tpu.memory_space<vmem>>, vector<1x16xf32>,
      %get3A_2893 = vector.shape_cast %get3A_2892 : vector<1x16xf32> to vector<16xf32>
      %add3A_2894 = arith.addf %add3A_2870, %get3A_2893 : vector<16xf32>
      %get3A_2895 = arith.constant 12 : i32
      %get3A_2896 = arith.index_cast %get3A_2895 : i32 to index
      %get3A_2897 = arith.constant 16 : index
      %get3A_2898 = tpu.vector_load %arg8[%get3A_2896, %get3A_2897] {strides = array<i32>} : memref<100x64xf32, #tpu.memory_space<vmem>>, vector<1x16xf32>,
      %get3A_2899 = vector.shape_cast %get3A_2898 : vector<1x16xf32> to vector<16xf32>
      %add3A_2900 = arith.addf %add3A_2876, %get3A_2899 : vector<16xf32>
      %get3A_2901 = arith.constant 12 : i32
      %get3A_2902 = arith.index_cast %get3A_2901 : i32 to index
      %get3A_2903 = arith.constant 32 : index
      %get3A_2904 = tpu.vector_load %arg8[%get3A_2902, %get3A_2903] {strides = array<i32>} : memref<100x64xf32, #tpu.memory_space<vmem>>, vector<1x16xf32>,
      %get3A_2905 = vector.shape_cast %get3A_2904 : vector<1x16xf32> to vector<16xf32>
      %add3A_2906 = arith.addf %add3A_2882, %get3A_2905 : vector<16xf32>
      %get3A_2907 = arith.constant 12 : i32
      %get3A_2908 = arith.index_cast %get3A_2907 : i32 to index
      %get3A_2909 = arith.constant 48 : index
      %get3A_2910 = tpu.vector_load %arg8[%get3A_2908, %get3A_2909] {strides = array<i32>} : memref<100x64xf32, #tpu.memory_space<vmem>>, vector<1x16xf32>,
      %get3A_2911 = vector.shape_cast %get3A_2910 : vector<1x16xf32> to vector<16xf32>
      %add3A_2912 = arith.addf %add3A_2888, %get3A_2911 : vector<16xf32>
      %get3A_2913 = arith.constant 13 : i32
      %get3A_2914 = arith.index_cast %get3A_2913 : i32 to index
      %get3A_2915 = arith.constant 0 : index
      %get3A_2916 = tpu.vector_load %arg8[%get3A_2914, %get3A_2915] {strides = array<i32>} : memref<100x64xf32, #tpu.memory_space<vmem>>, vector<1x16xf32>,
      %get3A_2917 = vector.shape_cast %get3A_2916 : vector<1x16xf32> to vector<16xf32>
      %add3A_2918 = arith.addf %add3A_2894, %get3A_2917 : vector<16xf32>
      %get3A_2919 = arith.constant 13 : i32
      %get3A_2920 = arith.index_cast %get3A_2919 : i32 to index
      %get3A_2921 = arith.constant 16 : index
      %get3A_2922 = tpu.vector_load %arg8[%get3A_2920, %get3A_2921] {strides = array<i32>} : memref<100x64xf32, #tpu.memory_space<vmem>>, vector<1x16xf32>,
      %get3A_2923 = vector.shape_cast %get3A_2922 : vector<1x16xf32> to vector<16xf32>
      %add3A_2924 = arith.addf %add3A_2900, %get3A_2923 : vector<16xf32>
      %get3A_2925 = arith.constant 13 : i32
      %get3A_2926 = arith.index_cast %get3A_2925 : i32 to index
      %get3A_2927 = arith.constant 32 : index
      %get3A_2928 = tpu.vector_load %arg8[%get3A_2926, %get3A_2927] {strides = array<i32>} : memref<100x64xf32, #tpu.memory_space<vmem>>, vector<1x16xf32>,
      %get3A_2929 = vector.shape_cast %get3A_2928 : vector<1x16xf32> to vector<16xf32>
      %add3A_2930 = arith.addf %add3A_2906, %get3A_2929 : vector<16xf32>
      %get3A_2931 = arith.constant 13 : i32
      %get3A_2932 = arith.index_cast %get3A_2931 : i32 to index
      %get3A_2933 = arith.constant 48 : index
      %get3A_2934 = tpu.vector_load %arg8[%get3A_2932, %get3A_2933] {strides = array<i32>} : memref<100x64xf32, #tpu.memory_space<vmem>>, vector<1x16xf32>,
      %get3A_2935 = vector.shape_cast %get3A_2934 : vector<1x16xf32> to vector<16xf32>
      %add3A_2936 = arith.addf %add3A_2912, %get3A_2935 : vector<16xf32>
      %get3A_2937 = arith.constant 14 : i32
      %get3A_2938 = arith.index_cast %get3A_2937 : i32 to index
      %get3A_2939 = arith.constant 0 : index
      %get3A_2940 = tpu.vector_load %arg8[%get3A_2938, %get3A_2939] {strides = array<i32>} : memref<100x64xf32, #tpu.memory_space<vmem>>, vector<1x16xf32>,
      %get3A_2941 = vector.shape_cast %get3A_2940 : vector<1x16xf32> to vector<16xf32>
      %add3A_2942 = arith.addf %add3A_2918, %get3A_2941 : vector<16xf32>
      %get3A_2943 = arith.constant 14 : i32
      %get3A_2944 = arith.index_cast %get3A_2943 : i32 to index
      %get3A_2945 = arith.constant 16 : index
      %get3A_2946 = tpu.vector_load %arg8[%get3A_2944, %get3A_2945] {strides = array<i32>} : memref<100x64xf32, #tpu.memory_space<vmem>>, vector<1x16xf32>,
      %get3A_2947 = vector.shape_cast %get3A_2946 : vector<1x16xf32> to vector<16xf32>
      %add3A_2948 = arith.addf %add3A_2924, %get3A_2947 : vector<16xf32>
      %get3A_2949 = arith.constant 14 : i32
      %get3A_2950 = arith.index_cast %get3A_2949 : i32 to index
      %get3A_2951 = arith.constant 32 : index
      %get3A_2952 = tpu.vector_load %arg8[%get3A_2950, %get3A_2951] {strides = array<i32>} : memref<100x64xf32, #tpu.memory_space<vmem>>, vector<1x16xf32>,
      %get3A_2953 = vector.shape_cast %get3A_2952 : vector<1x16xf32> to vector<16xf32>
      %add3A_2954 = arith.addf %add3A_2930, %get3A_2953 : vector<16xf32>
      %get3A_2955 = arith.constant 14 : i32
      %get3A_2956 = arith.index_cast %get3A_2955 : i32 to index
      %get3A_2957 = arith.constant 48 : index
      %get3A_2958 = tpu.vector_load %arg8[%get3A_2956, %get3A_2957] {strides = array<i32>} : memref<100x64xf32, #tpu.memory_space<vmem>>, vector<1x16xf32>,
      %get3A_2959 = vector.shape_cast %get3A_2958 : vector<1x16xf32> to vector<16xf32>
      %add3A_2960 = arith.addf %add3A_2936, %get3A_2959 : vector<16xf32>
      %get3A_2961 = arith.constant 15 : i32
      %get3A_2962 = arith.index_cast %get3A_2961 : i32 to index
      %get3A_2963 = arith.constant 0 : index
      %get3A_2964 = tpu.vector_load %arg8[%get3A_2962, %get3A_2963] {strides = array<i32>} : memref<100x64xf32, #tpu.memory_space<vmem>>, vector<1x16xf32>,
      %get3A_2965 = vector.shape_cast %get3A_2964 : vector<1x16xf32> to vector<16xf32>
      %add3A_2966 = arith.addf %add3A_2942, %get3A_2965 : vector<16xf32>
      %get3A_2967 = arith.constant 15 : i32
      %get3A_2968 = arith.index_cast %get3A_2967 : i32 to index
      %get3A_2969 = arith.constant 16 : index
      %get3A_2970 = tpu.vector_load %arg8[%get3A_2968, %get3A_2969] {strides = array<i32>} : memref<100x64xf32, #tpu.memory_space<vmem>>, vector<1x16xf32>,
      %get3A_2971 = vector.shape_cast %get3A_2970 : vector<1x16xf32> to vector<16xf32>
      %add3A_2972 = arith.addf %add3A_2948, %get3A_2971 : vector<16xf32>
      %get3A_2973 = arith.constant 15 : i32
      %get3A_2974 = arith.index_cast %get3A_2973 : i32 to index
      %get3A_2975 = arith.constant 32 : index
      %get3A_2976 = tpu.vector_load %arg8[%get3A_2974, %get3A_2975] {strides = array<i32>} : memref<100x64xf32, #tpu.memory_space<vmem>>, vector<1x16xf32>,
      %get3A_2977 = vector.shape_cast %get3A_2976 : vector<1x16xf32> to vector<16xf32>
      %add3A_2978 = arith.addf %add3A_2954, %get3A_2977 : vector<16xf32>
      %get3A_2979 = arith.constant 15 : i32
      %get3A_2980 = arith.index_cast %get3A_2979 : i32 to index
      %get3A_2981 = arith.constant 48 : index
      %get3A_2982 = tpu.vector_load %arg8[%get3A_2980, %get3A_2981] {strides = array<i32>} : memref<100x64xf32, #tpu.memory_space<vmem>>, vector<1x16xf32>,
      %get3A_2983 = vector.shape_cast %get3A_2982 : vector<1x16xf32> to vector<16xf32>
      %add3A_2984 = arith.addf %add3A_2960, %get3A_2983 : vector<16xf32>
      %get3A_2985 = arith.constant 16 : i32
      %get3A_2986 = arith.index_cast %get3A_2985 : i32 to index
      %get3A_2987 = arith.constant 0 : index
      %get3A_2988 = tpu.vector_load %arg8[%get3A_2986, %get3A_2987] {strides = array<i32>} : memref<100x64xf32, #tpu.memory_space<vmem>>, vector<1x16xf32>,
      %get3A_2989 = vector.shape_cast %get3A_2988 : vector<1x16xf32> to vector<16xf32>
      %add3A_2990 = arith.addf %add3A_2966, %get3A_2989 : vector<16xf32>
      %get3A_2991 = arith.constant 16 : i32
      %get3A_2992 = arith.index_cast %get3A_2991 : i32 to index
      %get3A_2993 = arith.constant 16 : index
      %get3A_2994 = tpu.vector_load %arg8[%get3A_2992, %get3A_2993] {strides = array<i32>} : memref<100x64xf32, #tpu.memory_space<vmem>>, vector<1x16xf32>,
      %get3A_2995 = vector.shape_cast %get3A_2994 : vector<1x16xf32> to vector<16xf32>
      %add3A_2996 = arith.addf %add3A_2972, %get3A_2995 : vector<16xf32>
      %get3A_2997 = arith.constant 16 : i32
      %get3A_2998 = arith.index_cast %get3A_2997 : i32 to index
      %get3A_2999 = arith.constant 32 : index
      %get3A_3000 = tpu.vector_load %arg8[%get3A_2998, %get3A_2999] {strides = array<i32>} : memref<100x64xf32, #tpu.memory_space<vmem>>, vector<1x16xf32>,
      %get3A_3001 = vector.shape_cast %get3A_3000 : vector<1x16xf32> to vector<16xf32>
      %add3A_3002 = arith.addf %add3A_2978, %get3A_3001 : vector<16xf32>
      %get3A_3003 = arith.constant 16 : i32
      %get3A_3004 = arith.index_cast %get3A_3003 : i32 to index
      %get3A_3005 = arith.constant 48 : index
      %get3A_3006 = tpu.vector_load %arg8[%get3A_3004, %get3A_3005] {strides = array<i32>} : memref<100x64xf32, #tpu.memory_space<vmem>>, vector<1x16xf32>,
      %get3A_3007 = vector.shape_cast %get3A_3006 : vector<1x16xf32> to vector<16xf32>
      %add3A_3008 = arith.addf %add3A_2984, %get3A_3007 : vector<16xf32>
      %get3A_3009 = arith.constant 17 : i32
      %get3A_3010 = arith.index_cast %get3A_3009 : i32 to index
      %get3A_3011 = arith.constant 0 : index
      %get3A_3012 = tpu.vector_load %arg8[%get3A_3010, %get3A_3011] {strides = array<i32>} : memref<100x64xf32, #tpu.memory_space<vmem>>, vector<1x16xf32>,
      %get3A_3013 = vector.shape_cast %get3A_3012 : vector<1x16xf32> to vector<16xf32>
      %add3A_3014 = arith.addf %add3A_2990, %get3A_3013 : vector<16xf32>
      %get3A_3015 = arith.constant 17 : i32
      %get3A_3016 = arith.index_cast %get3A_3015 : i32 to index
      %get3A_3017 = arith.constant 16 : index
      %get3A_3018 = tpu.vector_load %arg8[%get3A_3016, %get3A_3017] {strides = array<i32>} : memref<100x64xf32, #tpu.memory_space<vmem>>, vector<1x16xf32>,
      %get3A_3019 = vector.shape_cast %get3A_3018 : vector<1x16xf32> to vector<16xf32>
      %add3A_3020 = arith.addf %add3A_2996, %get3A_3019 : vector<16xf32>
      %get3A_3021 = arith.constant 17 : i32
      %get3A_3022 = arith.index_cast %get3A_3021 : i32 to index
      %get3A_3023 = arith.constant 32 : index
      %get3A_3024 = tpu.vector_load %arg8[%get3A_3022, %get3A_3023] {strides = array<i32>} : memref<100x64xf32, #tpu.memory_space<vmem>>, vector<1x16xf32>,
      %get3A_3025 = vector.shape_cast %get3A_3024 : vector<1x16xf32> to vector<16xf32>
      %add3A_3026 = arith.addf %add3A_3002, %get3A_3025 : vector<16xf32>
      %get3A_3027 = arith.constant 17 : i32
      %get3A_3028 = arith.index_cast %get3A_3027 : i32 to index
      %get3A_3029 = arith.constant 48 : index
      %get3A_3030 = tpu.vector_load %arg8[%get3A_3028, %get3A_3029] {strides = array<i32>} : memref<100x64xf32, #tpu.memory_space<vmem>>, vector<1x16xf32>,
      %get3A_3031 = vector.shape_cast %get3A_3030 : vector<1x16xf32> to vector<16xf32>
      %add3A_3032 = arith.addf %add3A_3008, %get3A_3031 : vector<16xf32>
      %get3A_3033 = arith.constant 18 : i32
      %get3A_3034 = arith.index_cast %get3A_3033 : i32 to index
      %get3A_3035 = arith.constant 0 : index
      %get3A_3036 = tpu.vector_load %arg8[%get3A_3034, %get3A_3035] {strides = array<i32>} : memref<100x64xf32, #tpu.memory_space<vmem>>, vector<1x16xf32>,
      %get3A_3037 = vector.shape_cast %get3A_3036 : vector<1x16xf32> to vector<16xf32>
      %add3A_3038 = arith.addf %add3A_3014, %get3A_3037 : vector<16xf32>
      %get3A_3039 = arith.constant 18 : i32
      %get3A_3040 = arith.index_cast %get3A_3039 : i32 to index
      %get3A_3041 = arith.constant 16 : index
      %get3A_3042 = tpu.vector_load %arg8[%get3A_3040, %get3A_3041] {strides = array<i32>} : memref<100x64xf32, #tpu.memory_space<vmem>>, vector<1x16xf32>,
      %get3A_3043 = vector.shape_cast %get3A_3042 : vector<1x16xf32> to vector<16xf32>
      %add3A_3044 = arith.addf %add3A_3020, %get3A_3043 : vector<16xf32>
      %get3A_3045 = arith.constant 18 : i32
      %get3A_3046 = arith.index_cast %get3A_3045 : i32 to index
      %get3A_3047 = arith.constant 32 : index
      %get3A_3048 = tpu.vector_load %arg8[%get3A_3046, %get3A_3047] {strides = array<i32>} : memref<100x64xf32, #tpu.memory_space<vmem>>, vector<1x16xf32>,
      %get3A_3049 = vector.shape_cast %get3A_3048 : vector<1x16xf32> to vector<16xf32>
      %add3A_3050 = arith.addf %add3A_3026, %get3A_3049 : vector<16xf32>
      %get3A_3051 = arith.constant 18 : i32
      %get3A_3052 = arith.index_cast %get3A_3051 : i32 to index
      %get3A_3053 = arith.constant 48 : index
      %get3A_3054 = tpu.vector_load %arg8[%get3A_3052, %get3A_3053] {strides = array<i32>} : memref<100x64xf32, #tpu.memory_space<vmem>>, vector<1x16xf32>,
      %get3A_3055 = vector.shape_cast %get3A_3054 : vector<1x16xf32> to vector<16xf32>
      %add3A_3056 = arith.addf %add3A_3032, %get3A_3055 : vector<16xf32>
      %get3A_3057 = arith.constant 19 : i32
      %get3A_3058 = arith.index_cast %get3A_3057 : i32 to index
      %get3A_3059 = arith.constant 0 : index
      %get3A_3060 = tpu.vector_load %arg8[%get3A_3058, %get3A_3059] {strides = array<i32>} : memref<100x64xf32, #tpu.memory_space<vmem>>, vector<1x16xf32>,
      %get3A_3061 = vector.shape_cast %get3A_3060 : vector<1x16xf32> to vector<16xf32>
      %add3A_3062 = arith.addf %add3A_3038, %get3A_3061 : vector<16xf32>
      %get3A_3063 = arith.constant 19 : i32
      %get3A_3064 = arith.index_cast %get3A_3063 : i32 to index
      %get3A_3065 = arith.constant 16 : index
      %get3A_3066 = tpu.vector_load %arg8[%get3A_3064, %get3A_3065] {strides = array<i32>} : memref<100x64xf32, #tpu.memory_space<vmem>>, vector<1x16xf32>,
      %get3A_3067 = vector.shape_cast %get3A_3066 : vector<1x16xf32> to vector<16xf32>
      %add3A_3068 = arith.addf %add3A_3044, %get3A_3067 : vector<16xf32>
      %get3A_3069 = arith.constant 19 : i32
      %get3A_3070 = arith.index_cast %get3A_3069 : i32 to index
      %get3A_3071 = arith.constant 32 : index
      %get3A_3072 = tpu.vector_load %arg8[%get3A_3070, %get3A_3071] {strides = array<i32>} : memref<100x64xf32, #tpu.memory_space<vmem>>, vector<1x16xf32>,
      %get3A_3073 = vector.shape_cast %get3A_3072 : vector<1x16xf32> to vector<16xf32>
      %add3A_3074 = arith.addf %add3A_3050, %get3A_3073 : vector<16xf32>
      %get3A_3075 = arith.constant 19 : i32
      %get3A_3076 = arith.index_cast %get3A_3075 : i32 to index
      %get3A_3077 = arith.constant 48 : index
      %get3A_3078 = tpu.vector_load %arg8[%get3A_3076, %get3A_3077] {strides = array<i32>} : memref<100x64xf32, #tpu.memory_space<vmem>>, vector<1x16xf32>,
      %get3A_3079 = vector.shape_cast %get3A_3078 : vector<1x16xf32> to vector<16xf32>
      %add3A_3080 = arith.addf %add3A_3056, %get3A_3079 : vector<16xf32>
      %get3A_3081 = arith.constant 20 : i32
      %get3A_3082 = arith.index_cast %get3A_3081 : i32 to index
      %get3A_3083 = arith.constant 0 : index
      %get3A_3084 = tpu.vector_load %arg8[%get3A_3082, %get3A_3083] {strides = array<i32>} : memref<100x64xf32, #tpu.memory_space<vmem>>, vector<1x16xf32>,
      %get3A_3085 = vector.shape_cast %get3A_3084 : vector<1x16xf32> to vector<16xf32>
      %add3A_3086 = arith.addf %add3A_3062, %get3A_3085 : vector<16xf32>
      %get3A_3087 = arith.constant 20 : i32
      %get3A_3088 = arith.index_cast %get3A_3087 : i32 to index
      %get3A_3089 = arith.constant 16 : index
      %get3A_3090 = tpu.vector_load %arg8[%get3A_3088, %get3A_3089] {strides = array<i32>} : memref<100x64xf32, #tpu.memory_space<vmem>>, vector<1x16xf32>,
      %get3A_3091 = vector.shape_cast %get3A_3090 : vector<1x16xf32> to vector<16xf32>
      %add3A_3092 = arith.addf %add3A_3068, %get3A_3091 : vector<16xf32>
      %get3A_3093 = arith.constant 20 : i32
      %get3A_3094 = arith.index_cast %get3A_3093 : i32 to index
      %get3A_3095 = arith.constant 32 : index
      %get3A_3096 = tpu.vector_load %arg8[%get3A_3094, %get3A_3095] {strides = array<i32>} : memref<100x64xf32, #tpu.memory_space<vmem>>, vector<1x16xf32>,
      %get3A_3097 = vector.shape_cast %get3A_3096 : vector<1x16xf32> to vector<16xf32>
      %add3A_3098 = arith.addf %add3A_3074, %get3A_3097 : vector<16xf32>
      %get3A_3099 = arith.constant 20 : i32
      %get3A_3100 = arith.index_cast %get3A_3099 : i32 to index
      %get3A_3101 = arith.constant 48 : index
      %get3A_3102 = tpu.vector_load %arg8[%get3A_3100, %get3A_3101] {strides = array<i32>} : memref<100x64xf32, #tpu.memory_space<vmem>>, vector<1x16xf32>,
      %get3A_3103 = vector.shape_cast %get3A_3102 : vector<1x16xf32> to vector<16xf32>
      %add3A_3104 = arith.addf %add3A_3080, %get3A_3103 : vector<16xf32>
      %get3A_3105 = arith.constant 21 : i32
      %get3A_3106 = arith.index_cast %get3A_3105 : i32 to index
      %get3A_3107 = arith.constant 0 : index
      %get3A_3108 = tpu.vector_load %arg8[%get3A_3106, %get3A_3107] {strides = array<i32>} : memref<100x64xf32, #tpu.memory_space<vmem>>, vector<1x16xf32>,
      %get3A_3109 = vector.shape_cast %get3A_3108 : vector<1x16xf32> to vector<16xf32>
      %add3A_3110 = arith.addf %add3A_3086, %get3A_3109 : vector<16xf32>
      %get3A_3111 = arith.constant 21 : i32
      %get3A_3112 = arith.index_cast %get3A_3111 : i32 to index
      %get3A_3113 = arith.constant 16 : index
      %get3A_3114 = tpu.vector_load %arg8[%get3A_3112, %get3A_3113] {strides = array<i32>} : memref<100x64xf32, #tpu.memory_space<vmem>>, vector<1x16xf32>,
      %get3A_3115 = vector.shape_cast %get3A_3114 : vector<1x16xf32> to vector<16xf32>
      %add3A_3116 = arith.addf %add3A_3092, %get3A_3115 : vector<16xf32>
      %get3A_3117 = arith.constant 21 : i32
      %get3A_3118 = arith.index_cast %get3A_3117 : i32 to index
      %get3A_3119 = arith.constant 32 : index
      %get3A_3120 = tpu.vector_load %arg8[%get3A_3118, %get3A_3119] {strides = array<i32>} : memref<100x64xf32, #tpu.memory_space<vmem>>, vector<1x16xf32>,
      %get3A_3121 = vector.shape_cast %get3A_3120 : vector<1x16xf32> to vector<16xf32>
      %add3A_3122 = arith.addf %add3A_3098, %get3A_3121 : vector<16xf32>
      %get3A_3123 = arith.constant 21 : i32
      %get3A_3124 = arith.index_cast %get3A_3123 : i32 to index
      %get3A_3125 = arith.constant 48 : index
      %get3A_3126 = tpu.vector_load %arg8[%get3A_3124, %get3A_3125] {strides = array<i32>} : memref<100x64xf32, #tpu.memory_space<vmem>>, vector<1x16xf32>,
      %get3A_3127 = vector.shape_cast %get3A_3126 : vector<1x16xf32> to vector<16xf32>
      %add3A_3128 = arith.addf %add3A_3104, %get3A_3127 : vector<16xf32>
      %get3A_3129 = arith.constant 22 : i32
      %get3A_3130 = arith.index_cast %get3A_3129 : i32 to index
      %get3A_3131 = arith.constant 0 : index
      %get3A_3132 = tpu.vector_load %arg8[%get3A_3130, %get3A_3131] {strides = array<i32>} : memref<100x64xf32, #tpu.memory_space<vmem>>, vector<1x16xf32>,
      %get3A_3133 = vector.shape_cast %get3A_3132 : vector<1x16xf32> to vector<16xf32>
      %add3A_3134 = arith.addf %add3A_3110, %get3A_3133 : vector<16xf32>
      %get3A_3135 = arith.constant 22 : i32
      %get3A_3136 = arith.index_cast %get3A_3135 : i32 to index
      %get3A_3137 = arith.constant 16 : index
      %get3A_3138 = tpu.vector_load %arg8[%get3A_3136, %get3A_3137] {strides = array<i32>} : memref<100x64xf32, #tpu.memory_space<vmem>>, vector<1x16xf32>,
      %get3A_3139 = vector.shape_cast %get3A_3138 : vector<1x16xf32> to vector<16xf32>
      %add3A_3140 = arith.addf %add3A_3116, %get3A_3139 : vector<16xf32>
      %get3A_3141 = arith.constant 22 : i32
      %get3A_3142 = arith.index_cast %get3A_3141 : i32 to index
      %get3A_3143 = arith.constant 32 : index
      %get3A_3144 = tpu.vector_load %arg8[%get3A_3142, %get3A_3143] {strides = array<i32>} : memref<100x64xf32, #tpu.memory_space<vmem>>, vector<1x16xf32>,
      %get3A_3145 = vector.shape_cast %get3A_3144 : vector<1x16xf32> to vector<16xf32>
      %add3A_3146 = arith.addf %add3A_3122, %get3A_3145 : vector<16xf32>
      %get3A_3147 = arith.constant 22 : i32
      %get3A_3148 = arith.index_cast %get3A_3147 : i32 to index
      %get3A_3149 = arith.constant 48 : index
      %get3A_3150 = tpu.vector_load %arg8[%get3A_3148, %get3A_3149] {strides = array<i32>} : memref<100x64xf32, #tpu.memory_space<vmem>>, vector<1x16xf32>,
      %get3A_3151 = vector.shape_cast %get3A_3150 : vector<1x16xf32> to vector<16xf32>
      %add3A_3152 = arith.addf %add3A_3128, %get3A_3151 : vector<16xf32>
      %get3A_3153 = arith.constant 23 : i32
      %get3A_3154 = arith.index_cast %get3A_3153 : i32 to index
      %get3A_3155 = arith.constant 0 : index
      %get3A_3156 = tpu.vector_load %arg8[%get3A_3154, %get3A_3155] {strides = array<i32>} : memref<100x64xf32, #tpu.memory_space<vmem>>, vector<1x16xf32>,
      %get3A_3157 = vector.shape_cast %get3A_3156 : vector<1x16xf32> to vector<16xf32>
      %add3A_3158 = arith.addf %add3A_3134, %get3A_3157 : vector<16xf32>
      %get3A_3159 = arith.constant 23 : i32
      %get3A_3160 = arith.index_cast %get3A_3159 : i32 to index
      %get3A_3161 = arith.constant 16 : index
      %get3A_3162 = tpu.vector_load %arg8[%get3A_3160, %get3A_3161] {strides = array<i32>} : memref<100x64xf32, #tpu.memory_space<vmem>>, vector<1x16xf32>,
      %get3A_3163 = vector.shape_cast %get3A_3162 : vector<1x16xf32> to vector<16xf32>
      %add3A_3164 = arith.addf %add3A_3140, %get3A_3163 : vector<16xf32>
      %get3A_3165 = arith.constant 23 : i32
      %get3A_3166 = arith.index_cast %get3A_3165 : i32 to index
      %get3A_3167 = arith.constant 32 : index
      %get3A_3168 = tpu.vector_load %arg8[%get3A_3166, %get3A_3167] {strides = array<i32>} : memref<100x64xf32, #tpu.memory_space<vmem>>, vector<1x16xf32>,
      %get3A_3169 = vector.shape_cast %get3A_3168 : vector<1x16xf32> to vector<16xf32>
      %add3A_3170 = arith.addf %add3A_3146, %get3A_3169 : vector<16xf32>
      %get3A_3171 = arith.constant 23 : i32
      %get3A_3172 = arith.index_cast %get3A_3171 : i32 to index
      %get3A_3173 = arith.constant 48 : index
      %get3A_3174 = tpu.vector_load %arg8[%get3A_3172, %get3A_3173] {strides = array<i32>} : memref<100x64xf32, #tpu.memory_space<vmem>>, vector<1x16xf32>,
      %get3A_3175 = vector.shape_cast %get3A_3174 : vector<1x16xf32> to vector<16xf32>
      %add3A_3176 = arith.addf %add3A_3152, %get3A_3175 : vector<16xf32>
      %get3A_3177 = arith.constant 24 : i32
      %get3A_3178 = arith.index_cast %get3A_3177 : i32 to index
      %get3A_3179 = arith.constant 0 : index
      %get3A_3180 = tpu.vector_load %arg8[%get3A_3178, %get3A_3179] {strides = array<i32>} : memref<100x64xf32, #tpu.memory_space<vmem>>, vector<1x16xf32>,
      %get3A_3181 = vector.shape_cast %get3A_3180 : vector<1x16xf32> to vector<16xf32>
      %add3A_3182 = arith.addf %add3A_3158, %get3A_3181 : vector<16xf32>
      %get3A_3183 = arith.constant 24 : i32
      %get3A_3184 = arith.index_cast %get3A_3183 : i32 to index
      %get3A_3185 = arith.constant 16 : index
      %get3A_3186 = tpu.vector_load %arg8[%get3A_3184, %get3A_3185] {strides = array<i32>} : memref<100x64xf32, #tpu.memory_space<vmem>>, vector<1x16xf32>,
      %get3A_3187 = vector.shape_cast %get3A_3186 : vector<1x16xf32> to vector<16xf32>
      %add3A_3188 = arith.addf %add3A_3164, %get3A_3187 : vector<16xf32>
      %get3A_3189 = arith.constant 24 : i32
      %get3A_3190 = arith.index_cast %get3A_3189 : i32 to index
      %get3A_3191 = arith.constant 32 : index
      %get3A_3192 = tpu.vector_load %arg8[%get3A_3190, %get3A_3191] {strides = array<i32>} : memref<100x64xf32, #tpu.memory_space<vmem>>, vector<1x16xf32>,
      %get3A_3193 = vector.shape_cast %get3A_3192 : vector<1x16xf32> to vector<16xf32>
      %add3A_3194 = arith.addf %add3A_3170, %get3A_3193 : vector<16xf32>
      %get3A_3195 = arith.constant 24 : i32
      %get3A_3196 = arith.index_cast %get3A_3195 : i32 to index
      %get3A_3197 = arith.constant 48 : index
      %get3A_3198 = tpu.vector_load %arg8[%get3A_3196, %get3A_3197] {strides = array<i32>} : memref<100x64xf32, #tpu.memory_space<vmem>>, vector<1x16xf32>,
      %get3A_3199 = vector.shape_cast %get3A_3198 : vector<1x16xf32> to vector<16xf32>
      %add3A_3200 = arith.addf %add3A_3176, %get3A_3199 : vector<16xf32>
      %get3A_3201 = arith.constant 25 : i32
      %get3A_3202 = arith.index_cast %get3A_3201 : i32 to index
      %get3A_3203 = arith.constant 0 : index
      %get3A_3204 = tpu.vector_load %arg8[%get3A_3202, %get3A_3203] {strides = array<i32>} : memref<100x64xf32, #tpu.memory_space<vmem>>, vector<1x16xf32>,
      %get3A_3205 = vector.shape_cast %get3A_3204 : vector<1x16xf32> to vector<16xf32>
      %add3A_3206 = arith.addf %add3A_3182, %get3A_3205 : vector<16xf32>
      %get3A_3207 = arith.constant 25 : i32
      %get3A_3208 = arith.index_cast %get3A_3207 : i32 to index
      %get3A_3209 = arith.constant 16 : index
      %get3A_3210 = tpu.vector_load %arg8[%get3A_3208, %get3A_3209] {strides = array<i32>} : memref<100x64xf32, #tpu.memory_space<vmem>>, vector<1x16xf32>,
      %get3A_3211 = vector.shape_cast %get3A_3210 : vector<1x16xf32> to vector<16xf32>
      %add3A_3212 = arith.addf %add3A_3188, %get3A_3211 : vector<16xf32>
      %get3A_3213 = arith.constant 25 : i32
      %get3A_3214 = arith.index_cast %get3A_3213 : i32 to index
      %get3A_3215 = arith.constant 32 : index
      %get3A_3216 = tpu.vector_load %arg8[%get3A_3214, %get3A_3215] {strides = array<i32>} : memref<100x64xf32, #tpu.memory_space<vmem>>, vector<1x16xf32>,
      %get3A_3217 = vector.shape_cast %get3A_3216 : vector<1x16xf32> to vector<16xf32>
      %add3A_3218 = arith.addf %add3A_3194, %get3A_3217 : vector<16xf32>
      %get3A_3219 = arith.constant 25 : i32
      %get3A_3220 = arith.index_cast %get3A_3219 : i32 to index
      %get3A_3221 = arith.constant 48 : index
      %get3A_3222 = tpu.vector_load %arg8[%get3A_3220, %get3A_3221] {strides = array<i32>} : memref<100x64xf32, #tpu.memory_space<vmem>>, vector<1x16xf32>,
      %get3A_3223 = vector.shape_cast %get3A_3222 : vector<1x16xf32> to vector<16xf32>
      %add3A_3224 = arith.addf %add3A_3200, %get3A_3223 : vector<16xf32>
      %get3A_3225 = arith.constant 26 : i32
      %get3A_3226 = arith.index_cast %get3A_3225 : i32 to index
      %get3A_3227 = arith.constant 0 : index
      %get3A_3228 = tpu.vector_load %arg8[%get3A_3226, %get3A_3227] {strides = array<i32>} : memref<100x64xf32, #tpu.memory_space<vmem>>, vector<1x16xf32>,
      %get3A_3229 = vector.shape_cast %get3A_3228 : vector<1x16xf32> to vector<16xf32>
      %add3A_3230 = arith.addf %add3A_3206, %get3A_3229 : vector<16xf32>
      %get3A_3231 = arith.constant 26 : i32
      %get3A_3232 = arith.index_cast %get3A_3231 : i32 to index
      %get3A_3233 = arith.constant 16 : index
      %get3A_3234 = tpu.vector_load %arg8[%get3A_3232, %get3A_3233] {strides = array<i32>} : memref<100x64xf32, #tpu.memory_space<vmem>>, vector<1x16xf32>,
      %get3A_3235 = vector.shape_cast %get3A_3234 : vector<1x16xf32> to vector<16xf32>
      %add3A_3236 = arith.addf %add3A_3212, %get3A_3235 : vector<16xf32>
      %get3A_3237 = arith.constant 26 : i32
      %get3A_3238 = arith.index_cast %get3A_3237 : i32 to index
      %get3A_3239 = arith.constant 32 : index
      %get3A_3240 = tpu.vector_load %arg8[%get3A_3238, %get3A_3239] {strides = array<i32>} : memref<100x64xf32, #tpu.memory_space<vmem>>, vector<1x16xf32>,
      %get3A_3241 = vector.shape_cast %get3A_3240 : vector<1x16xf32> to vector<16xf32>
      %add3A_3242 = arith.addf %add3A_3218, %get3A_3241 : vector<16xf32>
      %get3A_3243 = arith.constant 26 : i32
      %get3A_3244 = arith.index_cast %get3A_3243 : i32 to index
      %get3A_3245 = arith.constant 48 : index
      %get3A_3246 = tpu.vector_load %arg8[%get3A_3244, %get3A_3245] {strides = array<i32>} : memref<100x64xf32, #tpu.memory_space<vmem>>, vector<1x16xf32>,
      %get3A_3247 = vector.shape_cast %get3A_3246 : vector<1x16xf32> to vector<16xf32>
      %add3A_3248 = arith.addf %add3A_3224, %get3A_3247 : vector<16xf32>
      %get3A_3249 = arith.constant 27 : i32
      %get3A_3250 = arith.index_cast %get3A_3249 : i32 to index
      %get3A_3251 = arith.constant 0 : index
      %get3A_3252 = tpu.vector_load %arg8[%get3A_3250, %get3A_3251] {strides = array<i32>} : memref<100x64xf32, #tpu.memory_space<vmem>>, vector<1x16xf32>,
      %get3A_3253 = vector.shape_cast %get3A_3252 : vector<1x16xf32> to vector<16xf32>
      %add3A_3254 = arith.addf %add3A_3230, %get3A_3253 : vector<16xf32>
      %get3A_3255 = arith.constant 27 : i32
      %get3A_3256 = arith.index_cast %get3A_3255 : i32 to index
      %get3A_3257 = arith.constant 16 : index
      %get3A_3258 = tpu.vector_load %arg8[%get3A_3256, %get3A_3257] {strides = array<i32>} : memref<100x64xf32, #tpu.memory_space<vmem>>, vector<1x16xf32>,
      %get3A_3259 = vector.shape_cast %get3A_3258 : vector<1x16xf32> to vector<16xf32>
      %add3A_3260 = arith.addf %add3A_3236, %get3A_3259 : vector<16xf32>
      %get3A_3261 = arith.constant 27 : i32
      %get3A_3262 = arith.index_cast %get3A_3261 : i32 to index
      %get3A_3263 = arith.constant 32 : index
      %get3A_3264 = tpu.vector_load %arg8[%get3A_3262, %get3A_3263] {strides = array<i32>} : memref<100x64xf32, #tpu.memory_space<vmem>>, vector<1x16xf32>,
      %get3A_3265 = vector.shape_cast %get3A_3264 : vector<1x16xf32> to vector<16xf32>
      %add3A_3266 = arith.addf %add3A_3242, %get3A_3265 : vector<16xf32>
      %get3A_3267 = arith.constant 27 : i32
      %get3A_3268 = arith.index_cast %get3A_3267 : i32 to index
      %get3A_3269 = arith.constant 48 : index
      %get3A_3270 = tpu.vector_load %arg8[%get3A_3268, %get3A_3269] {strides = array<i32>} : memref<100x64xf32, #tpu.memory_space<vmem>>, vector<1x16xf32>,
      %get3A_3271 = vector.shape_cast %get3A_3270 : vector<1x16xf32> to vector<16xf32>
      %add3A_3272 = arith.addf %add3A_3248, %get3A_3271 : vector<16xf32>
      %get3A_3273 = arith.constant 28 : i32
      %get3A_3274 = arith.index_cast %get3A_3273 : i32 to index
      %get3A_3275 = arith.constant 0 : index
      %get3A_3276 = tpu.vector_load %arg8[%get3A_3274, %get3A_3275] {strides = array<i32>} : memref<100x64xf32, #tpu.memory_space<vmem>>, vector<1x16xf32>,
      %get3A_3277 = vector.shape_cast %get3A_3276 : vector<1x16xf32> to vector<16xf32>
      %add3A_3278 = arith.addf %add3A_3254, %get3A_3277 : vector<16xf32>
      %get3A_3279 = arith.constant 28 : i32
      %get3A_3280 = arith.index_cast %get3A_3279 : i32 to index
      %get3A_3281 = arith.constant 16 : index
      %get3A_3282 = tpu.vector_load %arg8[%get3A_3280, %get3A_3281] {strides = array<i32>} : memref<100x64xf32, #tpu.memory_space<vmem>>, vector<1x16xf32>,
      %get3A_3283 = vector.shape_cast %get3A_3282 : vector<1x16xf32> to vector<16xf32>
      %add3A_3284 = arith.addf %add3A_3260, %get3A_3283 : vector<16xf32>
      %get3A_3285 = arith.constant 28 : i32
      %get3A_3286 = arith.index_cast %get3A_3285 : i32 to index
      %get3A_3287 = arith.constant 32 : index
      %get3A_3288 = tpu.vector_load %arg8[%get3A_3286, %get3A_3287] {strides = array<i32>} : memref<100x64xf32, #tpu.memory_space<vmem>>, vector<1x16xf32>,
      %get3A_3289 = vector.shape_cast %get3A_3288 : vector<1x16xf32> to vector<16xf32>
      %add3A_3290 = arith.addf %add3A_3266, %get3A_3289 : vector<16xf32>
      %get3A_3291 = arith.constant 28 : i32
      %get3A_3292 = arith.index_cast %get3A_3291 : i32 to index
      %get3A_3293 = arith.constant 48 : index
      %get3A_3294 = tpu.vector_load %arg8[%get3A_3292, %get3A_3293] {strides = array<i32>} : memref<100x64xf32, #tpu.memory_space<vmem>>, vector<1x16xf32>,
      %get3A_3295 = vector.shape_cast %get3A_3294 : vector<1x16xf32> to vector<16xf32>
      %add3A_3296 = arith.addf %add3A_3272, %get3A_3295 : vector<16xf32>
      %get3A_3297 = arith.constant 29 : i32
      %get3A_3298 = arith.index_cast %get3A_3297 : i32 to index
      %get3A_3299 = arith.constant 0 : index
      %get3A_3300 = tpu.vector_load %arg8[%get3A_3298, %get3A_3299] {strides = array<i32>} : memref<100x64xf32, #tpu.memory_space<vmem>>, vector<1x16xf32>,
      %get3A_3301 = vector.shape_cast %get3A_3300 : vector<1x16xf32> to vector<16xf32>
      %add3A_3302 = arith.addf %add3A_3278, %get3A_3301 : vector<16xf32>
      %get3A_3303 = arith.constant 29 : i32
      %get3A_3304 = arith.index_cast %get3A_3303 : i32 to index
      %get3A_3305 = arith.constant 16 : index
      %get3A_3306 = tpu.vector_load %arg8[%get3A_3304, %get3A_3305] {strides = array<i32>} : memref<100x64xf32, #tpu.memory_space<vmem>>, vector<1x16xf32>,
      %get3A_3307 = vector.shape_cast %get3A_3306 : vector<1x16xf32> to vector<16xf32>
      %add3A_3308 = arith.addf %add3A_3284, %get3A_3307 : vector<16xf32>
      %get3A_3309 = arith.constant 29 : i32
      %get3A_3310 = arith.index_cast %get3A_3309 : i32 to index
      %get3A_3311 = arith.constant 32 : index
      %get3A_3312 = tpu.vector_load %arg8[%get3A_3310, %get3A_3311] {strides = array<i32>} : memref<100x64xf32, #tpu.memory_space<vmem>>, vector<1x16xf32>,
      %get3A_3313 = vector.shape_cast %get3A_3312 : vector<1x16xf32> to vector<16xf32>
      %add3A_3314 = arith.addf %add3A_3290, %get3A_3313 : vector<16xf32>
      %get3A_3315 = arith.constant 29 : i32
      %get3A_3316 = arith.index_cast %get3A_3315 : i32 to index
      %get3A_3317 = arith.constant 48 : index
      %get3A_3318 = tpu.vector_load %arg8[%get3A_3316, %get3A_3317] {strides = array<i32>} : memref<100x64xf32, #tpu.memory_space<vmem>>, vector<1x16xf32>,
      %get3A_3319 = vector.shape_cast %get3A_3318 : vector<1x16xf32> to vector<16xf32>
      %add3A_3320 = arith.addf %add3A_3296, %get3A_3319 : vector<16xf32>
      %get3A_3321 = arith.constant 30 : i32
      %get3A_3322 = arith.index_cast %get3A_3321 : i32 to index
      %get3A_3323 = arith.constant 0 : index
      %get3A_3324 = tpu.vector_load %arg8[%get3A_3322, %get3A_3323] {strides = array<i32>} : memref<100x64xf32, #tpu.memory_space<vmem>>, vector<1x16xf32>,
      %get3A_3325 = vector.shape_cast %get3A_3324 : vector<1x16xf32> to vector<16xf32>
      %add3A_3326 = arith.addf %add3A_3302, %get3A_3325 : vector<16xf32>
      %get3A_3327 = arith.constant 30 : i32
      %get3A_3328 = arith.index_cast %get3A_3327 : i32 to index
      %get3A_3329 = arith.constant 16 : index
      %get3A_3330 = tpu.vector_load %arg8[%get3A_3328, %get3A_3329] {strides = array<i32>} : memref<100x64xf32, #tpu.memory_space<vmem>>, vector<1x16xf32>,
      %get3A_3331 = vector.shape_cast %get3A_3330 : vector<1x16xf32> to vector<16xf32>
      %add3A_3332 = arith.addf %add3A_3308, %get3A_3331 : vector<16xf32>
      %get3A_3333 = arith.constant 30 : i32
      %get3A_3334 = arith.index_cast %get3A_3333 : i32 to index
      %get3A_3335 = arith.constant 32 : index
      %get3A_3336 = tpu.vector_load %arg8[%get3A_3334, %get3A_3335] {strides = array<i32>} : memref<100x64xf32, #tpu.memory_space<vmem>>, vector<1x16xf32>,
      %get3A_3337 = vector.shape_cast %get3A_3336 : vector<1x16xf32> to vector<16xf32>
      %add3A_3338 = arith.addf %add3A_3314, %get3A_3337 : vector<16xf32>
      %get3A_3339 = arith.constant 30 : i32
      %get3A_3340 = arith.index_cast %get3A_3339 : i32 to index
      %get3A_3341 = arith.constant 48 : index
      %get3A_3342 = tpu.vector_load %arg8[%get3A_3340, %get3A_3341] {strides = array<i32>} : memref<100x64xf32, #tpu.memory_space<vmem>>, vector<1x16xf32>,
      %get3A_3343 = vector.shape_cast %get3A_3342 : vector<1x16xf32> to vector<16xf32>
      %add3A_3344 = arith.addf %add3A_3320, %get3A_3343 : vector<16xf32>
      %get3A_3345 = arith.constant 31 : i32
      %get3A_3346 = arith.index_cast %get3A_3345 : i32 to index
      %get3A_3347 = arith.constant 0 : index
      %get3A_3348 = tpu.vector_load %arg8[%get3A_3346, %get3A_3347] {strides = array<i32>} : memref<100x64xf32, #tpu.memory_space<vmem>>, vector<1x16xf32>,
      %get3A_3349 = vector.shape_cast %get3A_3348 : vector<1x16xf32> to vector<16xf32>
      %add3A_3350 = arith.addf %add3A_3326, %get3A_3349 : vector<16xf32>
      %get3A_3351 = arith.constant 31 : i32
      %get3A_3352 = arith.index_cast %get3A_3351 : i32 to index
      %get3A_3353 = arith.constant 16 : index
      %get3A_3354 = tpu.vector_load %arg8[%get3A_3352, %get3A_3353] {strides = array<i32>} : memref<100x64xf32, #tpu.memory_space<vmem>>, vector<1x16xf32>,
      %get3A_3355 = vector.shape_cast %get3A_3354 : vector<1x16xf32> to vector<16xf32>
      %add3A_3356 = arith.addf %add3A_3332, %get3A_3355 : vector<16xf32>
      %get3A_3357 = arith.constant 31 : i32
      %get3A_3358 = arith.index_cast %get3A_3357 : i32 to index
      %get3A_3359 = arith.constant 32 : index
      %get3A_3360 = tpu.vector_load %arg8[%get3A_3358, %get3A_3359] {strides = array<i32>} : memref<100x64xf32, #tpu.memory_space<vmem>>, vector<1x16xf32>,
      %get3A_3361 = vector.shape_cast %get3A_3360 : vector<1x16xf32> to vector<16xf32>
      %add3A_3362 = arith.addf %add3A_3338, %get3A_3361 : vector<16xf32>
      %get3A_3363 = arith.constant 31 : i32
      %get3A_3364 = arith.index_cast %get3A_3363 : i32 to index
      %get3A_3365 = arith.constant 48 : index
      %get3A_3366 = tpu.vector_load %arg8[%get3A_3364, %get3A_3365] {strides = array<i32>} : memref<100x64xf32, #tpu.memory_space<vmem>>, vector<1x16xf32>,
      %get3A_3367 = vector.shape_cast %get3A_3366 : vector<1x16xf32> to vector<16xf32>
      %add3A_3368 = arith.addf %add3A_3344, %get3A_3367 : vector<16xf32>
      %get3A_3369 = arith.constant 32 : i32
      %get3A_3370 = arith.index_cast %get3A_3369 : i32 to index
      %get3A_3371 = arith.constant 0 : index
      %get3A_3372 = tpu.vector_load %arg8[%get3A_3370, %get3A_3371] {strides = array<i32>} : memref<100x64xf32, #tpu.memory_space<vmem>>, vector<1x16xf32>,
      %get3A_3373 = vector.shape_cast %get3A_3372 : vector<1x16xf32> to vector<16xf32>
      %add3A_3374 = arith.addf %add3A_3350, %get3A_3373 : vector<16xf32>
      %get3A_3375 = arith.constant 32 : i32
      %get3A_3376 = arith.index_cast %get3A_3375 : i32 to index
      %get3A_3377 = arith.constant 16 : index
      %get3A_3378 = tpu.vector_load %arg8[%get3A_3376, %get3A_3377] {strides = array<i32>} : memref<100x64xf32, #tpu.memory_space<vmem>>, vector<1x16xf32>,
      %get3A_3379 = vector.shape_cast %get3A_3378 : vector<1x16xf32> to vector<16xf32>
      %add3A_3380 = arith.addf %add3A_3356, %get3A_3379 : vector<16xf32>
      %get3A_3381 = arith.constant 32 : i32
      %get3A_3382 = arith.index_cast %get3A_3381 : i32 to index
      %get3A_3383 = arith.constant 32 : index
      %get3A_3384 = tpu.vector_load %arg8[%get3A_3382, %get3A_3383] {strides = array<i32>} : memref<100x64xf32, #tpu.memory_space<vmem>>, vector<1x16xf32>,
      %get3A_3385 = vector.shape_cast %get3A_3384 : vector<1x16xf32> to vector<16xf32>
      %add3A_3386 = arith.addf %add3A_3362, %get3A_3385 : vector<16xf32>
      %get3A_3387 = arith.constant 32 : i32
      %get3A_3388 = arith.index_cast %get3A_3387 : i32 to index
      %get3A_3389 = arith.constant 48 : index
      %get3A_3390 = tpu.vector_load %arg8[%get3A_3388, %get3A_3389] {strides = array<i32>} : memref<100x64xf32, #tpu.memory_space<vmem>>, vector<1x16xf32>,
      %get3A_3391 = vector.shape_cast %get3A_3390 : vector<1x16xf32> to vector<16xf32>
      %add3A_3392 = arith.addf %add3A_3368, %get3A_3391 : vector<16xf32>
      %get3A_3393 = arith.constant 33 : i32
      %get3A_3394 = arith.index_cast %get3A_3393 : i32 to index
      %get3A_3395 = arith.constant 0 : index
      %get3A_3396 = tpu.vector_load %arg8[%get3A_3394, %get3A_3395] {strides = array<i32>} : memref<100x64xf32, #tpu.memory_space<vmem>>, vector<1x16xf32>,
      %get3A_3397 = vector.shape_cast %get3A_3396 : vector<1x16xf32> to vector<16xf32>
      %add3A_3398 = arith.addf %add3A_3374, %get3A_3397 : vector<16xf32>
      %get3A_3399 = arith.constant 33 : i32
      %get3A_3400 = arith.index_cast %get3A_3399 : i32 to index
      %get3A_3401 = arith.constant 16 : index
      %get3A_3402 = tpu.vector_load %arg8[%get3A_3400, %get3A_3401] {strides = array<i32>} : memref<100x64xf32, #tpu.memory_space<vmem>>, vector<1x16xf32>,
      %get3A_3403 = vector.shape_cast %get3A_3402 : vector<1x16xf32> to vector<16xf32>
      %add3A_3404 = arith.addf %add3A_3380, %get3A_3403 : vector<16xf32>
      %get3A_3405 = arith.constant 33 : i32
      %get3A_3406 = arith.index_cast %get3A_3405 : i32 to index
      %get3A_3407 = arith.constant 32 : index
      %get3A_3408 = tpu.vector_load %arg8[%get3A_3406, %get3A_3407] {strides = array<i32>} : memref<100x64xf32, #tpu.memory_space<vmem>>, vector<1x16xf32>,
      %get3A_3409 = vector.shape_cast %get3A_3408 : vector<1x16xf32> to vector<16xf32>
      %add3A_3410 = arith.addf %add3A_3386, %get3A_3409 : vector<16xf32>
      %get3A_3411 = arith.constant 33 : i32
      %get3A_3412 = arith.index_cast %get3A_3411 : i32 to index
      %get3A_3413 = arith.constant 48 : index
      %get3A_3414 = tpu.vector_load %arg8[%get3A_3412, %get3A_3413] {strides = array<i32>} : memref<100x64xf32, #tpu.memory_space<vmem>>, vector<1x16xf32>,
      %get3A_3415 = vector.shape_cast %get3A_3414 : vector<1x16xf32> to vector<16xf32>
      %add3A_3416 = arith.addf %add3A_3392, %get3A_3415 : vector<16xf32>
      %get3A_3417 = arith.constant 34 : i32
      %get3A_3418 = arith.index_cast %get3A_3417 : i32 to index
      %get3A_3419 = arith.constant 0 : index
      %get3A_3420 = tpu.vector_load %arg8[%get3A_3418, %get3A_3419] {strides = array<i32>} : memref<100x64xf32, #tpu.memory_space<vmem>>, vector<1x16xf32>,
      %get3A_3421 = vector.shape_cast %get3A_3420 : vector<1x16xf32> to vector<16xf32>
      %add3A_3422 = arith.addf %add3A_3398, %get3A_3421 : vector<16xf32>
      %get3A_3423 = arith.constant 34 : i32
      %get3A_3424 = arith.index_cast %get3A_3423 : i32 to index
      %get3A_3425 = arith.constant 16 : index
      %get3A_3426 = tpu.vector_load %arg8[%get3A_3424, %get3A_3425] {strides = array<i32>} : memref<100x64xf32, #tpu.memory_space<vmem>>, vector<1x16xf32>,
      %get3A_3427 = vector.shape_cast %get3A_3426 : vector<1x16xf32> to vector<16xf32>
      %add3A_3428 = arith.addf %add3A_3404, %get3A_3427 : vector<16xf32>
      %get3A_3429 = arith.constant 34 : i32
      %get3A_3430 = arith.index_cast %get3A_3429 : i32 to index
      %get3A_3431 = arith.constant 32 : index
      %get3A_3432 = tpu.vector_load %arg8[%get3A_3430, %get3A_3431] {strides = array<i32>} : memref<100x64xf32, #tpu.memory_space<vmem>>, vector<1x16xf32>,
      %get3A_3433 = vector.shape_cast %get3A_3432 : vector<1x16xf32> to vector<16xf32>
      %add3A_3434 = arith.addf %add3A_3410, %get3A_3433 : vector<16xf32>
      %get3A_3435 = arith.constant 34 : i32
      %get3A_3436 = arith.index_cast %get3A_3435 : i32 to index
      %get3A_3437 = arith.constant 48 : index
      %get3A_3438 = tpu.vector_load %arg8[%get3A_3436, %get3A_3437] {strides = array<i32>} : memref<100x64xf32, #tpu.memory_space<vmem>>, vector<1x16xf32>,
      %get3A_3439 = vector.shape_cast %get3A_3438 : vector<1x16xf32> to vector<16xf32>
      %add3A_3440 = arith.addf %add3A_3416, %get3A_3439 : vector<16xf32>
      %get3A_3441 = arith.constant 35 : i32
      %get3A_3442 = arith.index_cast %get3A_3441 : i32 to index
      %get3A_3443 = arith.constant 0 : index
      %get3A_3444 = tpu.vector_load %arg8[%get3A_3442, %get3A_3443] {strides = array<i32>} : memref<100x64xf32, #tpu.memory_space<vmem>>, vector<1x16xf32>,
      %get3A_3445 = vector.shape_cast %get3A_3444 : vector<1x16xf32> to vector<16xf32>
      %add3A_3446 = arith.addf %add3A_3422, %get3A_3445 : vector<16xf32>
      %get3A_3447 = arith.constant 35 : i32
      %get3A_3448 = arith.index_cast %get3A_3447 : i32 to index
      %get3A_3449 = arith.constant 16 : index
      %get3A_3450 = tpu.vector_load %arg8[%get3A_3448, %get3A_3449] {strides = array<i32>} : memref<100x64xf32, #tpu.memory_space<vmem>>, vector<1x16xf32>,
      %get3A_3451 = vector.shape_cast %get3A_3450 : vector<1x16xf32> to vector<16xf32>
      %add3A_3452 = arith.addf %add3A_3428, %get3A_3451 : vector<16xf32>
      %get3A_3453 = arith.constant 35 : i32
      %get3A_3454 = arith.index_cast %get3A_3453 : i32 to index
      %get3A_3455 = arith.constant 32 : index
      %get3A_3456 = tpu.vector_load %arg8[%get3A_3454, %get3A_3455] {strides = array<i32>} : memref<100x64xf32, #tpu.memory_space<vmem>>, vector<1x16xf32>,
      %get3A_3457 = vector.shape_cast %get3A_3456 : vector<1x16xf32> to vector<16xf32>
      %add3A_3458 = arith.addf %add3A_3434, %get3A_3457 : vector<16xf32>
      %get3A_3459 = arith.constant 35 : i32
      %get3A_3460 = arith.index_cast %get3A_3459 : i32 to index
      %get3A_3461 = arith.constant 48 : index
      %get3A_3462 = tpu.vector_load %arg8[%get3A_3460, %get3A_3461] {strides = array<i32>} : memref<100x64xf32, #tpu.memory_space<vmem>>, vector<1x16xf32>,
      %get3A_3463 = vector.shape_cast %get3A_3462 : vector<1x16xf32> to vector<16xf32>
      %add3A_3464 = arith.addf %add3A_3440, %get3A_3463 : vector<16xf32>
      %get3A_3465 = arith.constant 36 : i32
      %get3A_3466 = arith.index_cast %get3A_3465 : i32 to index
      %get3A_3467 = arith.constant 0 : index
      %get3A_3468 = tpu.vector_load %arg8[%get3A_3466, %get3A_3467] {strides = array<i32>} : memref<100x64xf32, #tpu.memory_space<vmem>>, vector<1x16xf32>,
      %get3A_3469 = vector.shape_cast %get3A_3468 : vector<1x16xf32> to vector<16xf32>
      %add3A_3470 = arith.addf %add3A_3446, %get3A_3469 : vector<16xf32>
      %get3A_3471 = arith.constant 36 : i32
      %get3A_3472 = arith.index_cast %get3A_3471 : i32 to index
      %get3A_3473 = arith.constant 16 : index
      %get3A_3474 = tpu.vector_load %arg8[%get3A_3472, %get3A_3473] {strides = array<i32>} : memref<100x64xf32, #tpu.memory_space<vmem>>, vector<1x16xf32>,
      %get3A_3475 = vector.shape_cast %get3A_3474 : vector<1x16xf32> to vector<16xf32>
      %add3A_3476 = arith.addf %add3A_3452, %get3A_3475 : vector<16xf32>
      %get3A_3477 = arith.constant 36 : i32
      %get3A_3478 = arith.index_cast %get3A_3477 : i32 to index
      %get3A_3479 = arith.constant 32 : index
      %get3A_3480 = tpu.vector_load %arg8[%get3A_3478, %get3A_3479] {strides = array<i32>} : memref<100x64xf32, #tpu.memory_space<vmem>>, vector<1x16xf32>,
      %get3A_3481 = vector.shape_cast %get3A_3480 : vector<1x16xf32> to vector<16xf32>
      %add3A_3482 = arith.addf %add3A_3458, %get3A_3481 : vector<16xf32>
      %get3A_3483 = arith.constant 36 : i32
      %get3A_3484 = arith.index_cast %get3A_3483 : i32 to index
      %get3A_3485 = arith.constant 48 : index
      %get3A_3486 = tpu.vector_load %arg8[%get3A_3484, %get3A_3485] {strides = array<i32>} : memref<100x64xf32, #tpu.memory_space<vmem>>, vector<1x16xf32>,
      %get3A_3487 = vector.shape_cast %get3A_3486 : vector<1x16xf32> to vector<16xf32>
      %add3A_3488 = arith.addf %add3A_3464, %get3A_3487 : vector<16xf32>
      %get3A_3489 = arith.constant 37 : i32
      %get3A_3490 = arith.index_cast %get3A_3489 : i32 to index
      %get3A_3491 = arith.constant 0 : index
      %get3A_3492 = tpu.vector_load %arg8[%get3A_3490, %get3A_3491] {strides = array<i32>} : memref<100x64xf32, #tpu.memory_space<vmem>>, vector<1x16xf32>,
      %get3A_3493 = vector.shape_cast %get3A_3492 : vector<1x16xf32> to vector<16xf32>
      %add3A_3494 = arith.addf %add3A_3470, %get3A_3493 : vector<16xf32>
      %get3A_3495 = arith.constant 37 : i32
      %get3A_3496 = arith.index_cast %get3A_3495 : i32 to index
      %get3A_3497 = arith.constant 16 : index
      %get3A_3498 = tpu.vector_load %arg8[%get3A_3496, %get3A_3497] {strides = array<i32>} : memref<100x64xf32, #tpu.memory_space<vmem>>, vector<1x16xf32>,
      %get3A_3499 = vector.shape_cast %get3A_3498 : vector<1x16xf32> to vector<16xf32>
      %add3A_3500 = arith.addf %add3A_3476, %get3A_3499 : vector<16xf32>
      %get3A_3501 = arith.constant 37 : i32
      %get3A_3502 = arith.index_cast %get3A_3501 : i32 to index
      %get3A_3503 = arith.constant 32 : index
      %get3A_3504 = tpu.vector_load %arg8[%get3A_3502, %get3A_3503] {strides = array<i32>} : memref<100x64xf32, #tpu.memory_space<vmem>>, vector<1x16xf32>,
      %get3A_3505 = vector.shape_cast %get3A_3504 : vector<1x16xf32> to vector<16xf32>
      %add3A_3506 = arith.addf %add3A_3482, %get3A_3505 : vector<16xf32>
      %get3A_3507 = arith.constant 37 : i32
      %get3A_3508 = arith.index_cast %get3A_3507 : i32 to index
      %get3A_3509 = arith.constant 48 : index
      %get3A_3510 = tpu.vector_load %arg8[%get3A_3508, %get3A_3509] {strides = array<i32>} : memref<100x64xf32, #tpu.memory_space<vmem>>, vector<1x16xf32>,
      %get3A_3511 = vector.shape_cast %get3A_3510 : vector<1x16xf32> to vector<16xf32>
      %add3A_3512 = arith.addf %add3A_3488, %get3A_3511 : vector<16xf32>
      %get3A_3513 = arith.constant 38 : i32
      %get3A_3514 = arith.index_cast %get3A_3513 : i32 to index
      %get3A_3515 = arith.constant 0 : index
      %get3A_3516 = tpu.vector_load %arg8[%get3A_3514, %get3A_3515] {strides = array<i32>} : memref<100x64xf32, #tpu.memory_space<vmem>>, vector<1x16xf32>,
      %get3A_3517 = vector.shape_cast %get3A_3516 : vector<1x16xf32> to vector<16xf32>
      %add3A_3518 = arith.addf %add3A_3494, %get3A_3517 : vector<16xf32>
      %get3A_3519 = arith.constant 38 : i32
      %get3A_3520 = arith.index_cast %get3A_3519 : i32 to index
      %get3A_3521 = arith.constant 16 : index
      %get3A_3522 = tpu.vector_load %arg8[%get3A_3520, %get3A_3521] {strides = array<i32>} : memref<100x64xf32, #tpu.memory_space<vmem>>, vector<1x16xf32>,
      %get3A_3523 = vector.shape_cast %get3A_3522 : vector<1x16xf32> to vector<16xf32>
      %add3A_3524 = arith.addf %add3A_3500, %get3A_3523 : vector<16xf32>
      %get3A_3525 = arith.constant 38 : i32
      %get3A_3526 = arith.index_cast %get3A_3525 : i32 to index
      %get3A_3527 = arith.constant 32 : index
      %get3A_3528 = tpu.vector_load %arg8[%get3A_3526, %get3A_3527] {strides = array<i32>} : memref<100x64xf32, #tpu.memory_space<vmem>>, vector<1x16xf32>,
      %get3A_3529 = vector.shape_cast %get3A_3528 : vector<1x16xf32> to vector<16xf32>
      %add3A_3530 = arith.addf %add3A_3506, %get3A_3529 : vector<16xf32>
      %get3A_3531 = arith.constant 38 : i32
      %get3A_3532 = arith.index_cast %get3A_3531 : i32 to index
      %get3A_3533 = arith.constant 48 : index
      %get3A_3534 = tpu.vector_load %arg8[%get3A_3532, %get3A_3533] {strides = array<i32>} : memref<100x64xf32, #tpu.memory_space<vmem>>, vector<1x16xf32>,
      %get3A_3535 = vector.shape_cast %get3A_3534 : vector<1x16xf32> to vector<16xf32>
      %add3A_3536 = arith.addf %add3A_3512, %get3A_3535 : vector<16xf32>
      %get3A_3537 = arith.constant 39 : i32
      %get3A_3538 = arith.index_cast %get3A_3537 : i32 to index
      %get3A_3539 = arith.constant 0 : index
      %get3A_3540 = tpu.vector_load %arg8[%get3A_3538, %get3A_3539] {strides = array<i32>} : memref<100x64xf32, #tpu.memory_space<vmem>>, vector<1x16xf32>,
      %get3A_3541 = vector.shape_cast %get3A_3540 : vector<1x16xf32> to vector<16xf32>
      %add3A_3542 = arith.addf %add3A_3518, %get3A_3541 : vector<16xf32>
      %get3A_3543 = arith.constant 39 : i32
      %get3A_3544 = arith.index_cast %get3A_3543 : i32 to index
      %get3A_3545 = arith.constant 16 : index
      %get3A_3546 = tpu.vector_load %arg8[%get3A_3544, %get3A_3545] {strides = array<i32>} : memref<100x64xf32, #tpu.memory_space<vmem>>, vector<1x16xf32>,
      %get3A_3547 = vector.shape_cast %get3A_3546 : vector<1x16xf32> to vector<16xf32>
      %add3A_3548 = arith.addf %add3A_3524, %get3A_3547 : vector<16xf32>
      %get3A_3549 = arith.constant 39 : i32
      %get3A_3550 = arith.index_cast %get3A_3549 : i32 to index
      %get3A_3551 = arith.constant 32 : index
      %get3A_3552 = tpu.vector_load %arg8[%get3A_3550, %get3A_3551] {strides = array<i32>} : memref<100x64xf32, #tpu.memory_space<vmem>>, vector<1x16xf32>,
      %get3A_3553 = vector.shape_cast %get3A_3552 : vector<1x16xf32> to vector<16xf32>
      %add3A_3554 = arith.addf %add3A_3530, %get3A_3553 : vector<16xf32>
      %get3A_3555 = arith.constant 39 : i32
      %get3A_3556 = arith.index_cast %get3A_3555 : i32 to index
      %get3A_3557 = arith.constant 48 : index
      %get3A_3558 = tpu.vector_load %arg8[%get3A_3556, %get3A_3557] {strides = array<i32>} : memref<100x64xf32, #tpu.memory_space<vmem>>, vector<1x16xf32>,
      %get3A_3559 = vector.shape_cast %get3A_3558 : vector<1x16xf32> to vector<16xf32>
      %add3A_3560 = arith.addf %add3A_3536, %get3A_3559 : vector<16xf32>
      %get3A_3561 = arith.constant 40 : i32
      %get3A_3562 = arith.index_cast %get3A_3561 : i32 to index
      %get3A_3563 = arith.constant 0 : index
      %get3A_3564 = tpu.vector_load %arg8[%get3A_3562, %get3A_3563] {strides = array<i32>} : memref<100x64xf32, #tpu.memory_space<vmem>>, vector<1x16xf32>,
      %get3A_3565 = vector.shape_cast %get3A_3564 : vector<1x16xf32> to vector<16xf32>
      %add3A_3566 = arith.addf %add3A_3542, %get3A_3565 : vector<16xf32>
      %get3A_3567 = arith.constant 40 : i32
      %get3A_3568 = arith.index_cast %get3A_3567 : i32 to index
      %get3A_3569 = arith.constant 16 : index
      %get3A_3570 = tpu.vector_load %arg8[%get3A_3568, %get3A_3569] {strides = array<i32>} : memref<100x64xf32, #tpu.memory_space<vmem>>, vector<1x16xf32>,
      %get3A_3571 = vector.shape_cast %get3A_3570 : vector<1x16xf32> to vector<16xf32>
      %add3A_3572 = arith.addf %add3A_3548, %get3A_3571 : vector<16xf32>
      %get3A_3573 = arith.constant 40 : i32
      %get3A_3574 = arith.index_cast %get3A_3573 : i32 to index
      %get3A_3575 = arith.constant 32 : index
      %get3A_3576 = tpu.vector_load %arg8[%get3A_3574, %get3A_3575] {strides = array<i32>} : memref<100x64xf32, #tpu.memory_space<vmem>>, vector<1x16xf32>,
      %get3A_3577 = vector.shape_cast %get3A_3576 : vector<1x16xf32> to vector<16xf32>
      %add3A_3578 = arith.addf %add3A_3554, %get3A_3577 : vector<16xf32>
      %get3A_3579 = arith.constant 40 : i32
      %get3A_3580 = arith.index_cast %get3A_3579 : i32 to index
      %get3A_3581 = arith.constant 48 : index
      %get3A_3582 = tpu.vector_load %arg8[%get3A_3580, %get3A_3581] {strides = array<i32>} : memref<100x64xf32, #tpu.memory_space<vmem>>, vector<1x16xf32>,
      %get3A_3583 = vector.shape_cast %get3A_3582 : vector<1x16xf32> to vector<16xf32>
      %add3A_3584 = arith.addf %add3A_3560, %get3A_3583 : vector<16xf32>
      %get3A_3585 = arith.constant 41 : i32
      %get3A_3586 = arith.index_cast %get3A_3585 : i32 to index
      %get3A_3587 = arith.constant 0 : index
      %get3A_3588 = tpu.vector_load %arg8[%get3A_3586, %get3A_3587] {strides = array<i32>} : memref<100x64xf32, #tpu.memory_space<vmem>>, vector<1x16xf32>,
      %get3A_3589 = vector.shape_cast %get3A_3588 : vector<1x16xf32> to vector<16xf32>
      %add3A_3590 = arith.addf %add3A_3566, %get3A_3589 : vector<16xf32>
      %get3A_3591 = arith.constant 41 : i32
      %get3A_3592 = arith.index_cast %get3A_3591 : i32 to index
      %get3A_3593 = arith.constant 16 : index
      %get3A_3594 = tpu.vector_load %arg8[%get3A_3592, %get3A_3593] {strides = array<i32>} : memref<100x64xf32, #tpu.memory_space<vmem>>, vector<1x16xf32>,
      %get3A_3595 = vector.shape_cast %get3A_3594 : vector<1x16xf32> to vector<16xf32>
      %add3A_3596 = arith.addf %add3A_3572, %get3A_3595 : vector<16xf32>
      %get3A_3597 = arith.constant 41 : i32
      %get3A_3598 = arith.index_cast %get3A_3597 : i32 to index
      %get3A_3599 = arith.constant 32 : index
      %get3A_3600 = tpu.vector_load %arg8[%get3A_3598, %get3A_3599] {strides = array<i32>} : memref<100x64xf32, #tpu.memory_space<vmem>>, vector<1x16xf32>,
      %get3A_3601 = vector.shape_cast %get3A_3600 : vector<1x16xf32> to vector<16xf32>
      %add3A_3602 = arith.addf %add3A_3578, %get3A_3601 : vector<16xf32>
      %get3A_3603 = arith.constant 41 : i32
      %get3A_3604 = arith.index_cast %get3A_3603 : i32 to index
      %get3A_3605 = arith.constant 48 : index
      %get3A_3606 = tpu.vector_load %arg8[%get3A_3604, %get3A_3605] {strides = array<i32>} : memref<100x64xf32, #tpu.memory_space<vmem>>, vector<1x16xf32>,
      %get3A_3607 = vector.shape_cast %get3A_3606 : vector<1x16xf32> to vector<16xf32>
      %add3A_3608 = arith.addf %add3A_3584, %get3A_3607 : vector<16xf32>
      %get3A_3609 = arith.constant 42 : i32
      %get3A_3610 = arith.index_cast %get3A_3609 : i32 to index
      %get3A_3611 = arith.constant 0 : index
      %get3A_3612 = tpu.vector_load %arg8[%get3A_3610, %get3A_3611] {strides = array<i32>} : memref<100x64xf32, #tpu.memory_space<vmem>>, vector<1x16xf32>,
      %get3A_3613 = vector.shape_cast %get3A_3612 : vector<1x16xf32> to vector<16xf32>
      %add3A_3614 = arith.addf %add3A_3590, %get3A_3613 : vector<16xf32>
      %get3A_3615 = arith.constant 42 : i32
      %get3A_3616 = arith.index_cast %get3A_3615 : i32 to index
      %get3A_3617 = arith.constant 16 : index
      %get3A_3618 = tpu.vector_load %arg8[%get3A_3616, %get3A_3617] {strides = array<i32>} : memref<100x64xf32, #tpu.memory_space<vmem>>, vector<1x16xf32>,
      %get3A_3619 = vector.shape_cast %get3A_3618 : vector<1x16xf32> to vector<16xf32>
      %add3A_3620 = arith.addf %add3A_3596, %get3A_3619 : vector<16xf32>
      %get3A_3621 = arith.constant 42 : i32
      %get3A_3622 = arith.index_cast %get3A_3621 : i32 to index
      %get3A_3623 = arith.constant 32 : index
      %get3A_3624 = tpu.vector_load %arg8[%get3A_3622, %get3A_3623] {strides = array<i32>} : memref<100x64xf32, #tpu.memory_space<vmem>>, vector<1x16xf32>,
      %get3A_3625 = vector.shape_cast %get3A_3624 : vector<1x16xf32> to vector<16xf32>
      %add3A_3626 = arith.addf %add3A_3602, %get3A_3625 : vector<16xf32>
      %get3A_3627 = arith.constant 42 : i32
      %get3A_3628 = arith.index_cast %get3A_3627 : i32 to index
      %get3A_3629 = arith.constant 48 : index
      %get3A_3630 = tpu.vector_load %arg8[%get3A_3628, %get3A_3629] {strides = array<i32>} : memref<100x64xf32, #tpu.memory_space<vmem>>, vector<1x16xf32>,
      %get3A_3631 = vector.shape_cast %get3A_3630 : vector<1x16xf32> to vector<16xf32>
      %add3A_3632 = arith.addf %add3A_3608, %get3A_3631 : vector<16xf32>
      %get3A_3633 = arith.constant 43 : i32
      %get3A_3634 = arith.index_cast %get3A_3633 : i32 to index
      %get3A_3635 = arith.constant 0 : index
      %get3A_3636 = tpu.vector_load %arg8[%get3A_3634, %get3A_3635] {strides = array<i32>} : memref<100x64xf32, #tpu.memory_space<vmem>>, vector<1x16xf32>,
      %get3A_3637 = vector.shape_cast %get3A_3636 : vector<1x16xf32> to vector<16xf32>
      %add3A_3638 = arith.addf %add3A_3614, %get3A_3637 : vector<16xf32>
      %get3A_3639 = arith.constant 43 : i32
      %get3A_3640 = arith.index_cast %get3A_3639 : i32 to index
      %get3A_3641 = arith.constant 16 : index
      %get3A_3642 = tpu.vector_load %arg8[%get3A_3640, %get3A_3641] {strides = array<i32>} : memref<100x64xf32, #tpu.memory_space<vmem>>, vector<1x16xf32>,
      %get3A_3643 = vector.shape_cast %get3A_3642 : vector<1x16xf32> to vector<16xf32>
      %add3A_3644 = arith.addf %add3A_3620, %get3A_3643 : vector<16xf32>
      %get3A_3645 = arith.constant 43 : i32
      %get3A_3646 = arith.index_cast %get3A_3645 : i32 to index
      %get3A_3647 = arith.constant 32 : index
      %get3A_3648 = tpu.vector_load %arg8[%get3A_3646, %get3A_3647] {strides = array<i32>} : memref<100x64xf32, #tpu.memory_space<vmem>>, vector<1x16xf32>,
      %get3A_3649 = vector.shape_cast %get3A_3648 : vector<1x16xf32> to vector<16xf32>
      %add3A_3650 = arith.addf %add3A_3626, %get3A_3649 : vector<16xf32>
      %get3A_3651 = arith.constant 43 : i32
      %get3A_3652 = arith.index_cast %get3A_3651 : i32 to index
      %get3A_3653 = arith.constant 48 : index
      %get3A_3654 = tpu.vector_load %arg8[%get3A_3652, %get3A_3653] {strides = array<i32>} : memref<100x64xf32, #tpu.memory_space<vmem>>, vector<1x16xf32>,
      %get3A_3655 = vector.shape_cast %get3A_3654 : vector<1x16xf32> to vector<16xf32>
      %add3A_3656 = arith.addf %add3A_3632, %get3A_3655 : vector<16xf32>
      %get3A_3657 = arith.constant 44 : i32
      %get3A_3658 = arith.index_cast %get3A_3657 : i32 to index
      %get3A_3659 = arith.constant 0 : index
      %get3A_3660 = tpu.vector_load %arg8[%get3A_3658, %get3A_3659] {strides = array<i32>} : memref<100x64xf32, #tpu.memory_space<vmem>>, vector<1x16xf32>,
      %get3A_3661 = vector.shape_cast %get3A_3660 : vector<1x16xf32> to vector<16xf32>
      %add3A_3662 = arith.addf %add3A_3638, %get3A_3661 : vector<16xf32>
      %get3A_3663 = arith.constant 44 : i32
      %get3A_3664 = arith.index_cast %get3A_3663 : i32 to index
      %get3A_3665 = arith.constant 16 : index
      %get3A_3666 = tpu.vector_load %arg8[%get3A_3664, %get3A_3665] {strides = array<i32>} : memref<100x64xf32, #tpu.memory_space<vmem>>, vector<1x16xf32>,
      %get3A_3667 = vector.shape_cast %get3A_3666 : vector<1x16xf32> to vector<16xf32>
      %add3A_3668 = arith.addf %add3A_3644, %get3A_3667 : vector<16xf32>
      %get3A_3669 = arith.constant 44 : i32
      %get3A_3670 = arith.index_cast %get3A_3669 : i32 to index
      %get3A_3671 = arith.constant 32 : index
      %get3A_3672 = tpu.vector_load %arg8[%get3A_3670, %get3A_3671] {strides = array<i32>} : memref<100x64xf32, #tpu.memory_space<vmem>>, vector<1x16xf32>,
      %get3A_3673 = vector.shape_cast %get3A_3672 : vector<1x16xf32> to vector<16xf32>
      %add3A_3674 = arith.addf %add3A_3650, %get3A_3673 : vector<16xf32>
      %get3A_3675 = arith.constant 44 : i32
      %get3A_3676 = arith.index_cast %get3A_3675 : i32 to index
      %get3A_3677 = arith.constant 48 : index
      %get3A_3678 = tpu.vector_load %arg8[%get3A_3676, %get3A_3677] {strides = array<i32>} : memref<100x64xf32, #tpu.memory_space<vmem>>, vector<1x16xf32>,
      %get3A_3679 = vector.shape_cast %get3A_3678 : vector<1x16xf32> to vector<16xf32>
      %add3A_3680 = arith.addf %add3A_3656, %get3A_3679 : vector<16xf32>
      %get3A_3681 = arith.constant 45 : i32
      %get3A_3682 = arith.index_cast %get3A_3681 : i32 to index
      %get3A_3683 = arith.constant 0 : index
      %get3A_3684 = tpu.vector_load %arg8[%get3A_3682, %get3A_3683] {strides = array<i32>} : memref<100x64xf32, #tpu.memory_space<vmem>>, vector<1x16xf32>,
      %get3A_3685 = vector.shape_cast %get3A_3684 : vector<1x16xf32> to vector<16xf32>
      %add3A_3686 = arith.addf %add3A_3662, %get3A_3685 : vector<16xf32>
      %get3A_3687 = arith.constant 45 : i32
      %get3A_3688 = arith.index_cast %get3A_3687 : i32 to index
      %get3A_3689 = arith.constant 16 : index
      %get3A_3690 = tpu.vector_load %arg8[%get3A_3688, %get3A_3689] {strides = array<i32>} : memref<100x64xf32, #tpu.memory_space<vmem>>, vector<1x16xf32>,
      %get3A_3691 = vector.shape_cast %get3A_3690 : vector<1x16xf32> to vector<16xf32>
      %add3A_3692 = arith.addf %add3A_3668, %get3A_3691 : vector<16xf32>
      %get3A_3693 = arith.constant 45 : i32
      %get3A_3694 = arith.index_cast %get3A_3693 : i32 to index
      %get3A_3695 = arith.constant 32 : index
      %get3A_3696 = tpu.vector_load %arg8[%get3A_3694, %get3A_3695] {strides = array<i32>} : memref<100x64xf32, #tpu.memory_space<vmem>>, vector<1x16xf32>,
      %get3A_3697 = vector.shape_cast %get3A_3696 : vector<1x16xf32> to vector<16xf32>
      %add3A_3698 = arith.addf %add3A_3674, %get3A_3697 : vector<16xf32>
      %get3A_3699 = arith.constant 45 : i32
      %get3A_3700 = arith.index_cast %get3A_3699 : i32 to index
      %get3A_3701 = arith.constant 48 : index
      %get3A_3702 = tpu.vector_load %arg8[%get3A_3700, %get3A_3701] {strides = array<i32>} : memref<100x64xf32, #tpu.memory_space<vmem>>, vector<1x16xf32>,
      %get3A_3703 = vector.shape_cast %get3A_3702 : vector<1x16xf32> to vector<16xf32>
      %add3A_3704 = arith.addf %add3A_3680, %get3A_3703 : vector<16xf32>
      %get3A_3705 = arith.constant 46 : i32
      %get3A_3706 = arith.index_cast %get3A_3705 : i32 to index
      %get3A_3707 = arith.constant 0 : index
      %get3A_3708 = tpu.vector_load %arg8[%get3A_3706, %get3A_3707] {strides = array<i32>} : memref<100x64xf32, #tpu.memory_space<vmem>>, vector<1x16xf32>,
      %get3A_3709 = vector.shape_cast %get3A_3708 : vector<1x16xf32> to vector<16xf32>
      %add3A_3710 = arith.addf %add3A_3686, %get3A_3709 : vector<16xf32>
      %get3A_3711 = arith.constant 46 : i32
      %get3A_3712 = arith.index_cast %get3A_3711 : i32 to index
      %get3A_3713 = arith.constant 16 : index
      %get3A_3714 = tpu.vector_load %arg8[%get3A_3712, %get3A_3713] {strides = array<i32>} : memref<100x64xf32, #tpu.memory_space<vmem>>, vector<1x16xf32>,
      %get3A_3715 = vector.shape_cast %get3A_3714 : vector<1x16xf32> to vector<16xf32>
      %add3A_3716 = arith.addf %add3A_3692, %get3A_3715 : vector<16xf32>
      %get3A_3717 = arith.constant 46 : i32
      %get3A_3718 = arith.index_cast %get3A_3717 : i32 to index
      %get3A_3719 = arith.constant 32 : index
      %get3A_3720 = tpu.vector_load %arg8[%get3A_3718, %get3A_3719] {strides = array<i32>} : memref<100x64xf32, #tpu.memory_space<vmem>>, vector<1x16xf32>,
      %get3A_3721 = vector.shape_cast %get3A_3720 : vector<1x16xf32> to vector<16xf32>
      %add3A_3722 = arith.addf %add3A_3698, %get3A_3721 : vector<16xf32>
      %get3A_3723 = arith.constant 46 : i32
      %get3A_3724 = arith.index_cast %get3A_3723 : i32 to index
      %get3A_3725 = arith.constant 48 : index
      %get3A_3726 = tpu.vector_load %arg8[%get3A_3724, %get3A_3725] {strides = array<i32>} : memref<100x64xf32, #tpu.memory_space<vmem>>, vector<1x16xf32>,
      %get3A_3727 = vector.shape_cast %get3A_3726 : vector<1x16xf32> to vector<16xf32>
      %add3A_3728 = arith.addf %add3A_3704, %get3A_3727 : vector<16xf32>
      %get3A_3729 = arith.constant 47 : i32
      %get3A_3730 = arith.index_cast %get3A_3729 : i32 to index
      %get3A_3731 = arith.constant 0 : index
      %get3A_3732 = tpu.vector_load %arg8[%get3A_3730, %get3A_3731] {strides = array<i32>} : memref<100x64xf32, #tpu.memory_space<vmem>>, vector<1x16xf32>,
      %get3A_3733 = vector.shape_cast %get3A_3732 : vector<1x16xf32> to vector<16xf32>
      %add3A_3734 = arith.addf %add3A_3710, %get3A_3733 : vector<16xf32>
      %get3A_3735 = arith.constant 47 : i32
      %get3A_3736 = arith.index_cast %get3A_3735 : i32 to index
      %get3A_3737 = arith.constant 16 : index
      %get3A_3738 = tpu.vector_load %arg8[%get3A_3736, %get3A_3737] {strides = array<i32>} : memref<100x64xf32, #tpu.memory_space<vmem>>, vector<1x16xf32>,
      %get3A_3739 = vector.shape_cast %get3A_3738 : vector<1x16xf32> to vector<16xf32>
      %add3A_3740 = arith.addf %add3A_3716, %get3A_3739 : vector<16xf32>
      %get3A_3741 = arith.constant 47 : i32
      %get3A_3742 = arith.index_cast %get3A_3741 : i32 to index
      %get3A_3743 = arith.constant 32 : index
      %get3A_3744 = tpu.vector_load %arg8[%get3A_3742, %get3A_3743] {strides = array<i32>} : memref<100x64xf32, #tpu.memory_space<vmem>>, vector<1x16xf32>,
      %get3A_3745 = vector.shape_cast %get3A_3744 : vector<1x16xf32> to vector<16xf32>
      %add3A_3746 = arith.addf %add3A_3722, %get3A_3745 : vector<16xf32>
      %get3A_3747 = arith.constant 47 : i32
      %get3A_3748 = arith.index_cast %get3A_3747 : i32 to index
      %get3A_3749 = arith.constant 48 : index
      %get3A_3750 = tpu.vector_load %arg8[%get3A_3748, %get3A_3749] {strides = array<i32>} : memref<100x64xf32, #tpu.memory_space<vmem>>, vector<1x16xf32>,
      %get3A_3751 = vector.shape_cast %get3A_3750 : vector<1x16xf32> to vector<16xf32>
      %add3A_3752 = arith.addf %add3A_3728, %get3A_3751 : vector<16xf32>
      %get3A_3753 = arith.constant 48 : i32
      %get3A_3754 = arith.index_cast %get3A_3753 : i32 to index
      %get3A_3755 = arith.constant 0 : index
      %get3A_3756 = tpu.vector_load %arg8[%get3A_3754, %get3A_3755] {strides = array<i32>} : memref<100x64xf32, #tpu.memory_space<vmem>>, vector<1x16xf32>,
      %get3A_3757 = vector.shape_cast %get3A_3756 : vector<1x16xf32> to vector<16xf32>
      %add3A_3758 = arith.addf %add3A_3734, %get3A_3757 : vector<16xf32>
      %get3A_3759 = arith.constant 48 : i32
      %get3A_3760 = arith.index_cast %get3A_3759 : i32 to index
      %get3A_3761 = arith.constant 16 : index
      %get3A_3762 = tpu.vector_load %arg8[%get3A_3760, %get3A_3761] {strides = array<i32>} : memref<100x64xf32, #tpu.memory_space<vmem>>, vector<1x16xf32>,
      %get3A_3763 = vector.shape_cast %get3A_3762 : vector<1x16xf32> to vector<16xf32>
      %add3A_3764 = arith.addf %add3A_3740, %get3A_3763 : vector<16xf32>
      %get3A_3765 = arith.constant 48 : i32
      %get3A_3766 = arith.index_cast %get3A_3765 : i32 to index
      %get3A_3767 = arith.constant 32 : index
      %get3A_3768 = tpu.vector_load %arg8[%get3A_3766, %get3A_3767] {strides = array<i32>} : memref<100x64xf32, #tpu.memory_space<vmem>>, vector<1x16xf32>,
      %get3A_3769 = vector.shape_cast %get3A_3768 : vector<1x16xf32> to vector<16xf32>
      %add3A_3770 = arith.addf %add3A_3746, %get3A_3769 : vector<16xf32>
      %get3A_3771 = arith.constant 48 : i32
      %get3A_3772 = arith.index_cast %get3A_3771 : i32 to index
      %get3A_3773 = arith.constant 48 : index
      %get3A_3774 = tpu.vector_load %arg8[%get3A_3772, %get3A_3773] {strides = array<i32>} : memref<100x64xf32, #tpu.memory_space<vmem>>, vector<1x16xf32>,
      %get3A_3775 = vector.shape_cast %get3A_3774 : vector<1x16xf32> to vector<16xf32>
      %add3A_3776 = arith.addf %add3A_3752, %get3A_3775 : vector<16xf32>
      %get3A_3777 = arith.constant 49 : i32
      %get3A_3778 = arith.index_cast %get3A_3777 : i32 to index
      %get3A_3779 = arith.constant 0 : index
      %get3A_3780 = tpu.vector_load %arg8[%get3A_3778, %get3A_3779] {strides = array<i32>} : memref<100x64xf32, #tpu.memory_space<vmem>>, vector<1x16xf32>,
      %get3A_3781 = vector.shape_cast %get3A_3780 : vector<1x16xf32> to vector<16xf32>
      %add3A_3782 = arith.addf %add3A_3758, %get3A_3781 : vector<16xf32>
      %get3A_3783 = arith.constant 49 : i32
      %get3A_3784 = arith.index_cast %get3A_3783 : i32 to index
      %get3A_3785 = arith.constant 16 : index
      %get3A_3786 = tpu.vector_load %arg8[%get3A_3784, %get3A_3785] {strides = array<i32>} : memref<100x64xf32, #tpu.memory_space<vmem>>, vector<1x16xf32>,
      %get3A_3787 = vector.shape_cast %get3A_3786 : vector<1x16xf32> to vector<16xf32>
      %add3A_3788 = arith.addf %add3A_3764, %get3A_3787 : vector<16xf32>
      %get3A_3789 = arith.constant 49 : i32
      %get3A_3790 = arith.index_cast %get3A_3789 : i32 to index
      %get3A_3791 = arith.constant 32 : index
      %get3A_3792 = tpu.vector_load %arg8[%get3A_3790, %get3A_3791] {strides = array<i32>} : memref<100x64xf32, #tpu.memory_space<vmem>>, vector<1x16xf32>,
      %get3A_3793 = vector.shape_cast %get3A_3792 : vector<1x16xf32> to vector<16xf32>
      %add3A_3794 = arith.addf %add3A_3770, %get3A_3793 : vector<16xf32>
      %get3A_3795 = arith.constant 49 : i32
      %get3A_3796 = arith.index_cast %get3A_3795 : i32 to index
      %get3A_3797 = arith.constant 48 : index
      %get3A_3798 = tpu.vector_load %arg8[%get3A_3796, %get3A_3797] {strides = array<i32>} : memref<100x64xf32, #tpu.memory_space<vmem>>, vector<1x16xf32>,
      %get3A_3799 = vector.shape_cast %get3A_3798 : vector<1x16xf32> to vector<16xf32>
      %add3A_3800 = arith.addf %add3A_3776, %get3A_3799 : vector<16xf32>
      %jit3A_3801 = arith.constant 16 : i32
      %div3A_3802 = arith.divsi %add3A_2604, %jit3A_3801 : i32
      %sign3A_3803 = arith.constant 0 : i32
      %sign3A_3804 = arith.cmpi sgt, %add3A_2604, %sign3A_3803 : i32
      %sign3A_3805 = arith.extui %sign3A_3804 : i1 to i32
      %sign3A_3806 = arith.constant 0 : i32
      %sign3A_3807 = arith.cmpi slt, %add3A_2604, %sign3A_3806 : i32
      %sign3A_3808 = arith.extui %sign3A_3807 : i1 to i32
      %sign3A_3809 = arith.subi %sign3A_3805, %sign3A_3808 : i32
      %sign3A_3810 = arith.constant 0 : i32
      %sign3A_3811 = arith.cmpi sgt, %jit3A_3801, %sign3A_3810 : i32
      %sign3A_3812 = arith.extui %sign3A_3811 : i1 to i32
      %sign3A_3813 = arith.constant 0 : i32
      %sign3A_3814 = arith.cmpi slt, %jit3A_3801, %sign3A_3813 : i32
      %sign3A_3815 = arith.extui %sign3A_3814 : i1 to i32
      %sign3A_3816 = arith.subi %sign3A_3812, %sign3A_3815 : i32
      %ne3A_3817 = arith.cmpi ne, %sign3A_3809, %sign3A_3816 : i32
      %rem3A_3818 = arith.remsi %add3A_2604, %jit3A_3801 : i32
      %ne3A_3819 = arith.constant 0 : i32
      %ne3A_3820 = arith.cmpi ne, %rem3A_3818, %ne3A_3819 : i32
      %and3A_3821 = arith.andi %ne3A_3817, %ne3A_3820 : i1
      %sub3A_3822 = arith.constant 1 : i32
      %sub3A_3823 = arith.subi %div3A_3802, %sub3A_3822 : i32
      %select_n3A_3824 = arith.select %and3A_3821, %sub3A_3823, %div3A_3802 : i32
      %mul3A_3825 = arith.constant 16 : i32
      %mul3A_3826 = arith.muli %select_n3A_3824, %mul3A_3825 : i32
      %get3A_3827 = arith.index_cast %mul3A_3826 : i32 to index
      %get3A_3828 = tpu.vector_load %arg10[%get3A_3827] {strides = array<i32>} : memref<128xi32, #tpu.memory_space<vmem>>, vector<16xi32>,
      %get3A_3829 = vector.shape_cast %get3A_3828 : vector<16xi32> to vector<16xi32>
      %jit3A_3830 = arith.constant 16 : i32
      %eq3A_3831 = arith.constant 0 : i32
      %eq3A_3832 = arith.cmpi eq, %jit3A_3830, %eq3A_3831 : i32
      %jit3A_3833 = arith.constant 1 : i32
      %select_n3A_3834 = arith.select %eq3A_3832, %jit3A_3833, %jit3A_3830 : i32
      %rem3A_3835 = arith.remsi %add3A_2604, %select_n3A_3834 : i32
      %ne3A_3836 = arith.constant 0 : i32
      %ne3A_3837 = arith.cmpi ne, %rem3A_3835, %ne3A_3836 : i32
      %lt3A_3838 = arith.constant 0 : i32
      %lt3A_3839 = arith.cmpi slt, %rem3A_3835, %lt3A_3838 : i32
      %lt3A_3840 = arith.constant 0 : i32
      %lt3A_3841 = arith.cmpi slt, %select_n3A_3834, %lt3A_3840 : i32
      %ne3A_3842 = arith.xori %lt3A_3839, %lt3A_3841 : i1
      %and3A_3843 = arith.andi %ne3A_3842, %ne3A_3837 : i1
      %add3A_3844 = arith.addi %rem3A_3835, %select_n3A_3834 : i32
      %select_n3A_3845 = arith.select %and3A_3843, %add3A_3844, %rem3A_3835 : i32
      %broadcast_in_dim3A_3846 = vector.broadcast %select_n3A_3845 : i32 to vector<16xi32>
      %lt3A_3847 = arith.constant 0 : i32
      %lt3A_3848 = vector.broadcast %lt3A_3847 : i32 to vector<16xi32>
      %lt3A_3849 = arith.cmpi slt, %broadcast_in_dim3A_3846, %lt3A_3848 : vector<16xi32>
      %add3A_3850 = arith.constant 16 : i32
      %add3A_3851 = vector.broadcast %add3A_3850 : i32 to vector<16xi32>
      %add3A_3852 = arith.addi %broadcast_in_dim3A_3846, %add3A_3851 : vector<16xi32>
      %select_n3A_3853 = arith.select %lt3A_3849, %add3A_3852, %broadcast_in_dim3A_3846 : vector<16xi1>, vector<16xi32>
      %broadcast_in_dim3A_3854 = vector.shape_cast %select_n3A_3853 : vector<16xi32> to vector<16x1xi32>
      %gather3A_3855 = vector.shape_cast %broadcast_in_dim3A_3854 : vector<16x1xi32> to vector<16xi32>
      %gather3A_3856 = tpu.dynamic_gather %get3A_3829[%gather3A_3855] in [0] : vector<16xi32>, vector<16xi32> -> vector<16xi32>
      %convert_element_type3A_3857 = arith.sitofp %gather3A_3856 : vector<16xi32> to vector<16xf32>
      %div3A_3858 = arith.constant 1.000000e+00 : f32
      %div3A_3859 = vector.broadcast %div3A_3858 : f32 to vector<16xf32>
      %div3A_3860 = arith.divf %div3A_3859, %convert_element_type3A_3857 : vector<16xf32>
      %mul3A_3861 = arith.mulf %add3A_3782, %div3A_3860 : vector<16xf32>
      %swap3A_3862 = arith.index_cast %add3A_2604 : i32 to index
      %swap3A_3863 = arith.constant 0 : index
      %swap3A_3864 = tpu.vector_load %arg9[%swap3A_3862, %swap3A_3863] {strides = array<i32>} : memref<128x64xf32, #tpu.memory_space<vmem>>, vector<1x16xf32>,
      %swap3A_3865 = vector.shape_cast %swap3A_3864 : vector<1x16xf32> to vector<16xf32>
      %swap3A_3866 = vector.shape_cast %mul3A_3861 : vector<16xf32> to vector<1x16xf32>
      tpu.vector_store %arg9[%swap3A_3862, %swap3A_3863], %swap3A_3866 {strides = array<i32>} : memref<128x64xf32, #tpu.memory_space<vmem>>, vector<1x16xf32>,
      %mul3A_3867 = arith.mulf %add3A_3788, %div3A_3860 : vector<16xf32>
      %swap3A_3868 = arith.index_cast %add3A_2604 : i32 to index
      %swap3A_3869 = arith.constant 16 : index
      %swap3A_3870 = tpu.vector_load %arg9[%swap3A_3868, %swap3A_3869] {strides = array<i32>} : memref<128x64xf32, #tpu.memory_space<vmem>>, vector<1x16xf32>,
      %swap3A_3871 = vector.shape_cast %swap3A_3870 : vector<1x16xf32> to vector<16xf32>
      %swap3A_3872 = vector.shape_cast %mul3A_3867 : vector<16xf32> to vector<1x16xf32>
      tpu.vector_store %arg9[%swap3A_3868, %swap3A_3869], %swap3A_3872 {strides = array<i32>} : memref<128x64xf32, #tpu.memory_space<vmem>>, vector<1x16xf32>,
      %mul3A_3873 = arith.mulf %add3A_3794, %div3A_3860 : vector<16xf32>
      %swap3A_3874 = arith.index_cast %add3A_2604 : i32 to index
      %swap3A_3875 = arith.constant 32 : index
      %swap3A_3876 = tpu.vector_load %arg9[%swap3A_3874, %swap3A_3875] {strides = array<i32>} : memref<128x64xf32, #tpu.memory_space<vmem>>, vector<1x16xf32>,
      %swap3A_3877 = vector.shape_cast %swap3A_3876 : vector<1x16xf32> to vector<16xf32>
      %swap3A_3878 = vector.shape_cast %mul3A_3873 : vector<16xf32> to vector<1x16xf32>
      tpu.vector_store %arg9[%swap3A_3874, %swap3A_3875], %swap3A_3878 {strides = array<i32>} : memref<128x64xf32, #tpu.memory_space<vmem>>, vector<1x16xf32>,
      %mul3A_3879 = arith.mulf %add3A_3800, %div3A_3860 : vector<16xf32>
      %swap3A_3880 = arith.index_cast %add3A_2604 : i32 to index
      %swap3A_3881 = arith.constant 48 : index
      %swap3A_3882 = tpu.vector_load %arg9[%swap3A_3880, %swap3A_3881] {strides = array<i32>} : memref<128x64xf32, #tpu.memory_space<vmem>>, vector<1x16xf32>,
      %swap3A_3883 = vector.shape_cast %swap3A_3882 : vector<1x16xf32> to vector<16xf32>
      %swap3A_3884 = vector.shape_cast %mul3A_3879 : vector<16xf32> to vector<1x16xf32>
      tpu.vector_store %arg9[%swap3A_3880, %swap3A_3881], %swap3A_3884 {strides = array<i32>} : memref<128x64xf32, #tpu.memory_space<vmem>>, vector<1x16xf32>,
      %mul3A_3885 = arith.constant 2 : i32
      %mul3A_3886 = arith.muli %mul3A_3885, %add3A_2594 : i32
      %add3A_3887 = arith.constant 1 : i32
      %add3A_3888 = arith.addi %mul3A_3886, %add3A_3887 : i32
      %get3A_3889 = arith.constant 50 : i32
      %get3A_3890 = arith.index_cast %get3A_3889 : i32 to index
      %get3A_3891 = arith.constant 0 : index
      %get3A_3892 = tpu.vector_load %arg8[%get3A_3890, %get3A_3891] {strides = array<i32>} : memref<100x64xf32, #tpu.memory_space<vmem>>, vector<1x16xf32>,
      %get3A_3893 = vector.shape_cast %get3A_3892 : vector<1x16xf32> to vector<16xf32>
      %get3A_3894 = arith.constant 50 : i32
      %get3A_3895 = arith.index_cast %get3A_3894 : i32 to index
      %get3A_3896 = arith.constant 16 : index
      %get3A_3897 = tpu.vector_load %arg8[%get3A_3895, %get3A_3896] {strides = array<i32>} : memref<100x64xf32, #tpu.memory_space<vmem>>, vector<1x16xf32>,
      %get3A_3898 = vector.shape_cast %get3A_3897 : vector<1x16xf32> to vector<16xf32>
      %get3A_3899 = arith.constant 50 : i32
      %get3A_3900 = arith.index_cast %get3A_3899 : i32 to index
      %get3A_3901 = arith.constant 32 : index
      %get3A_3902 = tpu.vector_load %arg8[%get3A_3900, %get3A_3901] {strides = array<i32>} : memref<100x64xf32, #tpu.memory_space<vmem>>, vector<1x16xf32>,
      %get3A_3903 = vector.shape_cast %get3A_3902 : vector<1x16xf32> to vector<16xf32>
      %get3A_3904 = arith.constant 50 : i32
      %get3A_3905 = arith.index_cast %get3A_3904 : i32 to index
      %get3A_3906 = arith.constant 48 : index
      %get3A_3907 = tpu.vector_load %arg8[%get3A_3905, %get3A_3906] {strides = array<i32>} : memref<100x64xf32, #tpu.memory_space<vmem>>, vector<1x16xf32>,
      %get3A_3908 = vector.shape_cast %get3A_3907 : vector<1x16xf32> to vector<16xf32>
      %get3A_3909 = arith.constant 51 : i32
      %get3A_3910 = arith.index_cast %get3A_3909 : i32 to index
      %get3A_3911 = arith.constant 0 : index
      %get3A_3912 = tpu.vector_load %arg8[%get3A_3910, %get3A_3911] {strides = array<i32>} : memref<100x64xf32, #tpu.memory_space<vmem>>, vector<1x16xf32>,
      %get3A_3913 = vector.shape_cast %get3A_3912 : vector<1x16xf32> to vector<16xf32>
      %add3A_3914 = arith.addf %get3A_3893, %get3A_3913 : vector<16xf32>
      %get3A_3915 = arith.constant 51 : i32
      %get3A_3916 = arith.index_cast %get3A_3915 : i32 to index
      %get3A_3917 = arith.constant 16 : index
      %get3A_3918 = tpu.vector_load %arg8[%get3A_3916, %get3A_3917] {strides = array<i32>} : memref<100x64xf32, #tpu.memory_space<vmem>>, vector<1x16xf32>,
      %get3A_3919 = vector.shape_cast %get3A_3918 : vector<1x16xf32> to vector<16xf32>
      %add3A_3920 = arith.addf %get3A_3898, %get3A_3919 : vector<16xf32>
      %get3A_3921 = arith.constant 51 : i32
      %get3A_3922 = arith.index_cast %get3A_3921 : i32 to index
      %get3A_3923 = arith.constant 32 : index
      %get3A_3924 = tpu.vector_load %arg8[%get3A_3922, %get3A_3923] {strides = array<i32>} : memref<100x64xf32, #tpu.memory_space<vmem>>, vector<1x16xf32>,
      %get3A_3925 = vector.shape_cast %get3A_3924 : vector<1x16xf32> to vector<16xf32>
      %add3A_3926 = arith.addf %get3A_3903, %get3A_3925 : vector<16xf32>
      %get3A_3927 = arith.constant 51 : i32
      %get3A_3928 = arith.index_cast %get3A_3927 : i32 to index
      %get3A_3929 = arith.constant 48 : index
      %get3A_3930 = tpu.vector_load %arg8[%get3A_3928, %get3A_3929] {strides = array<i32>} : memref<100x64xf32, #tpu.memory_space<vmem>>, vector<1x16xf32>,
      %get3A_3931 = vector.shape_cast %get3A_3930 : vector<1x16xf32> to vector<16xf32>
      %add3A_3932 = arith.addf %get3A_3908, %get3A_3931 : vector<16xf32>
      %get3A_3933 = arith.constant 52 : i32
      %get3A_3934 = arith.index_cast %get3A_3933 : i32 to index
      %get3A_3935 = arith.constant 0 : index
      %get3A_3936 = tpu.vector_load %arg8[%get3A_3934, %get3A_3935] {strides = array<i32>} : memref<100x64xf32, #tpu.memory_space<vmem>>, vector<1x16xf32>,
      %get3A_3937 = vector.shape_cast %get3A_3936 : vector<1x16xf32> to vector<16xf32>
      %add3A_3938 = arith.addf %add3A_3914, %get3A_3937 : vector<16xf32>
      %get3A_3939 = arith.constant 52 : i32
      %get3A_3940 = arith.index_cast %get3A_3939 : i32 to index
      %get3A_3941 = arith.constant 16 : index
      %get3A_3942 = tpu.vector_load %arg8[%get3A_3940, %get3A_3941] {strides = array<i32>} : memref<100x64xf32, #tpu.memory_space<vmem>>, vector<1x16xf32>,
      %get3A_3943 = vector.shape_cast %get3A_3942 : vector<1x16xf32> to vector<16xf32>
      %add3A_3944 = arith.addf %add3A_3920, %get3A_3943 : vector<16xf32>
      %get3A_3945 = arith.constant 52 : i32
      %get3A_3946 = arith.index_cast %get3A_3945 : i32 to index
      %get3A_3947 = arith.constant 32 : index
      %get3A_3948 = tpu.vector_load %arg8[%get3A_3946, %get3A_3947] {strides = array<i32>} : memref<100x64xf32, #tpu.memory_space<vmem>>, vector<1x16xf32>,
      %get3A_3949 = vector.shape_cast %get3A_3948 : vector<1x16xf32> to vector<16xf32>
      %add3A_3950 = arith.addf %add3A_3926, %get3A_3949 : vector<16xf32>
      %get3A_3951 = arith.constant 52 : i32
      %get3A_3952 = arith.index_cast %get3A_3951 : i32 to index
      %get3A_3953 = arith.constant 48 : index
      %get3A_3954 = tpu.vector_load %arg8[%get3A_3952, %get3A_3953] {strides = array<i32>} : memref<100x64xf32, #tpu.memory_space<vmem>>, vector<1x16xf32>,
      %get3A_3955 = vector.shape_cast %get3A_3954 : vector<1x16xf32> to vector<16xf32>
      %add3A_3956 = arith.addf %add3A_3932, %get3A_3955 : vector<16xf32>
      %get3A_3957 = arith.constant 53 : i32
      %get3A_3958 = arith.index_cast %get3A_3957 : i32 to index
      %get3A_3959 = arith.constant 0 : index
      %get3A_3960 = tpu.vector_load %arg8[%get3A_3958, %get3A_3959] {strides = array<i32>} : memref<100x64xf32, #tpu.memory_space<vmem>>, vector<1x16xf32>,
      %get3A_3961 = vector.shape_cast %get3A_3960 : vector<1x16xf32> to vector<16xf32>
      %add3A_3962 = arith.addf %add3A_3938, %get3A_3961 : vector<16xf32>
      %get3A_3963 = arith.constant 53 : i32
      %get3A_3964 = arith.index_cast %get3A_3963 : i32 to index
      %get3A_3965 = arith.constant 16 : index
      %get3A_3966 = tpu.vector_load %arg8[%get3A_3964, %get3A_3965] {strides = array<i32>} : memref<100x64xf32, #tpu.memory_space<vmem>>, vector<1x16xf32>,
      %get3A_3967 = vector.shape_cast %get3A_3966 : vector<1x16xf32> to vector<16xf32>
      %add3A_3968 = arith.addf %add3A_3944, %get3A_3967 : vector<16xf32>
      %get3A_3969 = arith.constant 53 : i32
      %get3A_3970 = arith.index_cast %get3A_3969 : i32 to index
      %get3A_3971 = arith.constant 32 : index
      %get3A_3972 = tpu.vector_load %arg8[%get3A_3970, %get3A_3971] {strides = array<i32>} : memref<100x64xf32, #tpu.memory_space<vmem>>, vector<1x16xf32>,
      %get3A_3973 = vector.shape_cast %get3A_3972 : vector<1x16xf32> to vector<16xf32>
      %add3A_3974 = arith.addf %add3A_3950, %get3A_3973 : vector<16xf32>
      %get3A_3975 = arith.constant 53 : i32
      %get3A_3976 = arith.index_cast %get3A_3975 : i32 to index
      %get3A_3977 = arith.constant 48 : index
      %get3A_3978 = tpu.vector_load %arg8[%get3A_3976, %get3A_3977] {strides = array<i32>} : memref<100x64xf32, #tpu.memory_space<vmem>>, vector<1x16xf32>,
      %get3A_3979 = vector.shape_cast %get3A_3978 : vector<1x16xf32> to vector<16xf32>
      %add3A_3980 = arith.addf %add3A_3956, %get3A_3979 : vector<16xf32>
      %get3A_3981 = arith.constant 54 : i32
      %get3A_3982 = arith.index_cast %get3A_3981 : i32 to index
      %get3A_3983 = arith.constant 0 : index
      %get3A_3984 = tpu.vector_load %arg8[%get3A_3982, %get3A_3983] {strides = array<i32>} : memref<100x64xf32, #tpu.memory_space<vmem>>, vector<1x16xf32>,
      %get3A_3985 = vector.shape_cast %get3A_3984 : vector<1x16xf32> to vector<16xf32>
      %add3A_3986 = arith.addf %add3A_3962, %get3A_3985 : vector<16xf32>
      %get3A_3987 = arith.constant 54 : i32
      %get3A_3988 = arith.index_cast %get3A_3987 : i32 to index
      %get3A_3989 = arith.constant 16 : index
      %get3A_3990 = tpu.vector_load %arg8[%get3A_3988, %get3A_3989] {strides = array<i32>} : memref<100x64xf32, #tpu.memory_space<vmem>>, vector<1x16xf32>,
      %get3A_3991 = vector.shape_cast %get3A_3990 : vector<1x16xf32> to vector<16xf32>
      %add3A_3992 = arith.addf %add3A_3968, %get3A_3991 : vector<16xf32>
      %get3A_3993 = arith.constant 54 : i32
      %get3A_3994 = arith.index_cast %get3A_3993 : i32 to index
      %get3A_3995 = arith.constant 32 : index
      %get3A_3996 = tpu.vector_load %arg8[%get3A_3994, %get3A_3995] {strides = array<i32>} : memref<100x64xf32, #tpu.memory_space<vmem>>, vector<1x16xf32>,
      %get3A_3997 = vector.shape_cast %get3A_3996 : vector<1x16xf32> to vector<16xf32>
      %add3A_3998 = arith.addf %add3A_3974, %get3A_3997 : vector<16xf32>
      %get3A_3999 = arith.constant 54 : i32
      %get3A_4000 = arith.index_cast %get3A_3999 : i32 to index
      %get3A_4001 = arith.constant 48 : index
      %get3A_4002 = tpu.vector_load %arg8[%get3A_4000, %get3A_4001] {strides = array<i32>} : memref<100x64xf32, #tpu.memory_space<vmem>>, vector<1x16xf32>,
      %get3A_4003 = vector.shape_cast %get3A_4002 : vector<1x16xf32> to vector<16xf32>
      %add3A_4004 = arith.addf %add3A_3980, %get3A_4003 : vector<16xf32>
      %get3A_4005 = arith.constant 55 : i32
      %get3A_4006 = arith.index_cast %get3A_4005 : i32 to index
      %get3A_4007 = arith.constant 0 : index
      %get3A_4008 = tpu.vector_load %arg8[%get3A_4006, %get3A_4007] {strides = array<i32>} : memref<100x64xf32, #tpu.memory_space<vmem>>, vector<1x16xf32>,
      %get3A_4009 = vector.shape_cast %get3A_4008 : vector<1x16xf32> to vector<16xf32>
      %add3A_4010 = arith.addf %add3A_3986, %get3A_4009 : vector<16xf32>
      %get3A_4011 = arith.constant 55 : i32
      %get3A_4012 = arith.index_cast %get3A_4011 : i32 to index
      %get3A_4013 = arith.constant 16 : index
      %get3A_4014 = tpu.vector_load %arg8[%get3A_4012, %get3A_4013] {strides = array<i32>} : memref<100x64xf32, #tpu.memory_space<vmem>>, vector<1x16xf32>,
      %get3A_4015 = vector.shape_cast %get3A_4014 : vector<1x16xf32> to vector<16xf32>
      %add3A_4016 = arith.addf %add3A_3992, %get3A_4015 : vector<16xf32>
      %get3A_4017 = arith.constant 55 : i32
      %get3A_4018 = arith.index_cast %get3A_4017 : i32 to index
      %get3A_4019 = arith.constant 32 : index
      %get3A_4020 = tpu.vector_load %arg8[%get3A_4018, %get3A_4019] {strides = array<i32>} : memref<100x64xf32, #tpu.memory_space<vmem>>, vector<1x16xf32>,
      %get3A_4021 = vector.shape_cast %get3A_4020 : vector<1x16xf32> to vector<16xf32>
      %add3A_4022 = arith.addf %add3A_3998, %get3A_4021 : vector<16xf32>
      %get3A_4023 = arith.constant 55 : i32
      %get3A_4024 = arith.index_cast %get3A_4023 : i32 to index
      %get3A_4025 = arith.constant 48 : index
      %get3A_4026 = tpu.vector_load %arg8[%get3A_4024, %get3A_4025] {strides = array<i32>} : memref<100x64xf32, #tpu.memory_space<vmem>>, vector<1x16xf32>,
      %get3A_4027 = vector.shape_cast %get3A_4026 : vector<1x16xf32> to vector<16xf32>
      %add3A_4028 = arith.addf %add3A_4004, %get3A_4027 : vector<16xf32>
      %get3A_4029 = arith.constant 56 : i32
      %get3A_4030 = arith.index_cast %get3A_4029 : i32 to index
      %get3A_4031 = arith.constant 0 : index
      %get3A_4032 = tpu.vector_load %arg8[%get3A_4030, %get3A_4031] {strides = array<i32>} : memref<100x64xf32, #tpu.memory_space<vmem>>, vector<1x16xf32>,
      %get3A_4033 = vector.shape_cast %get3A_4032 : vector<1x16xf32> to vector<16xf32>
      %add3A_4034 = arith.addf %add3A_4010, %get3A_4033 : vector<16xf32>
      %get3A_4035 = arith.constant 56 : i32
      %get3A_4036 = arith.index_cast %get3A_4035 : i32 to index
      %get3A_4037 = arith.constant 16 : index
      %get3A_4038 = tpu.vector_load %arg8[%get3A_4036, %get3A_4037] {strides = array<i32>} : memref<100x64xf32, #tpu.memory_space<vmem>>, vector<1x16xf32>,
      %get3A_4039 = vector.shape_cast %get3A_4038 : vector<1x16xf32> to vector<16xf32>
      %add3A_4040 = arith.addf %add3A_4016, %get3A_4039 : vector<16xf32>
      %get3A_4041 = arith.constant 56 : i32
      %get3A_4042 = arith.index_cast %get3A_4041 : i32 to index
      %get3A_4043 = arith.constant 32 : index
      %get3A_4044 = tpu.vector_load %arg8[%get3A_4042, %get3A_4043] {strides = array<i32>} : memref<100x64xf32, #tpu.memory_space<vmem>>, vector<1x16xf32>,
      %get3A_4045 = vector.shape_cast %get3A_4044 : vector<1x16xf32> to vector<16xf32>
      %add3A_4046 = arith.addf %add3A_4022, %get3A_4045 : vector<16xf32>
      %get3A_4047 = arith.constant 56 : i32
      %get3A_4048 = arith.index_cast %get3A_4047 : i32 to index
      %get3A_4049 = arith.constant 48 : index
      %get3A_4050 = tpu.vector_load %arg8[%get3A_4048, %get3A_4049] {strides = array<i32>} : memref<100x64xf32, #tpu.memory_space<vmem>>, vector<1x16xf32>,
      %get3A_4051 = vector.shape_cast %get3A_4050 : vector<1x16xf32> to vector<16xf32>
      %add3A_4052 = arith.addf %add3A_4028, %get3A_4051 : vector<16xf32>
      %get3A_4053 = arith.constant 57 : i32
      %get3A_4054 = arith.index_cast %get3A_4053 : i32 to index
      %get3A_4055 = arith.constant 0 : index
      %get3A_4056 = tpu.vector_load %arg8[%get3A_4054, %get3A_4055] {strides = array<i32>} : memref<100x64xf32, #tpu.memory_space<vmem>>, vector<1x16xf32>,
      %get3A_4057 = vector.shape_cast %get3A_4056 : vector<1x16xf32> to vector<16xf32>
      %add3A_4058 = arith.addf %add3A_4034, %get3A_4057 : vector<16xf32>
      %get3A_4059 = arith.constant 57 : i32
      %get3A_4060 = arith.index_cast %get3A_4059 : i32 to index
      %get3A_4061 = arith.constant 16 : index
      %get3A_4062 = tpu.vector_load %arg8[%get3A_4060, %get3A_4061] {strides = array<i32>} : memref<100x64xf32, #tpu.memory_space<vmem>>, vector<1x16xf32>,
      %get3A_4063 = vector.shape_cast %get3A_4062 : vector<1x16xf32> to vector<16xf32>
      %add3A_4064 = arith.addf %add3A_4040, %get3A_4063 : vector<16xf32>
      %get3A_4065 = arith.constant 57 : i32
      %get3A_4066 = arith.index_cast %get3A_4065 : i32 to index
      %get3A_4067 = arith.constant 32 : index
      %get3A_4068 = tpu.vector_load %arg8[%get3A_4066, %get3A_4067] {strides = array<i32>} : memref<100x64xf32, #tpu.memory_space<vmem>>, vector<1x16xf32>,
      %get3A_4069 = vector.shape_cast %get3A_4068 : vector<1x16xf32> to vector<16xf32>
      %add3A_4070 = arith.addf %add3A_4046, %get3A_4069 : vector<16xf32>
      %get3A_4071 = arith.constant 57 : i32
      %get3A_4072 = arith.index_cast %get3A_4071 : i32 to index
      %get3A_4073 = arith.constant 48 : index
      %get3A_4074 = tpu.vector_load %arg8[%get3A_4072, %get3A_4073] {strides = array<i32>} : memref<100x64xf32, #tpu.memory_space<vmem>>, vector<1x16xf32>,
      %get3A_4075 = vector.shape_cast %get3A_4074 : vector<1x16xf32> to vector<16xf32>
      %add3A_4076 = arith.addf %add3A_4052, %get3A_4075 : vector<16xf32>
      %get3A_4077 = arith.constant 58 : i32
      %get3A_4078 = arith.index_cast %get3A_4077 : i32 to index
      %get3A_4079 = arith.constant 0 : index
      %get3A_4080 = tpu.vector_load %arg8[%get3A_4078, %get3A_4079] {strides = array<i32>} : memref<100x64xf32, #tpu.memory_space<vmem>>, vector<1x16xf32>,
      %get3A_4081 = vector.shape_cast %get3A_4080 : vector<1x16xf32> to vector<16xf32>
      %add3A_4082 = arith.addf %add3A_4058, %get3A_4081 : vector<16xf32>
      %get3A_4083 = arith.constant 58 : i32
      %get3A_4084 = arith.index_cast %get3A_4083 : i32 to index
      %get3A_4085 = arith.constant 16 : index
      %get3A_4086 = tpu.vector_load %arg8[%get3A_4084, %get3A_4085] {strides = array<i32>} : memref<100x64xf32, #tpu.memory_space<vmem>>, vector<1x16xf32>,
      %get3A_4087 = vector.shape_cast %get3A_4086 : vector<1x16xf32> to vector<16xf32>
      %add3A_4088 = arith.addf %add3A_4064, %get3A_4087 : vector<16xf32>
      %get3A_4089 = arith.constant 58 : i32
      %get3A_4090 = arith.index_cast %get3A_4089 : i32 to index
      %get3A_4091 = arith.constant 32 : index
      %get3A_4092 = tpu.vector_load %arg8[%get3A_4090, %get3A_4091] {strides = array<i32>} : memref<100x64xf32, #tpu.memory_space<vmem>>, vector<1x16xf32>,
      %get3A_4093 = vector.shape_cast %get3A_4092 : vector<1x16xf32> to vector<16xf32>
      %add3A_4094 = arith.addf %add3A_4070, %get3A_4093 : vector<16xf32>
      %get3A_4095 = arith.constant 58 : i32
      %get3A_4096 = arith.index_cast %get3A_4095 : i32 to index
      %get3A_4097 = arith.constant 48 : index
      %get3A_4098 = tpu.vector_load %arg8[%get3A_4096, %get3A_4097] {strides = array<i32>} : memref<100x64xf32, #tpu.memory_space<vmem>>, vector<1x16xf32>,
      %get3A_4099 = vector.shape_cast %get3A_4098 : vector<1x16xf32> to vector<16xf32>
      %add3A_4100 = arith.addf %add3A_4076, %get3A_4099 : vector<16xf32>
      %get3A_4101 = arith.constant 59 : i32
      %get3A_4102 = arith.index_cast %get3A_4101 : i32 to index
      %get3A_4103 = arith.constant 0 : index
      %get3A_4104 = tpu.vector_load %arg8[%get3A_4102, %get3A_4103] {strides = array<i32>} : memref<100x64xf32, #tpu.memory_space<vmem>>, vector<1x16xf32>,
      %get3A_4105 = vector.shape_cast %get3A_4104 : vector<1x16xf32> to vector<16xf32>
      %add3A_4106 = arith.addf %add3A_4082, %get3A_4105 : vector<16xf32>
      %get3A_4107 = arith.constant 59 : i32
      %get3A_4108 = arith.index_cast %get3A_4107 : i32 to index
      %get3A_4109 = arith.constant 16 : index
      %get3A_4110 = tpu.vector_load %arg8[%get3A_4108, %get3A_4109] {strides = array<i32>} : memref<100x64xf32, #tpu.memory_space<vmem>>, vector<1x16xf32>,
      %get3A_4111 = vector.shape_cast %get3A_4110 : vector<1x16xf32> to vector<16xf32>
      %add3A_4112 = arith.addf %add3A_4088, %get3A_4111 : vector<16xf32>
      %get3A_4113 = arith.constant 59 : i32
      %get3A_4114 = arith.index_cast %get3A_4113 : i32 to index
      %get3A_4115 = arith.constant 32 : index
      %get3A_4116 = tpu.vector_load %arg8[%get3A_4114, %get3A_4115] {strides = array<i32>} : memref<100x64xf32, #tpu.memory_space<vmem>>, vector<1x16xf32>,
      %get3A_4117 = vector.shape_cast %get3A_4116 : vector<1x16xf32> to vector<16xf32>
      %add3A_4118 = arith.addf %add3A_4094, %get3A_4117 : vector<16xf32>
      %get3A_4119 = arith.constant 59 : i32
      %get3A_4120 = arith.index_cast %get3A_4119 : i32 to index
      %get3A_4121 = arith.constant 48 : index
      %get3A_4122 = tpu.vector_load %arg8[%get3A_4120, %get3A_4121] {strides = array<i32>} : memref<100x64xf32, #tpu.memory_space<vmem>>, vector<1x16xf32>,
      %get3A_4123 = vector.shape_cast %get3A_4122 : vector<1x16xf32> to vector<16xf32>
      %add3A_4124 = arith.addf %add3A_4100, %get3A_4123 : vector<16xf32>
      %get3A_4125 = arith.constant 60 : i32
      %get3A_4126 = arith.index_cast %get3A_4125 : i32 to index
      %get3A_4127 = arith.constant 0 : index
      %get3A_4128 = tpu.vector_load %arg8[%get3A_4126, %get3A_4127] {strides = array<i32>} : memref<100x64xf32, #tpu.memory_space<vmem>>, vector<1x16xf32>,
      %get3A_4129 = vector.shape_cast %get3A_4128 : vector<1x16xf32> to vector<16xf32>
      %add3A_4130 = arith.addf %add3A_4106, %get3A_4129 : vector<16xf32>
      %get3A_4131 = arith.constant 60 : i32
      %get3A_4132 = arith.index_cast %get3A_4131 : i32 to index
      %get3A_4133 = arith.constant 16 : index
      %get3A_4134 = tpu.vector_load %arg8[%get3A_4132, %get3A_4133] {strides = array<i32>} : memref<100x64xf32, #tpu.memory_space<vmem>>, vector<1x16xf32>,
      %get3A_4135 = vector.shape_cast %get3A_4134 : vector<1x16xf32> to vector<16xf32>
      %add3A_4136 = arith.addf %add3A_4112, %get3A_4135 : vector<16xf32>
      %get3A_4137 = arith.constant 60 : i32
      %get3A_4138 = arith.index_cast %get3A_4137 : i32 to index
      %get3A_4139 = arith.constant 32 : index
      %get3A_4140 = tpu.vector_load %arg8[%get3A_4138, %get3A_4139] {strides = array<i32>} : memref<100x64xf32, #tpu.memory_space<vmem>>, vector<1x16xf32>,
      %get3A_4141 = vector.shape_cast %get3A_4140 : vector<1x16xf32> to vector<16xf32>
      %add3A_4142 = arith.addf %add3A_4118, %get3A_4141 : vector<16xf32>
      %get3A_4143 = arith.constant 60 : i32
      %get3A_4144 = arith.index_cast %get3A_4143 : i32 to index
      %get3A_4145 = arith.constant 48 : index
      %get3A_4146 = tpu.vector_load %arg8[%get3A_4144, %get3A_4145] {strides = array<i32>} : memref<100x64xf32, #tpu.memory_space<vmem>>, vector<1x16xf32>,
      %get3A_4147 = vector.shape_cast %get3A_4146 : vector<1x16xf32> to vector<16xf32>
      %add3A_4148 = arith.addf %add3A_4124, %get3A_4147 : vector<16xf32>
      %get3A_4149 = arith.constant 61 : i32
      %get3A_4150 = arith.index_cast %get3A_4149 : i32 to index
      %get3A_4151 = arith.constant 0 : index
      %get3A_4152 = tpu.vector_load %arg8[%get3A_4150, %get3A_4151] {strides = array<i32>} : memref<100x64xf32, #tpu.memory_space<vmem>>, vector<1x16xf32>,
      %get3A_4153 = vector.shape_cast %get3A_4152 : vector<1x16xf32> to vector<16xf32>
      %add3A_4154 = arith.addf %add3A_4130, %get3A_4153 : vector<16xf32>
      %get3A_4155 = arith.constant 61 : i32
      %get3A_4156 = arith.index_cast %get3A_4155 : i32 to index
      %get3A_4157 = arith.constant 16 : index
      %get3A_4158 = tpu.vector_load %arg8[%get3A_4156, %get3A_4157] {strides = array<i32>} : memref<100x64xf32, #tpu.memory_space<vmem>>, vector<1x16xf32>,
      %get3A_4159 = vector.shape_cast %get3A_4158 : vector<1x16xf32> to vector<16xf32>
      %add3A_4160 = arith.addf %add3A_4136, %get3A_4159 : vector<16xf32>
      %get3A_4161 = arith.constant 61 : i32
      %get3A_4162 = arith.index_cast %get3A_4161 : i32 to index
      %get3A_4163 = arith.constant 32 : index
      %get3A_4164 = tpu.vector_load %arg8[%get3A_4162, %get3A_4163] {strides = array<i32>} : memref<100x64xf32, #tpu.memory_space<vmem>>, vector<1x16xf32>,
      %get3A_4165 = vector.shape_cast %get3A_4164 : vector<1x16xf32> to vector<16xf32>
      %add3A_4166 = arith.addf %add3A_4142, %get3A_4165 : vector<16xf32>
      %get3A_4167 = arith.constant 61 : i32
      %get3A_4168 = arith.index_cast %get3A_4167 : i32 to index
      %get3A_4169 = arith.constant 48 : index
      %get3A_4170 = tpu.vector_load %arg8[%get3A_4168, %get3A_4169] {strides = array<i32>} : memref<100x64xf32, #tpu.memory_space<vmem>>, vector<1x16xf32>,
      %get3A_4171 = vector.shape_cast %get3A_4170 : vector<1x16xf32> to vector<16xf32>
      %add3A_4172 = arith.addf %add3A_4148, %get3A_4171 : vector<16xf32>
      %get3A_4173 = arith.constant 62 : i32
      %get3A_4174 = arith.index_cast %get3A_4173 : i32 to index
      %get3A_4175 = arith.constant 0 : index
      %get3A_4176 = tpu.vector_load %arg8[%get3A_4174, %get3A_4175] {strides = array<i32>} : memref<100x64xf32, #tpu.memory_space<vmem>>, vector<1x16xf32>,
      %get3A_4177 = vector.shape_cast %get3A_4176 : vector<1x16xf32> to vector<16xf32>
      %add3A_4178 = arith.addf %add3A_4154, %get3A_4177 : vector<16xf32>
      %get3A_4179 = arith.constant 62 : i32
      %get3A_4180 = arith.index_cast %get3A_4179 : i32 to index
      %get3A_4181 = arith.constant 16 : index
      %get3A_4182 = tpu.vector_load %arg8[%get3A_4180, %get3A_4181] {strides = array<i32>} : memref<100x64xf32, #tpu.memory_space<vmem>>, vector<1x16xf32>,
      %get3A_4183 = vector.shape_cast %get3A_4182 : vector<1x16xf32> to vector<16xf32>
      %add3A_4184 = arith.addf %add3A_4160, %get3A_4183 : vector<16xf32>
      %get3A_4185 = arith.constant 62 : i32
      %get3A_4186 = arith.index_cast %get3A_4185 : i32 to index
      %get3A_4187 = arith.constant 32 : index
      %get3A_4188 = tpu.vector_load %arg8[%get3A_4186, %get3A_4187] {strides = array<i32>} : memref<100x64xf32, #tpu.memory_space<vmem>>, vector<1x16xf32>,
      %get3A_4189 = vector.shape_cast %get3A_4188 : vector<1x16xf32> to vector<16xf32>
      %add3A_4190 = arith.addf %add3A_4166, %get3A_4189 : vector<16xf32>
      %get3A_4191 = arith.constant 62 : i32
      %get3A_4192 = arith.index_cast %get3A_4191 : i32 to index
      %get3A_4193 = arith.constant 48 : index
      %get3A_4194 = tpu.vector_load %arg8[%get3A_4192, %get3A_4193] {strides = array<i32>} : memref<100x64xf32, #tpu.memory_space<vmem>>, vector<1x16xf32>,
      %get3A_4195 = vector.shape_cast %get3A_4194 : vector<1x16xf32> to vector<16xf32>
      %add3A_4196 = arith.addf %add3A_4172, %get3A_4195 : vector<16xf32>
      %get3A_4197 = arith.constant 63 : i32
      %get3A_4198 = arith.index_cast %get3A_4197 : i32 to index
      %get3A_4199 = arith.constant 0 : index
      %get3A_4200 = tpu.vector_load %arg8[%get3A_4198, %get3A_4199] {strides = array<i32>} : memref<100x64xf32, #tpu.memory_space<vmem>>, vector<1x16xf32>,
      %get3A_4201 = vector.shape_cast %get3A_4200 : vector<1x16xf32> to vector<16xf32>
      %add3A_4202 = arith.addf %add3A_4178, %get3A_4201 : vector<16xf32>
      %get3A_4203 = arith.constant 63 : i32
      %get3A_4204 = arith.index_cast %get3A_4203 : i32 to index
      %get3A_4205 = arith.constant 16 : index
      %get3A_4206 = tpu.vector_load %arg8[%get3A_4204, %get3A_4205] {strides = array<i32>} : memref<100x64xf32, #tpu.memory_space<vmem>>, vector<1x16xf32>,
      %get3A_4207 = vector.shape_cast %get3A_4206 : vector<1x16xf32> to vector<16xf32>
      %add3A_4208 = arith.addf %add3A_4184, %get3A_4207 : vector<16xf32>
      %get3A_4209 = arith.constant 63 : i32
      %get3A_4210 = arith.index_cast %get3A_4209 : i32 to index
      %get3A_4211 = arith.constant 32 : index
      %get3A_4212 = tpu.vector_load %arg8[%get3A_4210, %get3A_4211] {strides = array<i32>} : memref<100x64xf32, #tpu.memory_space<vmem>>, vector<1x16xf32>,
      %get3A_4213 = vector.shape_cast %get3A_4212 : vector<1x16xf32> to vector<16xf32>
      %add3A_4214 = arith.addf %add3A_4190, %get3A_4213 : vector<16xf32>
      %get3A_4215 = arith.constant 63 : i32
      %get3A_4216 = arith.index_cast %get3A_4215 : i32 to index
      %get3A_4217 = arith.constant 48 : index
      %get3A_4218 = tpu.vector_load %arg8[%get3A_4216, %get3A_4217] {strides = array<i32>} : memref<100x64xf32, #tpu.memory_space<vmem>>, vector<1x16xf32>,
      %get3A_4219 = vector.shape_cast %get3A_4218 : vector<1x16xf32> to vector<16xf32>
      %add3A_4220 = arith.addf %add3A_4196, %get3A_4219 : vector<16xf32>
      %get3A_4221 = arith.constant 64 : i32
      %get3A_4222 = arith.index_cast %get3A_4221 : i32 to index
      %get3A_4223 = arith.constant 0 : index
      %get3A_4224 = tpu.vector_load %arg8[%get3A_4222, %get3A_4223] {strides = array<i32>} : memref<100x64xf32, #tpu.memory_space<vmem>>, vector<1x16xf32>,
      %get3A_4225 = vector.shape_cast %get3A_4224 : vector<1x16xf32> to vector<16xf32>
      %add3A_4226 = arith.addf %add3A_4202, %get3A_4225 : vector<16xf32>
      %get3A_4227 = arith.constant 64 : i32
      %get3A_4228 = arith.index_cast %get3A_4227 : i32 to index
      %get3A_4229 = arith.constant 16 : index
      %get3A_4230 = tpu.vector_load %arg8[%get3A_4228, %get3A_4229] {strides = array<i32>} : memref<100x64xf32, #tpu.memory_space<vmem>>, vector<1x16xf32>,
      %get3A_4231 = vector.shape_cast %get3A_4230 : vector<1x16xf32> to vector<16xf32>
      %add3A_4232 = arith.addf %add3A_4208, %get3A_4231 : vector<16xf32>
      %get3A_4233 = arith.constant 64 : i32
      %get3A_4234 = arith.index_cast %get3A_4233 : i32 to index
      %get3A_4235 = arith.constant 32 : index
      %get3A_4236 = tpu.vector_load %arg8[%get3A_4234, %get3A_4235] {strides = array<i32>} : memref<100x64xf32, #tpu.memory_space<vmem>>, vector<1x16xf32>,
      %get3A_4237 = vector.shape_cast %get3A_4236 : vector<1x16xf32> to vector<16xf32>
      %add3A_4238 = arith.addf %add3A_4214, %get3A_4237 : vector<16xf32>
      %get3A_4239 = arith.constant 64 : i32
      %get3A_4240 = arith.index_cast %get3A_4239 : i32 to index
      %get3A_4241 = arith.constant 48 : index
      %get3A_4242 = tpu.vector_load %arg8[%get3A_4240, %get3A_4241] {strides = array<i32>} : memref<100x64xf32, #tpu.memory_space<vmem>>, vector<1x16xf32>,
      %get3A_4243 = vector.shape_cast %get3A_4242 : vector<1x16xf32> to vector<16xf32>
      %add3A_4244 = arith.addf %add3A_4220, %get3A_4243 : vector<16xf32>
      %get3A_4245 = arith.constant 65 : i32
      %get3A_4246 = arith.index_cast %get3A_4245 : i32 to index
      %get3A_4247 = arith.constant 0 : index
      %get3A_4248 = tpu.vector_load %arg8[%get3A_4246, %get3A_4247] {strides = array<i32>} : memref<100x64xf32, #tpu.memory_space<vmem>>, vector<1x16xf32>,
      %get3A_4249 = vector.shape_cast %get3A_4248 : vector<1x16xf32> to vector<16xf32>
      %add3A_4250 = arith.addf %add3A_4226, %get3A_4249 : vector<16xf32>
      %get3A_4251 = arith.constant 65 : i32
      %get3A_4252 = arith.index_cast %get3A_4251 : i32 to index
      %get3A_4253 = arith.constant 16 : index
      %get3A_4254 = tpu.vector_load %arg8[%get3A_4252, %get3A_4253] {strides = array<i32>} : memref<100x64xf32, #tpu.memory_space<vmem>>, vector<1x16xf32>,
      %get3A_4255 = vector.shape_cast %get3A_4254 : vector<1x16xf32> to vector<16xf32>
      %add3A_4256 = arith.addf %add3A_4232, %get3A_4255 : vector<16xf32>
      %get3A_4257 = arith.constant 65 : i32
      %get3A_4258 = arith.index_cast %get3A_4257 : i32 to index
      %get3A_4259 = arith.constant 32 : index
      %get3A_4260 = tpu.vector_load %arg8[%get3A_4258, %get3A_4259] {strides = array<i32>} : memref<100x64xf32, #tpu.memory_space<vmem>>, vector<1x16xf32>,
      %get3A_4261 = vector.shape_cast %get3A_4260 : vector<1x16xf32> to vector<16xf32>
      %add3A_4262 = arith.addf %add3A_4238, %get3A_4261 : vector<16xf32>
      %get3A_4263 = arith.constant 65 : i32
      %get3A_4264 = arith.index_cast %get3A_4263 : i32 to index
      %get3A_4265 = arith.constant 48 : index
      %get3A_4266 = tpu.vector_load %arg8[%get3A_4264, %get3A_4265] {strides = array<i32>} : memref<100x64xf32, #tpu.memory_space<vmem>>, vector<1x16xf32>,
      %get3A_4267 = vector.shape_cast %get3A_4266 : vector<1x16xf32> to vector<16xf32>
      %add3A_4268 = arith.addf %add3A_4244, %get3A_4267 : vector<16xf32>
      %get3A_4269 = arith.constant 66 : i32
      %get3A_4270 = arith.index_cast %get3A_4269 : i32 to index
      %get3A_4271 = arith.constant 0 : index
      %get3A_4272 = tpu.vector_load %arg8[%get3A_4270, %get3A_4271] {strides = array<i32>} : memref<100x64xf32, #tpu.memory_space<vmem>>, vector<1x16xf32>,
      %get3A_4273 = vector.shape_cast %get3A_4272 : vector<1x16xf32> to vector<16xf32>
      %add3A_4274 = arith.addf %add3A_4250, %get3A_4273 : vector<16xf32>
      %get3A_4275 = arith.constant 66 : i32
      %get3A_4276 = arith.index_cast %get3A_4275 : i32 to index
      %get3A_4277 = arith.constant 16 : index
      %get3A_4278 = tpu.vector_load %arg8[%get3A_4276, %get3A_4277] {strides = array<i32>} : memref<100x64xf32, #tpu.memory_space<vmem>>, vector<1x16xf32>,
      %get3A_4279 = vector.shape_cast %get3A_4278 : vector<1x16xf32> to vector<16xf32>
      %add3A_4280 = arith.addf %add3A_4256, %get3A_4279 : vector<16xf32>
      %get3A_4281 = arith.constant 66 : i32
      %get3A_4282 = arith.index_cast %get3A_4281 : i32 to index
      %get3A_4283 = arith.constant 32 : index
      %get3A_4284 = tpu.vector_load %arg8[%get3A_4282, %get3A_4283] {strides = array<i32>} : memref<100x64xf32, #tpu.memory_space<vmem>>, vector<1x16xf32>,
      %get3A_4285 = vector.shape_cast %get3A_4284 : vector<1x16xf32> to vector<16xf32>
      %add3A_4286 = arith.addf %add3A_4262, %get3A_4285 : vector<16xf32>
      %get3A_4287 = arith.constant 66 : i32
      %get3A_4288 = arith.index_cast %get3A_4287 : i32 to index
      %get3A_4289 = arith.constant 48 : index
      %get3A_4290 = tpu.vector_load %arg8[%get3A_4288, %get3A_4289] {strides = array<i32>} : memref<100x64xf32, #tpu.memory_space<vmem>>, vector<1x16xf32>,
      %get3A_4291 = vector.shape_cast %get3A_4290 : vector<1x16xf32> to vector<16xf32>
      %add3A_4292 = arith.addf %add3A_4268, %get3A_4291 : vector<16xf32>
      %get3A_4293 = arith.constant 67 : i32
      %get3A_4294 = arith.index_cast %get3A_4293 : i32 to index
      %get3A_4295 = arith.constant 0 : index
      %get3A_4296 = tpu.vector_load %arg8[%get3A_4294, %get3A_4295] {strides = array<i32>} : memref<100x64xf32, #tpu.memory_space<vmem>>, vector<1x16xf32>,
      %get3A_4297 = vector.shape_cast %get3A_4296 : vector<1x16xf32> to vector<16xf32>
      %add3A_4298 = arith.addf %add3A_4274, %get3A_4297 : vector<16xf32>
      %get3A_4299 = arith.constant 67 : i32
      %get3A_4300 = arith.index_cast %get3A_4299 : i32 to index
      %get3A_4301 = arith.constant 16 : index
      %get3A_4302 = tpu.vector_load %arg8[%get3A_4300, %get3A_4301] {strides = array<i32>} : memref<100x64xf32, #tpu.memory_space<vmem>>, vector<1x16xf32>,
      %get3A_4303 = vector.shape_cast %get3A_4302 : vector<1x16xf32> to vector<16xf32>
      %add3A_4304 = arith.addf %add3A_4280, %get3A_4303 : vector<16xf32>
      %get3A_4305 = arith.constant 67 : i32
      %get3A_4306 = arith.index_cast %get3A_4305 : i32 to index
      %get3A_4307 = arith.constant 32 : index
      %get3A_4308 = tpu.vector_load %arg8[%get3A_4306, %get3A_4307] {strides = array<i32>} : memref<100x64xf32, #tpu.memory_space<vmem>>, vector<1x16xf32>,
      %get3A_4309 = vector.shape_cast %get3A_4308 : vector<1x16xf32> to vector<16xf32>
      %add3A_4310 = arith.addf %add3A_4286, %get3A_4309 : vector<16xf32>
      %get3A_4311 = arith.constant 67 : i32
      %get3A_4312 = arith.index_cast %get3A_4311 : i32 to index
      %get3A_4313 = arith.constant 48 : index
      %get3A_4314 = tpu.vector_load %arg8[%get3A_4312, %get3A_4313] {strides = array<i32>} : memref<100x64xf32, #tpu.memory_space<vmem>>, vector<1x16xf32>,
      %get3A_4315 = vector.shape_cast %get3A_4314 : vector<1x16xf32> to vector<16xf32>
      %add3A_4316 = arith.addf %add3A_4292, %get3A_4315 : vector<16xf32>
      %get3A_4317 = arith.constant 68 : i32
      %get3A_4318 = arith.index_cast %get3A_4317 : i32 to index
      %get3A_4319 = arith.constant 0 : index
      %get3A_4320 = tpu.vector_load %arg8[%get3A_4318, %get3A_4319] {strides = array<i32>} : memref<100x64xf32, #tpu.memory_space<vmem>>, vector<1x16xf32>,
      %get3A_4321 = vector.shape_cast %get3A_4320 : vector<1x16xf32> to vector<16xf32>
      %add3A_4322 = arith.addf %add3A_4298, %get3A_4321 : vector<16xf32>
      %get3A_4323 = arith.constant 68 : i32
      %get3A_4324 = arith.index_cast %get3A_4323 : i32 to index
      %get3A_4325 = arith.constant 16 : index
      %get3A_4326 = tpu.vector_load %arg8[%get3A_4324, %get3A_4325] {strides = array<i32>} : memref<100x64xf32, #tpu.memory_space<vmem>>, vector<1x16xf32>,
      %get3A_4327 = vector.shape_cast %get3A_4326 : vector<1x16xf32> to vector<16xf32>
      %add3A_4328 = arith.addf %add3A_4304, %get3A_4327 : vector<16xf32>
      %get3A_4329 = arith.constant 68 : i32
      %get3A_4330 = arith.index_cast %get3A_4329 : i32 to index
      %get3A_4331 = arith.constant 32 : index
      %get3A_4332 = tpu.vector_load %arg8[%get3A_4330, %get3A_4331] {strides = array<i32>} : memref<100x64xf32, #tpu.memory_space<vmem>>, vector<1x16xf32>,
      %get3A_4333 = vector.shape_cast %get3A_4332 : vector<1x16xf32> to vector<16xf32>
      %add3A_4334 = arith.addf %add3A_4310, %get3A_4333 : vector<16xf32>
      %get3A_4335 = arith.constant 68 : i32
      %get3A_4336 = arith.index_cast %get3A_4335 : i32 to index
      %get3A_4337 = arith.constant 48 : index
      %get3A_4338 = tpu.vector_load %arg8[%get3A_4336, %get3A_4337] {strides = array<i32>} : memref<100x64xf32, #tpu.memory_space<vmem>>, vector<1x16xf32>,
      %get3A_4339 = vector.shape_cast %get3A_4338 : vector<1x16xf32> to vector<16xf32>
      %add3A_4340 = arith.addf %add3A_4316, %get3A_4339 : vector<16xf32>
      %get3A_4341 = arith.constant 69 : i32
      %get3A_4342 = arith.index_cast %get3A_4341 : i32 to index
      %get3A_4343 = arith.constant 0 : index
      %get3A_4344 = tpu.vector_load %arg8[%get3A_4342, %get3A_4343] {strides = array<i32>} : memref<100x64xf32, #tpu.memory_space<vmem>>, vector<1x16xf32>,
      %get3A_4345 = vector.shape_cast %get3A_4344 : vector<1x16xf32> to vector<16xf32>
      %add3A_4346 = arith.addf %add3A_4322, %get3A_4345 : vector<16xf32>
      %get3A_4347 = arith.constant 69 : i32
      %get3A_4348 = arith.index_cast %get3A_4347 : i32 to index
      %get3A_4349 = arith.constant 16 : index
      %get3A_4350 = tpu.vector_load %arg8[%get3A_4348, %get3A_4349] {strides = array<i32>} : memref<100x64xf32, #tpu.memory_space<vmem>>, vector<1x16xf32>,
      %get3A_4351 = vector.shape_cast %get3A_4350 : vector<1x16xf32> to vector<16xf32>
      %add3A_4352 = arith.addf %add3A_4328, %get3A_4351 : vector<16xf32>
      %get3A_4353 = arith.constant 69 : i32
      %get3A_4354 = arith.index_cast %get3A_4353 : i32 to index
      %get3A_4355 = arith.constant 32 : index
      %get3A_4356 = tpu.vector_load %arg8[%get3A_4354, %get3A_4355] {strides = array<i32>} : memref<100x64xf32, #tpu.memory_space<vmem>>, vector<1x16xf32>,
      %get3A_4357 = vector.shape_cast %get3A_4356 : vector<1x16xf32> to vector<16xf32>
      %add3A_4358 = arith.addf %add3A_4334, %get3A_4357 : vector<16xf32>
      %get3A_4359 = arith.constant 69 : i32
      %get3A_4360 = arith.index_cast %get3A_4359 : i32 to index
      %get3A_4361 = arith.constant 48 : index
      %get3A_4362 = tpu.vector_load %arg8[%get3A_4360, %get3A_4361] {strides = array<i32>} : memref<100x64xf32, #tpu.memory_space<vmem>>, vector<1x16xf32>,
      %get3A_4363 = vector.shape_cast %get3A_4362 : vector<1x16xf32> to vector<16xf32>
      %add3A_4364 = arith.addf %add3A_4340, %get3A_4363 : vector<16xf32>
      %get3A_4365 = arith.constant 70 : i32
      %get3A_4366 = arith.index_cast %get3A_4365 : i32 to index
      %get3A_4367 = arith.constant 0 : index
      %get3A_4368 = tpu.vector_load %arg8[%get3A_4366, %get3A_4367] {strides = array<i32>} : memref<100x64xf32, #tpu.memory_space<vmem>>, vector<1x16xf32>,
      %get3A_4369 = vector.shape_cast %get3A_4368 : vector<1x16xf32> to vector<16xf32>
      %add3A_4370 = arith.addf %add3A_4346, %get3A_4369 : vector<16xf32>
      %get3A_4371 = arith.constant 70 : i32
      %get3A_4372 = arith.index_cast %get3A_4371 : i32 to index
      %get3A_4373 = arith.constant 16 : index
      %get3A_4374 = tpu.vector_load %arg8[%get3A_4372, %get3A_4373] {strides = array<i32>} : memref<100x64xf32, #tpu.memory_space<vmem>>, vector<1x16xf32>,
      %get3A_4375 = vector.shape_cast %get3A_4374 : vector<1x16xf32> to vector<16xf32>
      %add3A_4376 = arith.addf %add3A_4352, %get3A_4375 : vector<16xf32>
      %get3A_4377 = arith.constant 70 : i32
      %get3A_4378 = arith.index_cast %get3A_4377 : i32 to index
      %get3A_4379 = arith.constant 32 : index
      %get3A_4380 = tpu.vector_load %arg8[%get3A_4378, %get3A_4379] {strides = array<i32>} : memref<100x64xf32, #tpu.memory_space<vmem>>, vector<1x16xf32>,
      %get3A_4381 = vector.shape_cast %get3A_4380 : vector<1x16xf32> to vector<16xf32>
      %add3A_4382 = arith.addf %add3A_4358, %get3A_4381 : vector<16xf32>
      %get3A_4383 = arith.constant 70 : i32
      %get3A_4384 = arith.index_cast %get3A_4383 : i32 to index
      %get3A_4385 = arith.constant 48 : index
      %get3A_4386 = tpu.vector_load %arg8[%get3A_4384, %get3A_4385] {strides = array<i32>} : memref<100x64xf32, #tpu.memory_space<vmem>>, vector<1x16xf32>,
      %get3A_4387 = vector.shape_cast %get3A_4386 : vector<1x16xf32> to vector<16xf32>
      %add3A_4388 = arith.addf %add3A_4364, %get3A_4387 : vector<16xf32>
      %get3A_4389 = arith.constant 71 : i32
      %get3A_4390 = arith.index_cast %get3A_4389 : i32 to index
      %get3A_4391 = arith.constant 0 : index
      %get3A_4392 = tpu.vector_load %arg8[%get3A_4390, %get3A_4391] {strides = array<i32>} : memref<100x64xf32, #tpu.memory_space<vmem>>, vector<1x16xf32>,
      %get3A_4393 = vector.shape_cast %get3A_4392 : vector<1x16xf32> to vector<16xf32>
      %add3A_4394 = arith.addf %add3A_4370, %get3A_4393 : vector<16xf32>
      %get3A_4395 = arith.constant 71 : i32
      %get3A_4396 = arith.index_cast %get3A_4395 : i32 to index
      %get3A_4397 = arith.constant 16 : index
      %get3A_4398 = tpu.vector_load %arg8[%get3A_4396, %get3A_4397] {strides = array<i32>} : memref<100x64xf32, #tpu.memory_space<vmem>>, vector<1x16xf32>,
      %get3A_4399 = vector.shape_cast %get3A_4398 : vector<1x16xf32> to vector<16xf32>
      %add3A_4400 = arith.addf %add3A_4376, %get3A_4399 : vector<16xf32>
      %get3A_4401 = arith.constant 71 : i32
      %get3A_4402 = arith.index_cast %get3A_4401 : i32 to index
      %get3A_4403 = arith.constant 32 : index
      %get3A_4404 = tpu.vector_load %arg8[%get3A_4402, %get3A_4403] {strides = array<i32>} : memref<100x64xf32, #tpu.memory_space<vmem>>, vector<1x16xf32>,
      %get3A_4405 = vector.shape_cast %get3A_4404 : vector<1x16xf32> to vector<16xf32>
      %add3A_4406 = arith.addf %add3A_4382, %get3A_4405 : vector<16xf32>
      %get3A_4407 = arith.constant 71 : i32
      %get3A_4408 = arith.index_cast %get3A_4407 : i32 to index
      %get3A_4409 = arith.constant 48 : index
      %get3A_4410 = tpu.vector_load %arg8[%get3A_4408, %get3A_4409] {strides = array<i32>} : memref<100x64xf32, #tpu.memory_space<vmem>>, vector<1x16xf32>,
      %get3A_4411 = vector.shape_cast %get3A_4410 : vector<1x16xf32> to vector<16xf32>
      %add3A_4412 = arith.addf %add3A_4388, %get3A_4411 : vector<16xf32>
      %get3A_4413 = arith.constant 72 : i32
      %get3A_4414 = arith.index_cast %get3A_4413 : i32 to index
      %get3A_4415 = arith.constant 0 : index
      %get3A_4416 = tpu.vector_load %arg8[%get3A_4414, %get3A_4415] {strides = array<i32>} : memref<100x64xf32, #tpu.memory_space<vmem>>, vector<1x16xf32>,
      %get3A_4417 = vector.shape_cast %get3A_4416 : vector<1x16xf32> to vector<16xf32>
      %add3A_4418 = arith.addf %add3A_4394, %get3A_4417 : vector<16xf32>
      %get3A_4419 = arith.constant 72 : i32
      %get3A_4420 = arith.index_cast %get3A_4419 : i32 to index
      %get3A_4421 = arith.constant 16 : index
      %get3A_4422 = tpu.vector_load %arg8[%get3A_4420, %get3A_4421] {strides = array<i32>} : memref<100x64xf32, #tpu.memory_space<vmem>>, vector<1x16xf32>,
      %get3A_4423 = vector.shape_cast %get3A_4422 : vector<1x16xf32> to vector<16xf32>
      %add3A_4424 = arith.addf %add3A_4400, %get3A_4423 : vector<16xf32>
      %get3A_4425 = arith.constant 72 : i32
      %get3A_4426 = arith.index_cast %get3A_4425 : i32 to index
      %get3A_4427 = arith.constant 32 : index
      %get3A_4428 = tpu.vector_load %arg8[%get3A_4426, %get3A_4427] {strides = array<i32>} : memref<100x64xf32, #tpu.memory_space<vmem>>, vector<1x16xf32>,
      %get3A_4429 = vector.shape_cast %get3A_4428 : vector<1x16xf32> to vector<16xf32>
      %add3A_4430 = arith.addf %add3A_4406, %get3A_4429 : vector<16xf32>
      %get3A_4431 = arith.constant 72 : i32
      %get3A_4432 = arith.index_cast %get3A_4431 : i32 to index
      %get3A_4433 = arith.constant 48 : index
      %get3A_4434 = tpu.vector_load %arg8[%get3A_4432, %get3A_4433] {strides = array<i32>} : memref<100x64xf32, #tpu.memory_space<vmem>>, vector<1x16xf32>,
      %get3A_4435 = vector.shape_cast %get3A_4434 : vector<1x16xf32> to vector<16xf32>
      %add3A_4436 = arith.addf %add3A_4412, %get3A_4435 : vector<16xf32>
      %get3A_4437 = arith.constant 73 : i32
      %get3A_4438 = arith.index_cast %get3A_4437 : i32 to index
      %get3A_4439 = arith.constant 0 : index
      %get3A_4440 = tpu.vector_load %arg8[%get3A_4438, %get3A_4439] {strides = array<i32>} : memref<100x64xf32, #tpu.memory_space<vmem>>, vector<1x16xf32>,
      %get3A_4441 = vector.shape_cast %get3A_4440 : vector<1x16xf32> to vector<16xf32>
      %add3A_4442 = arith.addf %add3A_4418, %get3A_4441 : vector<16xf32>
      %get3A_4443 = arith.constant 73 : i32
      %get3A_4444 = arith.index_cast %get3A_4443 : i32 to index
      %get3A_4445 = arith.constant 16 : index
      %get3A_4446 = tpu.vector_load %arg8[%get3A_4444, %get3A_4445] {strides = array<i32>} : memref<100x64xf32, #tpu.memory_space<vmem>>, vector<1x16xf32>,
      %get3A_4447 = vector.shape_cast %get3A_4446 : vector<1x16xf32> to vector<16xf32>
      %add3A_4448 = arith.addf %add3A_4424, %get3A_4447 : vector<16xf32>
      %get3A_4449 = arith.constant 73 : i32
      %get3A_4450 = arith.index_cast %get3A_4449 : i32 to index
      %get3A_4451 = arith.constant 32 : index
      %get3A_4452 = tpu.vector_load %arg8[%get3A_4450, %get3A_4451] {strides = array<i32>} : memref<100x64xf32, #tpu.memory_space<vmem>>, vector<1x16xf32>,
      %get3A_4453 = vector.shape_cast %get3A_4452 : vector<1x16xf32> to vector<16xf32>
      %add3A_4454 = arith.addf %add3A_4430, %get3A_4453 : vector<16xf32>
      %get3A_4455 = arith.constant 73 : i32
      %get3A_4456 = arith.index_cast %get3A_4455 : i32 to index
      %get3A_4457 = arith.constant 48 : index
      %get3A_4458 = tpu.vector_load %arg8[%get3A_4456, %get3A_4457] {strides = array<i32>} : memref<100x64xf32, #tpu.memory_space<vmem>>, vector<1x16xf32>,
      %get3A_4459 = vector.shape_cast %get3A_4458 : vector<1x16xf32> to vector<16xf32>
      %add3A_4460 = arith.addf %add3A_4436, %get3A_4459 : vector<16xf32>
      %get3A_4461 = arith.constant 74 : i32
      %get3A_4462 = arith.index_cast %get3A_4461 : i32 to index
      %get3A_4463 = arith.constant 0 : index
      %get3A_4464 = tpu.vector_load %arg8[%get3A_4462, %get3A_4463] {strides = array<i32>} : memref<100x64xf32, #tpu.memory_space<vmem>>, vector<1x16xf32>,
      %get3A_4465 = vector.shape_cast %get3A_4464 : vector<1x16xf32> to vector<16xf32>
      %add3A_4466 = arith.addf %add3A_4442, %get3A_4465 : vector<16xf32>
      %get3A_4467 = arith.constant 74 : i32
      %get3A_4468 = arith.index_cast %get3A_4467 : i32 to index
      %get3A_4469 = arith.constant 16 : index
      %get3A_4470 = tpu.vector_load %arg8[%get3A_4468, %get3A_4469] {strides = array<i32>} : memref<100x64xf32, #tpu.memory_space<vmem>>, vector<1x16xf32>,
      %get3A_4471 = vector.shape_cast %get3A_4470 : vector<1x16xf32> to vector<16xf32>
      %add3A_4472 = arith.addf %add3A_4448, %get3A_4471 : vector<16xf32>
      %get3A_4473 = arith.constant 74 : i32
      %get3A_4474 = arith.index_cast %get3A_4473 : i32 to index
      %get3A_4475 = arith.constant 32 : index
      %get3A_4476 = tpu.vector_load %arg8[%get3A_4474, %get3A_4475] {strides = array<i32>} : memref<100x64xf32, #tpu.memory_space<vmem>>, vector<1x16xf32>,
      %get3A_4477 = vector.shape_cast %get3A_4476 : vector<1x16xf32> to vector<16xf32>
      %add3A_4478 = arith.addf %add3A_4454, %get3A_4477 : vector<16xf32>
      %get3A_4479 = arith.constant 74 : i32
      %get3A_4480 = arith.index_cast %get3A_4479 : i32 to index
      %get3A_4481 = arith.constant 48 : index
      %get3A_4482 = tpu.vector_load %arg8[%get3A_4480, %get3A_4481] {strides = array<i32>} : memref<100x64xf32, #tpu.memory_space<vmem>>, vector<1x16xf32>,
      %get3A_4483 = vector.shape_cast %get3A_4482 : vector<1x16xf32> to vector<16xf32>
      %add3A_4484 = arith.addf %add3A_4460, %get3A_4483 : vector<16xf32>
      %get3A_4485 = arith.constant 75 : i32
      %get3A_4486 = arith.index_cast %get3A_4485 : i32 to index
      %get3A_4487 = arith.constant 0 : index
      %get3A_4488 = tpu.vector_load %arg8[%get3A_4486, %get3A_4487] {strides = array<i32>} : memref<100x64xf32, #tpu.memory_space<vmem>>, vector<1x16xf32>,
      %get3A_4489 = vector.shape_cast %get3A_4488 : vector<1x16xf32> to vector<16xf32>
      %add3A_4490 = arith.addf %add3A_4466, %get3A_4489 : vector<16xf32>
      %get3A_4491 = arith.constant 75 : i32
      %get3A_4492 = arith.index_cast %get3A_4491 : i32 to index
      %get3A_4493 = arith.constant 16 : index
      %get3A_4494 = tpu.vector_load %arg8[%get3A_4492, %get3A_4493] {strides = array<i32>} : memref<100x64xf32, #tpu.memory_space<vmem>>, vector<1x16xf32>,
      %get3A_4495 = vector.shape_cast %get3A_4494 : vector<1x16xf32> to vector<16xf32>
      %add3A_4496 = arith.addf %add3A_4472, %get3A_4495 : vector<16xf32>
      %get3A_4497 = arith.constant 75 : i32
      %get3A_4498 = arith.index_cast %get3A_4497 : i32 to index
      %get3A_4499 = arith.constant 32 : index
      %get3A_4500 = tpu.vector_load %arg8[%get3A_4498, %get3A_4499] {strides = array<i32>} : memref<100x64xf32, #tpu.memory_space<vmem>>, vector<1x16xf32>,
      %get3A_4501 = vector.shape_cast %get3A_4500 : vector<1x16xf32> to vector<16xf32>
      %add3A_4502 = arith.addf %add3A_4478, %get3A_4501 : vector<16xf32>
      %get3A_4503 = arith.constant 75 : i32
      %get3A_4504 = arith.index_cast %get3A_4503 : i32 to index
      %get3A_4505 = arith.constant 48 : index
      %get3A_4506 = tpu.vector_load %arg8[%get3A_4504, %get3A_4505] {strides = array<i32>} : memref<100x64xf32, #tpu.memory_space<vmem>>, vector<1x16xf32>,
      %get3A_4507 = vector.shape_cast %get3A_4506 : vector<1x16xf32> to vector<16xf32>
      %add3A_4508 = arith.addf %add3A_4484, %get3A_4507 : vector<16xf32>
      %get3A_4509 = arith.constant 76 : i32
      %get3A_4510 = arith.index_cast %get3A_4509 : i32 to index
      %get3A_4511 = arith.constant 0 : index
      %get3A_4512 = tpu.vector_load %arg8[%get3A_4510, %get3A_4511] {strides = array<i32>} : memref<100x64xf32, #tpu.memory_space<vmem>>, vector<1x16xf32>,
      %get3A_4513 = vector.shape_cast %get3A_4512 : vector<1x16xf32> to vector<16xf32>
      %add3A_4514 = arith.addf %add3A_4490, %get3A_4513 : vector<16xf32>
      %get3A_4515 = arith.constant 76 : i32
      %get3A_4516 = arith.index_cast %get3A_4515 : i32 to index
      %get3A_4517 = arith.constant 16 : index
      %get3A_4518 = tpu.vector_load %arg8[%get3A_4516, %get3A_4517] {strides = array<i32>} : memref<100x64xf32, #tpu.memory_space<vmem>>, vector<1x16xf32>,
      %get3A_4519 = vector.shape_cast %get3A_4518 : vector<1x16xf32> to vector<16xf32>
      %add3A_4520 = arith.addf %add3A_4496, %get3A_4519 : vector<16xf32>
      %get3A_4521 = arith.constant 76 : i32
      %get3A_4522 = arith.index_cast %get3A_4521 : i32 to index
      %get3A_4523 = arith.constant 32 : index
      %get3A_4524 = tpu.vector_load %arg8[%get3A_4522, %get3A_4523] {strides = array<i32>} : memref<100x64xf32, #tpu.memory_space<vmem>>, vector<1x16xf32>,
      %get3A_4525 = vector.shape_cast %get3A_4524 : vector<1x16xf32> to vector<16xf32>
      %add3A_4526 = arith.addf %add3A_4502, %get3A_4525 : vector<16xf32>
      %get3A_4527 = arith.constant 76 : i32
      %get3A_4528 = arith.index_cast %get3A_4527 : i32 to index
      %get3A_4529 = arith.constant 48 : index
      %get3A_4530 = tpu.vector_load %arg8[%get3A_4528, %get3A_4529] {strides = array<i32>} : memref<100x64xf32, #tpu.memory_space<vmem>>, vector<1x16xf32>,
      %get3A_4531 = vector.shape_cast %get3A_4530 : vector<1x16xf32> to vector<16xf32>
      %add3A_4532 = arith.addf %add3A_4508, %get3A_4531 : vector<16xf32>
      %get3A_4533 = arith.constant 77 : i32
      %get3A_4534 = arith.index_cast %get3A_4533 : i32 to index
      %get3A_4535 = arith.constant 0 : index
      %get3A_4536 = tpu.vector_load %arg8[%get3A_4534, %get3A_4535] {strides = array<i32>} : memref<100x64xf32, #tpu.memory_space<vmem>>, vector<1x16xf32>,
      %get3A_4537 = vector.shape_cast %get3A_4536 : vector<1x16xf32> to vector<16xf32>
      %add3A_4538 = arith.addf %add3A_4514, %get3A_4537 : vector<16xf32>
      %get3A_4539 = arith.constant 77 : i32
      %get3A_4540 = arith.index_cast %get3A_4539 : i32 to index
      %get3A_4541 = arith.constant 16 : index
      %get3A_4542 = tpu.vector_load %arg8[%get3A_4540, %get3A_4541] {strides = array<i32>} : memref<100x64xf32, #tpu.memory_space<vmem>>, vector<1x16xf32>,
      %get3A_4543 = vector.shape_cast %get3A_4542 : vector<1x16xf32> to vector<16xf32>
      %add3A_4544 = arith.addf %add3A_4520, %get3A_4543 : vector<16xf32>
      %get3A_4545 = arith.constant 77 : i32
      %get3A_4546 = arith.index_cast %get3A_4545 : i32 to index
      %get3A_4547 = arith.constant 32 : index
      %get3A_4548 = tpu.vector_load %arg8[%get3A_4546, %get3A_4547] {strides = array<i32>} : memref<100x64xf32, #tpu.memory_space<vmem>>, vector<1x16xf32>,
      %get3A_4549 = vector.shape_cast %get3A_4548 : vector<1x16xf32> to vector<16xf32>
      %add3A_4550 = arith.addf %add3A_4526, %get3A_4549 : vector<16xf32>
      %get3A_4551 = arith.constant 77 : i32
      %get3A_4552 = arith.index_cast %get3A_4551 : i32 to index
      %get3A_4553 = arith.constant 48 : index
      %get3A_4554 = tpu.vector_load %arg8[%get3A_4552, %get3A_4553] {strides = array<i32>} : memref<100x64xf32, #tpu.memory_space<vmem>>, vector<1x16xf32>,
      %get3A_4555 = vector.shape_cast %get3A_4554 : vector<1x16xf32> to vector<16xf32>
      %add3A_4556 = arith.addf %add3A_4532, %get3A_4555 : vector<16xf32>
      %get3A_4557 = arith.constant 78 : i32
      %get3A_4558 = arith.index_cast %get3A_4557 : i32 to index
      %get3A_4559 = arith.constant 0 : index
      %get3A_4560 = tpu.vector_load %arg8[%get3A_4558, %get3A_4559] {strides = array<i32>} : memref<100x64xf32, #tpu.memory_space<vmem>>, vector<1x16xf32>,
      %get3A_4561 = vector.shape_cast %get3A_4560 : vector<1x16xf32> to vector<16xf32>
      %add3A_4562 = arith.addf %add3A_4538, %get3A_4561 : vector<16xf32>
      %get3A_4563 = arith.constant 78 : i32
      %get3A_4564 = arith.index_cast %get3A_4563 : i32 to index
      %get3A_4565 = arith.constant 16 : index
      %get3A_4566 = tpu.vector_load %arg8[%get3A_4564, %get3A_4565] {strides = array<i32>} : memref<100x64xf32, #tpu.memory_space<vmem>>, vector<1x16xf32>,
      %get3A_4567 = vector.shape_cast %get3A_4566 : vector<1x16xf32> to vector<16xf32>
      %add3A_4568 = arith.addf %add3A_4544, %get3A_4567 : vector<16xf32>
      %get3A_4569 = arith.constant 78 : i32
      %get3A_4570 = arith.index_cast %get3A_4569 : i32 to index
      %get3A_4571 = arith.constant 32 : index
      %get3A_4572 = tpu.vector_load %arg8[%get3A_4570, %get3A_4571] {strides = array<i32>} : memref<100x64xf32, #tpu.memory_space<vmem>>, vector<1x16xf32>,
      %get3A_4573 = vector.shape_cast %get3A_4572 : vector<1x16xf32> to vector<16xf32>
      %add3A_4574 = arith.addf %add3A_4550, %get3A_4573 : vector<16xf32>
      %get3A_4575 = arith.constant 78 : i32
      %get3A_4576 = arith.index_cast %get3A_4575 : i32 to index
      %get3A_4577 = arith.constant 48 : index
      %get3A_4578 = tpu.vector_load %arg8[%get3A_4576, %get3A_4577] {strides = array<i32>} : memref<100x64xf32, #tpu.memory_space<vmem>>, vector<1x16xf32>,
      %get3A_4579 = vector.shape_cast %get3A_4578 : vector<1x16xf32> to vector<16xf32>
      %add3A_4580 = arith.addf %add3A_4556, %get3A_4579 : vector<16xf32>
      %get3A_4581 = arith.constant 79 : i32
      %get3A_4582 = arith.index_cast %get3A_4581 : i32 to index
      %get3A_4583 = arith.constant 0 : index
      %get3A_4584 = tpu.vector_load %arg8[%get3A_4582, %get3A_4583] {strides = array<i32>} : memref<100x64xf32, #tpu.memory_space<vmem>>, vector<1x16xf32>,
      %get3A_4585 = vector.shape_cast %get3A_4584 : vector<1x16xf32> to vector<16xf32>
      %add3A_4586 = arith.addf %add3A_4562, %get3A_4585 : vector<16xf32>
      %get3A_4587 = arith.constant 79 : i32
      %get3A_4588 = arith.index_cast %get3A_4587 : i32 to index
      %get3A_4589 = arith.constant 16 : index
      %get3A_4590 = tpu.vector_load %arg8[%get3A_4588, %get3A_4589] {strides = array<i32>} : memref<100x64xf32, #tpu.memory_space<vmem>>, vector<1x16xf32>,
      %get3A_4591 = vector.shape_cast %get3A_4590 : vector<1x16xf32> to vector<16xf32>
      %add3A_4592 = arith.addf %add3A_4568, %get3A_4591 : vector<16xf32>
      %get3A_4593 = arith.constant 79 : i32
      %get3A_4594 = arith.index_cast %get3A_4593 : i32 to index
      %get3A_4595 = arith.constant 32 : index
      %get3A_4596 = tpu.vector_load %arg8[%get3A_4594, %get3A_4595] {strides = array<i32>} : memref<100x64xf32, #tpu.memory_space<vmem>>, vector<1x16xf32>,
      %get3A_4597 = vector.shape_cast %get3A_4596 : vector<1x16xf32> to vector<16xf32>
      %add3A_4598 = arith.addf %add3A_4574, %get3A_4597 : vector<16xf32>
      %get3A_4599 = arith.constant 79 : i32
      %get3A_4600 = arith.index_cast %get3A_4599 : i32 to index
      %get3A_4601 = arith.constant 48 : index
      %get3A_4602 = tpu.vector_load %arg8[%get3A_4600, %get3A_4601] {strides = array<i32>} : memref<100x64xf32, #tpu.memory_space<vmem>>, vector<1x16xf32>,
      %get3A_4603 = vector.shape_cast %get3A_4602 : vector<1x16xf32> to vector<16xf32>
      %add3A_4604 = arith.addf %add3A_4580, %get3A_4603 : vector<16xf32>
      %get3A_4605 = arith.constant 80 : i32
      %get3A_4606 = arith.index_cast %get3A_4605 : i32 to index
      %get3A_4607 = arith.constant 0 : index
      %get3A_4608 = tpu.vector_load %arg8[%get3A_4606, %get3A_4607] {strides = array<i32>} : memref<100x64xf32, #tpu.memory_space<vmem>>, vector<1x16xf32>,
      %get3A_4609 = vector.shape_cast %get3A_4608 : vector<1x16xf32> to vector<16xf32>
      %add3A_4610 = arith.addf %add3A_4586, %get3A_4609 : vector<16xf32>
      %get3A_4611 = arith.constant 80 : i32
      %get3A_4612 = arith.index_cast %get3A_4611 : i32 to index
      %get3A_4613 = arith.constant 16 : index
      %get3A_4614 = tpu.vector_load %arg8[%get3A_4612, %get3A_4613] {strides = array<i32>} : memref<100x64xf32, #tpu.memory_space<vmem>>, vector<1x16xf32>,
      %get3A_4615 = vector.shape_cast %get3A_4614 : vector<1x16xf32> to vector<16xf32>
      %add3A_4616 = arith.addf %add3A_4592, %get3A_4615 : vector<16xf32>
      %get3A_4617 = arith.constant 80 : i32
      %get3A_4618 = arith.index_cast %get3A_4617 : i32 to index
      %get3A_4619 = arith.constant 32 : index
      %get3A_4620 = tpu.vector_load %arg8[%get3A_4618, %get3A_4619] {strides = array<i32>} : memref<100x64xf32, #tpu.memory_space<vmem>>, vector<1x16xf32>,
      %get3A_4621 = vector.shape_cast %get3A_4620 : vector<1x16xf32> to vector<16xf32>
      %add3A_4622 = arith.addf %add3A_4598, %get3A_4621 : vector<16xf32>
      %get3A_4623 = arith.constant 80 : i32
      %get3A_4624 = arith.index_cast %get3A_4623 : i32 to index
      %get3A_4625 = arith.constant 48 : index
      %get3A_4626 = tpu.vector_load %arg8[%get3A_4624, %get3A_4625] {strides = array<i32>} : memref<100x64xf32, #tpu.memory_space<vmem>>, vector<1x16xf32>,
      %get3A_4627 = vector.shape_cast %get3A_4626 : vector<1x16xf32> to vector<16xf32>
      %add3A_4628 = arith.addf %add3A_4604, %get3A_4627 : vector<16xf32>
      %get3A_4629 = arith.constant 81 : i32
      %get3A_4630 = arith.index_cast %get3A_4629 : i32 to index
      %get3A_4631 = arith.constant 0 : index
      %get3A_4632 = tpu.vector_load %arg8[%get3A_4630, %get3A_4631] {strides = array<i32>} : memref<100x64xf32, #tpu.memory_space<vmem>>, vector<1x16xf32>,
      %get3A_4633 = vector.shape_cast %get3A_4632 : vector<1x16xf32> to vector<16xf32>
      %add3A_4634 = arith.addf %add3A_4610, %get3A_4633 : vector<16xf32>
      %get3A_4635 = arith.constant 81 : i32
      %get3A_4636 = arith.index_cast %get3A_4635 : i32 to index
      %get3A_4637 = arith.constant 16 : index
      %get3A_4638 = tpu.vector_load %arg8[%get3A_4636, %get3A_4637] {strides = array<i32>} : memref<100x64xf32, #tpu.memory_space<vmem>>, vector<1x16xf32>,
      %get3A_4639 = vector.shape_cast %get3A_4638 : vector<1x16xf32> to vector<16xf32>
      %add3A_4640 = arith.addf %add3A_4616, %get3A_4639 : vector<16xf32>
      %get3A_4641 = arith.constant 81 : i32
      %get3A_4642 = arith.index_cast %get3A_4641 : i32 to index
      %get3A_4643 = arith.constant 32 : index
      %get3A_4644 = tpu.vector_load %arg8[%get3A_4642, %get3A_4643] {strides = array<i32>} : memref<100x64xf32, #tpu.memory_space<vmem>>, vector<1x16xf32>,
      %get3A_4645 = vector.shape_cast %get3A_4644 : vector<1x16xf32> to vector<16xf32>
      %add3A_4646 = arith.addf %add3A_4622, %get3A_4645 : vector<16xf32>
      %get3A_4647 = arith.constant 81 : i32
      %get3A_4648 = arith.index_cast %get3A_4647 : i32 to index
      %get3A_4649 = arith.constant 48 : index
      %get3A_4650 = tpu.vector_load %arg8[%get3A_4648, %get3A_4649] {strides = array<i32>} : memref<100x64xf32, #tpu.memory_space<vmem>>, vector<1x16xf32>,
      %get3A_4651 = vector.shape_cast %get3A_4650 : vector<1x16xf32> to vector<16xf32>
      %add3A_4652 = arith.addf %add3A_4628, %get3A_4651 : vector<16xf32>
      %get3A_4653 = arith.constant 82 : i32
      %get3A_4654 = arith.index_cast %get3A_4653 : i32 to index
      %get3A_4655 = arith.constant 0 : index
      %get3A_4656 = tpu.vector_load %arg8[%get3A_4654, %get3A_4655] {strides = array<i32>} : memref<100x64xf32, #tpu.memory_space<vmem>>, vector<1x16xf32>,
      %get3A_4657 = vector.shape_cast %get3A_4656 : vector<1x16xf32> to vector<16xf32>
      %add3A_4658 = arith.addf %add3A_4634, %get3A_4657 : vector<16xf32>
      %get3A_4659 = arith.constant 82 : i32
      %get3A_4660 = arith.index_cast %get3A_4659 : i32 to index
      %get3A_4661 = arith.constant 16 : index
      %get3A_4662 = tpu.vector_load %arg8[%get3A_4660, %get3A_4661] {strides = array<i32>} : memref<100x64xf32, #tpu.memory_space<vmem>>, vector<1x16xf32>,
      %get3A_4663 = vector.shape_cast %get3A_4662 : vector<1x16xf32> to vector<16xf32>
      %add3A_4664 = arith.addf %add3A_4640, %get3A_4663 : vector<16xf32>
      %get3A_4665 = arith.constant 82 : i32
      %get3A_4666 = arith.index_cast %get3A_4665 : i32 to index
      %get3A_4667 = arith.constant 32 : index
      %get3A_4668 = tpu.vector_load %arg8[%get3A_4666, %get3A_4667] {strides = array<i32>} : memref<100x64xf32, #tpu.memory_space<vmem>>, vector<1x16xf32>,
      %get3A_4669 = vector.shape_cast %get3A_4668 : vector<1x16xf32> to vector<16xf32>
      %add3A_4670 = arith.addf %add3A_4646, %get3A_4669 : vector<16xf32>
      %get3A_4671 = arith.constant 82 : i32
      %get3A_4672 = arith.index_cast %get3A_4671 : i32 to index
      %get3A_4673 = arith.constant 48 : index
      %get3A_4674 = tpu.vector_load %arg8[%get3A_4672, %get3A_4673] {strides = array<i32>} : memref<100x64xf32, #tpu.memory_space<vmem>>, vector<1x16xf32>,
      %get3A_4675 = vector.shape_cast %get3A_4674 : vector<1x16xf32> to vector<16xf32>
      %add3A_4676 = arith.addf %add3A_4652, %get3A_4675 : vector<16xf32>
      %get3A_4677 = arith.constant 83 : i32
      %get3A_4678 = arith.index_cast %get3A_4677 : i32 to index
      %get3A_4679 = arith.constant 0 : index
      %get3A_4680 = tpu.vector_load %arg8[%get3A_4678, %get3A_4679] {strides = array<i32>} : memref<100x64xf32, #tpu.memory_space<vmem>>, vector<1x16xf32>,
      %get3A_4681 = vector.shape_cast %get3A_4680 : vector<1x16xf32> to vector<16xf32>
      %add3A_4682 = arith.addf %add3A_4658, %get3A_4681 : vector<16xf32>
      %get3A_4683 = arith.constant 83 : i32
      %get3A_4684 = arith.index_cast %get3A_4683 : i32 to index
      %get3A_4685 = arith.constant 16 : index
      %get3A_4686 = tpu.vector_load %arg8[%get3A_4684, %get3A_4685] {strides = array<i32>} : memref<100x64xf32, #tpu.memory_space<vmem>>, vector<1x16xf32>,
      %get3A_4687 = vector.shape_cast %get3A_4686 : vector<1x16xf32> to vector<16xf32>
      %add3A_4688 = arith.addf %add3A_4664, %get3A_4687 : vector<16xf32>
      %get3A_4689 = arith.constant 83 : i32
      %get3A_4690 = arith.index_cast %get3A_4689 : i32 to index
      %get3A_4691 = arith.constant 32 : index
      %get3A_4692 = tpu.vector_load %arg8[%get3A_4690, %get3A_4691] {strides = array<i32>} : memref<100x64xf32, #tpu.memory_space<vmem>>, vector<1x16xf32>,
      %get3A_4693 = vector.shape_cast %get3A_4692 : vector<1x16xf32> to vector<16xf32>
      %add3A_4694 = arith.addf %add3A_4670, %get3A_4693 : vector<16xf32>
      %get3A_4695 = arith.constant 83 : i32
      %get3A_4696 = arith.index_cast %get3A_4695 : i32 to index
      %get3A_4697 = arith.constant 48 : index
      %get3A_4698 = tpu.vector_load %arg8[%get3A_4696, %get3A_4697] {strides = array<i32>} : memref<100x64xf32, #tpu.memory_space<vmem>>, vector<1x16xf32>,
      %get3A_4699 = vector.shape_cast %get3A_4698 : vector<1x16xf32> to vector<16xf32>
      %add3A_4700 = arith.addf %add3A_4676, %get3A_4699 : vector<16xf32>
      %get3A_4701 = arith.constant 84 : i32
      %get3A_4702 = arith.index_cast %get3A_4701 : i32 to index
      %get3A_4703 = arith.constant 0 : index
      %get3A_4704 = tpu.vector_load %arg8[%get3A_4702, %get3A_4703] {strides = array<i32>} : memref<100x64xf32, #tpu.memory_space<vmem>>, vector<1x16xf32>,
      %get3A_4705 = vector.shape_cast %get3A_4704 : vector<1x16xf32> to vector<16xf32>
      %add3A_4706 = arith.addf %add3A_4682, %get3A_4705 : vector<16xf32>
      %get3A_4707 = arith.constant 84 : i32
      %get3A_4708 = arith.index_cast %get3A_4707 : i32 to index
      %get3A_4709 = arith.constant 16 : index
      %get3A_4710 = tpu.vector_load %arg8[%get3A_4708, %get3A_4709] {strides = array<i32>} : memref<100x64xf32, #tpu.memory_space<vmem>>, vector<1x16xf32>,
      %get3A_4711 = vector.shape_cast %get3A_4710 : vector<1x16xf32> to vector<16xf32>
      %add3A_4712 = arith.addf %add3A_4688, %get3A_4711 : vector<16xf32>
      %get3A_4713 = arith.constant 84 : i32
      %get3A_4714 = arith.index_cast %get3A_4713 : i32 to index
      %get3A_4715 = arith.constant 32 : index
      %get3A_4716 = tpu.vector_load %arg8[%get3A_4714, %get3A_4715] {strides = array<i32>} : memref<100x64xf32, #tpu.memory_space<vmem>>, vector<1x16xf32>,
      %get3A_4717 = vector.shape_cast %get3A_4716 : vector<1x16xf32> to vector<16xf32>
      %add3A_4718 = arith.addf %add3A_4694, %get3A_4717 : vector<16xf32>
      %get3A_4719 = arith.constant 84 : i32
      %get3A_4720 = arith.index_cast %get3A_4719 : i32 to index
      %get3A_4721 = arith.constant 48 : index
      %get3A_4722 = tpu.vector_load %arg8[%get3A_4720, %get3A_4721] {strides = array<i32>} : memref<100x64xf32, #tpu.memory_space<vmem>>, vector<1x16xf32>,
      %get3A_4723 = vector.shape_cast %get3A_4722 : vector<1x16xf32> to vector<16xf32>
      %add3A_4724 = arith.addf %add3A_4700, %get3A_4723 : vector<16xf32>
      %get3A_4725 = arith.constant 85 : i32
      %get3A_4726 = arith.index_cast %get3A_4725 : i32 to index
      %get3A_4727 = arith.constant 0 : index
      %get3A_4728 = tpu.vector_load %arg8[%get3A_4726, %get3A_4727] {strides = array<i32>} : memref<100x64xf32, #tpu.memory_space<vmem>>, vector<1x16xf32>,
      %get3A_4729 = vector.shape_cast %get3A_4728 : vector<1x16xf32> to vector<16xf32>
      %add3A_4730 = arith.addf %add3A_4706, %get3A_4729 : vector<16xf32>
      %get3A_4731 = arith.constant 85 : i32
      %get3A_4732 = arith.index_cast %get3A_4731 : i32 to index
      %get3A_4733 = arith.constant 16 : index
      %get3A_4734 = tpu.vector_load %arg8[%get3A_4732, %get3A_4733] {strides = array<i32>} : memref<100x64xf32, #tpu.memory_space<vmem>>, vector<1x16xf32>,
      %get3A_4735 = vector.shape_cast %get3A_4734 : vector<1x16xf32> to vector<16xf32>
      %add3A_4736 = arith.addf %add3A_4712, %get3A_4735 : vector<16xf32>
      %get3A_4737 = arith.constant 85 : i32
      %get3A_4738 = arith.index_cast %get3A_4737 : i32 to index
      %get3A_4739 = arith.constant 32 : index
      %get3A_4740 = tpu.vector_load %arg8[%get3A_4738, %get3A_4739] {strides = array<i32>} : memref<100x64xf32, #tpu.memory_space<vmem>>, vector<1x16xf32>,
      %get3A_4741 = vector.shape_cast %get3A_4740 : vector<1x16xf32> to vector<16xf32>
      %add3A_4742 = arith.addf %add3A_4718, %get3A_4741 : vector<16xf32>
      %get3A_4743 = arith.constant 85 : i32
      %get3A_4744 = arith.index_cast %get3A_4743 : i32 to index
      %get3A_4745 = arith.constant 48 : index
      %get3A_4746 = tpu.vector_load %arg8[%get3A_4744, %get3A_4745] {strides = array<i32>} : memref<100x64xf32, #tpu.memory_space<vmem>>, vector<1x16xf32>,
      %get3A_4747 = vector.shape_cast %get3A_4746 : vector<1x16xf32> to vector<16xf32>
      %add3A_4748 = arith.addf %add3A_4724, %get3A_4747 : vector<16xf32>
      %get3A_4749 = arith.constant 86 : i32
      %get3A_4750 = arith.index_cast %get3A_4749 : i32 to index
      %get3A_4751 = arith.constant 0 : index
      %get3A_4752 = tpu.vector_load %arg8[%get3A_4750, %get3A_4751] {strides = array<i32>} : memref<100x64xf32, #tpu.memory_space<vmem>>, vector<1x16xf32>,
      %get3A_4753 = vector.shape_cast %get3A_4752 : vector<1x16xf32> to vector<16xf32>
      %add3A_4754 = arith.addf %add3A_4730, %get3A_4753 : vector<16xf32>
      %get3A_4755 = arith.constant 86 : i32
      %get3A_4756 = arith.index_cast %get3A_4755 : i32 to index
      %get3A_4757 = arith.constant 16 : index
      %get3A_4758 = tpu.vector_load %arg8[%get3A_4756, %get3A_4757] {strides = array<i32>} : memref<100x64xf32, #tpu.memory_space<vmem>>, vector<1x16xf32>,
      %get3A_4759 = vector.shape_cast %get3A_4758 : vector<1x16xf32> to vector<16xf32>
      %add3A_4760 = arith.addf %add3A_4736, %get3A_4759 : vector<16xf32>
      %get3A_4761 = arith.constant 86 : i32
      %get3A_4762 = arith.index_cast %get3A_4761 : i32 to index
      %get3A_4763 = arith.constant 32 : index
      %get3A_4764 = tpu.vector_load %arg8[%get3A_4762, %get3A_4763] {strides = array<i32>} : memref<100x64xf32, #tpu.memory_space<vmem>>, vector<1x16xf32>,
      %get3A_4765 = vector.shape_cast %get3A_4764 : vector<1x16xf32> to vector<16xf32>
      %add3A_4766 = arith.addf %add3A_4742, %get3A_4765 : vector<16xf32>
      %get3A_4767 = arith.constant 86 : i32
      %get3A_4768 = arith.index_cast %get3A_4767 : i32 to index
      %get3A_4769 = arith.constant 48 : index
      %get3A_4770 = tpu.vector_load %arg8[%get3A_4768, %get3A_4769] {strides = array<i32>} : memref<100x64xf32, #tpu.memory_space<vmem>>, vector<1x16xf32>,
      %get3A_4771 = vector.shape_cast %get3A_4770 : vector<1x16xf32> to vector<16xf32>
      %add3A_4772 = arith.addf %add3A_4748, %get3A_4771 : vector<16xf32>
      %get3A_4773 = arith.constant 87 : i32
      %get3A_4774 = arith.index_cast %get3A_4773 : i32 to index
      %get3A_4775 = arith.constant 0 : index
      %get3A_4776 = tpu.vector_load %arg8[%get3A_4774, %get3A_4775] {strides = array<i32>} : memref<100x64xf32, #tpu.memory_space<vmem>>, vector<1x16xf32>,
      %get3A_4777 = vector.shape_cast %get3A_4776 : vector<1x16xf32> to vector<16xf32>
      %add3A_4778 = arith.addf %add3A_4754, %get3A_4777 : vector<16xf32>
      %get3A_4779 = arith.constant 87 : i32
      %get3A_4780 = arith.index_cast %get3A_4779 : i32 to index
      %get3A_4781 = arith.constant 16 : index
      %get3A_4782 = tpu.vector_load %arg8[%get3A_4780, %get3A_4781] {strides = array<i32>} : memref<100x64xf32, #tpu.memory_space<vmem>>, vector<1x16xf32>,
      %get3A_4783 = vector.shape_cast %get3A_4782 : vector<1x16xf32> to vector<16xf32>
      %add3A_4784 = arith.addf %add3A_4760, %get3A_4783 : vector<16xf32>
      %get3A_4785 = arith.constant 87 : i32
      %get3A_4786 = arith.index_cast %get3A_4785 : i32 to index
      %get3A_4787 = arith.constant 32 : index
      %get3A_4788 = tpu.vector_load %arg8[%get3A_4786, %get3A_4787] {strides = array<i32>} : memref<100x64xf32, #tpu.memory_space<vmem>>, vector<1x16xf32>,
      %get3A_4789 = vector.shape_cast %get3A_4788 : vector<1x16xf32> to vector<16xf32>
      %add3A_4790 = arith.addf %add3A_4766, %get3A_4789 : vector<16xf32>
      %get3A_4791 = arith.constant 87 : i32
      %get3A_4792 = arith.index_cast %get3A_4791 : i32 to index
      %get3A_4793 = arith.constant 48 : index
      %get3A_4794 = tpu.vector_load %arg8[%get3A_4792, %get3A_4793] {strides = array<i32>} : memref<100x64xf32, #tpu.memory_space<vmem>>, vector<1x16xf32>,
      %get3A_4795 = vector.shape_cast %get3A_4794 : vector<1x16xf32> to vector<16xf32>
      %add3A_4796 = arith.addf %add3A_4772, %get3A_4795 : vector<16xf32>
      %get3A_4797 = arith.constant 88 : i32
      %get3A_4798 = arith.index_cast %get3A_4797 : i32 to index
      %get3A_4799 = arith.constant 0 : index
      %get3A_4800 = tpu.vector_load %arg8[%get3A_4798, %get3A_4799] {strides = array<i32>} : memref<100x64xf32, #tpu.memory_space<vmem>>, vector<1x16xf32>,
      %get3A_4801 = vector.shape_cast %get3A_4800 : vector<1x16xf32> to vector<16xf32>
      %add3A_4802 = arith.addf %add3A_4778, %get3A_4801 : vector<16xf32>
      %get3A_4803 = arith.constant 88 : i32
      %get3A_4804 = arith.index_cast %get3A_4803 : i32 to index
      %get3A_4805 = arith.constant 16 : index
      %get3A_4806 = tpu.vector_load %arg8[%get3A_4804, %get3A_4805] {strides = array<i32>} : memref<100x64xf32, #tpu.memory_space<vmem>>, vector<1x16xf32>,
      %get3A_4807 = vector.shape_cast %get3A_4806 : vector<1x16xf32> to vector<16xf32>
      %add3A_4808 = arith.addf %add3A_4784, %get3A_4807 : vector<16xf32>
      %get3A_4809 = arith.constant 88 : i32
      %get3A_4810 = arith.index_cast %get3A_4809 : i32 to index
      %get3A_4811 = arith.constant 32 : index
      %get3A_4812 = tpu.vector_load %arg8[%get3A_4810, %get3A_4811] {strides = array<i32>} : memref<100x64xf32, #tpu.memory_space<vmem>>, vector<1x16xf32>,
      %get3A_4813 = vector.shape_cast %get3A_4812 : vector<1x16xf32> to vector<16xf32>
      %add3A_4814 = arith.addf %add3A_4790, %get3A_4813 : vector<16xf32>
      %get3A_4815 = arith.constant 88 : i32
      %get3A_4816 = arith.index_cast %get3A_4815 : i32 to index
      %get3A_4817 = arith.constant 48 : index
      %get3A_4818 = tpu.vector_load %arg8[%get3A_4816, %get3A_4817] {strides = array<i32>} : memref<100x64xf32, #tpu.memory_space<vmem>>, vector<1x16xf32>,
      %get3A_4819 = vector.shape_cast %get3A_4818 : vector<1x16xf32> to vector<16xf32>
      %add3A_4820 = arith.addf %add3A_4796, %get3A_4819 : vector<16xf32>
      %get3A_4821 = arith.constant 89 : i32
      %get3A_4822 = arith.index_cast %get3A_4821 : i32 to index
      %get3A_4823 = arith.constant 0 : index
      %get3A_4824 = tpu.vector_load %arg8[%get3A_4822, %get3A_4823] {strides = array<i32>} : memref<100x64xf32, #tpu.memory_space<vmem>>, vector<1x16xf32>,
      %get3A_4825 = vector.shape_cast %get3A_4824 : vector<1x16xf32> to vector<16xf32>
      %add3A_4826 = arith.addf %add3A_4802, %get3A_4825 : vector<16xf32>
      %get3A_4827 = arith.constant 89 : i32
      %get3A_4828 = arith.index_cast %get3A_4827 : i32 to index
      %get3A_4829 = arith.constant 16 : index
      %get3A_4830 = tpu.vector_load %arg8[%get3A_4828, %get3A_4829] {strides = array<i32>} : memref<100x64xf32, #tpu.memory_space<vmem>>, vector<1x16xf32>,
      %get3A_4831 = vector.shape_cast %get3A_4830 : vector<1x16xf32> to vector<16xf32>
      %add3A_4832 = arith.addf %add3A_4808, %get3A_4831 : vector<16xf32>
      %get3A_4833 = arith.constant 89 : i32
      %get3A_4834 = arith.index_cast %get3A_4833 : i32 to index
      %get3A_4835 = arith.constant 32 : index
      %get3A_4836 = tpu.vector_load %arg8[%get3A_4834, %get3A_4835] {strides = array<i32>} : memref<100x64xf32, #tpu.memory_space<vmem>>, vector<1x16xf32>,
      %get3A_4837 = vector.shape_cast %get3A_4836 : vector<1x16xf32> to vector<16xf32>
      %add3A_4838 = arith.addf %add3A_4814, %get3A_4837 : vector<16xf32>
      %get3A_4839 = arith.constant 89 : i32
      %get3A_4840 = arith.index_cast %get3A_4839 : i32 to index
      %get3A_4841 = arith.constant 48 : index
      %get3A_4842 = tpu.vector_load %arg8[%get3A_4840, %get3A_4841] {strides = array<i32>} : memref<100x64xf32, #tpu.memory_space<vmem>>, vector<1x16xf32>,
      %get3A_4843 = vector.shape_cast %get3A_4842 : vector<1x16xf32> to vector<16xf32>
      %add3A_4844 = arith.addf %add3A_4820, %get3A_4843 : vector<16xf32>
      %get3A_4845 = arith.constant 90 : i32
      %get3A_4846 = arith.index_cast %get3A_4845 : i32 to index
      %get3A_4847 = arith.constant 0 : index
      %get3A_4848 = tpu.vector_load %arg8[%get3A_4846, %get3A_4847] {strides = array<i32>} : memref<100x64xf32, #tpu.memory_space<vmem>>, vector<1x16xf32>,
      %get3A_4849 = vector.shape_cast %get3A_4848 : vector<1x16xf32> to vector<16xf32>
      %add3A_4850 = arith.addf %add3A_4826, %get3A_4849 : vector<16xf32>
      %get3A_4851 = arith.constant 90 : i32
      %get3A_4852 = arith.index_cast %get3A_4851 : i32 to index
      %get3A_4853 = arith.constant 16 : index
      %get3A_4854 = tpu.vector_load %arg8[%get3A_4852, %get3A_4853] {strides = array<i32>} : memref<100x64xf32, #tpu.memory_space<vmem>>, vector<1x16xf32>,
      %get3A_4855 = vector.shape_cast %get3A_4854 : vector<1x16xf32> to vector<16xf32>
      %add3A_4856 = arith.addf %add3A_4832, %get3A_4855 : vector<16xf32>
      %get3A_4857 = arith.constant 90 : i32
      %get3A_4858 = arith.index_cast %get3A_4857 : i32 to index
      %get3A_4859 = arith.constant 32 : index
      %get3A_4860 = tpu.vector_load %arg8[%get3A_4858, %get3A_4859] {strides = array<i32>} : memref<100x64xf32, #tpu.memory_space<vmem>>, vector<1x16xf32>,
      %get3A_4861 = vector.shape_cast %get3A_4860 : vector<1x16xf32> to vector<16xf32>
      %add3A_4862 = arith.addf %add3A_4838, %get3A_4861 : vector<16xf32>
      %get3A_4863 = arith.constant 90 : i32
      %get3A_4864 = arith.index_cast %get3A_4863 : i32 to index
      %get3A_4865 = arith.constant 48 : index
      %get3A_4866 = tpu.vector_load %arg8[%get3A_4864, %get3A_4865] {strides = array<i32>} : memref<100x64xf32, #tpu.memory_space<vmem>>, vector<1x16xf32>,
      %get3A_4867 = vector.shape_cast %get3A_4866 : vector<1x16xf32> to vector<16xf32>
      %add3A_4868 = arith.addf %add3A_4844, %get3A_4867 : vector<16xf32>
      %get3A_4869 = arith.constant 91 : i32
      %get3A_4870 = arith.index_cast %get3A_4869 : i32 to index
      %get3A_4871 = arith.constant 0 : index
      %get3A_4872 = tpu.vector_load %arg8[%get3A_4870, %get3A_4871] {strides = array<i32>} : memref<100x64xf32, #tpu.memory_space<vmem>>, vector<1x16xf32>,
      %get3A_4873 = vector.shape_cast %get3A_4872 : vector<1x16xf32> to vector<16xf32>
      %add3A_4874 = arith.addf %add3A_4850, %get3A_4873 : vector<16xf32>
      %get3A_4875 = arith.constant 91 : i32
      %get3A_4876 = arith.index_cast %get3A_4875 : i32 to index
      %get3A_4877 = arith.constant 16 : index
      %get3A_4878 = tpu.vector_load %arg8[%get3A_4876, %get3A_4877] {strides = array<i32>} : memref<100x64xf32, #tpu.memory_space<vmem>>, vector<1x16xf32>,
      %get3A_4879 = vector.shape_cast %get3A_4878 : vector<1x16xf32> to vector<16xf32>
      %add3A_4880 = arith.addf %add3A_4856, %get3A_4879 : vector<16xf32>
      %get3A_4881 = arith.constant 91 : i32
      %get3A_4882 = arith.index_cast %get3A_4881 : i32 to index
      %get3A_4883 = arith.constant 32 : index
      %get3A_4884 = tpu.vector_load %arg8[%get3A_4882, %get3A_4883] {strides = array<i32>} : memref<100x64xf32, #tpu.memory_space<vmem>>, vector<1x16xf32>,
      %get3A_4885 = vector.shape_cast %get3A_4884 : vector<1x16xf32> to vector<16xf32>
      %add3A_4886 = arith.addf %add3A_4862, %get3A_4885 : vector<16xf32>
      %get3A_4887 = arith.constant 91 : i32
      %get3A_4888 = arith.index_cast %get3A_4887 : i32 to index
      %get3A_4889 = arith.constant 48 : index
      %get3A_4890 = tpu.vector_load %arg8[%get3A_4888, %get3A_4889] {strides = array<i32>} : memref<100x64xf32, #tpu.memory_space<vmem>>, vector<1x16xf32>,
      %get3A_4891 = vector.shape_cast %get3A_4890 : vector<1x16xf32> to vector<16xf32>
      %add3A_4892 = arith.addf %add3A_4868, %get3A_4891 : vector<16xf32>
      %get3A_4893 = arith.constant 92 : i32
      %get3A_4894 = arith.index_cast %get3A_4893 : i32 to index
      %get3A_4895 = arith.constant 0 : index
      %get3A_4896 = tpu.vector_load %arg8[%get3A_4894, %get3A_4895] {strides = array<i32>} : memref<100x64xf32, #tpu.memory_space<vmem>>, vector<1x16xf32>,
      %get3A_4897 = vector.shape_cast %get3A_4896 : vector<1x16xf32> to vector<16xf32>
      %add3A_4898 = arith.addf %add3A_4874, %get3A_4897 : vector<16xf32>
      %get3A_4899 = arith.constant 92 : i32
      %get3A_4900 = arith.index_cast %get3A_4899 : i32 to index
      %get3A_4901 = arith.constant 16 : index
      %get3A_4902 = tpu.vector_load %arg8[%get3A_4900, %get3A_4901] {strides = array<i32>} : memref<100x64xf32, #tpu.memory_space<vmem>>, vector<1x16xf32>,
      %get3A_4903 = vector.shape_cast %get3A_4902 : vector<1x16xf32> to vector<16xf32>
      %add3A_4904 = arith.addf %add3A_4880, %get3A_4903 : vector<16xf32>
      %get3A_4905 = arith.constant 92 : i32
      %get3A_4906 = arith.index_cast %get3A_4905 : i32 to index
      %get3A_4907 = arith.constant 32 : index
      %get3A_4908 = tpu.vector_load %arg8[%get3A_4906, %get3A_4907] {strides = array<i32>} : memref<100x64xf32, #tpu.memory_space<vmem>>, vector<1x16xf32>,
      %get3A_4909 = vector.shape_cast %get3A_4908 : vector<1x16xf32> to vector<16xf32>
      %add3A_4910 = arith.addf %add3A_4886, %get3A_4909 : vector<16xf32>
      %get3A_4911 = arith.constant 92 : i32
      %get3A_4912 = arith.index_cast %get3A_4911 : i32 to index
      %get3A_4913 = arith.constant 48 : index
      %get3A_4914 = tpu.vector_load %arg8[%get3A_4912, %get3A_4913] {strides = array<i32>} : memref<100x64xf32, #tpu.memory_space<vmem>>, vector<1x16xf32>,
      %get3A_4915 = vector.shape_cast %get3A_4914 : vector<1x16xf32> to vector<16xf32>
      %add3A_4916 = arith.addf %add3A_4892, %get3A_4915 : vector<16xf32>
      %get3A_4917 = arith.constant 93 : i32
      %get3A_4918 = arith.index_cast %get3A_4917 : i32 to index
      %get3A_4919 = arith.constant 0 : index
      %get3A_4920 = tpu.vector_load %arg8[%get3A_4918, %get3A_4919] {strides = array<i32>} : memref<100x64xf32, #tpu.memory_space<vmem>>, vector<1x16xf32>,
      %get3A_4921 = vector.shape_cast %get3A_4920 : vector<1x16xf32> to vector<16xf32>
      %add3A_4922 = arith.addf %add3A_4898, %get3A_4921 : vector<16xf32>
      %get3A_4923 = arith.constant 93 : i32
      %get3A_4924 = arith.index_cast %get3A_4923 : i32 to index
      %get3A_4925 = arith.constant 16 : index
      %get3A_4926 = tpu.vector_load %arg8[%get3A_4924, %get3A_4925] {strides = array<i32>} : memref<100x64xf32, #tpu.memory_space<vmem>>, vector<1x16xf32>,
      %get3A_4927 = vector.shape_cast %get3A_4926 : vector<1x16xf32> to vector<16xf32>
      %add3A_4928 = arith.addf %add3A_4904, %get3A_4927 : vector<16xf32>
      %get3A_4929 = arith.constant 93 : i32
      %get3A_4930 = arith.index_cast %get3A_4929 : i32 to index
      %get3A_4931 = arith.constant 32 : index
      %get3A_4932 = tpu.vector_load %arg8[%get3A_4930, %get3A_4931] {strides = array<i32>} : memref<100x64xf32, #tpu.memory_space<vmem>>, vector<1x16xf32>,
      %get3A_4933 = vector.shape_cast %get3A_4932 : vector<1x16xf32> to vector<16xf32>
      %add3A_4934 = arith.addf %add3A_4910, %get3A_4933 : vector<16xf32>
      %get3A_4935 = arith.constant 93 : i32
      %get3A_4936 = arith.index_cast %get3A_4935 : i32 to index
      %get3A_4937 = arith.constant 48 : index
      %get3A_4938 = tpu.vector_load %arg8[%get3A_4936, %get3A_4937] {strides = array<i32>} : memref<100x64xf32, #tpu.memory_space<vmem>>, vector<1x16xf32>,
      %get3A_4939 = vector.shape_cast %get3A_4938 : vector<1x16xf32> to vector<16xf32>
      %add3A_4940 = arith.addf %add3A_4916, %get3A_4939 : vector<16xf32>
      %get3A_4941 = arith.constant 94 : i32
      %get3A_4942 = arith.index_cast %get3A_4941 : i32 to index
      %get3A_4943 = arith.constant 0 : index
      %get3A_4944 = tpu.vector_load %arg8[%get3A_4942, %get3A_4943] {strides = array<i32>} : memref<100x64xf32, #tpu.memory_space<vmem>>, vector<1x16xf32>,
      %get3A_4945 = vector.shape_cast %get3A_4944 : vector<1x16xf32> to vector<16xf32>
      %add3A_4946 = arith.addf %add3A_4922, %get3A_4945 : vector<16xf32>
      %get3A_4947 = arith.constant 94 : i32
      %get3A_4948 = arith.index_cast %get3A_4947 : i32 to index
      %get3A_4949 = arith.constant 16 : index
      %get3A_4950 = tpu.vector_load %arg8[%get3A_4948, %get3A_4949] {strides = array<i32>} : memref<100x64xf32, #tpu.memory_space<vmem>>, vector<1x16xf32>,
      %get3A_4951 = vector.shape_cast %get3A_4950 : vector<1x16xf32> to vector<16xf32>
      %add3A_4952 = arith.addf %add3A_4928, %get3A_4951 : vector<16xf32>
      %get3A_4953 = arith.constant 94 : i32
      %get3A_4954 = arith.index_cast %get3A_4953 : i32 to index
      %get3A_4955 = arith.constant 32 : index
      %get3A_4956 = tpu.vector_load %arg8[%get3A_4954, %get3A_4955] {strides = array<i32>} : memref<100x64xf32, #tpu.memory_space<vmem>>, vector<1x16xf32>,
      %get3A_4957 = vector.shape_cast %get3A_4956 : vector<1x16xf32> to vector<16xf32>
      %add3A_4958 = arith.addf %add3A_4934, %get3A_4957 : vector<16xf32>
      %get3A_4959 = arith.constant 94 : i32
      %get3A_4960 = arith.index_cast %get3A_4959 : i32 to index
      %get3A_4961 = arith.constant 48 : index
      %get3A_4962 = tpu.vector_load %arg8[%get3A_4960, %get3A_4961] {strides = array<i32>} : memref<100x64xf32, #tpu.memory_space<vmem>>, vector<1x16xf32>,
      %get3A_4963 = vector.shape_cast %get3A_4962 : vector<1x16xf32> to vector<16xf32>
      %add3A_4964 = arith.addf %add3A_4940, %get3A_4963 : vector<16xf32>
      %get3A_4965 = arith.constant 95 : i32
      %get3A_4966 = arith.index_cast %get3A_4965 : i32 to index
      %get3A_4967 = arith.constant 0 : index
      %get3A_4968 = tpu.vector_load %arg8[%get3A_4966, %get3A_4967] {strides = array<i32>} : memref<100x64xf32, #tpu.memory_space<vmem>>, vector<1x16xf32>,
      %get3A_4969 = vector.shape_cast %get3A_4968 : vector<1x16xf32> to vector<16xf32>
      %add3A_4970 = arith.addf %add3A_4946, %get3A_4969 : vector<16xf32>
      %get3A_4971 = arith.constant 95 : i32
      %get3A_4972 = arith.index_cast %get3A_4971 : i32 to index
      %get3A_4973 = arith.constant 16 : index
      %get3A_4974 = tpu.vector_load %arg8[%get3A_4972, %get3A_4973] {strides = array<i32>} : memref<100x64xf32, #tpu.memory_space<vmem>>, vector<1x16xf32>,
      %get3A_4975 = vector.shape_cast %get3A_4974 : vector<1x16xf32> to vector<16xf32>
      %add3A_4976 = arith.addf %add3A_4952, %get3A_4975 : vector<16xf32>
      %get3A_4977 = arith.constant 95 : i32
      %get3A_4978 = arith.index_cast %get3A_4977 : i32 to index
      %get3A_4979 = arith.constant 32 : index
      %get3A_4980 = tpu.vector_load %arg8[%get3A_4978, %get3A_4979] {strides = array<i32>} : memref<100x64xf32, #tpu.memory_space<vmem>>, vector<1x16xf32>,
      %get3A_4981 = vector.shape_cast %get3A_4980 : vector<1x16xf32> to vector<16xf32>
      %add3A_4982 = arith.addf %add3A_4958, %get3A_4981 : vector<16xf32>
      %get3A_4983 = arith.constant 95 : i32
      %get3A_4984 = arith.index_cast %get3A_4983 : i32 to index
      %get3A_4985 = arith.constant 48 : index
      %get3A_4986 = tpu.vector_load %arg8[%get3A_4984, %get3A_4985] {strides = array<i32>} : memref<100x64xf32, #tpu.memory_space<vmem>>, vector<1x16xf32>,
      %get3A_4987 = vector.shape_cast %get3A_4986 : vector<1x16xf32> to vector<16xf32>
      %add3A_4988 = arith.addf %add3A_4964, %get3A_4987 : vector<16xf32>
      %get3A_4989 = arith.constant 96 : i32
      %get3A_4990 = arith.index_cast %get3A_4989 : i32 to index
      %get3A_4991 = arith.constant 0 : index
      %get3A_4992 = tpu.vector_load %arg8[%get3A_4990, %get3A_4991] {strides = array<i32>} : memref<100x64xf32, #tpu.memory_space<vmem>>, vector<1x16xf32>,
      %get3A_4993 = vector.shape_cast %get3A_4992 : vector<1x16xf32> to vector<16xf32>
      %add3A_4994 = arith.addf %add3A_4970, %get3A_4993 : vector<16xf32>
      %get3A_4995 = arith.constant 96 : i32
      %get3A_4996 = arith.index_cast %get3A_4995 : i32 to index
      %get3A_4997 = arith.constant 16 : index
      %get3A_4998 = tpu.vector_load %arg8[%get3A_4996, %get3A_4997] {strides = array<i32>} : memref<100x64xf32, #tpu.memory_space<vmem>>, vector<1x16xf32>,
      %get3A_4999 = vector.shape_cast %get3A_4998 : vector<1x16xf32> to vector<16xf32>
      %add3A_5000 = arith.addf %add3A_4976, %get3A_4999 : vector<16xf32>
      %get3A_5001 = arith.constant 96 : i32
      %get3A_5002 = arith.index_cast %get3A_5001 : i32 to index
      %get3A_5003 = arith.constant 32 : index
      %get3A_5004 = tpu.vector_load %arg8[%get3A_5002, %get3A_5003] {strides = array<i32>} : memref<100x64xf32, #tpu.memory_space<vmem>>, vector<1x16xf32>,
      %get3A_5005 = vector.shape_cast %get3A_5004 : vector<1x16xf32> to vector<16xf32>
      %add3A_5006 = arith.addf %add3A_4982, %get3A_5005 : vector<16xf32>
      %get3A_5007 = arith.constant 96 : i32
      %get3A_5008 = arith.index_cast %get3A_5007 : i32 to index
      %get3A_5009 = arith.constant 48 : index
      %get3A_5010 = tpu.vector_load %arg8[%get3A_5008, %get3A_5009] {strides = array<i32>} : memref<100x64xf32, #tpu.memory_space<vmem>>, vector<1x16xf32>,
      %get3A_5011 = vector.shape_cast %get3A_5010 : vector<1x16xf32> to vector<16xf32>
      %add3A_5012 = arith.addf %add3A_4988, %get3A_5011 : vector<16xf32>
      %get3A_5013 = arith.constant 97 : i32
      %get3A_5014 = arith.index_cast %get3A_5013 : i32 to index
      %get3A_5015 = arith.constant 0 : index
      %get3A_5016 = tpu.vector_load %arg8[%get3A_5014, %get3A_5015] {strides = array<i32>} : memref<100x64xf32, #tpu.memory_space<vmem>>, vector<1x16xf32>,
      %get3A_5017 = vector.shape_cast %get3A_5016 : vector<1x16xf32> to vector<16xf32>
      %add3A_5018 = arith.addf %add3A_4994, %get3A_5017 : vector<16xf32>
      %get3A_5019 = arith.constant 97 : i32
      %get3A_5020 = arith.index_cast %get3A_5019 : i32 to index
      %get3A_5021 = arith.constant 16 : index
      %get3A_5022 = tpu.vector_load %arg8[%get3A_5020, %get3A_5021] {strides = array<i32>} : memref<100x64xf32, #tpu.memory_space<vmem>>, vector<1x16xf32>,
      %get3A_5023 = vector.shape_cast %get3A_5022 : vector<1x16xf32> to vector<16xf32>
      %add3A_5024 = arith.addf %add3A_5000, %get3A_5023 : vector<16xf32>
      %get3A_5025 = arith.constant 97 : i32
      %get3A_5026 = arith.index_cast %get3A_5025 : i32 to index
      %get3A_5027 = arith.constant 32 : index
      %get3A_5028 = tpu.vector_load %arg8[%get3A_5026, %get3A_5027] {strides = array<i32>} : memref<100x64xf32, #tpu.memory_space<vmem>>, vector<1x16xf32>,
      %get3A_5029 = vector.shape_cast %get3A_5028 : vector<1x16xf32> to vector<16xf32>
      %add3A_5030 = arith.addf %add3A_5006, %get3A_5029 : vector<16xf32>
      %get3A_5031 = arith.constant 97 : i32
      %get3A_5032 = arith.index_cast %get3A_5031 : i32 to index
      %get3A_5033 = arith.constant 48 : index
      %get3A_5034 = tpu.vector_load %arg8[%get3A_5032, %get3A_5033] {strides = array<i32>} : memref<100x64xf32, #tpu.memory_space<vmem>>, vector<1x16xf32>,
      %get3A_5035 = vector.shape_cast %get3A_5034 : vector<1x16xf32> to vector<16xf32>
      %add3A_5036 = arith.addf %add3A_5012, %get3A_5035 : vector<16xf32>
      %get3A_5037 = arith.constant 98 : i32
      %get3A_5038 = arith.index_cast %get3A_5037 : i32 to index
      %get3A_5039 = arith.constant 0 : index
      %get3A_5040 = tpu.vector_load %arg8[%get3A_5038, %get3A_5039] {strides = array<i32>} : memref<100x64xf32, #tpu.memory_space<vmem>>, vector<1x16xf32>,
      %get3A_5041 = vector.shape_cast %get3A_5040 : vector<1x16xf32> to vector<16xf32>
      %add3A_5042 = arith.addf %add3A_5018, %get3A_5041 : vector<16xf32>
      %get3A_5043 = arith.constant 98 : i32
      %get3A_5044 = arith.index_cast %get3A_5043 : i32 to index
      %get3A_5045 = arith.constant 16 : index
      %get3A_5046 = tpu.vector_load %arg8[%get3A_5044, %get3A_5045] {strides = array<i32>} : memref<100x64xf32, #tpu.memory_space<vmem>>, vector<1x16xf32>,
      %get3A_5047 = vector.shape_cast %get3A_5046 : vector<1x16xf32> to vector<16xf32>
      %add3A_5048 = arith.addf %add3A_5024, %get3A_5047 : vector<16xf32>
      %get3A_5049 = arith.constant 98 : i32
      %get3A_5050 = arith.index_cast %get3A_5049 : i32 to index
      %get3A_5051 = arith.constant 32 : index
      %get3A_5052 = tpu.vector_load %arg8[%get3A_5050, %get3A_5051] {strides = array<i32>} : memref<100x64xf32, #tpu.memory_space<vmem>>, vector<1x16xf32>,
      %get3A_5053 = vector.shape_cast %get3A_5052 : vector<1x16xf32> to vector<16xf32>
      %add3A_5054 = arith.addf %add3A_5030, %get3A_5053 : vector<16xf32>
      %get3A_5055 = arith.constant 98 : i32
      %get3A_5056 = arith.index_cast %get3A_5055 : i32 to index
      %get3A_5057 = arith.constant 48 : index
      %get3A_5058 = tpu.vector_load %arg8[%get3A_5056, %get3A_5057] {strides = array<i32>} : memref<100x64xf32, #tpu.memory_space<vmem>>, vector<1x16xf32>,
      %get3A_5059 = vector.shape_cast %get3A_5058 : vector<1x16xf32> to vector<16xf32>
      %add3A_5060 = arith.addf %add3A_5036, %get3A_5059 : vector<16xf32>
      %get3A_5061 = arith.constant 99 : i32
      %get3A_5062 = arith.index_cast %get3A_5061 : i32 to index
      %get3A_5063 = arith.constant 0 : index
      %get3A_5064 = tpu.vector_load %arg8[%get3A_5062, %get3A_5063] {strides = array<i32>} : memref<100x64xf32, #tpu.memory_space<vmem>>, vector<1x16xf32>,
      %get3A_5065 = vector.shape_cast %get3A_5064 : vector<1x16xf32> to vector<16xf32>
      %add3A_5066 = arith.addf %add3A_5042, %get3A_5065 : vector<16xf32>
      %get3A_5067 = arith.constant 99 : i32
      %get3A_5068 = arith.index_cast %get3A_5067 : i32 to index
      %get3A_5069 = arith.constant 16 : index
      %get3A_5070 = tpu.vector_load %arg8[%get3A_5068, %get3A_5069] {strides = array<i32>} : memref<100x64xf32, #tpu.memory_space<vmem>>, vector<1x16xf32>,
      %get3A_5071 = vector.shape_cast %get3A_5070 : vector<1x16xf32> to vector<16xf32>
      %add3A_5072 = arith.addf %add3A_5048, %get3A_5071 : vector<16xf32>
      %get3A_5073 = arith.constant 99 : i32
      %get3A_5074 = arith.index_cast %get3A_5073 : i32 to index
      %get3A_5075 = arith.constant 32 : index
      %get3A_5076 = tpu.vector_load %arg8[%get3A_5074, %get3A_5075] {strides = array<i32>} : memref<100x64xf32, #tpu.memory_space<vmem>>, vector<1x16xf32>,
      %get3A_5077 = vector.shape_cast %get3A_5076 : vector<1x16xf32> to vector<16xf32>
      %add3A_5078 = arith.addf %add3A_5054, %get3A_5077 : vector<16xf32>
      %get3A_5079 = arith.constant 99 : i32
      %get3A_5080 = arith.index_cast %get3A_5079 : i32 to index
      %get3A_5081 = arith.constant 48 : index
      %get3A_5082 = tpu.vector_load %arg8[%get3A_5080, %get3A_5081] {strides = array<i32>} : memref<100x64xf32, #tpu.memory_space<vmem>>, vector<1x16xf32>,
      %get3A_5083 = vector.shape_cast %get3A_5082 : vector<1x16xf32> to vector<16xf32>
      %add3A_5084 = arith.addf %add3A_5060, %get3A_5083 : vector<16xf32>
      %jit3A_5085 = arith.constant 16 : i32
      %div3A_5086 = arith.divsi %add3A_3888, %jit3A_5085 : i32
      %sign3A_5087 = arith.constant 0 : i32
      %sign3A_5088 = arith.cmpi sgt, %add3A_3888, %sign3A_5087 : i32
      %sign3A_5089 = arith.extui %sign3A_5088 : i1 to i32
      %sign3A_5090 = arith.constant 0 : i32
      %sign3A_5091 = arith.cmpi slt, %add3A_3888, %sign3A_5090 : i32
      %sign3A_5092 = arith.extui %sign3A_5091 : i1 to i32
      %sign3A_5093 = arith.subi %sign3A_5089, %sign3A_5092 : i32
      %sign3A_5094 = arith.constant 0 : i32
      %sign3A_5095 = arith.cmpi sgt, %jit3A_5085, %sign3A_5094 : i32
      %sign3A_5096 = arith.extui %sign3A_5095 : i1 to i32
      %sign3A_5097 = arith.constant 0 : i32
      %sign3A_5098 = arith.cmpi slt, %jit3A_5085, %sign3A_5097 : i32
      %sign3A_5099 = arith.extui %sign3A_5098 : i1 to i32
      %sign3A_5100 = arith.subi %sign3A_5096, %sign3A_5099 : i32
      %ne3A_5101 = arith.cmpi ne, %sign3A_5093, %sign3A_5100 : i32
      %rem3A_5102 = arith.remsi %add3A_3888, %jit3A_5085 : i32
      %ne3A_5103 = arith.constant 0 : i32
      %ne3A_5104 = arith.cmpi ne, %rem3A_5102, %ne3A_5103 : i32
      %and3A_5105 = arith.andi %ne3A_5101, %ne3A_5104 : i1
      %sub3A_5106 = arith.constant 1 : i32
      %sub3A_5107 = arith.subi %div3A_5086, %sub3A_5106 : i32
      %select_n3A_5108 = arith.select %and3A_5105, %sub3A_5107, %div3A_5086 : i32
      %mul3A_5109 = arith.constant 16 : i32
      %mul3A_5110 = arith.muli %select_n3A_5108, %mul3A_5109 : i32
      %get3A_5111 = arith.index_cast %mul3A_5110 : i32 to index
      %get3A_5112 = tpu.vector_load %arg10[%get3A_5111] {strides = array<i32>} : memref<128xi32, #tpu.memory_space<vmem>>, vector<16xi32>,
      %get3A_5113 = vector.shape_cast %get3A_5112 : vector<16xi32> to vector<16xi32>
      %jit3A_5114 = arith.constant 16 : i32
      %eq3A_5115 = arith.constant 0 : i32
      %eq3A_5116 = arith.cmpi eq, %jit3A_5114, %eq3A_5115 : i32
      %jit3A_5117 = arith.constant 1 : i32
      %select_n3A_5118 = arith.select %eq3A_5116, %jit3A_5117, %jit3A_5114 : i32
      %rem3A_5119 = arith.remsi %add3A_3888, %select_n3A_5118 : i32
      %ne3A_5120 = arith.constant 0 : i32
      %ne3A_5121 = arith.cmpi ne, %rem3A_5119, %ne3A_5120 : i32
      %lt3A_5122 = arith.constant 0 : i32
      %lt3A_5123 = arith.cmpi slt, %rem3A_5119, %lt3A_5122 : i32
      %lt3A_5124 = arith.constant 0 : i32
      %lt3A_5125 = arith.cmpi slt, %select_n3A_5118, %lt3A_5124 : i32
      %ne3A_5126 = arith.xori %lt3A_5123, %lt3A_5125 : i1
      %and3A_5127 = arith.andi %ne3A_5126, %ne3A_5121 : i1
      %add3A_5128 = arith.addi %rem3A_5119, %select_n3A_5118 : i32
      %select_n3A_5129 = arith.select %and3A_5127, %add3A_5128, %rem3A_5119 : i32
      %broadcast_in_dim3A_5130 = vector.broadcast %select_n3A_5129 : i32 to vector<16xi32>
      %lt3A_5131 = arith.constant 0 : i32
      %lt3A_5132 = vector.broadcast %lt3A_5131 : i32 to vector<16xi32>
      %lt3A_5133 = arith.cmpi slt, %broadcast_in_dim3A_5130, %lt3A_5132 : vector<16xi32>
      %add3A_5134 = arith.constant 16 : i32
      %add3A_5135 = vector.broadcast %add3A_5134 : i32 to vector<16xi32>
      %add3A_5136 = arith.addi %broadcast_in_dim3A_5130, %add3A_5135 : vector<16xi32>
      %select_n3A_5137 = arith.select %lt3A_5133, %add3A_5136, %broadcast_in_dim3A_5130 : vector<16xi1>, vector<16xi32>
      %broadcast_in_dim3A_5138 = vector.shape_cast %select_n3A_5137 : vector<16xi32> to vector<16x1xi32>
      %gather3A_5139 = vector.shape_cast %broadcast_in_dim3A_5138 : vector<16x1xi32> to vector<16xi32>
      %gather3A_5140 = tpu.dynamic_gather %get3A_5113[%gather3A_5139] in [0] : vector<16xi32>, vector<16xi32> -> vector<16xi32>
      %convert_element_type3A_5141 = arith.sitofp %gather3A_5140 : vector<16xi32> to vector<16xf32>
      %div3A_5142 = arith.constant 1.000000e+00 : f32
      %div3A_5143 = vector.broadcast %div3A_5142 : f32 to vector<16xf32>
      %div3A_5144 = arith.divf %div3A_5143, %convert_element_type3A_5141 : vector<16xf32>
      %mul3A_5145 = arith.mulf %add3A_5066, %div3A_5144 : vector<16xf32>
      %swap3A_5146 = arith.index_cast %add3A_3888 : i32 to index
      %swap3A_5147 = arith.constant 0 : index
      %swap3A_5148 = tpu.vector_load %arg9[%swap3A_5146, %swap3A_5147] {strides = array<i32>} : memref<128x64xf32, #tpu.memory_space<vmem>>, vector<1x16xf32>,
      %swap3A_5149 = vector.shape_cast %swap3A_5148 : vector<1x16xf32> to vector<16xf32>
      %swap3A_5150 = vector.shape_cast %mul3A_5145 : vector<16xf32> to vector<1x16xf32>
      tpu.vector_store %arg9[%swap3A_5146, %swap3A_5147], %swap3A_5150 {strides = array<i32>} : memref<128x64xf32, #tpu.memory_space<vmem>>, vector<1x16xf32>,
      %mul3A_5151 = arith.mulf %add3A_5072, %div3A_5144 : vector<16xf32>
      %swap3A_5152 = arith.index_cast %add3A_3888 : i32 to index
      %swap3A_5153 = arith.constant 16 : index
      %swap3A_5154 = tpu.vector_load %arg9[%swap3A_5152, %swap3A_5153] {strides = array<i32>} : memref<128x64xf32, #tpu.memory_space<vmem>>, vector<1x16xf32>,
      %swap3A_5155 = vector.shape_cast %swap3A_5154 : vector<1x16xf32> to vector<16xf32>
      %swap3A_5156 = vector.shape_cast %mul3A_5151 : vector<16xf32> to vector<1x16xf32>
      tpu.vector_store %arg9[%swap3A_5152, %swap3A_5153], %swap3A_5156 {strides = array<i32>} : memref<128x64xf32, #tpu.memory_space<vmem>>, vector<1x16xf32>,
      %mul3A_5157 = arith.mulf %add3A_5078, %div3A_5144 : vector<16xf32>
      %swap3A_5158 = arith.index_cast %add3A_3888 : i32 to index
      %swap3A_5159 = arith.constant 32 : index
      %swap3A_5160 = tpu.vector_load %arg9[%swap3A_5158, %swap3A_5159] {strides = array<i32>} : memref<128x64xf32, #tpu.memory_space<vmem>>, vector<1x16xf32>,
      %swap3A_5161 = vector.shape_cast %swap3A_5160 : vector<1x16xf32> to vector<16xf32>
      %swap3A_5162 = vector.shape_cast %mul3A_5157 : vector<16xf32> to vector<1x16xf32>
      tpu.vector_store %arg9[%swap3A_5158, %swap3A_5159], %swap3A_5162 {strides = array<i32>} : memref<128x64xf32, #tpu.memory_space<vmem>>, vector<1x16xf32>,
      %mul3A_5163 = arith.mulf %add3A_5084, %div3A_5144 : vector<16xf32>
      %swap3A_5164 = arith.index_cast %add3A_3888 : i32 to index
      %swap3A_5165 = arith.constant 48 : index
      %swap3A_5166 = tpu.vector_load %arg9[%swap3A_5164, %swap3A_5165] {strides = array<i32>} : memref<128x64xf32, #tpu.memory_space<vmem>>, vector<1x16xf32>,
      %swap3A_5167 = vector.shape_cast %swap3A_5166 : vector<1x16xf32> to vector<16xf32>
      %swap3A_5168 = vector.shape_cast %mul3A_5163 : vector<16xf32> to vector<1x16xf32>
      tpu.vector_store %arg9[%swap3A_5164, %swap3A_5165], %swap3A_5168 {strides = array<i32>} : memref<128x64xf32, #tpu.memory_space<vmem>>, vector<1x16xf32>,
      %add3A_5169 = arith.constant 2 : i32
      %add3A_5170 = arith.addi %add3A_2594, %add3A_5169 : i32
      %lt3A_5171 = arith.constant 64 : i32
      %lt3A_5172 = arith.cmpi slt, %add3A_5170, %lt3A_5171 : i32
      %convert_element_type3A_5173 = arith.extui %lt3A_5172 : i1 to i32
      %cond3A_5174 = arith.constant 0 : i32
      %cond3A_5175 = arith.cmpi ne, %convert_element_type3A_5173, %cond3A_5174 : i32
      scf.if %cond3A_5175 {
        %add3A_5176 = arith.constant 2 : i32
        %add3A_5177 = arith.addi %add3A_2594, %add3A_5176 : i32
        %dma_start3A_5178 = arith.constant 0 : i32
        %dma_start3A_5179 = tpu.memref_slice %arg6[%add3A_5177, %dma_start3A_5178] : memref<64x100xi32, #tpu.memory_space<vmem>> -> memref<1x100xi32, #tpu.memory_space<vmem>>
        %dma_start3A_5180 = tpu.memref_squeeze %dma_start3A_5179 : memref<1x100xi32, #tpu.memory_space<vmem>> -> memref<100xi32, #tpu.memory_space<vmem>>
        %dma_start3A_5181 = arith.constant 0 : i32
        %dma_start3A_5182 = arith.constant 0 : i32
        %dma_start3A_5183 = tpu.memref_slice %arg4[%dma_start3A_5181, %dma_start3A_5182] : memref<100000x64xf32, #tpu.memory_space<hbm>> -> memref<100000x64xf32, #tpu.memory_space<hbm>>
        tpu.enqueue_indirect_dma source(%dma_start3A_5183 : memref<100000x64xf32, #tpu.memory_space<hbm>>) target(%arg8 : memref<100x64xf32, #tpu.memory_space<vmem>>) offsets(%dma_start3A_5180 : memref<100xi32, #tpu.memory_space<vmem>>) semaphore(%arg12 : memref<!tpu.dma_semaphore, #tpu.memory_space<semaphore_mem>>)
      } else {
      }
    }
    %scan3A_21 = arith.constant 32 : i32
    "tpu.region"() ({
      %run_scoped3A = tpu.sem_alloc : memref<!tpu.dma_semaphore, #tpu.memory_space<semaphore_mem>>
      %dma_start3A_22 = arith.constant 0 : i32
      %dma_start3A_23 = tpu.memref_slice %arg5[%mul3A_2, %dma_start3A_22] : memref<4096x64xf32, #tpu.memory_space<hbm>> -> memref<128x64xf32, #tpu.memory_space<hbm>>
      %dma_start3A_24 = arith.constant 0 : i32
      %dma_start3A_25 = tpu.memref_slice %arg5[%mul3A_2, %dma_start3A_24] : memref<4096x64xf32, #tpu.memory_space<hbm>> -> memref<128x64xf32, #tpu.memory_space<hbm>>
      tpu.enqueue_dma source(%arg9 : memref<128x64xf32, #tpu.memory_space<vmem>>) target(%dma_start3A_25 : memref<128x64xf32, #tpu.memory_space<hbm>>) target_semaphore(%run_scoped3A : memref<!tpu.dma_semaphore, #tpu.memory_space<semaphore_mem>>)
      %dma_wait3A = arith.constant 0 : i32
      %dma_wait3A_26 = tpu.memref_slice %arg5[%mul3A_2, %dma_wait3A] : memref<4096x64xf32, #tpu.memory_space<hbm>> -> memref<128x64xf32, #tpu.memory_space<hbm>>
      %dma_wait3A_27 = arith.constant 0 : i32
      %dma_wait3A_28 = tpu.memref_slice %arg5[%mul3A_2, %dma_wait3A_27] : memref<4096x64xf32, #tpu.memory_space<hbm>> -> memref<128x64xf32, #tpu.memory_space<hbm>>
      tpu.wait_dma2 semaphore(%run_scoped3A : memref<!tpu.dma_semaphore, #tpu.memory_space<semaphore_mem>>) src(%arg9 : memref<128x64xf32, #tpu.memory_space<vmem>>) dst(%dma_wait3A_28 : memref<128x64xf32, #tpu.memory_space<hbm>>)
      tpu.yield
    }) : () -> ()
    return
  }
}

</mosaic_0001>

<sc_bundles>
// kernel: kernel.3.cloned.1.call-start
scs
__scs_entry_jumppad:
0x0: {  	(pc) =	sbr.rel $0x88, $3  }
0x1: {  	(tag) =	ssettag $0x0;
	lr =	simm.s32 $0x1  }
0x2: {  	[smem:$0x3F9E] =	sst lr;
	_ =	strace $0xD0000000  }
0x3: {  	_ = 	snop  }
0x4: {  	_ = 	snop  }
0x5: {  	_ = 	snop  }
0x6: {  	_ = 	snop  }
0x7: {  	_ = 	snop  }
__scs_overlays_trampoline_lowered:
0x8: {  	[smem:$0x3FAD] =	sst s0  }
0x9: {  	[smem:$0x3FAE] =	sst s1  }
0xa: {  	[smem:$0x3FAF] =	sst s2  }
0xb: {  	[smem:$0x3FB0] =	sst s3  }
0xc: {  	[smem:$0x3FB1] =	sst s4  }
0xd: {  	[smem:$0x3FB2] =	sst s5  }
0xe: {  	[smem:$0x3FB3] =	sst s6  }
0xf: {  	[smem:$0x3FB4] =	sst s7  }
0x10: {  	[smem:$0x3FB5] =	sst s8  }
0x11: {  	[smem:$0x3FB6] =	sst s9;
	s0 =	simm.s32 @!p0 $0x0  }
0x12: {  	s1 =	sld [smem:$0x3F9C];
	s0 =	simm.s32 @p0 $0x1  }
0x13: {  	[smem:$0x3FB7] =	sst s0;
	s0 =	simm.s32 @!p1 $0x0  }
0x14: {  	s2 =	sld [smem:$0x3F9B];
	s0 =	simm.s32 @p1 $0x1  }
0x15: {  	[smem:$0x3FB8] =	sst s0;
	s0 =	simm.s32 @!p2 $0x0  }
0x16: {  	s3 =	sld [smem:$0x3FDB];
	s0 =	simm.s32 @p2 $0x1  }
0x17: {  	s4 =	simm.s32 $0x1BF5;
	[smem:$0x3FBA] =	sst s0  }
0x18: {  	s0 =	sld [smem:$0x3F9D];
	_ =	swait.ge [sflag:s4], $0x0  }
0x19: {  	s7 =	sld [smem:$0x3F9E]  }
0x1a: {  	s8 =	sadd.s32 $0xFFFFE003, lr  }
0x1b: {  	s9 =	sadd.s32 $0xFFFFFEF7, lr;
	s5 =	simm.s32 $0xFFFFFFFF;
	p2 =	slt.u32 s8, $0xFFFFF086  }
0x1c: {  	p1 =	slt.u32 s9, $0xF7A;
	s5 =	simm.s32 @!p2 $0x0  }
0x1d: {  	s5 =	simm.s32 @p1 $0x1;
	p0 =	seq.s32 s7, s2  }
0x1e: {  	s7 =	smul.u32 @!p0 $0xF7A, s2;
	p2 =	seq.s32 @!p0 s5, $0x0  }
0x1f: {  	s9 =	smul.u32 $0xF7A, s1;
	s8 =	simm.s32 @!p0 $0x1BF5;
	p2 =	por !p2, p0  }
0x20: {  	[sflag:s8] =	ssyncset.s32 @!p0 $0xFFFFF086;
	s6 =	sadd.s32 @!p0 s3, s7;
	s7 =	simm.s32 @!p0 $0x108  }
0x21: {  	s3 =	sadd.s32 s3, s9;
	s6 =	sadd.s32 @!p0 $0x88, s6;
	s7 =	simm.s32 @p2 $0x1082  }
0x22: {  	[simem:s7], [sflag:s8] =	dma.local @!p0 [hbm:s6], $0xF7A  }
0x23: {  	s9 =	sor.u32 $0xD0000000, s2;
	s6 =	simm.s32 $0x108;
	_ =	swait.ge @!p0 [sflag:s8], $0x0  }
0x24: {  	s3 =	sadd.s32 $0x88, s3;
	s6 =	simm.s32 @!p1 $0x1082;
	[sflag:s4] =	ssyncset.s32 $0xFFFFF086  }
0x25: {  	[simem:s6], [sflag:s4] =	dma.local [hbm:s3], $0xF7A  }
0x26: {  	[smem:$0x3F9E] =	sst s1;
	(tag) =	ssettag s2;
	_ =	strace s9  }
0x27: {  	s1 =	sld [smem:$0x3FAE]  }
0x28: {  	s2 =	sld [smem:$0x3FAF]  }
0x29: {  	s4 =	sld [smem:$0x3FB1]  }
0x2a: {  	p0 =	seq.s32 s5, $0x0;
	s5 =	sld [smem:$0x3FB2]  }
0x2b: {  	s6 =	sld [smem:$0x3FB3]  }
0x2c: {  	s7 =	sld [smem:$0x3FB4]  }
0x2d: {  	s3 =	simm.s32 $0x108;
	s8 =	sld [smem:$0x3FB5]  }
0x2e: {  	s3 =	simm.s32 @!p0 $0x1082;
	s9 =	sld [smem:$0x3FB6]  }
0x2f: {  	lr =	sadd.s32 s0, s3;
	s0 =	sld [smem:$0x3FAD]  }
0x30: {  	s3 =	sld [smem:$0x3FB0]  }
0x31: {  	[smem:$0x3FB9] =	sst s10  }
0x32: {  	s10 =	sld [smem:$0x3FB7];
	_ =	sdelay $0x3  }
0x33: {  	p0 =	seq.s32 s10, $0x1;
	s10 =	sld [smem:$0x3FB9];
	_ =	sdelay $0x3  }
0x34: {  	[smem:$0x3FB9] =	sst s10  }
0x35: {  	s10 =	sld [smem:$0x3FB8];
	_ =	sdelay $0x3  }
0x36: {  	p1 =	seq.s32 s10, $0x1;
	s10 =	sld [smem:$0x3FB9];
	_ =	sdelay $0x3  }
0x37: {  	[smem:$0x3FB9] =	sst s10  }
0x38: {  	s10 =	sld [smem:$0x3FBA]  }
0x39: {  	_ = 	snop;
	(pc) =	sbr.ind lr, $3  }
0x3a: {  	_ = 	snop  }
0x3b: {  	_ = 	snop  }
0x3c: {  	p2 =	seq.s32 s10, $0x1;
	s10 =	sld [smem:$0x3FB9]  }
0x3d: {  	_ =	shalt  }
0x3e: {  	_ =	shalt  }
0x3f: {  	_ =	shalt  }
0x40: {  	_ =	shalt  }
0x41: {  	_ =	shalt  }
0x42: {  	_ =	shalt  }
0x43: {  	_ =	shalt  }
0x44: {  	_ =	shalt  }
0x45: {  	_ =	shalt  }
0x46: {  	_ =	shalt  }
0x47: {  	_ =	shalt  }
0x48: {  	_ =	shalt  }
0x49: {  	_ =	shalt  }
0x4a: {  	_ =	shalt  }
0x4b: {  	_ =	shalt  }
0x4c: {  	_ =	shalt  }
0x4d: {  	_ =	shalt  }
0x4e: {  	_ =	shalt  }
0x4f: {  	_ =	shalt  }
0x50: {  	_ =	shalt  }
0x51: {  	_ =	shalt  }
0x52: {  	_ =	shalt  }
0x53: {  	_ =	shalt  }
0x54: {  	_ =	shalt  }
0x55: {  	_ =	shalt  }
0x56: {  	_ =	shalt  }
0x57: {  	_ =	shalt  }
0x58: {  	_ =	shalt  }
0x59: {  	_ =	shalt  }
0x5a: {  	_ =	shalt  }
0x5b: {  	_ =	shalt  }
0x5c: {  	_ =	shalt  }
0x5d: {  	_ =	shalt  }
0x5e: {  	_ =	shalt  }
0x5f: {  	_ =	shalt  }
0x60: {  	_ =	shalt  }
0x61: {  	_ =	shalt  }
0x62: {  	_ =	shalt  }
0x63: {  	_ =	shalt  }
0x64: {  	_ =	shalt  }
0x65: {  	_ =	shalt  }
0x66: {  	_ =	shalt  }
0x67: {  	_ =	shalt  }
0x68: {  	_ =	shalt  }
0x69: {  	_ =	shalt  }
0x6a: {  	_ =	shalt  }
0x6b: {  	_ =	shalt  }
0x6c: {  	_ =	shalt  }
0x6d: {  	_ =	shalt  }
0x6e: {  	_ =	shalt  }
0x6f: {  	_ =	shalt  }
0x70: {  	_ =	shalt  }
0x71: {  	_ =	shalt  }
0x72: {  	_ =	shalt  }
0x73: {  	_ =	shalt  }
0x74: {  	_ =	shalt  }
0x75: {  	_ =	shalt  }
0x76: {  	_ =	shalt  }
0x77: {  	_ =	shalt  }
0x78: {  	_ =	shalt  }
0x79: {  	_ =	shalt  }
0x7a: {  	_ =	shalt  }
0x7b: {  	_ =	shalt  }
0x7c: {  	_ =	shalt  }
0x7d: {  	_ =	shalt  }
0x7e: {  	_ =	shalt  }
0x7f: {  	_ =	shalt  }
0x80: {  	_ =	shalt  }
0x81: {  	_ =	shalt  }
0x82: {  	_ =	shalt  }
0x83: {  	_ =	shalt  }
0x84: {  	_ =	shalt  }
0x85: {  	_ =	shalt  }
0x86: {  	_ =	shalt  }
0x87: {  	_ =	shalt  }
.Lfunc_end0:
.L_simem_size_0:
called_computation_lowered:
.L_overlay_start_0:
0x88: {  	s2 =	sld [smem:$0x3FD9]  }
0x89: {  	s3 =	sld [smem:$0x3FFE];
	_ =	sdelay $0x1  }
0x8a: {  	s1 =	srdreg.scid  }
0x8b: {  	s0 =	sand.u32 $0x1, s1  }
0x8c: {  	s17 =	sshll.u32 s0, $0xA;
	s2 =	sadd.s32 s3, s2  }
0x8d: {  	s2 =	sadd.s32 s2, s17  }
0x8e: {  	[smem:$0x3FC5] =	sst s2  }
0x8f: {  	_ = 	snop  }
0x90: {  	s2 =	sld [smem:$0x3FC8]  }
0x91: {  	s18 =	sld [smem:$0x3FD0];
	(tm) =	ssettm $0x1  }
0x92: {  	s4 =	sld [smem:$0x3FFB];
	_ =	sdelay $0x3  }
0x93: {  	_ =	strace s4  }
0x94: {  	s4 =	sld [smem:$0x3FFC];
	_ =	sdelay $0x3  }
0x95: {  	_ =	strace s4  }
0x96: {  	s4 =	sld [smem:$0x3FFD];
	_ =	sdelay $0x3  }
0x97: {  	_ =	strace s4  }
0x98: {  	_ =	strace $0x8FFFFFFF  }
0x99: {  	s19 =	sld [smem:$0x3FDB];
	_ =	sdelay $0x1  }
0x9a: {  	s5 =	simm.s32 $_scs_section_size  }
0x9b: {  	s6 =	simm.s32 $_size__tile_overlayer_lowered;
	s7 =	simm.s32 $_tile_overlayer_lowered  }
0x9c: {  	s22 =	simm.s32 $0x1BFF;
	s21 =	sshll.u32 s7, $0x1;
	s4 =	sadd.s32 s5, s19  }
0x9d: {  	s8 =	simm.s32 $0x0;
	s20 =	sshll.u32 s6, $0x1;
	s6 =	sadd.s32 s21, s4  }
0x9e: {  	[timem:s8], [sflag:s22] =	dma.local [hbm:s6], s20  }
0x9f: {  	_ =	swait.ge [sflag:s22], s20  }
0xa0: {  	s5 =	ssub.s32 $0x0, s20;
	[sflag:s22] =	ssyncset.done $0x0  }
0xa1: {  	[sflag:s22] =	ssyncadd.s32 s5;
	_ =	sdelay $0x1  }
0xa2: {  	s23 =	simm.s32 $0x1B8B  }
0xa3: {  	_ =	swait.ge [sflag:s23], $0x1  }
0xa4: {  	[sflag:s23] =	ssyncset.done $0x0  }
0xa5: {  	s25 =	simm.s32 $0x1B8E;
	s24 =	sld [smem:$0x3FFE];
	[sflag:s23] =	ssyncadd.s32 $0xFFFFFFFF  }
0xa6: {  	s26 =	simm.s32 $execute0_lowered;
	[smem:$0x3FD2] =	sst s25  }
0xa7: {  	s6 =	sshll.u32 s26, $0x1;
	_ =	strace $0x80000046;
	[dreg:$0x1] =	wrdreg $0xFFFFFFFF  }
0xa8: {  	s28 =	simm.s32 $_size_execute0_lowered;
	s4 =	sadd.s32 s4, s6;
	[dreg:$0x0] =	wrdreg $0x0  }
0xa9: {  	s6 =	sshll.u32 s28, $0x1;
	[dreg:$0x2] =	wrdreg s4  }
0xaa: {  	[dreg:$0x3] =	wrdreg s6  }
0xab: {  	[dreg:$0x4] =	wrdreg $0xC0  }
0xac: {  	_ =	task [dreg:s8], $0x5FFFF  }
0xad: {  	[dreg:$0x1] =	wrdreg $0xFFFFFFFF  }
0xae: {  	[dreg:$0x0] =	wrdreg $0x60  }
0xaf: {  	[dreg:$0x2] =	wrdreg s24  }
0xb0: {  	[dreg:$0x3] =	wrdreg s2  }
0xb1: {  	[dreg:$0x4] =	wrdreg s18  }
0xb2: {  	[dreg:$0x5] =	wrdreg $0x9  }
0xb3: {  	_ =	task.clear_ibuf [dreg:s8], $0x6FFFF;
	_ =	strace $0x90000046  }
0xb4: {  	s29 =	simm.s32 $0x9;
	_ =	strace $0x80000048  }
0xb5: {  	_ =	swait.ge [sflag:s29], $0x1  }
0xb6: {  	[sflag:s29] =	ssyncadd.s32 $0xFFFFFFFF  }
0xb7: {  	_ =	strace $0x90000048  }
0xb8: {  	_ =	sfence  }
0xb9: {  	s30 =	sld [smem:$0x0];
	_ =	sdelay $0x2  }
0xba: {  	s31 =	sshll.u32 s1, $0xD;
	s1 =	sshrl.u32 s1, $0x2  }
0xbb: {  	s3 =	sand.u32 $0x4000, s31;
	s1 =	sadd.s32 s1, s30  }
0xbc: {  	s0 =	sor.u32 s3, s0;
	s1 =	sshll.u32 s1, $0x11  }
0xbd: {  	s0 =	sor.u32 s1, s0  }
0xbe: {  	s0 =	sadd.s32 $0x8F2B, s0  }
0xbf: {  	[sflag:s0] =	ssyncadd.remote.s32 $0x1  }
0xc0: {  	_ =	sfence.sel $0xFFFF  }
0xc1: {  	[dreg:$0x0] =	wrdreg $0xFFFFFFFF;
	(pc) =	sbr.abs _section_cstart, $3  }
0xc2: {  	[dreg:$0x1] =	wrdreg $0xFFFFFFFF  }
0xc3: {  	_ =	task.clear_ibuf [dreg:s8], $0x2FFFF;
	_ =	strace $0x9FFFFFFF  }
0xc4: {  	(tm) =	ssettm $0x7FFFFFFF  }
0xc5: {  	_ =	shalt  }
tec
execute0_lowered:
.L_overlay_start_1:
0x0: {  	(tag) =	ssettag $0x1  }
0x1: {  	s3 =	rddreg [dreg:$0x0]  }
0x2: {  	s5 =	rddreg [dreg:$0x1]  }
0x3: {  	s0 =	srdreg.scid;
	s6 =	rddreg [dreg:$0x2];
	s2 =	simm.s32 $0x0  }
0x4: {  	s11 =	simm.s32 $0x68;
	s12 =	simm.s32 $0x3300;
	s13 =	simm.s32 $0x1  }
0x5: {  	s14 =	simm.s32 $0x2;
	s15 =	simm.s32 $0x4C00;
	s4 =	sand.u32 $0x1, s0  }
0x6: {  	s16 =	simm.s32 $0x3;
	s0 =	stileid.u32;
	s1 =	sshll.u32 s4, $0x4  }
0x7: {  	s17 =	simm.s32 $0x0;
	[smem:$0x7FF] =	sst s2;
	s7 =	sor.u32 s0, s1  }
0x8: {  	s4 =	ssub.s32 $0x2, s4;
	s1 =	rddreg [dreg:$0x3];
	s8 =	smul.u32 $0x340, s7  }
.Ltmp0:
0x9: {  	_ =	strace $0x80000047;
	s9 =	sshrl.u32 s4, $0x1;
	(pc) =	sbr.rel .LBB2_1-.Ltmp0, $4  }
0xa: {  	s9 =	ssub.s32 s4, s9;
	s10 =	sshll.u32 s7, $0x4;
	s7 =	sshll.u32 s7, $0xA  }
0xb: {  	s5 =	sadd.s32 s5, s10;
	s6 =	sadd.s32 s6, s7;
	s7 =	smax.u32 s9, $0x1  }
0xc: {  	s9 =	simm.s32 $0x64;
	s10 =	simm.s32 $0x1A00;
	s8 =	sadd.s32 s8, s3  }
0xd: {  	s3 =	sadd.s32 $0x187000, s3;
	s4 =	sadd.s32 $0x600, s8;
	s8 =	simm.s32 $0x6C00  }
.LBB2_4:
0xe: {  	s17 =	sadd.s32 $0x1, s17  }
0xf: {  	p0 =	sne.s32 s17, s7  }
.Ltmp1:
0x10: {  	_ = 	snop;
	(pc) =	sbr.rel @!p0 .LBB2_5-.Ltmp1, $4  }
0x11: {  	[hbm4b:s6+s2] =	stream.linear.scatter [tilespmem:s15], [sflag:$0x3], $0x2000, $0x38;
	[tilespmem:$0x6C80] =	vst v63  }
0x12: {  	_ =	swait.ge [sflag:s16], $0x2000  }
0x13: {  	[sflag:s16] =	ssyncset.done $0x0  }
0x14: {  	[sflag:s16] =	ssyncadd.s32 $0xFFFFE000  }
.LBB2_1:
0x15: {  	[tilespmem:s2], [sflag:$0x3] =	stream.linear.gather [hbm4b:s4+s2], $0x1A00, $0x38;
	[tilespmem:$0x6C80] =	vst v63  }
0x16: {  	_ =	swait.ge [sflag:s16], $0x1A00  }
0x17: {  	[sflag:s16] =	ssyncset.done $0x0  }
0x18: {  	[sflag:s16] =	ssyncadd.s32 $0xFFFFE600  }
0x19: {  	[tilespmem:s8], [sflag:$0x3] =	stream.linear.gather [hbm4b:s5+s2], $0x80, $0x38;
	[tilespmem:$0x6C80] =	vst v63  }
0x1a: {  	_ =	swait.ge [sflag:s16], $0x80  }
0x1b: {  	[sflag:s16] =	ssyncset.done $0x0  }
0x1c: {  	s18 =	simm.s32 $0x138;
	[sflag:s16] =	ssyncadd.s32 $0xFFFFFF80  }
0x1d: {  	[tilespmem:s10], [sflag:$0x1] =	stream.indirect.gather [hbm4b:s3+s9], $0x40, s2, s9, $0xb8;
	[tilespmem:$0x6C80] =	vst v63  }
0x1e: {  	s19 =	simm.s32 $0x4C80;
	s20 =	simm.s32 $0x0;
	s21 =	simm.s32 $0x3  }
0x1f: {  	[tilespmem:s12], [sflag:$0x2] =	stream.indirect.gather [hbm4b:s3+s9], $0x40, s11, s9, $0xb8;
	[tilespmem:$0x6C80] =	vst v63  }
.LBB2_2:
0x20: {  	_ =	swait.ge [sflag:s13], $0x1900  }
0x21: {  	[sflag:s13] =	ssyncset.done $0x0  }
0x22: {  	[sflag:s13] =	ssyncadd.s32 $0xFFFFE700  }
0x23: {  	v56 =	vld [tilespmem:$0x1DF0];
	_ =	sdelay $0x4  }
0x24: {  	[tilespmem:$0x1F510] =	vst v56;
	v56 =	vld [tilespmem:$0x1E10];
	_ =	sdelay $0x4  }
0x25: {  	[tilespmem:$0x1F520] =	vst v56;
	v56 =	vld [tilespmem:$0x1E20];
	_ =	sdelay $0x4  }
0x26: {  	[tilespmem:$0x1F530] =	vst v56;
	v56 =	vld [tilespmem:$0x1E30];
	_ =	sdelay $0x4  }
0x27: {  	[tilespmem:$0x1F550] =	vst v56;
	v56 =	vld [tilespmem:$0x1E40];
	_ =	sdelay $0x4  }
0x28: {  	[tilespmem:$0x1F540] =	vst v56;
	v56 =	vld [tilespmem:$0x1E50];
	_ =	sdelay $0x4  }
0x29: {  	[tilespmem:$0x1F560] =	vst v56;
	v56 =	vld [tilespmem:$0x1E60];
	_ =	sdelay $0x4  }
0x2a: {  	[tilespmem:$0x1F570] =	vst v56;
	v56 =	vld [tilespmem:$0x1E70];
	_ =	sdelay $0x4  }
0x2b: {  	[tilespmem:$0x1F590] =	vst v56;
	v56 =	vld [tilespmem:$0x1E80];
	_ =	sdelay $0x4  }
0x2c: {  	[tilespmem:$0x1F580] =	vst v56;
	v56 =	vld [tilespmem:$0x1E90];
	_ =	sdelay $0x4  }
0x2d: {  	[tilespmem:$0x1F5A0] =	vst v56;
	v56 =	vld [tilespmem:$0x1EA0];
	_ =	sdelay $0x4  }
0x2e: {  	[tilespmem:$0x1F5B0] =	vst v56;
	v56 =	vld [tilespmem:$0x1EB0];
	_ =	sdelay $0x4  }
0x2f: {  	[tilespmem:$0x1F5D0] =	vst v56;
	v56 =	vld [tilespmem:$0x1EC0];
	_ =	sdelay $0x4  }
0x30: {  	[tilespmem:$0x1F5C0] =	vst v56;
	v56 =	vld [tilespmem:$0x1ED0];
	_ =	sdelay $0x4  }
0x31: {  	[tilespmem:$0x1F5E0] =	vst v56;
	v56 =	vld [tilespmem:$0x1EE0];
	_ =	sdelay $0x4  }
0x32: {  	[tilespmem:$0x1F5F0] =	vst v56;
	v56 =	vld [tilespmem:$0x1EF0];
	_ =	sdelay $0x4  }
0x33: {  	[tilespmem:$0x1F610] =	vst v56;
	v56 =	vld [tilespmem:$0x1F00];
	_ =	sdelay $0x4  }
0x34: {  	[tilespmem:$0x1F600] =	vst v56;
	v56 =	vld [tilespmem:$0x1F10];
	_ =	sdelay $0x4  }
0x35: {  	[tilespmem:$0x1F620] =	vst v56;
	v56 =	vld [tilespmem:$0x1F20];
	_ =	sdelay $0x4  }
0x36: {  	[tilespmem:$0x1F630] =	vst v56;
	v56 =	vld [tilespmem:$0x1F30];
	_ =	sdelay $0x1  }
0x37: {  	v2 =	vld [tilespmem:$0x1A00]  }
0x38: {  	v3 =	vld [tilespmem:$0x1A10]  }
0x39: {  	v12 =	vld [tilespmem:$0x1A20]  }
0x3a: {  	[tilespmem:$0x1F650] =	vst v56;
	v56 =	vld [tilespmem:$0x1F40]  }
0x3b: {  	v13 =	vld [tilespmem:$0x1A30]  }
0x3c: {  	v16 =	vld [tilespmem:$0x1A40]  }
0x3d: {  	v17 =	vld [tilespmem:$0x1A50]  }
0x3e: {  	v28 =	vld [tilespmem:$0x1A60]  }
0x3f: {  	[tilespmem:$0x1F640] =	vst v56;
	v56 =	vld [tilespmem:$0x1F50]  }
0x40: {  	v29 =	vld [tilespmem:$0x1A70]  }
0x41: {  	v32 =	vld [tilespmem:$0x1A80]  }
0x42: {  	v33 =	vld [tilespmem:$0x1A90]  }
0x43: {  	v44 =	vld [tilespmem:$0x1AA0]  }
0x44: {  	[tilespmem:$0x1F660] =	vst v56;
	v56 =	vld [tilespmem:$0x1F60]  }
0x45: {  	v45 =	vld [tilespmem:$0x1AB0]  }
0x46: {  	v48 =	vld [tilespmem:$0x1AC0]  }
0x47: {  	v49 =	vld [tilespmem:$0x1AD0]  }
0x48: {  	v60 =	vld [tilespmem:$0x1AE0]  }
0x49: {  	[tilespmem:$0x1F670] =	vst v56;
	v56 =	vld [tilespmem:$0x1F70]  }
0x4a: {  	v61 =	vld [tilespmem:$0x1AF0]  }
0x4b: {  	v0 =	vld [tilespmem:$0x1B00]  }
0x4c: {  	v1 =	vld [tilespmem:$0x1B10]  }
0x4d: {  	v5 =	vld [tilespmem:$0x1B20]  }
0x4e: {  	[tilespmem:$0x1F690] =	vst v56;
	v56 =	vld [tilespmem:$0x1F80]  }
0x4f: {  	v9 =	vld [tilespmem:$0x1B30]  }
0x50: {  	v4 =	vld [tilespmem:$0x1B40]  }
0x51: {  	v6 =	vld [tilespmem:$0x1B50]  }
0x52: {  	v8 =	vld [tilespmem:$0x1B60]  }
0x53: {  	[tilespmem:$0x1F680] =	vst v56;
	v56 =	vld [tilespmem:$0x1F90]  }
0x54: {  	v15 =	vld [tilespmem:$0x1B70]  }
0x55: {  	v7 =	vld [tilespmem:$0x1B80]  }
0x56: {  	v10 =	vld [tilespmem:$0x1B90]  }
0x57: {  	v14 =	vld [tilespmem:$0x1BA0]  }
0x58: {  	[tilespmem:$0x1F6A0] =	vst v56;
	v56 =	vld [tilespmem:$0x1FA0]  }
0x59: {  	v21 =	vld [tilespmem:$0x1BB0]  }
0x5a: {  	v11 =	vld [tilespmem:$0x1BC0]  }
0x5b: {  	v18 =	vld [tilespmem:$0x1BD0]  }
0x5c: {  	v20 =	vld [tilespmem:$0x1BE0]  }
0x5d: {  	[tilespmem:$0x1F6B0] =	vst v56;
	v56 =	vld [tilespmem:$0x1FB0]  }
0x5e: {  	v25 =	vld [tilespmem:$0x1BF0]  }
0x5f: {  	v19 =	vld [tilespmem:$0x1C00]  }
0x60: {  	v22 =	vld [tilespmem:$0x1C10]  }
0x61: {  	v24 =	vld [tilespmem:$0x1C20]  }
0x62: {  	[tilespmem:$0x1F6D0] =	vst v56;
	v56 =	vld [tilespmem:$0x1FC0]  }
0x63: {  	v31 =	vld [tilespmem:$0x1C30]  }
0x64: {  	v23 =	vld [tilespmem:$0x1C40]  }
0x65: {  	v26 =	vld [tilespmem:$0x1C50]  }
0x66: {  	v30 =	vld [tilespmem:$0x1C60]  }
0x67: {  	[tilespmem:$0x1F6C0] =	vst v56;
	v56 =	vld [tilespmem:$0x1FD0]  }
0x68: {  	v37 =	vld [tilespmem:$0x1C70]  }
0x69: {  	v27 =	vld [tilespmem:$0x1C80]  }
0x6a: {  	v34 =	vld [tilespmem:$0x1C90]  }
0x6b: {  	v36 =	vld [tilespmem:$0x1CA0]  }
0x6c: {  	[tilespmem:$0x1F6E0] =	vst v56;
	v56 =	vld [tilespmem:$0x1FE0]  }
0x6d: {  	v41 =	vld [tilespmem:$0x1CB0]  }
0x6e: {  	v35 =	vld [tilespmem:$0x1CC0]  }
0x6f: {  	v38 =	vld [tilespmem:$0x1CD0]  }
0x70: {  	v40 =	vld [tilespmem:$0x1CE0]  }
0x71: {  	[tilespmem:$0x1F6F0] =	vst v56;
	v56 =	vld [tilespmem:$0x1FF0]  }
0x72: {  	v47 =	vld [tilespmem:$0x1CF0]  }
0x73: {  	v39 =	vld [tilespmem:$0x1D00]  }
0x74: {  	v42 =	vld [tilespmem:$0x1D10]  }
0x75: {  	v46 =	vld [tilespmem:$0x1D20]  }
0x76: {  	[tilespmem:$0x1F710] =	vst v56;
	v56 =	vld [tilespmem:$0x2000]  }
0x77: {  	v53 =	vld [tilespmem:$0x1D30]  }
0x78: {  	v43 =	vld [tilespmem:$0x1D40]  }
0x79: {  	v50 =	vld [tilespmem:$0x1D50]  }
0x7a: {  	v52 =	vld [tilespmem:$0x1D60]  }
0x7b: {  	[tilespmem:$0x1F700] =	vst v56;
	v56 =	vld [tilespmem:$0x2010]  }
0x7c: {  	v62 =	vld [tilespmem:$0x1D70]  }
0x7d: {  	v51 =	vld [tilespmem:$0x1D80]  }
0x7e: {  	v54 =	vld [tilespmem:$0x1D90]  }
0x7f: {  	v63 =	vld [tilespmem:$0x1DA0]  }
0x80: {  	[tilespmem:$0x1F720] =	vst v56;
	v56 =	vld [tilespmem:$0x2020]  }
0x81: {  	v55 =	vld [tilespmem:$0x1DB0]  }
0x82: {  	v58 =	vld [tilespmem:$0x1DD0]  }
0x83: {  	v57 =	vld [tilespmem:$0x1DE0]  }
0x84: {  	v59 =	vld [tilespmem:$0x1E00]  }
0x85: {  	[tilespmem:$0x1F730] =	vst v56;
	v56 =	vld [tilespmem:$0x2030]  }
0x86: {  	[tilespmem:$0x1F500] =	vst v55;
	v55 =	vld [tilespmem:$0x1DC0]  }
0x87: {  	v28 =	vadd.f32 v28, v12;
	v12 =	vld [tilespmem:$0x20C0]  }
0x88: {  	v2 =	vadd.f32 v16, v2;
	v16 =	vld [tilespmem:$0x20E0]  }
0x89: {  	v3 =	vadd.f32 v17, v3;
	v17 =	vld [tilespmem:$0x20F0]  }
0x8a: {  	[tilespmem:$0x1F750] =	vst v56;
	v56 =	vld [tilespmem:$0x2040]  }
0x8b: {  	v2 =	vadd.f32 v32, v2;
	v32 =	vadd.f32 v29, v13;
	v13 =	vld [tilespmem:$0x20D0]  }
0x8c: {  	v3 =	vadd.f32 v33, v3;
	v28 =	vadd.f32 v44, v28;
	v33 =	vld [tilespmem:$0x2130]  }
0x8d: {  	v44 =	vld [tilespmem:$0x2140]  }
0x8e: {  	v3 =	vadd.f32 v49, v3;
	v49 =	vadd.f32 v60, v28;
	v28 =	vld [tilespmem:$0x2100]  }
0x8f: {  	[tilespmem:$0x1F740] =	vst v56;
	v56 =	vld [tilespmem:$0x2050]  }
0x90: {  	v29 =	vadd.f32 v45, v32;
	v32 =	vld [tilespmem:$0x2120]  }
0x91: {  	v45 =	vld [tilespmem:$0x2150]  }
0x92: {  	v2 =	vadd.f32 v48, v2;
	v48 =	vld [tilespmem:$0x2160]  }
0x93: {  	v60 =	vadd.f32 v61, v29;
	v29 =	vld [tilespmem:$0x2110]  }
0x94: {  	[tilespmem:$0x1F760] =	vst v56;
	v56 =	vld [tilespmem:$0x2060]  }
0x95: {  	v0 =	vadd.f32 v0, v2;
	v61 =	vadd.f32 v5, v49;
	v49 =	vld [tilespmem:$0x2170]  }
0x96: {  	v1 =	vadd.f32 v1, v3;
	v2 =	vadd.f32 v9, v60;
	v60 =	vld [tilespmem:$0x2180]  }
0x97: {  	v0 =	vadd.f32 v4, v0;
	v3 =	vadd.f32 v8, v61;
	v61 =	vld [tilespmem:$0x2190]  }
0x98: {  	v1 =	vadd.f32 v6, v1;
	v6 =	vld [tilespmem:$0x21C0]  }
0x99: {  	v0 =	vadd.f32 v7, v0;
	[tilespmem:$0x1F770] =	vst v56;
	v56 =	vld [tilespmem:$0x2070]  }
0x9a: {  	v8 =	vld [tilespmem:$0x21E0];
	v2 =	vadd.f32 v15, v2;
	v3 =	vadd.f32 v14, v3  }
0x9b: {  	v9 =	vld [tilespmem:$0x21F0];
	v1 =	vadd.f32 v10, v1;
	v0 =	vadd.f32 v11, v0  }
0x9c: {  	v7 =	vld [tilespmem:$0x21D0];
	v2 =	vadd.f32 v21, v2;
	v3 =	vadd.f32 v20, v3  }
0x9d: {  	v10 =	vld [tilespmem:$0x2200];
	v1 =	vadd.f32 v18, v1;
	v0 =	vadd.f32 v19, v0  }
0x9e: {  	v21 =	vadd.f32 v25, v2;
	v25 =	vadd.f32 v24, v3;
	[tilespmem:$0x1F790] =	vst v56;
	v56 =	vld [tilespmem:$0x2080]  }
0x9f: {  	v14 =	vld [tilespmem:$0x2220];
	v0 =	vadd.f32 v23, v0  }
0xa0: {  	v15 =	vld [tilespmem:$0x2230];
	v1 =	vadd.f32 v22, v1;
	v5 =	vadd.f32 v30, v25  }
0xa1: {  	v11 =	vld [tilespmem:$0x2210];
	v0 =	vadd.f32 v27, v0  }
0xa2: {  	v18 =	vld [tilespmem:$0x2240];
	v1 =	vadd.f32 v26, v1;
	v5 =	vadd.f32 v36, v5  }
0xa3: {  	v0 =	vadd.f32 v35, v0;
	[tilespmem:$0x1F780] =	vst v56;
	v56 =	vld [tilespmem:$0x2090]  }
0xa4: {  	v20 =	vld [tilespmem:$0x2260];
	v1 =	vadd.f32 v34, v1;
	v5 =	vadd.f32 v40, v5  }
0xa5: {  	v2 =	vld [tilespmem:$0x21A0];
	v0 =	vadd.f32 v39, v0  }
0xa6: {  	v3 =	vld [tilespmem:$0x21B0];
	v1 =	vadd.f32 v38, v1;
	v5 =	vadd.f32 v46, v5  }
0xa7: {  	v19 =	vld [tilespmem:$0x2250];
	v4 =	vadd.f32 v31, v21;
	v0 =	vadd.f32 v43, v0  }
0xa8: {  	v1 =	vadd.f32 v42, v1;
	v5 =	vadd.f32 v52, v5;
	[tilespmem:$0x1F7A0] =	vst v56;
	v56 =	vld [tilespmem:$0x20A0]  }
0xa9: {  	v22 =	vld [tilespmem:$0x2280];
	v4 =	vadd.f32 v37, v4;
	v0 =	vadd.f32 v51, v0  }
0xaa: {  	v21 =	vld [tilespmem:$0x2270];
	v1 =	vadd.f32 v50, v1;
	v5 =	vadd.f32 v63, v5  }
0xab: {  	v4 =	vadd.f32 v41, v4;
	v0 =	vadd.f32 v55, v0;
	v55 =	vld [tilespmem:$0x1F500]  }
0xac: {  	v1 =	vadd.f32 v54, v1;
	v5 =	vadd.f32 v57, v5;
	v57 =	vld [tilespmem:$0x1F510]  }
0xad: {  	v4 =	vadd.f32 v47, v4;
	[tilespmem:$0x1F7B0] =	vst v56;
	v56 =	vld [tilespmem:$0x20B0]  }
0xae: {  	v1 =	vadd.f32 v58, v1;
	v58 =	vld [tilespmem:$0x1F520]  }
0xaf: {  	v4 =	vadd.f32 v53, v4;
	v23 =	vld [tilespmem:$0x2290]  }
0xb0: {  	v0 =	vadd.f32 v59, v0;
	v59 =	vld [tilespmem:$0x1F530]  }
0xb1: {  	v4 =	vadd.f32 v62, v4;
	v62 =	vld [tilespmem:$0x1F540]  }
0xb2: {  	v24 =	vld [tilespmem:$0x22A0]  }
0xb3: {  	v63 =	vld [tilespmem:$0x1F550]  }
0xb4: {  	v30 =	vld [tilespmem:$0x1F560]  }
0xb5: {  	v25 =	vld [tilespmem:$0x22B0]  }
0xb6: {  	v31 =	vld [tilespmem:$0x1F570]  }
0xb7: {  	v34 =	vld [tilespmem:$0x1F580]  }
0xb8: {  	v26 =	vld [tilespmem:$0x22C0]  }
0xb9: {  	v35 =	vld [tilespmem:$0x1F590]  }
0xba: {  	v36 =	vld [tilespmem:$0x1F5A0]  }
0xbb: {  	v27 =	vld [tilespmem:$0x22D0]  }
0xbc: {  	v37 =	vld [tilespmem:$0x1F5B0]  }
0xbd: {  	v38 =	vld [tilespmem:$0x1F5C0]  }
0xbe: {  	v39 =	vld [tilespmem:$0x1F5D0]  }
0xbf: {  	v40 =	vld [tilespmem:$0x1F5E0]  }
0xc0: {  	v41 =	vld [tilespmem:$0x1F5F0]  }
0xc1: {  	v42 =	vld [tilespmem:$0x1F600]  }
0xc2: {  	v43 =	vld [tilespmem:$0x1F610]  }
0xc3: {  	v46 =	vld [tilespmem:$0x1F620]  }
0xc4: {  	v47 =	vld [tilespmem:$0x1F630]  }
0xc5: {  	v50 =	vld [tilespmem:$0x1F640]  }
0xc6: {  	v51 =	vld [tilespmem:$0x1F650]  }
0xc7: {  	v52 =	vld [tilespmem:$0x1F660]  }
0xc8: {  	v53 =	vld [tilespmem:$0x1F670]  }
0xc9: {  	v4 =	vadd.f32 v55, v4;
	v54 =	vld [tilespmem:$0x1F680]  }
0xca: {  	v55 =	vld [tilespmem:$0x1F690]  }
0xcb: {  	v4 =	vadd.f32 v57, v4;
	v57 =	vld [tilespmem:$0x1F6A0]  }
0xcc: {  	v1 =	vadd.f32 v58, v1;
	v58 =	vld [tilespmem:$0x1F6B0]  }
0xcd: {  	v5 =	vadd.f32 v59, v5;
	v59 =	vld [tilespmem:$0x1F6C0]  }
0xce: {  	v0 =	vadd.f32 v62, v0;
	v62 =	vld [tilespmem:$0x1F6D0]  }
0xcf: {  	v4 =	vadd.f32 v63, v4;
	v63 =	vld [tilespmem:$0x1F6E0]  }
0xd0: {  	v1 =	vadd.f32 v30, v1;
	v30 =	vld [tilespmem:$0x22E0]  }
0xd1: {  	v5 =	vadd.f32 v31, v5;
	v31 =	vld [tilespmem:$0x22F0]  }
0xd2: {  	v0 =	vadd.f32 v34, v0;
	v34 =	vld [tilespmem:$0x2300]  }
0xd3: {  	v4 =	vadd.f32 v35, v4;
	v35 =	vld [tilespmem:$0x2310]  }
0xd4: {  	v1 =	vadd.f32 v36, v1;
	v36 =	vld [tilespmem:$0x2320]  }
0xd5: {  	v5 =	vadd.f32 v37, v5;
	v37 =	vld [tilespmem:$0x2330]  }
0xd6: {  	v0 =	vadd.f32 v38, v0;
	v38 =	vld [tilespmem:$0x2340]  }
0xd7: {  	v4 =	vadd.f32 v39, v4;
	v39 =	vld [tilespmem:$0x2350]  }
0xd8: {  	v1 =	vadd.f32 v40, v1;
	v40 =	vld [tilespmem:$0x2360]  }
0xd9: {  	v5 =	vadd.f32 v41, v5;
	v41 =	vld [tilespmem:$0x2370]  }
0xda: {  	v0 =	vadd.f32 v42, v0;
	v42 =	vld [tilespmem:$0x2380]  }
0xdb: {  	v4 =	vadd.f32 v43, v4;
	v43 =	vld [tilespmem:$0x2390]  }
0xdc: {  	v1 =	vadd.f32 v46, v1;
	v46 =	vld [tilespmem:$0x1F6F0]  }
0xdd: {  	v5 =	vadd.f32 v47, v5;
	v47 =	vld [tilespmem:$0x1F700]  }
0xde: {  	v0 =	vadd.f32 v50, v0;
	v50 =	vld [tilespmem:$0x1F710]  }
0xdf: {  	v4 =	vadd.f32 v51, v4;
	v51 =	vld [tilespmem:$0x1F720]  }
0xe0: {  	v1 =	vadd.f32 v52, v1;
	v52 =	vld [tilespmem:$0x1F730]  }
0xe1: {  	v5 =	vadd.f32 v53, v5;
	v53 =	vld [tilespmem:$0x1F740]  }
0xe2: {  	v0 =	vadd.f32 v54, v0;
	v54 =	vld [tilespmem:$0x1F750]  }
0xe3: {  	v4 =	vadd.f32 v55, v4;
	v55 =	vld [tilespmem:$0x1F760]  }
0xe4: {  	v1 =	vadd.f32 v57, v1;
	v57 =	vld [tilespmem:$0x1F770]  }
0xe5: {  	v5 =	vadd.f32 v58, v5;
	v0 =	vadd.f32 v59, v0;
	v58 =	vld [tilespmem:$0x1F780]  }
0xe6: {  	v4 =	vadd.f32 v62, v4;
	v59 =	vld [tilespmem:$0x1F790];
	v1 =	vadd.f32 v63, v1  }
0xe7: {  	v62 =	vld [tilespmem:$0x1F7A0];
	v5 =	vadd.f32 v46, v5;
	v0 =	vadd.f32 v47, v0  }
0xe8: {  	v4 =	vadd.f32 v50, v4;
	v63 =	vld [tilespmem:$0x1F7B0];
	v1 =	vadd.f32 v51, v1  }
0xe9: {  	v46 =	vld [tilespmem:$0x23A0];
	v5 =	vadd.f32 v52, v5;
	v0 =	vadd.f32 v53, v0  }
0xea: {  	v47 =	vld [tilespmem:$0x23B0];
	v4 =	vadd.f32 v54, v4;
	v1 =	vadd.f32 v55, v1  }
0xeb: {  	v50 =	vld [tilespmem:$0x23C0];
	v5 =	vadd.f32 v57, v5;
	v0 =	vadd.f32 v58, v0  }
0xec: {  	v51 =	vld [tilespmem:$0x23D0];
	v4 =	vadd.f32 v59, v4;
	v1 =	vadd.f32 v62, v1  }
0xed: {  	v52 =	vld [tilespmem:$0x2460];
	v5 =	vadd.f32 v63, v5;
	v0 =	vadd.f32 v12, v0  }
0xee: {  	v53 =	vld [tilespmem:$0x2470];
	v4 =	vadd.f32 v56, v4;
	v1 =	vadd.f32 v13, v1  }
0xef: {  	v54 =	vld [tilespmem:$0x2480];
	v5 =	vadd.f32 v16, v5;
	v0 =	vadd.f32 v28, v0  }
0xf0: {  	v55 =	vld [tilespmem:$0x2490];
	v4 =	vadd.f32 v17, v4;
	v1 =	vadd.f32 v29, v1  }
0xf1: {  	v57 =	vld [tilespmem:$0x24B0];
	v5 =	vadd.f32 v32, v5;
	v0 =	vadd.f32 v44, v0  }
0xf2: {  	v58 =	vld [tilespmem:$0x24C0];
	v4 =	vadd.f32 v33, v4;
	v1 =	vadd.f32 v45, v1  }
0xf3: {  	v59 =	vld [tilespmem:$0x24D0];
	v5 =	vadd.f32 v48, v5;
	v0 =	vadd.f32 v60, v0  }
0xf4: {  	v12 =	vld [tilespmem:$0x23E0];
	v4 =	vadd.f32 v49, v4;
	v1 =	vadd.f32 v61, v1  }
0xf5: {  	v56 =	vld [tilespmem:$0x24A0];
	v2 =	vadd.f32 v2, v5;
	v0 =	vadd.f32 v6, v0  }
0xf6: {  	v62 =	vld [tilespmem:$0x2500];
	v3 =	vadd.f32 v3, v4;
	v1 =	vadd.f32 v7, v1  }
0xf7: {  	v63 =	vld [tilespmem:$0x2510];
	v2 =	vadd.f32 v8, v2;
	v0 =	vadd.f32 v10, v0  }
0xf8: {  	v13 =	vld [tilespmem:$0x23F0];
	v3 =	vadd.f32 v9, v3;
	v1 =	vadd.f32 v11, v1  }
0xf9: {  	v16 =	vld [tilespmem:$0x2400];
	v2 =	vadd.f32 v14, v2;
	v0 =	vadd.f32 v18, v0  }
0xfa: {  	v17 =	vld [tilespmem:$0x2410];
	v3 =	vadd.f32 v15, v3;
	v1 =	vadd.f32 v19, v1  }
0xfb: {  	v44 =	vld [tilespmem:$0x2420];
	v2 =	vadd.f32 v20, v2;
	v0 =	vadd.f32 v22, v0  }
0xfc: {  	v45 =	vld [tilespmem:$0x2430];
	v3 =	vadd.f32 v21, v3;
	v1 =	vadd.f32 v23, v1  }
0xfd: {  	v48 =	vld [tilespmem:$0x2440];
	v2 =	vadd.f32 v24, v2;
	v0 =	vadd.f32 v26, v0  }
0xfe: {  	v49 =	vld [tilespmem:$0x2450];
	v3 =	vadd.f32 v25, v3;
	v1 =	vadd.f32 v27, v1  }
0xff: {  	v60 =	vld [tilespmem:$0x24E0];
	v2 =	vadd.f32 v30, v2;
	v0 =	vadd.f32 v34, v0  }
0x100: {  	v61 =	vld [tilespmem:$0x24F0];
	v3 =	vadd.f32 v31, v3;
	v1 =	vadd.f32 v35, v1  }
0x101: {  	v30 =	vld [tilespmem:$0x2520];
	v2 =	vadd.f32 v36, v2;
	v0 =	vadd.f32 v38, v0  }
0x102: {  	v31 =	vld [tilespmem:$0x2530];
	v3 =	vadd.f32 v37, v3;
	v1 =	vadd.f32 v39, v1  }
0x103: {  	v34 =	vld [tilespmem:$0x2540];
	v2 =	vadd.f32 v40, v2;
	v0 =	vadd.f32 v42, v0  }
0x104: {  	v35 =	vld [tilespmem:$0x2550];
	v3 =	vadd.f32 v41, v3;
	v1 =	vadd.f32 v43, v1  }
0x105: {  	v36 =	vld [tilespmem:$0x2560];
	v2 =	vadd.f32 v46, v2;
	v0 =	vadd.f32 v50, v0  }
0x106: {  	s22 =	sand.u32 $0x1C0, s20;
	v37 =	vld [tilespmem:$0x2570];
	v3 =	vadd.f32 v47, v3;
	v1 =	vadd.f32 v51, v1  }
0x107: {  	s22 =	sshrl.u32 s22, $0x2;
	v38 =	vld [tilespmem:$0x2580];
	v2 =	vadd.f32 v12, v2;
	v0 =	vadd.f32 v16, v0  }
0x108: {  	v39 =	vld [tilespmem:s22+$0x6C00];
	v3 =	vadd.f32 v13, v3;
	v1 =	vadd.f32 v17, v1  }
0x109: {  	v40 =	vld [tilespmem:$0x2590];
	v2 =	vadd.f32 v44, v2;
	v0 =	vadd.f32 v48, v0  }
0x10a: {  	s23 =	sadd.s32 $0xFFFFFFFD, s21;
	v41 =	vld [tilespmem:$0x25A0];
	v3 =	vadd.f32 v45, v3;
	v1 =	vadd.f32 v49, v1  }
0x10b: {  	s23 =	sand.u32 $0xC, s23;
	v42 =	vld [tilespmem:$0x25B0];
	v2 =	vadd.f32 v52, v2;
	v0 =	vadd.f32 v54, v0  }
0x10c: {  	v43 =	vld [tilespmem:$0x25C0];
	v44 =	vmov s23;
	v3 =	vadd.f32 v53, v3;
	v1 =	vadd.f32 v55, v1  }
0x10d: {  	v46 =	vld [tilespmem:$0x25E0];
	v6 =	vperm.xlane v39, v44;
	v2 =	vadd.f32 v56, v2;
	v0 =	vadd.f32 v58, v0  }
0x10e: {  	v47 =	vld [tilespmem:$0x25F0];
	v3 =	vadd.f32 v57, v3;
	v1 =	vadd.f32 v59, v1  }
0x10f: {  	v50 =	vld [tilespmem:$0x2620];
	v6 =	vcvt.s32.f32 v6;
	v2 =	vadd.f32 v60, v2;
	v0 =	vadd.f32 v62, v0  }
0x110: {  	v51 =	vld [tilespmem:$0x2630];
	v3 =	vadd.f32 v61, v3;
	v1 =	vadd.f32 v63, v1  }
0x111: {  	v45 =	vld [tilespmem:$0x25D0];
	(erf) = vrcp.f32 v6;
	v2 =	vadd.f32 v30, v2;
	v0 =	vadd.f32 v34, v0  }
0x112: {  	v48 =	vld [tilespmem:$0x2600];
	v3 =	vadd.f32 v31, v3;
	v1 =	vadd.f32 v35, v1  }
0x113: {  	v49 =	vld [tilespmem:$0x2610];
	v2 =	vadd.f32 v36, v2;
	v0 =	vadd.f32 v38, v0  }
0x114: {  	v52 =	vld [tilespmem:$0x2640];
	v3 =	vadd.f32 v37, v3;
	v1 =	vadd.f32 v40, v1  }
0x115: {  	v53 =	vld [tilespmem:$0x2650];
	v2 =	vadd.f32 v41, v2;
	v0 =	vadd.f32 v43, v0  }
0x116: {  	v54 =	vld [tilespmem:$0x2660];
	v3 =	vadd.f32 v42, v3;
	v1 =	vadd.f32 v45, v1  }
0x117: {  	v55 =	vld [tilespmem:$0x2670];
	v2 =	vadd.f32 v46, v2;
	v0 =	vadd.f32 v48, v0  }
0x118: {  	v3 =	vadd.f32 v47, v3;
	v1 =	vadd.f32 v49, v1  }
0x119: {  	v2 =	vadd.f32 v50, v2;
	v0 =	vadd.f32 v52, v0  }
0x11a: {  	v56 =	vpop (erf);
	v3 =	vadd.f32 v51, v3;
	v1 =	vadd.f32 v53, v1  }
0x11b: {  	v2 =	vadd.f32 v54, v2;
	v0 =	vmul.f32 v56, v0  }
0x11c: {  	v3 =	vadd.f32 v55, v3;
	v1 =	vmul.f32 v56, v1  }
0x11d: {  	[tilespmem:s19+$0xFFFFFF80] =	vst v0;
	v57 =	vmul.f32 v56, v2  }
0x11e: {  	v58 =	vmul.f32 v56, v3;
	[tilespmem:s19+$0xFFFFFF90] =	vst v1  }
0x11f: {  	[tilespmem:s19+$0xFFFFFFA0] =	vst v57  }
0x120: {  	[tilespmem:s19+$0xFFFFFFB0] =	vst v58  }
0x121: {  	v56 =	vld [tilespmem:$0x2A70];
	_ =	sdelay $0x4  }
0x122: {  	[tilespmem:$0x1F7D0] =	vst v56;
	v56 =	vld [tilespmem:$0x2A90];
	_ =	sdelay $0x4  }
0x123: {  	[tilespmem:$0x1F7E0] =	vst v56;
	v56 =	vld [tilespmem:$0x2AA0];
	_ =	sdelay $0x4  }
0x124: {  	[tilespmem:$0x1F7F0] =	vst v56;
	v56 =	vld [tilespmem:$0x2AB0];
	_ =	sdelay $0x4  }
0x125: {  	[tilespmem:$0x1F810] =	vst v56;
	v56 =	vld [tilespmem:$0x2AC0];
	_ =	sdelay $0x2  }
0x126: {  	v2 =	vld [tilespmem:$0x2680]  }
0x127: {  	v3 =	vld [tilespmem:$0x2690]  }
0x128: {  	[tilespmem:$0x1F800] =	vst v56;
	v56 =	vld [tilespmem:$0x2AD0]  }
0x129: {  	v12 =	vld [tilespmem:$0x26A0]  }
0x12a: {  	v13 =	vld [tilespmem:$0x26B0]  }
0x12b: {  	v16 =	vld [tilespmem:$0x26C0]  }
0x12c: {  	v17 =	vld [tilespmem:$0x26D0]  }
0x12d: {  	[tilespmem:$0x1F820] =	vst v56;
	v56 =	vld [tilespmem:$0x2AE0]  }
0x12e: {  	v28 =	vld [tilespmem:$0x26E0]  }
0x12f: {  	v29 =	vld [tilespmem:$0x26F0]  }
0x130: {  	v32 =	vld [tilespmem:$0x2700]  }
0x131: {  	v33 =	vld [tilespmem:$0x2710]  }
0x132: {  	[tilespmem:$0x1F830] =	vst v56;
	v56 =	vld [tilespmem:$0x2AF0]  }
0x133: {  	v44 =	vld [tilespmem:$0x2720]  }
0x134: {  	v45 =	vld [tilespmem:$0x2730]  }
0x135: {  	v48 =	vld [tilespmem:$0x2740]  }
0x136: {  	v49 =	vld [tilespmem:$0x2750]  }
0x137: {  	[tilespmem:$0x1F850] =	vst v56;
	v56 =	vld [tilespmem:$0x2B00]  }
0x138: {  	v60 =	vld [tilespmem:$0x2760]  }
0x139: {  	v61 =	vld [tilespmem:$0x2770]  }
0x13a: {  	v0 =	vld [tilespmem:$0x2780]  }
0x13b: {  	v1 =	vld [tilespmem:$0x2790]  }
0x13c: {  	[tilespmem:$0x1F840] =	vst v56;
	v56 =	vld [tilespmem:$0x2B10]  }
0x13d: {  	v5 =	vld [tilespmem:$0x27A0]  }
0x13e: {  	v9 =	vld [tilespmem:$0x27B0]  }
0x13f: {  	v4 =	vld [tilespmem:$0x27C0]  }
0x140: {  	v6 =	vld [tilespmem:$0x27D0]  }
0x141: {  	[tilespmem:$0x1F860] =	vst v56;
	v56 =	vld [tilespmem:$0x2B20]  }
0x142: {  	v8 =	vld [tilespmem:$0x27E0]  }
0x143: {  	v15 =	vld [tilespmem:$0x27F0]  }
0x144: {  	v7 =	vld [tilespmem:$0x2800]  }
0x145: {  	v10 =	vld [tilespmem:$0x2810]  }
0x146: {  	[tilespmem:$0x1F870] =	vst v56;
	v56 =	vld [tilespmem:$0x2B30]  }
0x147: {  	v14 =	vld [tilespmem:$0x2820]  }
0x148: {  	v21 =	vld [tilespmem:$0x2830]  }
0x149: {  	v11 =	vld [tilespmem:$0x2840]  }
0x14a: {  	v18 =	vld [tilespmem:$0x2850]  }
0x14b: {  	[tilespmem:$0x1F890] =	vst v56;
	v56 =	vld [tilespmem:$0x2B40]  }
0x14c: {  	v20 =	vld [tilespmem:$0x2860]  }
0x14d: {  	v25 =	vld [tilespmem:$0x2870]  }
0x14e: {  	v19 =	vld [tilespmem:$0x2880]  }
0x14f: {  	v22 =	vld [tilespmem:$0x2890]  }
0x150: {  	[tilespmem:$0x1F880] =	vst v56;
	v56 =	vld [tilespmem:$0x2B50]  }
0x151: {  	v24 =	vld [tilespmem:$0x28A0]  }
0x152: {  	v31 =	vld [tilespmem:$0x28B0]  }
0x153: {  	v23 =	vld [tilespmem:$0x28C0]  }
0x154: {  	v26 =	vld [tilespmem:$0x28D0]  }
0x155: {  	[tilespmem:$0x1F8A0] =	vst v56;
	v56 =	vld [tilespmem:$0x2B60]  }
0x156: {  	v30 =	vld [tilespmem:$0x28E0]  }
0x157: {  	v37 =	vld [tilespmem:$0x28F0]  }
0x158: {  	v27 =	vld [tilespmem:$0x2900]  }
0x159: {  	v34 =	vld [tilespmem:$0x2910]  }
0x15a: {  	[tilespmem:$0x1F8B0] =	vst v56;
	v56 =	vld [tilespmem:$0x2B70]  }
0x15b: {  	v36 =	vld [tilespmem:$0x2920]  }
0x15c: {  	v41 =	vld [tilespmem:$0x2930]  }
0x15d: {  	v35 =	vld [tilespmem:$0x2940]  }
0x15e: {  	v38 =	vld [tilespmem:$0x2950]  }
0x15f: {  	[tilespmem:$0x1F8D0] =	vst v56;
	v56 =	vld [tilespmem:$0x2B80]  }
0x160: {  	v40 =	vld [tilespmem:$0x2960]  }
0x161: {  	v47 =	vld [tilespmem:$0x2970]  }
0x162: {  	v39 =	vld [tilespmem:$0x2980]  }
0x163: {  	v42 =	vld [tilespmem:$0x2990]  }
0x164: {  	[tilespmem:$0x1F8C0] =	vst v56;
	v56 =	vld [tilespmem:$0x2B90]  }
0x165: {  	v46 =	vld [tilespmem:$0x29A0]  }
0x166: {  	v53 =	vld [tilespmem:$0x29B0]  }
0x167: {  	v43 =	vld [tilespmem:$0x29C0]  }
0x168: {  	v50 =	vld [tilespmem:$0x29D0]  }
0x169: {  	[tilespmem:$0x1F8E0] =	vst v56;
	v56 =	vld [tilespmem:$0x2BA0]  }
0x16a: {  	v52 =	vld [tilespmem:$0x29E0]  }
0x16b: {  	v62 =	vld [tilespmem:$0x29F0]  }
0x16c: {  	v51 =	vld [tilespmem:$0x2A00]  }
0x16d: {  	v54 =	vld [tilespmem:$0x2A10]  }
0x16e: {  	[tilespmem:$0x1F8F0] =	vst v56;
	v56 =	vld [tilespmem:$0x2BB0]  }
0x16f: {  	v63 =	vld [tilespmem:$0x2A20]  }
0x170: {  	v59 =	vld [tilespmem:$0x2A30]  }
0x171: {  	v55 =	vld [tilespmem:$0x2A40]  }
0x172: {  	v58 =	vld [tilespmem:$0x2A50]  }
0x173: {  	[tilespmem:$0x1F910] =	vst v56;
	v56 =	vld [tilespmem:$0x2BC0]  }
0x174: {  	v57 =	vld [tilespmem:$0x2A60]  }
0x175: {  	[tilespmem:$0x1F7C0] =	vst v59;
	v59 =	vld [tilespmem:$0x2A80]  }
0x176: {  	v28 =	vadd.f32 v28, v12;
	v12 =	vld [tilespmem:$0x2D40]  }
0x177: {  	v2 =	vadd.f32 v16, v2;
	v16 =	vld [tilespmem:$0x2D60]  }
0x178: {  	[tilespmem:$0x1F900] =	vst v56;
	v56 =	vld [tilespmem:$0x2BD0]  }
0x179: {  	v3 =	vadd.f32 v17, v3;
	v17 =	vld [tilespmem:$0x2D70]  }
0x17a: {  	v2 =	vadd.f32 v32, v2;
	v32 =	vadd.f32 v29, v13;
	v13 =	vld [tilespmem:$0x2D50]  }
0x17b: {  	v3 =	vadd.f32 v33, v3;
	v33 =	vld [tilespmem:$0x2DB0]  }
0x17c: {  	v28 =	vadd.f32 v44, v28;
	v44 =	vld [tilespmem:$0x2DC0]  }
0x17d: {  	[tilespmem:$0x1F920] =	vst v56;
	v56 =	vld [tilespmem:$0x2BE0]  }
0x17e: {  	v3 =	vadd.f32 v49, v3;
	v49 =	vadd.f32 v60, v28;
	v28 =	vld [tilespmem:$0x2D80]  }
0x17f: {  	v29 =	vadd.f32 v45, v32;
	v32 =	vld [tilespmem:$0x2DA0]  }
0x180: {  	v45 =	vld [tilespmem:$0x2DD0]  }
0x181: {  	v2 =	vadd.f32 v48, v2;
	v48 =	vld [tilespmem:$0x2DE0]  }
0x182: {  	[tilespmem:$0x1F930] =	vst v56;
	v56 =	vld [tilespmem:$0x2BF0]  }
0x183: {  	v60 =	vadd.f32 v61, v29;
	v29 =	vld [tilespmem:$0x2D90]  }
0x184: {  	v61 =	vadd.f32 v5, v49;
	v49 =	vld [tilespmem:$0x2DF0]  }
0x185: {  	v0 =	vadd.f32 v0, v2;
	v2 =	vadd.f32 v9, v60;
	v60 =	vld [tilespmem:$0x2E00]  }
0x186: {  	v1 =	vadd.f32 v1, v3;
	v3 =	vadd.f32 v8, v61;
	v61 =	vld [tilespmem:$0x2E10]  }
0x187: {  	[tilespmem:$0x1F950] =	vst v56;
	v56 =	vld [tilespmem:$0x2C00]  }
0x188: {  	v1 =	vadd.f32 v6, v1;
	v6 =	vld [tilespmem:$0x2E40]  }
0x189: {  	v0 =	vadd.f32 v4, v0;
	v8 =	vld [tilespmem:$0x2E60]  }
0x18a: {  	v9 =	vld [tilespmem:$0x2E70]  }
0x18b: {  	v0 =	vadd.f32 v7, v0;
	v7 =	vld [tilespmem:$0x2E50]  }
0x18c: {  	[tilespmem:$0x1F940] =	vst v56;
	v56 =	vld [tilespmem:$0x2C10]  }
0x18d: {  	v1 =	vadd.f32 v10, v1;
	v10 =	vld [tilespmem:$0x2E80]  }
0x18e: {  	v3 =	vadd.f32 v14, v3;
	v14 =	vld [tilespmem:$0x2EA0]  }
0x18f: {  	v2 =	vadd.f32 v15, v2;
	v15 =	vld [tilespmem:$0x2EB0]  }
0x190: {  	v0 =	vadd.f32 v11, v0;
	v11 =	vld [tilespmem:$0x2E90]  }
0x191: {  	[tilespmem:$0x1F960] =	vst v56;
	v56 =	vld [tilespmem:$0x2C20]  }
0x192: {  	v2 =	vadd.f32 v21, v2;
	v1 =	vadd.f32 v18, v1;
	v18 =	vld [tilespmem:$0x2EC0]  }
0x193: {  	v3 =	vadd.f32 v20, v3;
	v20 =	vld [tilespmem:$0x2EE0]  }
0x194: {  	v21 =	vadd.f32 v25, v2;
	v2 =	vld [tilespmem:$0x2E20]  }
0x195: {  	v0 =	vadd.f32 v19, v0;
	v25 =	vadd.f32 v24, v3;
	v3 =	vld [tilespmem:$0x2E30]  }
0x196: {  	v1 =	vadd.f32 v22, v1;
	[tilespmem:$0x1F970] =	vst v56;
	v56 =	vld [tilespmem:$0x2C30]  }
0x197: {  	v19 =	vld [tilespmem:$0x2ED0];
	v0 =	vadd.f32 v23, v0;
	v4 =	vadd.f32 v31, v21  }
0x198: {  	v22 =	vld [tilespmem:$0x2F00];
	v1 =	vadd.f32 v26, v1  }
0x199: {  	v24 =	vld [tilespmem:$0x2F20];
	v0 =	vadd.f32 v27, v0;
	v4 =	vadd.f32 v37, v4  }
0x19a: {  	v5 =	vadd.f32 v30, v25;
	v21 =	vld [tilespmem:$0x2EF0];
	v1 =	vadd.f32 v34, v1  }
0x19b: {  	v0 =	vadd.f32 v35, v0;
	v4 =	vadd.f32 v41, v4;
	[tilespmem:$0x1F990] =	vst v56;
	v56 =	vld [tilespmem:$0x2C40]  }
0x19c: {  	v23 =	vld [tilespmem:$0x2F10];
	v5 =	vadd.f32 v36, v5;
	v1 =	vadd.f32 v38, v1  }
0x19d: {  	v25 =	vld [tilespmem:$0x2F30];
	v0 =	vadd.f32 v39, v0;
	v4 =	vadd.f32 v47, v4  }
0x19e: {  	v26 =	vld [tilespmem:$0x2F40];
	v5 =	vadd.f32 v40, v5;
	v1 =	vadd.f32 v42, v1  }
0x19f: {  	v27 =	vld [tilespmem:$0x2F50];
	v0 =	vadd.f32 v43, v0;
	v4 =	vadd.f32 v53, v4  }
0x1a0: {  	v5 =	vadd.f32 v46, v5;
	v1 =	vadd.f32 v50, v1;
	[tilespmem:$0x1F980] =	vst v56;
	v56 =	vld [tilespmem:$0x2C50]  }
0x1a1: {  	v0 =	vadd.f32 v51, v0;
	v4 =	vadd.f32 v62, v4;
	v62 =	vld [tilespmem:$0x1F800]  }
0x1a2: {  	v5 =	vadd.f32 v52, v5;
	v1 =	vadd.f32 v54, v1;
	v30 =	vld [tilespmem:$0x1F820]  }
0x1a3: {  	v0 =	vadd.f32 v55, v0;
	v55 =	vld [tilespmem:$0x1F7C0]  }
0x1a4: {  	v5 =	vadd.f32 v63, v5;
	v1 =	vadd.f32 v58, v1;
	v58 =	vld [tilespmem:$0x1F7E0]  }
0x1a5: {  	[tilespmem:$0x1F9A0] =	vst v56;
	v56 =	vld [tilespmem:$0x2C60]  }
0x1a6: {  	v5 =	vadd.f32 v57, v5;
	v57 =	vld [tilespmem:$0x1F7D0]  }
0x1a7: {  	v0 =	vadd.f32 v59, v0;
	v59 =	vld [tilespmem:$0x1F7F0]  }
0x1a8: {  	v63 =	vld [tilespmem:$0x1F810]  }
0x1a9: {  	v31 =	vld [tilespmem:$0x1F830];
	v4 =	vadd.f32 v55, v4  }
0x1aa: {  	v1 =	vadd.f32 v58, v1;
	[tilespmem:$0x1F9B0] =	vst v56;
	v56 =	vld [tilespmem:$0x2C70]  }
0x1ab: {  	v4 =	vadd.f32 v57, v4;
	v35 =	vld [tilespmem:$0x1F850]  }
0x1ac: {  	v5 =	vadd.f32 v59, v5;
	v1 =	vadd.f32 v30, v1;
	v30 =	vld [tilespmem:$0x2F60]  }
0x1ad: {  	v34 =	vld [tilespmem:$0x1F840]  }
0x1ae: {  	v4 =	vadd.f32 v63, v4;
	v5 =	vadd.f32 v31, v5;
	v31 =	vld [tilespmem:$0x2F70]  }
0x1af: {  	[tilespmem:$0x1F9D0] =	vst v56;
	v56 =	vld [tilespmem:$0x2C80]  }
0x1b0: {  	v0 =	vadd.f32 v62, v0;
	v4 =	vadd.f32 v35, v4;
	v35 =	vld [tilespmem:$0x2F90]  }
0x1b1: {  	v36 =	vld [tilespmem:$0x1F860]  }
0x1b2: {  	v0 =	vadd.f32 v34, v0;
	v34 =	vld [tilespmem:$0x2F80]  }
0x1b3: {  	v37 =	vld [tilespmem:$0x1F870]  }
0x1b4: {  	[tilespmem:$0x1F9C0] =	vst v56;
	v56 =	vld [tilespmem:$0x2C90]  }
0x1b5: {  	v39 =	vld [tilespmem:$0x1F890]  }
0x1b6: {  	v1 =	vadd.f32 v36, v1;
	v36 =	vld [tilespmem:$0x2FA0]  }
0x1b7: {  	v38 =	vld [tilespmem:$0x1F880]  }
0x1b8: {  	v5 =	vadd.f32 v37, v5;
	v37 =	vld [tilespmem:$0x2FB0]  }
0x1b9: {  	[tilespmem:$0x1F9E0] =	vst v56;
	v56 =	vld [tilespmem:$0x2CA0]  }
0x1ba: {  	v4 =	vadd.f32 v39, v4;
	v39 =	vld [tilespmem:$0x2FD0]  }
0x1bb: {  	v40 =	vld [tilespmem:$0x1F8A0]  }
0x1bc: {  	v0 =	vadd.f32 v38, v0;
	v38 =	vld [tilespmem:$0x2FC0]  }
0x1bd: {  	v41 =	vld [tilespmem:$0x1F8B0]  }
0x1be: {  	[tilespmem:$0x1F9F0] =	vst v56;
	v56 =	vld [tilespmem:$0x2CB0]  }
0x1bf: {  	v43 =	vld [tilespmem:$0x1F8D0]  }
0x1c0: {  	v1 =	vadd.f32 v40, v1;
	v40 =	vld [tilespmem:$0x2FE0]  }
0x1c1: {  	v42 =	vld [tilespmem:$0x1F8C0]  }
0x1c2: {  	v5 =	vadd.f32 v41, v5;
	v41 =	vld [tilespmem:$0x2FF0]  }
0x1c3: {  	[tilespmem:$0x1FA10] =	vst v56;
	v56 =	vld [tilespmem:$0x2CC0]  }
0x1c4: {  	v4 =	vadd.f32 v43, v4;
	v43 =	vld [tilespmem:$0x3010]  }
0x1c5: {  	v46 =	vld [tilespmem:$0x1F8E0]  }
0x1c6: {  	v0 =	vadd.f32 v42, v0;
	v42 =	vld [tilespmem:$0x3000]  }
0x1c7: {  	v47 =	vld [tilespmem:$0x1F8F0]  }
0x1c8: {  	[tilespmem:$0x1FA00] =	vst v56;
	v56 =	vld [tilespmem:$0x2CD0]  }
0x1c9: {  	v51 =	vld [tilespmem:$0x1F910]  }
0x1ca: {  	v50 =	vld [tilespmem:$0x1F900]  }
0x1cb: {  	v52 =	vld [tilespmem:$0x1F920]  }
0x1cc: {  	v53 =	vld [tilespmem:$0x1F930]  }
0x1cd: {  	[tilespmem:$0x1FA20] =	vst v56;
	v56 =	vld [tilespmem:$0x2CE0]  }
0x1ce: {  	v55 =	vld [tilespmem:$0x1F950]  }
0x1cf: {  	v54 =	vld [tilespmem:$0x1F940]  }
0x1d0: {  	v57 =	vld [tilespmem:$0x1F960]  }
0x1d1: {  	v58 =	vld [tilespmem:$0x1F970]  }
0x1d2: {  	[tilespmem:$0x1FA30] =	vst v56;
	v56 =	vld [tilespmem:$0x2CF0]  }
0x1d3: {  	v5 =	vadd.f32 v47, v5;
	v62 =	vld [tilespmem:$0x1F990]  }
0x1d4: {  	v1 =	vadd.f32 v46, v1;
	v46 =	vld [tilespmem:$0x1F9B0]  }
0x1d5: {  	v5 =	vadd.f32 v53, v5;
	v59 =	vld [tilespmem:$0x1F980]  }
0x1d6: {  	v63 =	vld [tilespmem:$0x1F9A0]  }
0x1d7: {  	v5 =	vadd.f32 v58, v5;
	[tilespmem:$0x1FA50] =	vst v56;
	v56 =	vld [tilespmem:$0x2D00]  }
0x1d8: {  	v0 =	vadd.f32 v50, v0;
	v50 =	vld [tilespmem:$0x1F9D0]  }
0x1d9: {  	v5 =	vadd.f32 v46, v5;
	v46 =	vld [tilespmem:$0x3020]  }
0x1da: {  	v47 =	vld [tilespmem:$0x1F9C0]  }
0x1db: {  	v4 =	vadd.f32 v51, v4;
	v51 =	vld [tilespmem:$0x1F9E0]  }
0x1dc: {  	[tilespmem:$0x1FA40] =	vst v56;
	v56 =	vld [tilespmem:$0x2D10]  }
0x1dd: {  	v1 =	vadd.f32 v52, v1;
	v52 =	vld [tilespmem:$0x1F9F0]  }
0x1de: {  	v0 =	vadd.f32 v54, v0;
	v54 =	vld [tilespmem:$0x1FA10]  }
0x1df: {  	v53 =	vld [tilespmem:$0x1FA00]  }
0x1e0: {  	v4 =	vadd.f32 v55, v4;
	v55 =	vld [tilespmem:$0x1FA20]  }
0x1e1: {  	[tilespmem:$0x1FA60] =	vst v56;
	v56 =	vld [tilespmem:$0x2D20]  }
0x1e2: {  	v1 =	vadd.f32 v57, v1;
	v57 =	vld [tilespmem:$0x1FA30]  }
0x1e3: {  	v4 =	vadd.f32 v62, v4;
	v0 =	vadd.f32 v59, v0;
	v59 =	vld [tilespmem:$0x1FA50]  }
0x1e4: {  	v1 =	vadd.f32 v63, v1;
	v58 =	vld [tilespmem:$0x1FA40]  }
0x1e5: {  	v4 =	vadd.f32 v50, v4;
	v0 =	vadd.f32 v47, v0;
	v62 =	vld [tilespmem:$0x1FA60]  }
0x1e6: {  	v1 =	vadd.f32 v51, v1;
	[tilespmem:$0x1FA70] =	vst v56;
	v56 =	vld [tilespmem:$0x2D30]  }
0x1e7: {  	v4 =	vadd.f32 v54, v4;
	v0 =	vadd.f32 v53, v0;
	v63 =	vld [tilespmem:$0x1FA70]  }
0x1e8: {  	v50 =	vld [tilespmem:$0x3040];
	v5 =	vadd.f32 v52, v5;
	v1 =	vadd.f32 v55, v1  }
0x1e9: {  	v47 =	vld [tilespmem:$0x3030];
	v4 =	vadd.f32 v59, v4;
	v0 =	vadd.f32 v58, v0  }
0x1ea: {  	v51 =	vld [tilespmem:$0x3050];
	v5 =	vadd.f32 v57, v5;
	v1 =	vadd.f32 v62, v1  }
0x1eb: {  	v52 =	vld [tilespmem:$0x30E0];
	v0 =	vadd.f32 v12, v0;
	v4 =	vadd.f32 v56, v4  }
0x1ec: {  	v54 =	vld [tilespmem:$0x3100];
	v1 =	vadd.f32 v13, v1;
	v5 =	vadd.f32 v63, v5  }
0x1ed: {  	v53 =	vld [tilespmem:$0x30F0];
	v0 =	vadd.f32 v28, v0;
	v4 =	vadd.f32 v17, v4  }
0x1ee: {  	v55 =	vld [tilespmem:$0x3110];
	v1 =	vadd.f32 v29, v1;
	v5 =	vadd.f32 v16, v5  }
0x1ef: {  	v57 =	vld [tilespmem:$0x3130];
	v0 =	vadd.f32 v44, v0;
	v4 =	vadd.f32 v33, v4  }
0x1f0: {  	v59 =	vld [tilespmem:$0x3150];
	v1 =	vadd.f32 v45, v1;
	v5 =	vadd.f32 v32, v5  }
0x1f1: {  	v58 =	vld [tilespmem:$0x3140];
	v0 =	vadd.f32 v60, v0;
	v4 =	vadd.f32 v49, v4  }
0x1f2: {  	v12 =	vld [tilespmem:$0x3060];
	v1 =	vadd.f32 v61, v1;
	v5 =	vadd.f32 v48, v5  }
0x1f3: {  	v62 =	vld [tilespmem:$0x3180];
	v0 =	vadd.f32 v6, v0;
	v3 =	vadd.f32 v3, v4  }
0x1f4: {  	v44 =	vld [tilespmem:$0x30A0];
	v1 =	vadd.f32 v7, v1;
	v2 =	vadd.f32 v2, v5  }
0x1f5: {  	v13 =	vld [tilespmem:$0x3070];
	v0 =	vadd.f32 v10, v0;
	v3 =	vadd.f32 v9, v3  }
0x1f6: {  	v60 =	vld [tilespmem:$0x3160];
	v1 =	vadd.f32 v11, v1;
	v2 =	vadd.f32 v8, v2  }
0x1f7: {  	v56 =	vld [tilespmem:$0x3120];
	v0 =	vadd.f32 v18, v0;
	v3 =	vadd.f32 v15, v3  }
0x1f8: {  	v63 =	vld [tilespmem:$0x3190];
	v1 =	vadd.f32 v19, v1;
	v2 =	vadd.f32 v14, v2  }
0x1f9: {  	v17 =	vld [tilespmem:$0x3090];
	v0 =	vadd.f32 v22, v0;
	v3 =	vadd.f32 v21, v3  }
0x1fa: {  	v45 =	vld [tilespmem:$0x30B0];
	v1 =	vadd.f32 v23, v1;
	v2 =	vadd.f32 v20, v2  }
0x1fb: {  	v16 =	vld [tilespmem:$0x3080];
	v0 =	vadd.f32 v26, v0;
	v3 =	vadd.f32 v25, v3  }
0x1fc: {  	v61 =	vld [tilespmem:$0x3170];
	v1 =	vadd.f32 v27, v1;
	v2 =	vadd.f32 v24, v2  }
0x1fd: {  	v49 =	vld [tilespmem:$0x30D0];
	v0 =	vadd.f32 v34, v0;
	v3 =	vadd.f32 v31, v3  }
0x1fe: {  	v48 =	vld [tilespmem:$0x30C0];
	v1 =	vadd.f32 v35, v1;
	v2 =	vadd.f32 v30, v2  }
0x1ff: {  	v34 =	vld [tilespmem:$0x31C0];
	v0 =	vadd.f32 v38, v0;
	v3 =	vadd.f32 v37, v3  }
0x200: {  	v38 =	vld [tilespmem:$0x3200];
	v1 =	vadd.f32 v39, v1;
	v2 =	vadd.f32 v36, v2  }
0x201: {  	v0 =	vadd.f32 v42, v0;
	v42 =	vld [tilespmem:$0x3230];
	v3 =	vadd.f32 v41, v3  }
0x202: {  	v35 =	vld [tilespmem:$0x31D0];
	v1 =	vadd.f32 v43, v1;
	v2 =	vadd.f32 v40, v2  }
0x203: {  	v0 =	vadd.f32 v50, v0;
	v50 =	vld [tilespmem:$0x32A0];
	v3 =	vadd.f32 v47, v3  }
0x204: {  	v31 =	vld [tilespmem:$0x31B0];
	v1 =	vadd.f32 v51, v1;
	v2 =	vadd.f32 v46, v2  }
0x205: {  	v39 =	vld [tilespmem:s22+$0x6C00];
	v0 =	vadd.f32 v16, v0;
	v3 =	vadd.f32 v13, v3  }
0x206: {  	v30 =	vld [tilespmem:$0x31A0];
	v1 =	vadd.f32 v17, v1;
	v2 =	vadd.f32 v12, v2  }
0x207: {  	v37 =	vld [tilespmem:$0x31F0];
	v0 =	vadd.f32 v48, v0;
	v3 =	vadd.f32 v45, v3  }
0x208: {  	s30 =	sadd.s32 $0xFFFFFFFE, s21;
	v43 =	vld [tilespmem:$0x3240];
	v1 =	vadd.f32 v49, v1;
	v2 =	vadd.f32 v44, v2  }
0x209: {  	s23 =	sand.u32 $0xD, s30;
	v36 =	vld [tilespmem:$0x31E0];
	v0 =	vadd.f32 v54, v0;
	v3 =	vadd.f32 v53, v3  }
0x20a: {  	v48 =	vld [tilespmem:$0x3280];
	v1 =	vadd.f32 v55, v1;
	v44 =	vmov s23;
	v2 =	vadd.f32 v52, v2  }
0x20b: {  	v41 =	vld [tilespmem:$0x3220];
	v0 =	vadd.f32 v58, v0;
	v6 =	vperm.xlane v39, v44;
	v3 =	vadd.f32 v57, v3  }
0x20c: {  	v51 =	vld [tilespmem:$0x32B0];
	v1 =	vadd.f32 v59, v1;
	v2 =	vadd.f32 v56, v2  }
0x20d: {  	v40 =	vld [tilespmem:$0x3210];
	v0 =	vadd.f32 v62, v0;
	v6 =	vcvt.s32.f32 v6;
	v3 =	vadd.f32 v61, v3  }
0x20e: {  	v47 =	vld [tilespmem:$0x3270];
	v1 =	vadd.f32 v63, v1;
	v2 =	vadd.f32 v60, v2  }
0x20f: {  	v45 =	vld [tilespmem:$0x3250];
	v0 =	vadd.f32 v34, v0;
	(erf) = vrcp.f32 v6;
	v3 =	vadd.f32 v31, v3  }
0x210: {  	v46 =	vld [tilespmem:$0x3260];
	v1 =	vadd.f32 v35, v1;
	v2 =	vadd.f32 v30, v2  }
0x211: {  	v49 =	vld [tilespmem:$0x3290];
	v0 =	vadd.f32 v38, v0;
	v3 =	vadd.f32 v37, v3  }
0x212: {  	v52 =	vld [tilespmem:$0x32C0];
	v1 =	vadd.f32 v40, v1;
	v2 =	vadd.f32 v36, v2  }
0x213: {  	v53 =	vld [tilespmem:$0x32D0];
	v0 =	vadd.f32 v43, v0;
	v3 =	vadd.f32 v42, v3  }
0x214: {  	v55 =	vld [tilespmem:$0x32F0];
	v1 =	vadd.f32 v45, v1;
	v2 =	vadd.f32 v41, v2  }
0x215: {  	v54 =	vld [tilespmem:$0x32E0];
	v0 =	vadd.f32 v48, v0;
	v3 =	vadd.f32 v47, v3  }
0x216: {  	v1 =	vadd.f32 v49, v1;
	v2 =	vadd.f32 v46, v2  }
0x217: {  	v0 =	vadd.f32 v52, v0;
	v3 =	vadd.f32 v51, v3  }
0x218: {  	v1 =	vadd.f32 v53, v1;
	v56 =	vpop (erf);
	v2 =	vadd.f32 v50, v2  }
0x219: {  	v0 =	vmul.f32 v56, v0;
	v3 =	vadd.f32 v55, v3  }
0x21a: {  	v1 =	vmul.f32 v56, v1;
	v2 =	vadd.f32 v54, v2  }
0x21b: {  	[tilespmem:s19+$0xFFFFFFC0] =	vst v0;
	v58 =	vmul.f32 v56, v3  }
0x21c: {  	[tilespmem:s19+$0xFFFFFFD0] =	vst v1;
	v57 =	vmul.f32 v56, v2  }
0x21d: {  	p0 =	seq.s32 s21, $0x7F;
	[tilespmem:s19+$0xFFFFFFF0] =	vst v58  }
0x21e: {  	s24 =	simm.s32 @!p0 $0x64;
	s25 =	simm.s32 @!p0 $0x1A00;
	s23 =	sadd.s32 @!p0 $0xFFFFFF98, s18;
	[tilespmem:s19+$0xFFFFFFE0] =	vst v57  }
0x21f: {  	[tilespmem:s25], [sflag:$0x1] =	stream.indirect.gather @!p0 [hbm4b:s3+s24], $0x40, s23, s24, $0xb8;
	[tilespmem:$0x6C80] =	vst v63  }
0x220: {  	_ =	swait.ge [sflag:s14], $0x1900  }
0x221: {  	[sflag:s14] =	ssyncset.done $0x0  }
0x222: {  	[sflag:s14] =	ssyncadd.s32 $0xFFFFE700  }
0x223: {  	v2 =	vld [tilespmem:$0x3300]  }
0x224: {  	v3 =	vld [tilespmem:$0x3310]  }
0x225: {  	v12 =	vld [tilespmem:$0x3320]  }
0x226: {  	v13 =	vld [tilespmem:$0x3330]  }
0x227: {  	v16 =	vld [tilespmem:$0x3340]  }
0x228: {  	v17 =	vld [tilespmem:$0x3350]  }
0x229: {  	v28 =	vld [tilespmem:$0x3360]  }
0x22a: {  	v29 =	vld [tilespmem:$0x3370]  }
0x22b: {  	v32 =	vld [tilespmem:$0x3380]  }
0x22c: {  	v33 =	vld [tilespmem:$0x3390]  }
0x22d: {  	v44 =	vld [tilespmem:$0x33A0]  }
0x22e: {  	v56 =	vld [tilespmem:$0x36F0]  }
0x22f: {  	v45 =	vld [tilespmem:$0x33B0]  }
0x230: {  	v48 =	vld [tilespmem:$0x33C0]  }
0x231: {  	v49 =	vld [tilespmem:$0x33D0]  }
0x232: {  	v60 =	vld [tilespmem:$0x33E0]  }
0x233: {  	[tilespmem:$0x1FA90] =	vst v56;
	v56 =	vld [tilespmem:$0x3710]  }
0x234: {  	v61 =	vld [tilespmem:$0x33F0]  }
0x235: {  	v0 =	vld [tilespmem:$0x3400]  }
0x236: {  	v1 =	vld [tilespmem:$0x3410]  }
0x237: {  	v5 =	vld [tilespmem:$0x3420]  }
0x238: {  	[tilespmem:$0x1FAA0] =	vst v56;
	v56 =	vld [tilespmem:$0x3720]  }
0x239: {  	v9 =	vld [tilespmem:$0x3430]  }
0x23a: {  	v4 =	vld [tilespmem:$0x3440]  }
0x23b: {  	v6 =	vld [tilespmem:$0x3450]  }
0x23c: {  	v8 =	vld [tilespmem:$0x3460]  }
0x23d: {  	[tilespmem:$0x1FAB0] =	vst v56;
	v56 =	vld [tilespmem:$0x3730]  }
0x23e: {  	v15 =	vld [tilespmem:$0x3470]  }
0x23f: {  	v7 =	vld [tilespmem:$0x3480]  }
0x240: {  	v10 =	vld [tilespmem:$0x3490]  }
0x241: {  	v14 =	vld [tilespmem:$0x34A0]  }
0x242: {  	[tilespmem:$0x1FAD0] =	vst v56;
	v56 =	vld [tilespmem:$0x3740]  }
0x243: {  	v21 =	vld [tilespmem:$0x34B0]  }
0x244: {  	v11 =	vld [tilespmem:$0x34C0]  }
0x245: {  	v18 =	vld [tilespmem:$0x34D0]  }
0x246: {  	v20 =	vld [tilespmem:$0x34E0]  }
0x247: {  	[tilespmem:$0x1FAC0] =	vst v56;
	v56 =	vld [tilespmem:$0x3750]  }
0x248: {  	v25 =	vld [tilespmem:$0x34F0]  }
0x249: {  	v19 =	vld [tilespmem:$0x3500]  }
0x24a: {  	v22 =	vld [tilespmem:$0x3510]  }
0x24b: {  	v24 =	vld [tilespmem:$0x3520]  }
0x24c: {  	[tilespmem:$0x1FAE0] =	vst v56;
	v56 =	vld [tilespmem:$0x3760]  }
0x24d: {  	v31 =	vld [tilespmem:$0x3530]  }
0x24e: {  	v23 =	vld [tilespmem:$0x3540]  }
0x24f: {  	v26 =	vld [tilespmem:$0x3550]  }
0x250: {  	v30 =	vld [tilespmem:$0x3560]  }
0x251: {  	[tilespmem:$0x1FAF0] =	vst v56;
	v56 =	vld [tilespmem:$0x3770]  }
0x252: {  	v37 =	vld [tilespmem:$0x3570]  }
0x253: {  	v27 =	vld [tilespmem:$0x3580]  }
0x254: {  	v34 =	vld [tilespmem:$0x3590]  }
0x255: {  	v36 =	vld [tilespmem:$0x35A0]  }
0x256: {  	[tilespmem:$0x1FB10] =	vst v56;
	v56 =	vld [tilespmem:$0x3780]  }
0x257: {  	v41 =	vld [tilespmem:$0x35B0]  }
0x258: {  	v35 =	vld [tilespmem:$0x35C0]  }
0x259: {  	v38 =	vld [tilespmem:$0x35D0]  }
0x25a: {  	v40 =	vld [tilespmem:$0x35E0]  }
0x25b: {  	[tilespmem:$0x1FB00] =	vst v56;
	v56 =	vld [tilespmem:$0x3790]  }
0x25c: {  	v47 =	vld [tilespmem:$0x35F0]  }
0x25d: {  	v39 =	vld [tilespmem:$0x3600]  }
0x25e: {  	v42 =	vld [tilespmem:$0x3610]  }
0x25f: {  	v46 =	vld [tilespmem:$0x3620]  }
0x260: {  	[tilespmem:$0x1FB20] =	vst v56;
	v56 =	vld [tilespmem:$0x37A0]  }
0x261: {  	v53 =	vld [tilespmem:$0x3630]  }
0x262: {  	v43 =	vld [tilespmem:$0x3640]  }
0x263: {  	v50 =	vld [tilespmem:$0x3650]  }
0x264: {  	v52 =	vld [tilespmem:$0x3660]  }
0x265: {  	[tilespmem:$0x1FB30] =	vst v56;
	v56 =	vld [tilespmem:$0x37B0]  }
0x266: {  	v62 =	vld [tilespmem:$0x3670]  }
0x267: {  	v51 =	vld [tilespmem:$0x3680]  }
0x268: {  	v54 =	vld [tilespmem:$0x3690]  }
0x269: {  	v59 =	vld [tilespmem:$0x36B0]  }
0x26a: {  	[tilespmem:$0x1FB50] =	vst v56;
	v56 =	vld [tilespmem:$0x37C0]  }
0x26b: {  	v63 =	vld [tilespmem:$0x36A0]  }
0x26c: {  	v55 =	vld [tilespmem:$0x36C0]  }
0x26d: {  	v58 =	vld [tilespmem:$0x36D0]  }
0x26e: {  	v57 =	vld [tilespmem:$0x36E0];
	[tilespmem:$0x1FA80] =	vst v59  }
0x26f: {  	v59 =	vld [tilespmem:$0x3700];
	[tilespmem:$0x1FB40] =	vst v56  }
0x270: {  	v56 =	vld [tilespmem:$0x37D0];
	_ =	sdelay $0x4  }
0x271: {  	[tilespmem:$0x1FB60] =	vst v56;
	v56 =	vld [tilespmem:$0x37E0];
	_ =	sdelay $0x4  }
0x272: {  	[tilespmem:$0x1FB70] =	vst v56;
	v56 =	vld [tilespmem:$0x37F0];
	_ =	sdelay $0x4  }
0x273: {  	[tilespmem:$0x1FB90] =	vst v56;
	v56 =	vld [tilespmem:$0x3800];
	_ =	sdelay $0x4  }
0x274: {  	[tilespmem:$0x1FB80] =	vst v56;
	v56 =	vld [tilespmem:$0x3810];
	_ =	sdelay $0x4  }
0x275: {  	[tilespmem:$0x1FBA0] =	vst v56;
	v56 =	vld [tilespmem:$0x3820];
	_ =	sdelay $0x4  }
0x276: {  	[tilespmem:$0x1FBB0] =	vst v56;
	v56 =	vld [tilespmem:$0x3830];
	_ =	sdelay $0x4  }
0x277: {  	[tilespmem:$0x1FBD0] =	vst v56;
	v56 =	vld [tilespmem:$0x3840];
	_ =	sdelay $0x1  }
0x278: {  	v2 =	vadd.f32 v16, v2  }
0x279: {  	v3 =	vadd.f32 v17, v3;
	v28 =	vadd.f32 v28, v12;
	v12 =	vld [tilespmem:$0x39C0]  }
0x27a: {  	v2 =	vadd.f32 v32, v2;
	v32 =	vadd.f32 v29, v13;
	v13 =	vld [tilespmem:$0x39D0]  }
0x27b: {  	[tilespmem:$0x1FBC0] =	vst v56;
	v56 =	vld [tilespmem:$0x3850]  }
0x27c: {  	v3 =	vadd.f32 v33, v3;
	v28 =	vadd.f32 v44, v28;
	v16 =	vld [tilespmem:$0x39E0]  }
0x27d: {  	v29 =	vadd.f32 v45, v32;
	v17 =	vld [tilespmem:$0x39F0]  }
0x27e: {  	v3 =	vadd.f32 v49, v3;
	v49 =	vadd.f32 v60, v28;
	v28 =	vld [tilespmem:$0x3A00]  }
0x27f: {  	v60 =	vadd.f32 v61, v29;
	v29 =	vld [tilespmem:$0x3A10]  }
0x280: {  	[tilespmem:$0x1FBE0] =	vst v56;
	v56 =	vld [tilespmem:$0x3860]  }
0x281: {  	v32 =	vld [tilespmem:$0x3A20]  }
0x282: {  	v33 =	vld [tilespmem:$0x3A30]  }
0x283: {  	v2 =	vadd.f32 v48, v2;
	v44 =	vld [tilespmem:$0x3A40]  }
0x284: {  	v61 =	vadd.f32 v5, v49;
	v45 =	vld [tilespmem:$0x3A50]  }
0x285: {  	v0 =	vadd.f32 v0, v2;
	v2 =	vadd.f32 v9, v60;
	[tilespmem:$0x1FBF0] =	vst v56;
	v56 =	vld [tilespmem:$0x3870]  }
0x286: {  	v1 =	vadd.f32 v1, v3;
	v3 =	vadd.f32 v8, v61;
	v48 =	vld [tilespmem:$0x3A60]  }
0x287: {  	v0 =	vadd.f32 v4, v0;
	v2 =	vadd.f32 v15, v2;
	v49 =	vld [tilespmem:$0x3A70]  }
0x288: {  	v3 =	vadd.f32 v14, v3;
	v60 =	vld [tilespmem:$0x3A80]  }
0x289: {  	v0 =	vadd.f32 v7, v0;
	v2 =	vadd.f32 v21, v2;
	v61 =	vld [tilespmem:$0x3A90]  }
0x28a: {  	v3 =	vadd.f32 v20, v3;
	[tilespmem:$0x1FC10] =	vst v56;
	v56 =	vld [tilespmem:$0x3880]  }
0x28b: {  	v0 =	vadd.f32 v11, v0;
	v21 =	vadd.f32 v25, v2;
	v2 =	vld [tilespmem:$0x3AA0]  }
0x28c: {  	v1 =	vadd.f32 v6, v1;
	v25 =	vadd.f32 v24, v3;
	v3 =	vld [tilespmem:$0x3AB0]  }
0x28d: {  	v0 =	vadd.f32 v19, v0;
	v6 =	vld [tilespmem:$0x3AC0]  }
0x28e: {  	v1 =	vadd.f32 v10, v1;
	v7 =	vld [tilespmem:$0x3AD0]  }
0x28f: {  	v0 =	vadd.f32 v23, v0;
	[tilespmem:$0x1FC00] =	vst v56;
	v56 =	vld [tilespmem:$0x3890]  }
0x290: {  	v1 =	vadd.f32 v18, v1;
	v8 =	vld [tilespmem:$0x3AE0]  }
0x291: {  	v0 =	vadd.f32 v27, v0;
	v9 =	vld [tilespmem:$0x3AF0]  }
0x292: {  	v1 =	vadd.f32 v22, v1;
	v10 =	vld [tilespmem:$0x3B00]  }
0x293: {  	v5 =	vadd.f32 v30, v25;
	v0 =	vadd.f32 v35, v0;
	v11 =	vld [tilespmem:$0x3B10]  }
0x294: {  	v1 =	vadd.f32 v26, v1;
	[tilespmem:$0x1FC20] =	vst v56;
	v56 =	vld [tilespmem:$0x38A0]  }
0x295: {  	v5 =	vadd.f32 v36, v5;
	v0 =	vadd.f32 v39, v0;
	v14 =	vld [tilespmem:$0x3B20]  }
0x296: {  	v1 =	vadd.f32 v34, v1;
	v15 =	vld [tilespmem:$0x3B30]  }
0x297: {  	v5 =	vadd.f32 v40, v5;
	v0 =	vadd.f32 v43, v0;
	v18 =	vld [tilespmem:$0x3B40]  }
0x298: {  	v1 =	vadd.f32 v38, v1;
	v19 =	vld [tilespmem:$0x3B50]  }
0x299: {  	v5 =	vadd.f32 v46, v5;
	v0 =	vadd.f32 v51, v0;
	[tilespmem:$0x1FC30] =	vst v56;
	v56 =	vld [tilespmem:$0x38B0]  }
0x29a: {  	v4 =	vadd.f32 v31, v21;
	v1 =	vadd.f32 v42, v1;
	v20 =	vld [tilespmem:$0x3B60]  }
0x29b: {  	v5 =	vadd.f32 v52, v5;
	v0 =	vadd.f32 v55, v0;
	v55 =	vld [tilespmem:$0x1FA80]  }
0x29c: {  	v4 =	vadd.f32 v37, v4;
	v1 =	vadd.f32 v50, v1;
	v21 =	vld [tilespmem:$0x3B70]  }
0x29d: {  	v5 =	vadd.f32 v63, v5;
	v22 =	vld [tilespmem:$0x3B80]  }
0x29e: {  	v4 =	vadd.f32 v41, v4;
	v1 =	vadd.f32 v54, v1;
	[tilespmem:$0x1FC50] =	vst v56;
	v56 =	vld [tilespmem:$0x38C0]  }
0x29f: {  	v5 =	vadd.f32 v57, v5;
	v57 =	vld [tilespmem:$0x1FA90]  }
0x2a0: {  	v4 =	vadd.f32 v47, v4;
	v1 =	vadd.f32 v58, v1;
	v58 =	vld [tilespmem:$0x1FAA0]  }
0x2a1: {  	v23 =	vld [tilespmem:$0x3B90]  }
0x2a2: {  	v4 =	vadd.f32 v53, v4;
	v0 =	vadd.f32 v59, v0;
	v59 =	vld [tilespmem:$0x1FAB0]  }
0x2a3: {  	[tilespmem:$0x1FC40] =	vst v56;
	v56 =	vld [tilespmem:$0x38D0]  }
0x2a4: {  	v4 =	vadd.f32 v62, v4;
	v62 =	vld [tilespmem:$0x1FAC0]  }
0x2a5: {  	v24 =	vld [tilespmem:$0x3BA0]  }
0x2a6: {  	v63 =	vld [tilespmem:$0x1FAD0]  }
0x2a7: {  	v30 =	vld [tilespmem:$0x1FAE0]  }
0x2a8: {  	[tilespmem:$0x1FC60] =	vst v56;
	v56 =	vld [tilespmem:$0x38E0]  }
0x2a9: {  	v25 =	vld [tilespmem:$0x3BB0]  }
0x2aa: {  	v31 =	vld [tilespmem:$0x1FAF0]  }
0x2ab: {  	v34 =	vld [tilespmem:$0x1FB00]  }
0x2ac: {  	v26 =	vld [tilespmem:$0x3BC0]  }
0x2ad: {  	[tilespmem:$0x1FC70] =	vst v56;
	v56 =	vld [tilespmem:$0x38F0]  }
0x2ae: {  	v35 =	vld [tilespmem:$0x1FB10]  }
0x2af: {  	v36 =	vld [tilespmem:$0x1FB20]  }
0x2b0: {  	v27 =	vld [tilespmem:$0x3BD0]  }
0x2b1: {  	v37 =	vld [tilespmem:$0x1FB30]  }
0x2b2: {  	[tilespmem:$0x1FC90] =	vst v56;
	v56 =	vld [tilespmem:$0x3900]  }
0x2b3: {  	v38 =	vld [tilespmem:$0x1FB40]  }
0x2b4: {  	v39 =	vld [tilespmem:$0x1FB50];
	v1 =	vadd.f32 v58, v1  }
0x2b5: {  	v40 =	vld [tilespmem:$0x1FB60]  }
0x2b6: {  	v5 =	vadd.f32 v59, v5;
	v1 =	vadd.f32 v30, v1;
	v30 =	vld [tilespmem:$0x3BE0]  }
0x2b7: {  	v0 =	vadd.f32 v62, v0;
	[tilespmem:$0x1FC80] =	vst v56;
	v56 =	vld [tilespmem:$0x3910]  }
0x2b8: {  	v5 =	vadd.f32 v31, v5;
	v31 =	vld [tilespmem:$0x3BF0]  }
0x2b9: {  	v4 =	vadd.f32 v55, v4;
	v0 =	vadd.f32 v34, v0;
	v34 =	vld [tilespmem:$0x3C00]  }
0x2ba: {  	v1 =	vadd.f32 v36, v1;
	v36 =	vld [tilespmem:$0x3C20]  }
0x2bb: {  	v4 =	vadd.f32 v57, v4;
	v5 =	vadd.f32 v37, v5;
	v37 =	vld [tilespmem:$0x3C30]  }
0x2bc: {  	[tilespmem:$0x1FCA0] =	vst v56;
	v56 =	vld [tilespmem:$0x3920]  }
0x2bd: {  	v4 =	vadd.f32 v63, v4;
	v0 =	vadd.f32 v38, v0;
	v38 =	vld [tilespmem:$0x3C40]  }
0x2be: {  	v41 =	vld [tilespmem:$0x1FB70]  }
0x2bf: {  	v4 =	vadd.f32 v35, v4;
	v35 =	vld [tilespmem:$0x3C10]  }
0x2c0: {  	v1 =	vadd.f32 v40, v1;
	v40 =	vld [tilespmem:$0x3C60]  }
0x2c1: {  	[tilespmem:$0x1FCB0] =	vst v56;
	v56 =	vld [tilespmem:$0x3930]  }
0x2c2: {  	v43 =	vld [tilespmem:$0x1FB90]  }
0x2c3: {  	v4 =	vadd.f32 v39, v4;
	v39 =	vld [tilespmem:$0x3C50]  }
0x2c4: {  	v42 =	vld [tilespmem:$0x1FB80]  }
0x2c5: {  	v5 =	vadd.f32 v41, v5;
	v41 =	vld [tilespmem:$0x3C70]  }
0x2c6: {  	[tilespmem:$0x1FCD0] =	vst v56;
	v56 =	vld [tilespmem:$0x3940]  }
0x2c7: {  	v4 =	vadd.f32 v43, v4;
	v43 =	vld [tilespmem:$0x3C90]  }
0x2c8: {  	v46 =	vld [tilespmem:$0x1FBA0]  }
0x2c9: {  	v0 =	vadd.f32 v42, v0;
	v42 =	vld [tilespmem:$0x3C80]  }
0x2ca: {  	v47 =	vld [tilespmem:$0x1FBB0]  }
0x2cb: {  	[tilespmem:$0x1FCC0] =	vst v56;
	v56 =	vld [tilespmem:$0x3950]  }
0x2cc: {  	v51 =	vld [tilespmem:$0x1FBD0]  }
0x2cd: {  	v50 =	vld [tilespmem:$0x1FBC0]  }
0x2ce: {  	v52 =	vld [tilespmem:$0x1FBE0]  }
0x2cf: {  	v53 =	vld [tilespmem:$0x1FBF0]  }
0x2d0: {  	[tilespmem:$0x1FCE0] =	vst v56;
	v56 =	vld [tilespmem:$0x3960]  }
0x2d1: {  	v55 =	vld [tilespmem:$0x1FC10]  }
0x2d2: {  	v54 =	vld [tilespmem:$0x1FC00]  }
0x2d3: {  	v57 =	vld [tilespmem:$0x1FC20]  }
0x2d4: {  	v58 =	vld [tilespmem:$0x1FC30]  }
0x2d5: {  	[tilespmem:$0x1FCF0] =	vst v56;
	v56 =	vld [tilespmem:$0x3970]  }
0x2d6: {  	v5 =	vadd.f32 v47, v5;
	v62 =	vld [tilespmem:$0x1FC50]  }
0x2d7: {  	v1 =	vadd.f32 v46, v1;
	v46 =	vld [tilespmem:$0x1FC70]  }
0x2d8: {  	v5 =	vadd.f32 v53, v5;
	v59 =	vld [tilespmem:$0x1FC40]  }
0x2d9: {  	v63 =	vld [tilespmem:$0x1FC60]  }
0x2da: {  	v5 =	vadd.f32 v58, v5;
	[tilespmem:$0x1FD10] =	vst v56;
	v56 =	vld [tilespmem:$0x3980]  }
0x2db: {  	v0 =	vadd.f32 v50, v0;
	v50 =	vld [tilespmem:$0x1FC90]  }
0x2dc: {  	v5 =	vadd.f32 v46, v5;
	v46 =	vld [tilespmem:$0x3CA0]  }
0x2dd: {  	v47 =	vld [tilespmem:$0x1FC80]  }
0x2de: {  	v4 =	vadd.f32 v51, v4;
	v51 =	vld [tilespmem:$0x1FCA0]  }
0x2df: {  	[tilespmem:$0x1FD00] =	vst v56;
	v56 =	vld [tilespmem:$0x3990]  }
0x2e0: {  	v1 =	vadd.f32 v52, v1;
	v52 =	vld [tilespmem:$0x1FCB0]  }
0x2e1: {  	v0 =	vadd.f32 v54, v0;
	v54 =	vld [tilespmem:$0x1FCD0]  }
0x2e2: {  	v53 =	vld [tilespmem:$0x1FCC0]  }
0x2e3: {  	v4 =	vadd.f32 v55, v4;
	v55 =	vld [tilespmem:$0x1FCE0]  }
0x2e4: {  	[tilespmem:$0x1FD20] =	vst v56;
	v56 =	vld [tilespmem:$0x39A0]  }
0x2e5: {  	v1 =	vadd.f32 v57, v1;
	v57 =	vld [tilespmem:$0x1FCF0]  }
0x2e6: {  	v4 =	vadd.f32 v62, v4;
	v0 =	vadd.f32 v59, v0;
	v59 =	vld [tilespmem:$0x1FD10]  }
0x2e7: {  	v1 =	vadd.f32 v63, v1;
	v58 =	vld [tilespmem:$0x1FD00]  }
0x2e8: {  	v4 =	vadd.f32 v50, v4;
	v0 =	vadd.f32 v47, v0;
	v62 =	vld [tilespmem:$0x1FD20]  }
0x2e9: {  	v1 =	vadd.f32 v51, v1;
	[tilespmem:$0x1FD30] =	vst v56;
	v56 =	vld [tilespmem:$0x39B0]  }
0x2ea: {  	v4 =	vadd.f32 v54, v4;
	v0 =	vadd.f32 v53, v0;
	v63 =	vld [tilespmem:$0x1FD30]  }
0x2eb: {  	v50 =	vld [tilespmem:$0x3CC0];
	v5 =	vadd.f32 v52, v5;
	v1 =	vadd.f32 v55, v1  }
0x2ec: {  	v47 =	vld [tilespmem:$0x3CB0];
	v4 =	vadd.f32 v59, v4;
	v0 =	vadd.f32 v58, v0  }
0x2ed: {  	v51 =	vld [tilespmem:$0x3CD0];
	v5 =	vadd.f32 v57, v5;
	v1 =	vadd.f32 v62, v1  }
0x2ee: {  	v52 =	vld [tilespmem:$0x3D60];
	v0 =	vadd.f32 v12, v0;
	v4 =	vadd.f32 v56, v4  }
0x2ef: {  	v54 =	vld [tilespmem:$0x3D80];
	v1 =	vadd.f32 v13, v1;
	v5 =	vadd.f32 v63, v5  }
0x2f0: {  	v53 =	vld [tilespmem:$0x3D70];
	v0 =	vadd.f32 v28, v0;
	v4 =	vadd.f32 v17, v4  }
0x2f1: {  	v55 =	vld [tilespmem:$0x3D90];
	v1 =	vadd.f32 v29, v1;
	v5 =	vadd.f32 v16, v5  }
0x2f2: {  	v57 =	vld [tilespmem:$0x3DB0];
	v0 =	vadd.f32 v44, v0;
	v4 =	vadd.f32 v33, v4  }
0x2f3: {  	v59 =	vld [tilespmem:$0x3DD0];
	v1 =	vadd.f32 v45, v1;
	v5 =	vadd.f32 v32, v5  }
0x2f4: {  	v58 =	vld [tilespmem:$0x3DC0];
	v0 =	vadd.f32 v60, v0;
	v4 =	vadd.f32 v49, v4  }
0x2f5: {  	v12 =	vld [tilespmem:$0x3CE0];
	v1 =	vadd.f32 v61, v1;
	v5 =	vadd.f32 v48, v5  }
0x2f6: {  	v62 =	vld [tilespmem:$0x3E00];
	v0 =	vadd.f32 v6, v0;
	v3 =	vadd.f32 v3, v4  }
0x2f7: {  	v44 =	vld [tilespmem:$0x3D20];
	v1 =	vadd.f32 v7, v1;
	v2 =	vadd.f32 v2, v5  }
0x2f8: {  	v13 =	vld [tilespmem:$0x3CF0];
	v0 =	vadd.f32 v10, v0;
	v3 =	vadd.f32 v9, v3  }
0x2f9: {  	v60 =	vld [tilespmem:$0x3DE0];
	v1 =	vadd.f32 v11, v1;
	v2 =	vadd.f32 v8, v2  }
0x2fa: {  	v56 =	vld [tilespmem:$0x3DA0];
	v0 =	vadd.f32 v18, v0;
	v3 =	vadd.f32 v15, v3  }
0x2fb: {  	v63 =	vld [tilespmem:$0x3E10];
	v1 =	vadd.f32 v19, v1;
	v2 =	vadd.f32 v14, v2  }
0x2fc: {  	v17 =	vld [tilespmem:$0x3D10];
	v0 =	vadd.f32 v22, v0;
	v3 =	vadd.f32 v21, v3  }
0x2fd: {  	v45 =	vld [tilespmem:$0x3D30];
	v1 =	vadd.f32 v23, v1;
	v2 =	vadd.f32 v20, v2  }
0x2fe: {  	v16 =	vld [tilespmem:$0x3D00];
	v0 =	vadd.f32 v26, v0;
	v3 =	vadd.f32 v25, v3  }
0x2ff: {  	v61 =	vld [tilespmem:$0x3DF0];
	v1 =	vadd.f32 v27, v1;
	v2 =	vadd.f32 v24, v2  }
0x300: {  	v49 =	vld [tilespmem:$0x3D50];
	v0 =	vadd.f32 v34, v0;
	v3 =	vadd.f32 v31, v3  }
0x301: {  	v48 =	vld [tilespmem:$0x3D40];
	v1 =	vadd.f32 v35, v1;
	v2 =	vadd.f32 v30, v2  }
0x302: {  	v34 =	vld [tilespmem:$0x3E40];
	v0 =	vadd.f32 v38, v0;
	v3 =	vadd.f32 v37, v3  }
0x303: {  	v38 =	vld [tilespmem:$0x3E80];
	v1 =	vadd.f32 v39, v1;
	v2 =	vadd.f32 v36, v2  }
0x304: {  	v0 =	vadd.f32 v42, v0;
	v42 =	vld [tilespmem:$0x3EB0];
	v3 =	vadd.f32 v41, v3  }
0x305: {  	v35 =	vld [tilespmem:$0x3E50];
	v1 =	vadd.f32 v43, v1;
	v2 =	vadd.f32 v40, v2  }
0x306: {  	v0 =	vadd.f32 v50, v0;
	v50 =	vld [tilespmem:$0x3F20];
	v3 =	vadd.f32 v47, v3  }
0x307: {  	v31 =	vld [tilespmem:$0x3E30];
	v1 =	vadd.f32 v51, v1;
	v2 =	vadd.f32 v46, v2  }
0x308: {  	v39 =	vld [tilespmem:s22+$0x6C00];
	v0 =	vadd.f32 v16, v0;
	v3 =	vadd.f32 v13, v3  }
0x309: {  	v30 =	vld [tilespmem:$0x3E20];
	v1 =	vadd.f32 v17, v1;
	v2 =	vadd.f32 v12, v2  }
0x30a: {  	v37 =	vld [tilespmem:$0x3E70];
	v0 =	vadd.f32 v48, v0;
	v3 =	vadd.f32 v45, v3  }
0x30b: {  	s31 =	sadd.s32 $0xFFFFFFFF, s21;
	v43 =	vld [tilespmem:$0x3EC0];
	v1 =	vadd.f32 v49, v1;
	v2 =	vadd.f32 v44, v2  }
0x30c: {  	s23 =	sand.u32 $0xE, s31;
	v36 =	vld [tilespmem:$0x3E60];
	v0 =	vadd.f32 v54, v0;
	v3 =	vadd.f32 v53, v3  }
0x30d: {  	v48 =	vld [tilespmem:$0x3F00];
	v1 =	vadd.f32 v55, v1;
	v44 =	vmov s23;
	v2 =	vadd.f32 v52, v2  }
0x30e: {  	v41 =	vld [tilespmem:$0x3EA0];
	v0 =	vadd.f32 v58, v0;
	v6 =	vperm.xlane v39, v44;
	v3 =	vadd.f32 v57, v3  }
0x30f: {  	v51 =	vld [tilespmem:$0x3F30];
	v1 =	vadd.f32 v59, v1;
	v2 =	vadd.f32 v56, v2  }
0x310: {  	v40 =	vld [tilespmem:$0x3E90];
	v0 =	vadd.f32 v62, v0;
	v6 =	vcvt.s32.f32 v6;
	v3 =	vadd.f32 v61, v3  }
0x311: {  	v47 =	vld [tilespmem:$0x3EF0];
	v1 =	vadd.f32 v63, v1;
	v2 =	vadd.f32 v60, v2  }
0x312: {  	v45 =	vld [tilespmem:$0x3ED0];
	v0 =	vadd.f32 v34, v0;
	(erf) = vrcp.f32 v6;
	v3 =	vadd.f32 v31, v3  }
0x313: {  	v46 =	vld [tilespmem:$0x3EE0];
	v1 =	vadd.f32 v35, v1;
	v2 =	vadd.f32 v30, v2  }
0x314: {  	v49 =	vld [tilespmem:$0x3F10];
	v0 =	vadd.f32 v38, v0;
	v3 =	vadd.f32 v37, v3  }
0x315: {  	v52 =	vld [tilespmem:$0x3F40];
	v1 =	vadd.f32 v40, v1;
	v2 =	vadd.f32 v36, v2  }
0x316: {  	v53 =	vld [tilespmem:$0x3F50];
	v0 =	vadd.f32 v43, v0;
	v3 =	vadd.f32 v42, v3  }
0x317: {  	v55 =	vld [tilespmem:$0x3F70];
	v1 =	vadd.f32 v45, v1;
	v2 =	vadd.f32 v41, v2  }
0x318: {  	v54 =	vld [tilespmem:$0x3F60];
	v0 =	vadd.f32 v48, v0;
	v3 =	vadd.f32 v47, v3  }
0x319: {  	v1 =	vadd.f32 v49, v1;
	v2 =	vadd.f32 v46, v2  }
0x31a: {  	v0 =	vadd.f32 v52, v0;
	v3 =	vadd.f32 v51, v3  }
0x31b: {  	v1 =	vadd.f32 v53, v1;
	v56 =	vpop (erf);
	v2 =	vadd.f32 v50, v2  }
0x31c: {  	v0 =	vmul.f32 v56, v0;
	v3 =	vadd.f32 v55, v3  }
0x31d: {  	v1 =	vmul.f32 v56, v1;
	v2 =	vadd.f32 v54, v2  }
0x31e: {  	[tilespmem:s19+$0x0] =	vst v0;
	v58 =	vmul.f32 v56, v3  }
0x31f: {  	[tilespmem:s19+$0x10] =	vst v1;
	v57 =	vmul.f32 v56, v2  }
0x320: {  	[tilespmem:s19+$0x30] =	vst v58  }
0x321: {  	[tilespmem:s19+$0x20] =	vst v57  }
0x322: {  	v56 =	vld [tilespmem:$0x4370];
	_ =	sdelay $0x4  }
0x323: {  	[tilespmem:$0x1FD50] =	vst v56;
	v56 =	vld [tilespmem:$0x4390];
	_ =	sdelay $0x4  }
0x324: {  	[tilespmem:$0x1FD60] =	vst v56;
	v56 =	vld [tilespmem:$0x43A0];
	_ =	sdelay $0x4  }
0x325: {  	[tilespmem:$0x1FD70] =	vst v56;
	v56 =	vld [tilespmem:$0x43B0];
	_ =	sdelay $0x4  }
0x326: {  	[tilespmem:$0x1FD90] =	vst v56;
	v56 =	vld [tilespmem:$0x43C0];
	_ =	sdelay $0x2  }
0x327: {  	v2 =	vld [tilespmem:$0x3F80]  }
0x328: {  	v3 =	vld [tilespmem:$0x3F90]  }
0x329: {  	[tilespmem:$0x1FD80] =	vst v56;
	v56 =	vld [tilespmem:$0x43D0]  }
0x32a: {  	v12 =	vld [tilespmem:$0x3FA0]  }
0x32b: {  	v13 =	vld [tilespmem:$0x3FB0]  }
0x32c: {  	v16 =	vld [tilespmem:$0x3FC0]  }
0x32d: {  	v17 =	vld [tilespmem:$0x3FD0]  }
0x32e: {  	[tilespmem:$0x1FDA0] =	vst v56;
	v56 =	vld [tilespmem:$0x43E0]  }
0x32f: {  	v28 =	vld [tilespmem:$0x3FE0]  }
0x330: {  	v29 =	vld [tilespmem:$0x3FF0]  }
0x331: {  	v32 =	vld [tilespmem:$0x4000]  }
0x332: {  	v33 =	vld [tilespmem:$0x4010]  }
0x333: {  	[tilespmem:$0x1FDB0] =	vst v56;
	v56 =	vld [tilespmem:$0x43F0]  }
0x334: {  	v44 =	vld [tilespmem:$0x4020]  }
0x335: {  	v45 =	vld [tilespmem:$0x4030]  }
0x336: {  	v48 =	vld [tilespmem:$0x4040]  }
0x337: {  	v49 =	vld [tilespmem:$0x4050]  }
0x338: {  	[tilespmem:$0x1FDD0] =	vst v56;
	v56 =	vld [tilespmem:$0x4400]  }
0x339: {  	v60 =	vld [tilespmem:$0x4060]  }
0x33a: {  	v61 =	vld [tilespmem:$0x4070]  }
0x33b: {  	v0 =	vld [tilespmem:$0x4080]  }
0x33c: {  	v1 =	vld [tilespmem:$0x4090]  }
0x33d: {  	[tilespmem:$0x1FDC0] =	vst v56;
	v56 =	vld [tilespmem:$0x4410]  }
0x33e: {  	v5 =	vld [tilespmem:$0x40A0]  }
0x33f: {  	v9 =	vld [tilespmem:$0x40B0]  }
0x340: {  	v4 =	vld [tilespmem:$0x40C0]  }
0x341: {  	v6 =	vld [tilespmem:$0x40D0]  }
0x342: {  	[tilespmem:$0x1FDE0] =	vst v56;
	v56 =	vld [tilespmem:$0x4420]  }
0x343: {  	v8 =	vld [tilespmem:$0x40E0]  }
0x344: {  	v15 =	vld [tilespmem:$0x40F0]  }
0x345: {  	v7 =	vld [tilespmem:$0x4100]  }
0x346: {  	v10 =	vld [tilespmem:$0x4110]  }
0x347: {  	[tilespmem:$0x1FDF0] =	vst v56;
	v56 =	vld [tilespmem:$0x4430]  }
0x348: {  	v14 =	vld [tilespmem:$0x4120]  }
0x349: {  	v21 =	vld [tilespmem:$0x4130]  }
0x34a: {  	v11 =	vld [tilespmem:$0x4140]  }
0x34b: {  	v18 =	vld [tilespmem:$0x4150]  }
0x34c: {  	[tilespmem:$0x1FE10] =	vst v56;
	v56 =	vld [tilespmem:$0x4440]  }
0x34d: {  	v20 =	vld [tilespmem:$0x4160]  }
0x34e: {  	v25 =	vld [tilespmem:$0x4170]  }
0x34f: {  	v19 =	vld [tilespmem:$0x4180]  }
0x350: {  	v22 =	vld [tilespmem:$0x4190]  }
0x351: {  	[tilespmem:$0x1FE00] =	vst v56;
	v56 =	vld [tilespmem:$0x4450]  }
0x352: {  	v24 =	vld [tilespmem:$0x41A0]  }
0x353: {  	v31 =	vld [tilespmem:$0x41B0]  }
0x354: {  	v23 =	vld [tilespmem:$0x41C0]  }
0x355: {  	v26 =	vld [tilespmem:$0x41D0]  }
0x356: {  	[tilespmem:$0x1FE20] =	vst v56;
	v56 =	vld [tilespmem:$0x4460]  }
0x357: {  	v30 =	vld [tilespmem:$0x41E0]  }
0x358: {  	v37 =	vld [tilespmem:$0x41F0]  }
0x359: {  	v27 =	vld [tilespmem:$0x4200]  }
0x35a: {  	v34 =	vld [tilespmem:$0x4210]  }
0x35b: {  	[tilespmem:$0x1FE30] =	vst v56;
	v56 =	vld [tilespmem:$0x4470]  }
0x35c: {  	v36 =	vld [tilespmem:$0x4220]  }
0x35d: {  	v41 =	vld [tilespmem:$0x4230]  }
0x35e: {  	v35 =	vld [tilespmem:$0x4240]  }
0x35f: {  	v38 =	vld [tilespmem:$0x4250]  }
0x360: {  	[tilespmem:$0x1FE50] =	vst v56;
	v56 =	vld [tilespmem:$0x4480]  }
0x361: {  	v40 =	vld [tilespmem:$0x4260]  }
0x362: {  	v47 =	vld [tilespmem:$0x4270]  }
0x363: {  	v39 =	vld [tilespmem:$0x4280]  }
0x364: {  	v42 =	vld [tilespmem:$0x4290]  }
0x365: {  	[tilespmem:$0x1FE40] =	vst v56;
	v56 =	vld [tilespmem:$0x4490]  }
0x366: {  	v46 =	vld [tilespmem:$0x42A0]  }
0x367: {  	v53 =	vld [tilespmem:$0x42B0]  }
0x368: {  	v43 =	vld [tilespmem:$0x42C0]  }
0x369: {  	v50 =	vld [tilespmem:$0x42D0]  }
0x36a: {  	[tilespmem:$0x1FE60] =	vst v56;
	v56 =	vld [tilespmem:$0x44A0]  }
0x36b: {  	v52 =	vld [tilespmem:$0x42E0]  }
0x36c: {  	v62 =	vld [tilespmem:$0x42F0]  }
0x36d: {  	v51 =	vld [tilespmem:$0x4300]  }
0x36e: {  	v54 =	vld [tilespmem:$0x4310]  }
0x36f: {  	[tilespmem:$0x1FE70] =	vst v56;
	v56 =	vld [tilespmem:$0x44B0]  }
0x370: {  	v63 =	vld [tilespmem:$0x4320]  }
0x371: {  	v59 =	vld [tilespmem:$0x4330]  }
0x372: {  	v55 =	vld [tilespmem:$0x4340]  }
0x373: {  	v58 =	vld [tilespmem:$0x4350]  }
0x374: {  	[tilespmem:$0x1FE90] =	vst v56;
	v56 =	vld [tilespmem:$0x44C0]  }
0x375: {  	v57 =	vld [tilespmem:$0x4360]  }
0x376: {  	[tilespmem:$0x1FD40] =	vst v59;
	v59 =	vld [tilespmem:$0x4380]  }
0x377: {  	v28 =	vadd.f32 v28, v12;
	v12 =	vld [tilespmem:$0x4640]  }
0x378: {  	v2 =	vadd.f32 v16, v2;
	v16 =	vld [tilespmem:$0x4660]  }
0x379: {  	[tilespmem:$0x1FE80] =	vst v56;
	v56 =	vld [tilespmem:$0x44D0]  }
0x37a: {  	v3 =	vadd.f32 v17, v3;
	v17 =	vld [tilespmem:$0x4670]  }
0x37b: {  	v2 =	vadd.f32 v32, v2;
	v32 =	vadd.f32 v29, v13;
	v13 =	vld [tilespmem:$0x4650]  }
0x37c: {  	v3 =	vadd.f32 v33, v3;
	v33 =	vld [tilespmem:$0x46B0]  }
0x37d: {  	v28 =	vadd.f32 v44, v28;
	v44 =	vld [tilespmem:$0x46C0]  }
0x37e: {  	[tilespmem:$0x1FEA0] =	vst v56;
	v56 =	vld [tilespmem:$0x44E0]  }
0x37f: {  	v3 =	vadd.f32 v49, v3;
	v49 =	vadd.f32 v60, v28;
	v28 =	vld [tilespmem:$0x4680]  }
0x380: {  	v29 =	vadd.f32 v45, v32;
	v32 =	vld [tilespmem:$0x46A0]  }
0x381: {  	v45 =	vld [tilespmem:$0x46D0]  }
0x382: {  	v2 =	vadd.f32 v48, v2;
	v48 =	vld [tilespmem:$0x46E0]  }
0x383: {  	[tilespmem:$0x1FEB0] =	vst v56;
	v56 =	vld [tilespmem:$0x44F0]  }
0x384: {  	v60 =	vadd.f32 v61, v29;
	v29 =	vld [tilespmem:$0x4690]  }
0x385: {  	v61 =	vadd.f32 v5, v49;
	v49 =	vld [tilespmem:$0x46F0]  }
0x386: {  	v0 =	vadd.f32 v0, v2;
	v2 =	vadd.f32 v9, v60;
	v60 =	vld [tilespmem:$0x4700]  }
0x387: {  	v1 =	vadd.f32 v1, v3;
	v3 =	vadd.f32 v8, v61;
	v61 =	vld [tilespmem:$0x4710]  }
0x388: {  	[tilespmem:$0x1FED0] =	vst v56;
	v56 =	vld [tilespmem:$0x4500]  }
0x389: {  	v1 =	vadd.f32 v6, v1;
	v6 =	vld [tilespmem:$0x4740]  }
0x38a: {  	v0 =	vadd.f32 v4, v0;
	v8 =	vld [tilespmem:$0x4760]  }
0x38b: {  	v9 =	vld [tilespmem:$0x4770]  }
0x38c: {  	v0 =	vadd.f32 v7, v0;
	v7 =	vld [tilespmem:$0x4750]  }
0x38d: {  	[tilespmem:$0x1FEC0] =	vst v56;
	v56 =	vld [tilespmem:$0x4510]  }
0x38e: {  	v1 =	vadd.f32 v10, v1;
	v10 =	vld [tilespmem:$0x4780]  }
0x38f: {  	v3 =	vadd.f32 v14, v3;
	v14 =	vld [tilespmem:$0x47A0]  }
0x390: {  	v2 =	vadd.f32 v15, v2;
	v15 =	vld [tilespmem:$0x47B0]  }
0x391: {  	v0 =	vadd.f32 v11, v0;
	v11 =	vld [tilespmem:$0x4790]  }
0x392: {  	[tilespmem:$0x1FEE0] =	vst v56;
	v56 =	vld [tilespmem:$0x4520]  }
0x393: {  	v2 =	vadd.f32 v21, v2;
	v1 =	vadd.f32 v18, v1;
	v18 =	vld [tilespmem:$0x47C0]  }
0x394: {  	v3 =	vadd.f32 v20, v3;
	v20 =	vld [tilespmem:$0x47E0]  }
0x395: {  	v21 =	vadd.f32 v25, v2;
	v2 =	vld [tilespmem:$0x4720]  }
0x396: {  	v0 =	vadd.f32 v19, v0;
	v25 =	vadd.f32 v24, v3;
	v3 =	vld [tilespmem:$0x4730]  }
0x397: {  	v1 =	vadd.f32 v22, v1;
	[tilespmem:$0x1FEF0] =	vst v56;
	v56 =	vld [tilespmem:$0x4530]  }
0x398: {  	v19 =	vld [tilespmem:$0x47D0];
	v0 =	vadd.f32 v23, v0;
	v4 =	vadd.f32 v31, v21  }
0x399: {  	v22 =	vld [tilespmem:$0x4800];
	v1 =	vadd.f32 v26, v1  }
0x39a: {  	v24 =	vld [tilespmem:$0x4820];
	v0 =	vadd.f32 v27, v0;
	v4 =	vadd.f32 v37, v4  }
0x39b: {  	v5 =	vadd.f32 v30, v25;
	v21 =	vld [tilespmem:$0x47F0];
	v1 =	vadd.f32 v34, v1  }
0x39c: {  	v0 =	vadd.f32 v35, v0;
	v4 =	vadd.f32 v41, v4;
	[tilespmem:$0x1FF10] =	vst v56;
	v56 =	vld [tilespmem:$0x4540]  }
0x39d: {  	v23 =	vld [tilespmem:$0x4810];
	v5 =	vadd.f32 v36, v5;
	v1 =	vadd.f32 v38, v1  }
0x39e: {  	v25 =	vld [tilespmem:$0x4830];
	v0 =	vadd.f32 v39, v0;
	v4 =	vadd.f32 v47, v4  }
0x39f: {  	v26 =	vld [tilespmem:$0x4840];
	v5 =	vadd.f32 v40, v5;
	v1 =	vadd.f32 v42, v1  }
0x3a0: {  	v27 =	vld [tilespmem:$0x4850];
	v0 =	vadd.f32 v43, v0;
	v4 =	vadd.f32 v53, v4  }
0x3a1: {  	v5 =	vadd.f32 v46, v5;
	v1 =	vadd.f32 v50, v1;
	[tilespmem:$0x1FF00] =	vst v56;
	v56 =	vld [tilespmem:$0x4550]  }
0x3a2: {  	v0 =	vadd.f32 v51, v0;
	v4 =	vadd.f32 v62, v4;
	v62 =	vld [tilespmem:$0x1FD80]  }
0x3a3: {  	v5 =	vadd.f32 v52, v5;
	v1 =	vadd.f32 v54, v1;
	v30 =	vld [tilespmem:$0x1FDA0]  }
0x3a4: {  	v0 =	vadd.f32 v55, v0;
	v55 =	vld [tilespmem:$0x1FD40]  }
0x3a5: {  	v5 =	vadd.f32 v63, v5;
	v1 =	vadd.f32 v58, v1;
	v58 =	vld [tilespmem:$0x1FD60]  }
0x3a6: {  	[tilespmem:$0x1FF20] =	vst v56;
	v56 =	vld [tilespmem:$0x4560]  }
0x3a7: {  	v5 =	vadd.f32 v57, v5;
	v57 =	vld [tilespmem:$0x1FD50]  }
0x3a8: {  	v0 =	vadd.f32 v59, v0;
	v59 =	vld [tilespmem:$0x1FD70]  }
0x3a9: {  	v63 =	vld [tilespmem:$0x1FD90]  }
0x3aa: {  	v31 =	vld [tilespmem:$0x1FDB0];
	v4 =	vadd.f32 v55, v4  }
0x3ab: {  	v1 =	vadd.f32 v58, v1;
	[tilespmem:$0x1FF30] =	vst v56;
	v56 =	vld [tilespmem:$0x4570]  }
0x3ac: {  	v4 =	vadd.f32 v57, v4;
	v35 =	vld [tilespmem:$0x1FDD0]  }
0x3ad: {  	v5 =	vadd.f32 v59, v5;
	v1 =	vadd.f32 v30, v1;
	v30 =	vld [tilespmem:$0x4860]  }
0x3ae: {  	v34 =	vld [tilespmem:$0x1FDC0]  }
0x3af: {  	v4 =	vadd.f32 v63, v4;
	v5 =	vadd.f32 v31, v5;
	v31 =	vld [tilespmem:$0x4870]  }
0x3b0: {  	[tilespmem:$0x1FF50] =	vst v56;
	v56 =	vld [tilespmem:$0x4580]  }
0x3b1: {  	v0 =	vadd.f32 v62, v0;
	v4 =	vadd.f32 v35, v4;
	v35 =	vld [tilespmem:$0x4890]  }
0x3b2: {  	v36 =	vld [tilespmem:$0x1FDE0]  }
0x3b3: {  	v0 =	vadd.f32 v34, v0;
	v34 =	vld [tilespmem:$0x4880]  }
0x3b4: {  	v37 =	vld [tilespmem:$0x1FDF0]  }
0x3b5: {  	[tilespmem:$0x1FF40] =	vst v56;
	v56 =	vld [tilespmem:$0x4590]  }
0x3b6: {  	v39 =	vld [tilespmem:$0x1FE10]  }
0x3b7: {  	v1 =	vadd.f32 v36, v1;
	v36 =	vld [tilespmem:$0x48A0]  }
0x3b8: {  	v38 =	vld [tilespmem:$0x1FE00]  }
0x3b9: {  	v5 =	vadd.f32 v37, v5;
	v37 =	vld [tilespmem:$0x48B0]  }
0x3ba: {  	[tilespmem:$0x1FF60] =	vst v56;
	v56 =	vld [tilespmem:$0x45A0]  }
0x3bb: {  	v4 =	vadd.f32 v39, v4;
	v39 =	vld [tilespmem:$0x48D0]  }
0x3bc: {  	v40 =	vld [tilespmem:$0x1FE20]  }
0x3bd: {  	v0 =	vadd.f32 v38, v0;
	v38 =	vld [tilespmem:$0x48C0]  }
0x3be: {  	v41 =	vld [tilespmem:$0x1FE30]  }
0x3bf: {  	[tilespmem:$0x1FF70] =	vst v56;
	v56 =	vld [tilespmem:$0x45B0]  }
0x3c0: {  	v43 =	vld [tilespmem:$0x1FE50]  }
0x3c1: {  	v1 =	vadd.f32 v40, v1;
	v40 =	vld [tilespmem:$0x48E0]  }
0x3c2: {  	v42 =	vld [tilespmem:$0x1FE40]  }
0x3c3: {  	v5 =	vadd.f32 v41, v5;
	v41 =	vld [tilespmem:$0x48F0]  }
0x3c4: {  	[tilespmem:$0x1FF90] =	vst v56;
	v56 =	vld [tilespmem:$0x45C0]  }
0x3c5: {  	v4 =	vadd.f32 v43, v4;
	v43 =	vld [tilespmem:$0x4910]  }
0x3c6: {  	v46 =	vld [tilespmem:$0x1FE60]  }
0x3c7: {  	v0 =	vadd.f32 v42, v0;
	v42 =	vld [tilespmem:$0x4900]  }
0x3c8: {  	v47 =	vld [tilespmem:$0x1FE70]  }
0x3c9: {  	[tilespmem:$0x1FF80] =	vst v56;
	v56 =	vld [tilespmem:$0x45D0]  }
0x3ca: {  	v51 =	vld [tilespmem:$0x1FE90]  }
0x3cb: {  	v50 =	vld [tilespmem:$0x1FE80]  }
0x3cc: {  	v52 =	vld [tilespmem:$0x1FEA0]  }
0x3cd: {  	v53 =	vld [tilespmem:$0x1FEB0]  }
0x3ce: {  	[tilespmem:$0x1FFA0] =	vst v56;
	v56 =	vld [tilespmem:$0x45E0]  }
0x3cf: {  	v55 =	vld [tilespmem:$0x1FED0]  }
0x3d0: {  	v54 =	vld [tilespmem:$0x1FEC0]  }
0x3d1: {  	v57 =	vld [tilespmem:$0x1FEE0]  }
0x3d2: {  	v58 =	vld [tilespmem:$0x1FEF0]  }
0x3d3: {  	[tilespmem:$0x1FFB0] =	vst v56;
	v56 =	vld [tilespmem:$0x45F0]  }
0x3d4: {  	v5 =	vadd.f32 v47, v5;
	v62 =	vld [tilespmem:$0x1FF10]  }
0x3d5: {  	v1 =	vadd.f32 v46, v1;
	v46 =	vld [tilespmem:$0x1FF30]  }
0x3d6: {  	v5 =	vadd.f32 v53, v5;
	v59 =	vld [tilespmem:$0x1FF00]  }
0x3d7: {  	v63 =	vld [tilespmem:$0x1FF20]  }
0x3d8: {  	v5 =	vadd.f32 v58, v5;
	[tilespmem:$0x1FFD0] =	vst v56;
	v56 =	vld [tilespmem:$0x4600]  }
0x3d9: {  	v0 =	vadd.f32 v50, v0;
	v50 =	vld [tilespmem:$0x1FF50]  }
0x3da: {  	v5 =	vadd.f32 v46, v5;
	v46 =	vld [tilespmem:$0x4920]  }
0x3db: {  	v47 =	vld [tilespmem:$0x1FF40]  }
0x3dc: {  	v4 =	vadd.f32 v51, v4;
	v51 =	vld [tilespmem:$0x1FF60]  }
0x3dd: {  	[tilespmem:$0x1FFC0] =	vst v56;
	v56 =	vld [tilespmem:$0x4610]  }
0x3de: {  	v1 =	vadd.f32 v52, v1;
	v52 =	vld [tilespmem:$0x1FF70]  }
0x3df: {  	v0 =	vadd.f32 v54, v0;
	v54 =	vld [tilespmem:$0x1FF90]  }
0x3e0: {  	v53 =	vld [tilespmem:$0x1FF80]  }
0x3e1: {  	v4 =	vadd.f32 v55, v4;
	v55 =	vld [tilespmem:$0x1FFA0]  }
0x3e2: {  	[tilespmem:$0x1FFE0] =	vst v56;
	v56 =	vld [tilespmem:$0x4620]  }
0x3e3: {  	v1 =	vadd.f32 v57, v1;
	v57 =	vld [tilespmem:$0x1FFB0]  }
0x3e4: {  	v4 =	vadd.f32 v62, v4;
	v0 =	vadd.f32 v59, v0;
	v59 =	vld [tilespmem:$0x1FFD0]  }
0x3e5: {  	v1 =	vadd.f32 v63, v1;
	v58 =	vld [tilespmem:$0x1FFC0]  }
0x3e6: {  	v4 =	vadd.f32 v50, v4;
	v0 =	vadd.f32 v47, v0;
	v62 =	vld [tilespmem:$0x1FFE0]  }
0x3e7: {  	v1 =	vadd.f32 v51, v1;
	[tilespmem:$0x1FFF0] =	vst v56;
	v56 =	vld [tilespmem:$0x4630]  }
0x3e8: {  	v4 =	vadd.f32 v54, v4;
	v0 =	vadd.f32 v53, v0;
	v63 =	vld [tilespmem:$0x1FFF0]  }
0x3e9: {  	v50 =	vld [tilespmem:$0x4940];
	v5 =	vadd.f32 v52, v5;
	v1 =	vadd.f32 v55, v1  }
0x3ea: {  	v47 =	vld [tilespmem:$0x4930];
	v4 =	vadd.f32 v59, v4;
	v0 =	vadd.f32 v58, v0  }
0x3eb: {  	v51 =	vld [tilespmem:$0x4950];
	v5 =	vadd.f32 v57, v5;
	v1 =	vadd.f32 v62, v1  }
0x3ec: {  	v52 =	vld [tilespmem:$0x49C0];
	v0 =	vadd.f32 v12, v0;
	v4 =	vadd.f32 v56, v4  }
0x3ed: {  	v54 =	vld [tilespmem:$0x49E0];
	v1 =	vadd.f32 v13, v1;
	v5 =	vadd.f32 v63, v5  }
0x3ee: {  	v53 =	vld [tilespmem:$0x49D0];
	v0 =	vadd.f32 v28, v0;
	v4 =	vadd.f32 v17, v4  }
0x3ef: {  	v55 =	vld [tilespmem:$0x49F0];
	v1 =	vadd.f32 v29, v1;
	v5 =	vadd.f32 v16, v5  }
0x3f0: {  	v57 =	vld [tilespmem:$0x4A10];
	v0 =	vadd.f32 v44, v0;
	v4 =	vadd.f32 v33, v4  }
0x3f1: {  	v59 =	vld [tilespmem:$0x4A30];
	v1 =	vadd.f32 v45, v1;
	v5 =	vadd.f32 v32, v5  }
0x3f2: {  	v58 =	vld [tilespmem:$0x4A20];
	v0 =	vadd.f32 v60, v0;
	v4 =	vadd.f32 v49, v4  }
0x3f3: {  	v12 =	vld [tilespmem:$0x4960];
	v1 =	vadd.f32 v61, v1;
	v5 =	vadd.f32 v48, v5  }
0x3f4: {  	v28 =	vld [tilespmem:$0x49A0];
	v0 =	vadd.f32 v6, v0;
	v3 =	vadd.f32 v3, v4  }
0x3f5: {  	v62 =	vld [tilespmem:$0x4A60];
	v1 =	vadd.f32 v7, v1;
	v2 =	vadd.f32 v2, v5  }
0x3f6: {  	v44 =	vld [tilespmem:s22+$0x6C00];
	v0 =	vadd.f32 v10, v0;
	v3 =	vadd.f32 v9, v3  }
0x3f7: {  	v13 =	vld [tilespmem:$0x4970];
	v1 =	vadd.f32 v11, v1;
	v2 =	vadd.f32 v8, v2  }
0x3f8: {  	v60 =	vld [tilespmem:$0x4A40];
	v0 =	vadd.f32 v18, v0;
	v3 =	vadd.f32 v15, v3  }
0x3f9: {  	v29 =	vld [tilespmem:$0x49B0];
	v1 =	vadd.f32 v19, v1;
	v2 =	vadd.f32 v14, v2  }
0x3fa: {  	v56 =	vld [tilespmem:$0x4A00];
	v0 =	vadd.f32 v22, v0;
	v3 =	vadd.f32 v21, v3  }
0x3fb: {  	v63 =	vld [tilespmem:$0x4A70];
	v1 =	vadd.f32 v23, v1;
	v2 =	vadd.f32 v20, v2  }
0x3fc: {  	v17 =	vld [tilespmem:$0x4990];
	v0 =	vadd.f32 v26, v0;
	v3 =	vadd.f32 v25, v3  }
0x3fd: {  	v45 =	vld [tilespmem:$0x4B10];
	v1 =	vadd.f32 v27, v1;
	v2 =	vadd.f32 v24, v2  }
0x3fe: {  	v16 =	vld [tilespmem:$0x4980];
	v0 =	vadd.f32 v34, v0;
	v3 =	vadd.f32 v31, v3  }
0x3ff: {  	v61 =	vld [tilespmem:$0x4A50];
	v1 =	vadd.f32 v35, v1;
	v2 =	vadd.f32 v30, v2  }
0x400: {  	v48 =	vld [tilespmem:$0x4B40];
	v0 =	vadd.f32 v38, v0;
	v3 =	vadd.f32 v37, v3  }
0x401: {  	v34 =	vld [tilespmem:$0x4A80];
	v1 =	vadd.f32 v39, v1;
	v2 =	vadd.f32 v36, v2  }
0x402: {  	v38 =	vld [tilespmem:$0x4AB0];
	v0 =	vadd.f32 v42, v0;
	v3 =	vadd.f32 v41, v3  }
0x403: {  	v42 =	vld [tilespmem:$0x4AF0];
	v1 =	vadd.f32 v43, v1;
	v2 =	vadd.f32 v40, v2  }
0x404: {  	v35 =	vld [tilespmem:$0x4A90];
	v0 =	vadd.f32 v50, v0;
	v3 =	vadd.f32 v47, v3  }
0x405: {  	v50 =	vld [tilespmem:$0x4B50];
	v1 =	vadd.f32 v51, v1;
	v2 =	vadd.f32 v46, v2  }
0x406: {  	v39 =	vld [tilespmem:$0x4AC0];
	v0 =	vadd.f32 v16, v0;
	v3 =	vadd.f32 v13, v3  }
0x407: {  	v43 =	vld [tilespmem:$0x4B00];
	v1 =	vadd.f32 v17, v1;
	v2 =	vadd.f32 v12, v2  }
0x408: {  	v36 =	vld [tilespmem:$0x4AA0];
	v0 =	vadd.f32 v52, v0;
	v3 =	vadd.f32 v29, v3  }
0x409: {  	v52 =	vld [tilespmem:$0x4B70];
	v1 =	vadd.f32 v53, v1;
	v2 =	vadd.f32 v28, v2  }
0x40a: {  	v41 =	vld [tilespmem:$0x4AE0];
	v0 =	vadd.f32 v56, v0;
	v3 =	vadd.f32 v55, v3  }
0x40b: {  	v49 =	vmov s21;
	v51 =	vld [tilespmem:$0x4B60];
	v1 =	vadd.f32 v57, v1;
	v2 =	vadd.f32 v54, v2  }
0x40c: {  	v6 =	vperm.xlane v44, v49;
	v40 =	vld [tilespmem:$0x4AD0];
	v0 =	vadd.f32 v60, v0;
	v3 =	vadd.f32 v59, v3  }
0x40d: {  	v56 =	vld [tilespmem:$0x4BB0];
	v1 =	vadd.f32 v61, v1;
	v2 =	vadd.f32 v58, v2  }
0x40e: {  	v6 =	vcvt.s32.f32 v6;
	v47 =	vld [tilespmem:$0x4B30];
	v0 =	vadd.f32 v34, v0;
	v3 =	vadd.f32 v63, v3  }
0x40f: {  	v46 =	vld [tilespmem:$0x4B20];
	v1 =	vadd.f32 v35, v1;
	v2 =	vadd.f32 v62, v2  }
0x410: {  	(erf) = vrcp.f32 v6;
	v53 =	vld [tilespmem:$0x4B80];
	v0 =	vadd.f32 v39, v0;
	v3 =	vadd.f32 v38, v3  }
0x411: {  	v57 =	vld [tilespmem:$0x4BC0];
	v1 =	vadd.f32 v40, v1;
	v2 =	vadd.f32 v36, v2  }
0x412: {  	v54 =	vld [tilespmem:$0x4B90];
	v0 =	vadd.f32 v43, v0;
	v3 =	vadd.f32 v42, v3  }
0x413: {  	v55 =	vld [tilespmem:$0x4BA0];
	v1 =	vadd.f32 v45, v1;
	v2 =	vadd.f32 v41, v2  }
0x414: {  	v0 =	vadd.f32 v48, v0;
	v58 =	vld [tilespmem:$0x4BD0];
	v3 =	vadd.f32 v47, v3  }
0x415: {  	v60 =	vld [tilespmem:$0x4BF0];
	v1 =	vadd.f32 v50, v1;
	v2 =	vadd.f32 v46, v2  }
0x416: {  	v59 =	vld [tilespmem:$0x4BE0];
	v0 =	vadd.f32 v53, v0;
	v3 =	vadd.f32 v52, v3  }
0x417: {  	v1 =	vadd.f32 v54, v1;
	v2 =	vadd.f32 v51, v2  }
0x418: {  	v0 =	vadd.f32 v57, v0;
	v3 =	vadd.f32 v56, v3  }
0x419: {  	v61 =	vpop (erf);
	v1 =	vadd.f32 v58, v1;
	v2 =	vadd.f32 v55, v2  }
0x41a: {  	v0 =	vmul.f32 v61, v0;
	v3 =	vadd.f32 v60, v3  }
.Ltmp2:
0x41b: {  	v1 =	vmul.f32 v61, v1;
	v2 =	vadd.f32 v59, v2;
	(pc) =	sbr.rel @p0 .LBB2_4-.Ltmp2, $4  }
0x41c: {  	[tilespmem:s19+$0x40] =	vst v0;
	v63 =	vmul.f32 v61, v3  }
0x41d: {  	[tilespmem:s19+$0x50] =	vst v1;
	v62 =	vmul.f32 v61, v2  }
0x41e: {  	[tilespmem:s19+$0x70] =	vst v63  }
0x41f: {  	[tilespmem:s19+$0x60] =	vst v62  }
.Ltmp3:
0x420: {  	(pc) =	sbr.rel .LBB2_2-.Ltmp3, $4  }
0x421: {  	_ = 	snop  }
0x422: {  	[tilespmem:s12], [sflag:$0x2] =	stream.indirect.gather [hbm4b:s3+s9], $0x40, s18, s9, $0xb8;
	[tilespmem:$0x6C80] =	vst v63  }
0x423: {  	s18 =	sadd.s32 $0xD0, s18  }
0x424: {  	s21 =	sadd.s32 $0x4, s21;
	s20 =	sadd.s32 $0x10, s20;
	s19 =	sadd.s32 $0x100, s19  }
.LBB2_5:
0x425: {  	_ =	sfence.sel $0x180000  }
0x426: {  	[bflag:$0x0] =	sbarrier.arrive $0xFFFF  }
0x427: {  	p0 =	sne.s32 s0, $0x0;
	_ =	strace $0x90000047  }
0x428: {  	s0 =	sadd.s32 @!p0 $0x100000, s1;
	[bflag:$0x2] =	sbarrier.arrive $0xFFFF  }
0x429: {  	[sflag:s0] =	ssyncadd.tile.s32 @!p0 $0x1;
	_ =	shalt  }
.Lfunc_end2:
_tile_overlayer_lowered:
.L_overlay_start_2:
0x42a: {  	(tag) =	ssettag $0x2  }
0x42b: {  	s0 =	rddreg [dreg:$0x0];
	s2 =	stileid.u32  }
0x42c: {  	s1 =	rddreg [dreg:$0x1];
	p0 =	sne.s32 s2, $0x0  }
0x42d: {  	s3 =	rddreg [dreg:$0x2];
	[bflag:$0x3] =	sbarrier.arrive $0xFFFF;
	s2 =	simm.s32 @!p0 $0x1C03  }
0x42e: {  	[timem:s3], [sflag:s2] =	dma.local @!p0 [hbm:s0], s1  }
0x42f: {  	s0 =	simm.s32 @!p0 $0x3  }
0x430: {  	_ =	swait.ge @!p0 [sflag:s0], s1  }
0x431: {  	s1 =	ssub.s32 @!p0 $0x0, s1;
	[sflag:s0] =	ssyncset.done @!p0 $0x0  }
0x432: {  	[sflag:s0] =	ssyncadd.s32 @!p0 s1  }
0x433: {  	[bflag:$0x3] =	sbarrier.arrive $0xFFFF  }
0x434: {  	_ =	shalt  }

</sc_bundles>
